<compile_context>
chip_gen: v7x
topology: tpu7x:2x2x1
jax: 0.10.2.dev20260603
libtpu: 0.0.44.dev20260713+nightly
codegen_flags: <defaults>
</compile_context>

<pallas_src>
import jax
import jax.numpy as jnp
from jax import lax
from jax.experimental import pallas as pl
from jax.experimental.pallas import tpu as pltpu
from jax.experimental.pallas import tpu_sc as plsc

_B = 4096
_S = 200
_D = 64
_DP = 128
_N = _B * _S
_NW = 32
_PER_W = _N // _NW
_CH = 200
_CHP = _CH // 2
_NCH = _PER_W // _CH
_G = 40
_NG = _CH // _G
_LANES = 16
_QV = _D // _LANES
_V2 = 500000


def _emb_body(idx_hbm, par_hbm, table_hbm, pe_hbm, out_hbm,
              idx_v0, idx_v1, par_v0, par_v1, rows_v0, rows_v1,
              out_v0, out_v1, pe_v,
              si0, si1, sp0, sp1, sg0, sg1, so0, so1):
    wid = lax.axis_index("s") * 2 + lax.axis_index("c")
    cbase = wid * _NCH

    def fire_idx(chunk, idx_v, sem, par_v, psem):
        pltpu.async_copy(idx_hbm.at[chunk], idx_v, sem)
        pltpu.async_copy(par_hbm.at[chunk], par_v, psem)

    def wait_idx(idx_v, sem):
        pltpu.make_async_copy(idx_hbm.at[0], idx_v, sem).wait()

    def wait_par(par_v, psem):
        pltpu.make_async_copy(par_hbm.at[0], par_v, psem).wait()

    def fire_gathers(idx_v, rows_v, sem):
        for j in range(_NG):
            pltpu.async_copy(
                table_hbm.at[idx_v.at[j]],
                rows_v.at[pl.ds(j * _G, _G)],
                sem,
            )

    def wait_gathers(rows_v, sem):
        pltpu.make_async_copy(table_hbm.at[pl.ds(0, _CH)], rows_v, sem).wait()

    def fire_out(chunk, out_v, sem):
        pltpu.async_copy(out_v, out_hbm.at[chunk], sem)

    def wait_out(out_v, sem):
        pltpu.make_async_copy(out_v, out_hbm.at[0], sem).wait()

    def add_pe(par_v, rows_v, out_v):
        @plsc.parallel_loop(0, _CHP, unroll=4)
        def _(r):
            for h in range(2):
                l = 2 * r + h
                odd = par_v[l // _G, pl.ds(l % _G, 1)][0] > 0
                for q in range(_QV):
                    dst = pl.ds(h * _D + q * _LANES, _LANES)
                    lo = rows_v[l, pl.ds(q * _LANES, _LANES)]
                    hi = rows_v[l, pl.ds(_D + q * _LANES, _LANES)]
                    out_v[r, dst] = jnp.where(odd, hi, lo) + pe_v[r, dst]

    pltpu.sync_copy(pe_hbm, pe_v)

    fire_idx(cbase, idx_v0, si0, par_v0, sp0)
    fire_idx(cbase + 1, idx_v1, si1, par_v1, sp1)
    wait_idx(idx_v0, si0)
    fire_gathers(idx_v0, rows_v0, sg0)

    def step(c, cur, nxt):
        idx_c, par_c, rows_c, out_c, si_c, sp_c, sg_c, so_c = cur
        idx_n, par_n, rows_n, out_n, si_n, sp_n, sg_n, so_n = nxt

        @pl.when(c + 1 < _NCH)
        def _():
            wait_idx(idx_n, si_n)
            fire_gathers(idx_n, rows_n, sg_n)

        wait_gathers(rows_c, sg_c)

        @pl.when(c > 1)
        def _():
            wait_out(out_c, so_c)

        wait_par(par_c, sp_c)
        add_pe(par_c, rows_c, out_c)
        fire_out(cbase + c, out_c, so_c)

        @pl.when(c + 2 < _NCH)
        def _():
            fire_idx(cbase + c + 2, idx_c, si_c, par_c, sp_c)

    buf0 = (idx_v0, par_v0, rows_v0, out_v0, si0, sp0, sg0, so0)
    buf1 = (idx_v1, par_v1, rows_v1, out_v1, si1, sp1, sg1, so1)

    def pair(t, carry):
        step(2 * t, buf0, buf1)
        step(2 * t + 1, buf1, buf0)
        return carry

    lax.fori_loop(0, _NCH // 2, pair, 0)

    wait_out(out_v0, so0)
    wait_out(out_v1, so1)


@jax.jit
def _embed(idx3d, par3d, table_pk, pe_packed):
    mesh = plsc.VectorSubcoreMesh(core_axis_name="c", subcore_axis_name="s")
    f = pl.kernel(
        _emb_body,
        out_type=jax.ShapeDtypeStruct((_N // _CH, _CHP, _DP), jnp.float32),
        mesh=mesh,
        scratch_types=[
            pltpu.VMEM((_NG, _G), jnp.int32),
            pltpu.VMEM((_NG, _G), jnp.int32),
            pltpu.VMEM((_NG, _G), jnp.int32),
            pltpu.VMEM((_NG, _G), jnp.int32),
            pltpu.VMEM((_CH, _DP), jnp.float32),
            pltpu.VMEM((_CH, _DP), jnp.float32),
            pltpu.VMEM((_CHP, _DP), jnp.float32),
            pltpu.VMEM((_CHP, _DP), jnp.float32),
            pltpu.VMEM((_CHP, _DP), jnp.float32),
            pltpu.SemaphoreType.DMA,
            pltpu.SemaphoreType.DMA,
            pltpu.SemaphoreType.DMA,
            pltpu.SemaphoreType.DMA,
            pltpu.SemaphoreType.DMA,
            pltpu.SemaphoreType.DMA,
            pltpu.SemaphoreType.DMA,
            pltpu.SemaphoreType.DMA,
        ],
        compiler_params=pltpu.CompilerParams(use_tc_tiling_on_sc=True),
    )
    return f(idx3d, par3d, table_pk, pe_packed)


def kernel(inputs, table, pos_encoding):
    idx = inputs.astype(jnp.int32)
    idxh = (idx >> 1).reshape(_N // _CH, _NG, _G)
    par = (idx & 1).reshape(_N // _CH, _NG, _G)
    table500 = table.reshape(_V2, _DP)
    pe_packed = pos_encoding[: _S].reshape(_CHP, _DP)
    out = _embed(idxh, par, table500, pe_packed)
    return out.reshape(_B, _S, _D)

# --- scband reference (transcript-rebuilt; emitter-appended) ---
"""Pipeline reference for scband-embedding-61160334295187 (READ-ONLY COPY).

The authoritative reference and input builder live on the scoring server;
editing this copy changes nothing except your own understanding.
"""

import jax, jax.numpy as jnp
import numpy as np

VOCAB_SIZE = 1000000
D_MODEL = 64
MAX_LENGTH = 200
BATCH = 4096
SEQ_LEN = 200


def positional_encoding(d_model, max_length):
    exponent = jnp.arange(0, d_model, 2, dtype=jnp.float32) / d_model
    pos = jnp.arange(0, max_length, dtype=jnp.float32)[:, None]
    angle_freq = jnp.exp(exponent * -jnp.log(jnp.float32(10000.0)))
    pe = jnp.zeros((max_length, d_model), dtype=jnp.float32)
    pe = pe.at[:, 0::2].set(jnp.sin(pos * angle_freq))
    pe = pe.at[:, 1::2].set(jnp.cos(pos * angle_freq))
    return pe


def setup_inputs(seed: int = 0) -> dict:
    key = jax.random.key(seed)
    k_idx, k_tab = jax.random.split(key)
    inputs = jax.random.randint(k_idx, (BATCH, SEQ_LEN), 0, VOCAB_SIZE, dtype=jnp.int64 if jax.config.jax_enable_x64 else jnp.int32)
    table = jax.random.normal(k_tab, (VOCAB_SIZE, D_MODEL), dtype=jnp.float32)
    pos_encoding = positional_encoding(D_MODEL, MAX_LENGTH)
    return {"inputs": inputs, "table": table, "pos_encoding": pos_encoding}


def reference(inputs, table, pos_encoding):
    embeddings = jnp.take(table, inputs, axis=0)  # (B, S, d_model)
    seq_len = inputs.shape[1]
    pe_slice = pos_encoding[:seq_len, :]
    outputs = embeddings + pe_slice[None, :, :]
    return outputs

if __name__ == "__main__":
    import jax
    _d = setup_inputs()
    print(jax.jit(kernel)(*tuple(_d.values())))

</pallas_src>

<mosaic_0001>
#map = affine_map<(d0, d1) -> (0, 0, 0)>
#map1 = affine_map<(d0, d1) -> (0, 0)>
module attributes {stable_mosaic.version = 14 : i64} {
  func.func @_emb_body(%arg0: i32, %arg1: i32, %arg2: memref<4096x5x40xi32, #tpu.memory_space<hbm>>, %arg3: memref<4096x5x40xi32, #tpu.memory_space<hbm>>, %arg4: memref<500000x128xf32, #tpu.memory_space<hbm>>, %arg5: memref<100x128xf32, #tpu.memory_space<hbm>>, %arg6: memref<4096x100x128xf32, #tpu.memory_space<hbm>>, %arg7: memref<5x40xi32, #tpu.memory_space<vmem>>, %arg8: memref<5x40xi32, #tpu.memory_space<vmem>>, %arg9: memref<5x40xi32, #tpu.memory_space<vmem>>, %arg10: memref<5x40xi32, #tpu.memory_space<vmem>>, %arg11: memref<200x128xf32, #tpu.memory_space<vmem>>, %arg12: memref<200x128xf32, #tpu.memory_space<vmem>>, %arg13: memref<100x128xf32, #tpu.memory_space<vmem>>, %arg14: memref<100x128xf32, #tpu.memory_space<vmem>>, %arg15: memref<100x128xf32, #tpu.memory_space<vmem>>, %arg16: memref<!tpu.dma_semaphore, #tpu.memory_space<semaphore_mem>>, %arg17: memref<!tpu.dma_semaphore, #tpu.memory_space<semaphore_mem>>, %arg18: memref<!tpu.dma_semaphore, #tpu.memory_space<semaphore_mem>>, %arg19: memref<!tpu.dma_semaphore, #tpu.memory_space<semaphore_mem>>, %arg20: memref<!tpu.dma_semaphore, #tpu.memory_space<semaphore_mem>>, %arg21: memref<!tpu.dma_semaphore, #tpu.memory_space<semaphore_mem>>, %arg22: memref<!tpu.dma_semaphore, #tpu.memory_space<semaphore_mem>>, %arg23: memref<!tpu.dma_semaphore, #tpu.memory_space<semaphore_mem>>) attributes {dimension_semantics = [#tpu.dimension_semantics<core_parallel>, #tpu.dimension_semantics<subcore_parallel>], iteration_bounds = array<i64: 2, 16>, scalar_prefetch = 0 : i64, scratch_operands = 17 : i64, tpu.core_type = #tpu.core_type<sc_vector_subcore>, window_params = [{transform_indices = #map}, {transform_indices = #map}, {transform_indices = #map1}, {transform_indices = #map1}, {transform_indices = #map}]} {
    %mul3A = arith.constant 2 : i32
    %mul3A_0 = arith.muli %arg1, %mul3A : i32
    %add3A = arith.addi %mul3A_0, %arg0 : i32
    %mul3A_1 = arith.constant 128 : i32
    %mul3A_2 = arith.muli %add3A, %mul3A_1 : i32
    "tpu.region"() ({
      %run_scoped3A = tpu.sem_alloc : memref<!tpu.dma_semaphore, #tpu.memory_space<semaphore_mem>>
      tpu.enqueue_dma source(%arg5 : memref<100x128xf32, #tpu.memory_space<hbm>>) target(%arg15 : memref<100x128xf32, #tpu.memory_space<vmem>>) target_semaphore(%run_scoped3A : memref<!tpu.dma_semaphore, #tpu.memory_space<semaphore_mem>>)
      tpu.wait_dma2 semaphore(%run_scoped3A : memref<!tpu.dma_semaphore, #tpu.memory_space<semaphore_mem>>) src(%arg5 : memref<100x128xf32, #tpu.memory_space<hbm>>) dst(%arg15 : memref<100x128xf32, #tpu.memory_space<vmem>>)
      tpu.yield
    }) : () -> ()
    %dma_start3A = arith.constant 0 : i32
    %dma_start3A_3 = arith.constant 0 : i32
    %dma_start3A_4 = tpu.memref_slice %arg2[%mul3A_2, %dma_start3A, %dma_start3A_3] : memref<4096x5x40xi32, #tpu.memory_space<hbm>> -> memref<1x5x40xi32, #tpu.memory_space<hbm>>
    %dma_start3A_5 = tpu.memref_squeeze %dma_start3A_4 : memref<1x5x40xi32, #tpu.memory_space<hbm>> -> memref<5x40xi32, #tpu.memory_space<hbm>>
    %dma_start3A_6 = arith.constant 0 : i32
    %dma_start3A_7 = arith.constant 0 : i32
    %dma_start3A_8 = tpu.memref_slice %arg2[%mul3A_2, %dma_start3A_6, %dma_start3A_7] : memref<4096x5x40xi32, #tpu.memory_space<hbm>> -> memref<1x5x40xi32, #tpu.memory_space<hbm>>
    %dma_start3A_9 = tpu.memref_squeeze %dma_start3A_8 : memref<1x5x40xi32, #tpu.memory_space<hbm>> -> memref<5x40xi32, #tpu.memory_space<hbm>>
    tpu.enqueue_dma source(%dma_start3A_9 : memref<5x40xi32, #tpu.memory_space<hbm>>) target(%arg7 : memref<5x40xi32, #tpu.memory_space<vmem>>) target_semaphore(%arg16 : memref<!tpu.dma_semaphore, #tpu.memory_space<semaphore_mem>>)
    %dma_start3A_10 = arith.constant 0 : i32
    %dma_start3A_11 = arith.constant 0 : i32
    %dma_start3A_12 = tpu.memref_slice %arg3[%mul3A_2, %dma_start3A_10, %dma_start3A_11] : memref<4096x5x40xi32, #tpu.memory_space<hbm>> -> memref<1x5x40xi32, #tpu.memory_space<hbm>>
    %dma_start3A_13 = tpu.memref_squeeze %dma_start3A_12 : memref<1x5x40xi32, #tpu.memory_space<hbm>> -> memref<5x40xi32, #tpu.memory_space<hbm>>
    %dma_start3A_14 = arith.constant 0 : i32
    %dma_start3A_15 = arith.constant 0 : i32
    %dma_start3A_16 = tpu.memref_slice %arg3[%mul3A_2, %dma_start3A_14, %dma_start3A_15] : memref<4096x5x40xi32, #tpu.memory_space<hbm>> -> memref<1x5x40xi32, #tpu.memory_space<hbm>>
    %dma_start3A_17 = tpu.memref_squeeze %dma_start3A_16 : memref<1x5x40xi32, #tpu.memory_space<hbm>> -> memref<5x40xi32, #tpu.memory_space<hbm>>
    tpu.enqueue_dma source(%dma_start3A_17 : memref<5x40xi32, #tpu.memory_space<hbm>>) target(%arg9 : memref<5x40xi32, #tpu.memory_space<vmem>>) target_semaphore(%arg18 : memref<!tpu.dma_semaphore, #tpu.memory_space<semaphore_mem>>)
    %add3A_18 = arith.constant 1 : i32
    %add3A_19 = arith.addi %mul3A_2, %add3A_18 : i32
    %dma_start3A_20 = arith.constant 0 : i32
    %dma_start3A_21 = arith.constant 0 : i32
    %dma_start3A_22 = tpu.memref_slice %arg2[%add3A_19, %dma_start3A_20, %dma_start3A_21] : memref<4096x5x40xi32, #tpu.memory_space<hbm>> -> memref<1x5x40xi32, #tpu.memory_space<hbm>>
    %dma_start3A_23 = tpu.memref_squeeze %dma_start3A_22 : memref<1x5x40xi32, #tpu.memory_space<hbm>> -> memref<5x40xi32, #tpu.memory_space<hbm>>
    %dma_start3A_24 = arith.constant 0 : i32
    %dma_start3A_25 = arith.constant 0 : i32
    %dma_start3A_26 = tpu.memref_slice %arg2[%add3A_19, %dma_start3A_24, %dma_start3A_25] : memref<4096x5x40xi32, #tpu.memory_space<hbm>> -> memref<1x5x40xi32, #tpu.memory_space<hbm>>
    %dma_start3A_27 = tpu.memref_squeeze %dma_start3A_26 : memref<1x5x40xi32, #tpu.memory_space<hbm>> -> memref<5x40xi32, #tpu.memory_space<hbm>>
    tpu.enqueue_dma source(%dma_start3A_27 : memref<5x40xi32, #tpu.memory_space<hbm>>) target(%arg8 : memref<5x40xi32, #tpu.memory_space<vmem>>) target_semaphore(%arg17 : memref<!tpu.dma_semaphore, #tpu.memory_space<semaphore_mem>>)
    %dma_start3A_28 = arith.constant 0 : i32
    %dma_start3A_29 = arith.constant 0 : i32
    %dma_start3A_30 = tpu.memref_slice %arg3[%add3A_19, %dma_start3A_28, %dma_start3A_29] : memref<4096x5x40xi32, #tpu.memory_space<hbm>> -> memref<1x5x40xi32, #tpu.memory_space<hbm>>
    %dma_start3A_31 = tpu.memref_squeeze %dma_start3A_30 : memref<1x5x40xi32, #tpu.memory_space<hbm>> -> memref<5x40xi32, #tpu.memory_space<hbm>>
    %dma_start3A_32 = arith.constant 0 : i32
    %dma_start3A_33 = arith.constant 0 : i32
    %dma_start3A_34 = tpu.memref_slice %arg3[%add3A_19, %dma_start3A_32, %dma_start3A_33] : memref<4096x5x40xi32, #tpu.memory_space<hbm>> -> memref<1x5x40xi32, #tpu.memory_space<hbm>>
    %dma_start3A_35 = tpu.memref_squeeze %dma_start3A_34 : memref<1x5x40xi32, #tpu.memory_space<hbm>> -> memref<5x40xi32, #tpu.memory_space<hbm>>
    tpu.enqueue_dma source(%dma_start3A_35 : memref<5x40xi32, #tpu.memory_space<hbm>>) target(%arg10 : memref<5x40xi32, #tpu.memory_space<vmem>>) target_semaphore(%arg19 : memref<!tpu.dma_semaphore, #tpu.memory_space<semaphore_mem>>)
    %dma_wait3A = arith.constant 0 : i32
    %dma_wait3A_36 = arith.constant 0 : i32
    %dma_wait3A_37 = arith.constant 0 : i32
    %dma_wait3A_38 = tpu.memref_slice %arg2[%dma_wait3A, %dma_wait3A_36, %dma_wait3A_37] : memref<4096x5x40xi32, #tpu.memory_space<hbm>> -> memref<1x5x40xi32, #tpu.memory_space<hbm>>
    %dma_wait3A_39 = tpu.memref_squeeze %dma_wait3A_38 : memref<1x5x40xi32, #tpu.memory_space<hbm>> -> memref<5x40xi32, #tpu.memory_space<hbm>>
    %dma_wait3A_40 = arith.constant 0 : i32
    %dma_wait3A_41 = arith.constant 0 : i32
    %dma_wait3A_42 = tpu.memref_slice %arg2[%dma_wait3A, %dma_wait3A_40, %dma_wait3A_41] : memref<4096x5x40xi32, #tpu.memory_space<hbm>> -> memref<1x5x40xi32, #tpu.memory_space<hbm>>
    %dma_wait3A_43 = tpu.memref_squeeze %dma_wait3A_42 : memref<1x5x40xi32, #tpu.memory_space<hbm>> -> memref<5x40xi32, #tpu.memory_space<hbm>>
    tpu.wait_dma2 semaphore(%arg16 : memref<!tpu.dma_semaphore, #tpu.memory_space<semaphore_mem>>) src(%dma_wait3A_43 : memref<5x40xi32, #tpu.memory_space<hbm>>) dst(%arg7 : memref<5x40xi32, #tpu.memory_space<vmem>>)
    %dma_start3A_44 = arith.constant 0 : i32
    %dma_start3A_45 = arith.constant 0 : i32
    %dma_start3A_46 = arith.constant 0 : i32
    %dma_start3A_47 = tpu.memref_slice %arg11[%dma_start3A_45, %dma_start3A_46] : memref<200x128xf32, #tpu.memory_space<vmem>> -> memref<40x128xf32, #tpu.memory_space<vmem>>
    %dma_start3A_48 = arith.constant 0 : i32
    %dma_start3A_49 = tpu.memref_slice %arg7[%dma_start3A_44, %dma_start3A_48] : memref<5x40xi32, #tpu.memory_space<vmem>> -> memref<1x40xi32, #tpu.memory_space<vmem>>
    %dma_start3A_50 = tpu.memref_squeeze %dma_start3A_49 : memref<1x40xi32, #tpu.memory_space<vmem>> -> memref<40xi32, #tpu.memory_space<vmem>>
    %dma_start3A_51 = arith.constant 0 : i32
    %dma_start3A_52 = arith.constant 0 : i32
    %dma_start3A_53 = tpu.memref_slice %arg4[%dma_start3A_51, %dma_start3A_52] : memref<500000x128xf32, #tpu.memory_space<hbm>> -> memref<500000x128xf32, #tpu.memory_space<hbm>>
    tpu.enqueue_indirect_dma source(%dma_start3A_53 : memref<500000x128xf32, #tpu.memory_space<hbm>>) target(%dma_start3A_47 : memref<40x128xf32, #tpu.memory_space<vmem>>) offsets(%dma_start3A_50 : memref<40xi32, #tpu.memory_space<vmem>>) semaphore(%arg20 : memref<!tpu.dma_semaphore, #tpu.memory_space<semaphore_mem>>)
    %dma_start3A_54 = arith.constant 1 : i32
    %dma_start3A_55 = arith.constant 40 : i32
    %dma_start3A_56 = arith.constant 0 : i32
    %dma_start3A_57 = tpu.memref_slice %arg11[%dma_start3A_55, %dma_start3A_56] : memref<200x128xf32, #tpu.memory_space<vmem>> -> memref<40x128xf32, #tpu.memory_space<vmem>>
    %dma_start3A_58 = arith.constant 0 : i32
    %dma_start3A_59 = tpu.memref_slice %arg7[%dma_start3A_54, %dma_start3A_58] : memref<5x40xi32, #tpu.memory_space<vmem>> -> memref<1x40xi32, #tpu.memory_space<vmem>>
    %dma_start3A_60 = tpu.memref_squeeze %dma_start3A_59 : memref<1x40xi32, #tpu.memory_space<vmem>> -> memref<40xi32, #tpu.memory_space<vmem>>
    %dma_start3A_61 = arith.constant 0 : i32
    %dma_start3A_62 = arith.constant 0 : i32
    %dma_start3A_63 = tpu.memref_slice %arg4[%dma_start3A_61, %dma_start3A_62] : memref<500000x128xf32, #tpu.memory_space<hbm>> -> memref<500000x128xf32, #tpu.memory_space<hbm>>
    tpu.enqueue_indirect_dma source(%dma_start3A_63 : memref<500000x128xf32, #tpu.memory_space<hbm>>) target(%dma_start3A_57 : memref<40x128xf32, #tpu.memory_space<vmem>>) offsets(%dma_start3A_60 : memref<40xi32, #tpu.memory_space<vmem>>) semaphore(%arg20 : memref<!tpu.dma_semaphore, #tpu.memory_space<semaphore_mem>>)
    %dma_start3A_64 = arith.constant 2 : i32
    %dma_start3A_65 = arith.constant 80 : i32
    %dma_start3A_66 = arith.constant 0 : i32
    %dma_start3A_67 = tpu.memref_slice %arg11[%dma_start3A_65, %dma_start3A_66] : memref<200x128xf32, #tpu.memory_space<vmem>> -> memref<40x128xf32, #tpu.memory_space<vmem>>
    %dma_start3A_68 = arith.constant 0 : i32
    %dma_start3A_69 = tpu.memref_slice %arg7[%dma_start3A_64, %dma_start3A_68] : memref<5x40xi32, #tpu.memory_space<vmem>> -> memref<1x40xi32, #tpu.memory_space<vmem>>
    %dma_start3A_70 = tpu.memref_squeeze %dma_start3A_69 : memref<1x40xi32, #tpu.memory_space<vmem>> -> memref<40xi32, #tpu.memory_space<vmem>>
    %dma_start3A_71 = arith.constant 0 : i32
    %dma_start3A_72 = arith.constant 0 : i32
    %dma_start3A_73 = tpu.memref_slice %arg4[%dma_start3A_71, %dma_start3A_72] : memref<500000x128xf32, #tpu.memory_space<hbm>> -> memref<500000x128xf32, #tpu.memory_space<hbm>>
    tpu.enqueue_indirect_dma source(%dma_start3A_73 : memref<500000x128xf32, #tpu.memory_space<hbm>>) target(%dma_start3A_67 : memref<40x128xf32, #tpu.memory_space<vmem>>) offsets(%dma_start3A_70 : memref<40xi32, #tpu.memory_space<vmem>>) semaphore(%arg20 : memref<!tpu.dma_semaphore, #tpu.memory_space<semaphore_mem>>)
    %dma_start3A_74 = arith.constant 3 : i32
    %dma_start3A_75 = arith.constant 120 : i32
    %dma_start3A_76 = arith.constant 0 : i32
    %dma_start3A_77 = tpu.memref_slice %arg11[%dma_start3A_75, %dma_start3A_76] : memref<200x128xf32, #tpu.memory_space<vmem>> -> memref<40x128xf32, #tpu.memory_space<vmem>>
    %dma_start3A_78 = arith.constant 0 : i32
    %dma_start3A_79 = tpu.memref_slice %arg7[%dma_start3A_74, %dma_start3A_78] : memref<5x40xi32, #tpu.memory_space<vmem>> -> memref<1x40xi32, #tpu.memory_space<vmem>>
    %dma_start3A_80 = tpu.memref_squeeze %dma_start3A_79 : memref<1x40xi32, #tpu.memory_space<vmem>> -> memref<40xi32, #tpu.memory_space<vmem>>
    %dma_start3A_81 = arith.constant 0 : i32
    %dma_start3A_82 = arith.constant 0 : i32
    %dma_start3A_83 = tpu.memref_slice %arg4[%dma_start3A_81, %dma_start3A_82] : memref<500000x128xf32, #tpu.memory_space<hbm>> -> memref<500000x128xf32, #tpu.memory_space<hbm>>
    tpu.enqueue_indirect_dma source(%dma_start3A_83 : memref<500000x128xf32, #tpu.memory_space<hbm>>) target(%dma_start3A_77 : memref<40x128xf32, #tpu.memory_space<vmem>>) offsets(%dma_start3A_80 : memref<40xi32, #tpu.memory_space<vmem>>) semaphore(%arg20 : memref<!tpu.dma_semaphore, #tpu.memory_space<semaphore_mem>>)
    %dma_start3A_84 = arith.constant 4 : i32
    %dma_start3A_85 = arith.constant 160 : i32
    %dma_start3A_86 = arith.constant 0 : i32
    %dma_start3A_87 = tpu.memref_slice %arg11[%dma_start3A_85, %dma_start3A_86] : memref<200x128xf32, #tpu.memory_space<vmem>> -> memref<40x128xf32, #tpu.memory_space<vmem>>
    %dma_start3A_88 = arith.constant 0 : i32
    %dma_start3A_89 = tpu.memref_slice %arg7[%dma_start3A_84, %dma_start3A_88] : memref<5x40xi32, #tpu.memory_space<vmem>> -> memref<1x40xi32, #tpu.memory_space<vmem>>
    %dma_start3A_90 = tpu.memref_squeeze %dma_start3A_89 : memref<1x40xi32, #tpu.memory_space<vmem>> -> memref<40xi32, #tpu.memory_space<vmem>>
    %dma_start3A_91 = arith.constant 0 : i32
    %dma_start3A_92 = arith.constant 0 : i32
    %dma_start3A_93 = tpu.memref_slice %arg4[%dma_start3A_91, %dma_start3A_92] : memref<500000x128xf32, #tpu.memory_space<hbm>> -> memref<500000x128xf32, #tpu.memory_space<hbm>>
    tpu.enqueue_indirect_dma source(%dma_start3A_93 : memref<500000x128xf32, #tpu.memory_space<hbm>>) target(%dma_start3A_87 : memref<40x128xf32, #tpu.memory_space<vmem>>) offsets(%dma_start3A_90 : memref<40xi32, #tpu.memory_space<vmem>>) semaphore(%arg20 : memref<!tpu.dma_semaphore, #tpu.memory_space<semaphore_mem>>)
    %scan3A = arith.constant 0 : i32
    %scan3A_94 = arith.constant 0 : i32
    %scan3A_95 = arith.constant 64 : i32
    %scan3A_96 = arith.addi %scan3A_94, %scan3A_95 : i32
    %scan3A_97 = arith.constant 1 : i32
    scf.for %scan3A_117 = %scan3A_94 to %scan3A_96 step %scan3A_97  : i32 {
      %mul3A_118 = arith.constant 2 : i32
      %mul3A_119 = arith.muli %mul3A_118, %scan3A_117 : i32
      %add3A_120 = arith.constant 1 : i32
      %add3A_121 = arith.addi %mul3A_119, %add3A_120 : i32
      %lt3A = arith.constant 128 : i32
      %lt3A_122 = arith.cmpi slt, %add3A_121, %lt3A : i32
      %convert_element_type3A = arith.extui %lt3A_122 : i1 to i32
      %cond3A = arith.constant 0 : i32
      %cond3A_123 = arith.cmpi ne, %convert_element_type3A, %cond3A : i32
      scf.if %cond3A_123 {
        %dma_wait3A_211 = arith.constant 0 : i32
        %dma_wait3A_212 = arith.constant 0 : i32
        %dma_wait3A_213 = arith.constant 0 : i32
        %dma_wait3A_214 = tpu.memref_slice %arg2[%dma_wait3A_211, %dma_wait3A_212, %dma_wait3A_213] : memref<4096x5x40xi32, #tpu.memory_space<hbm>> -> memref<1x5x40xi32, #tpu.memory_space<hbm>>
        %dma_wait3A_215 = tpu.memref_squeeze %dma_wait3A_214 : memref<1x5x40xi32, #tpu.memory_space<hbm>> -> memref<5x40xi32, #tpu.memory_space<hbm>>
        %dma_wait3A_216 = arith.constant 0 : i32
        %dma_wait3A_217 = arith.constant 0 : i32
        %dma_wait3A_218 = tpu.memref_slice %arg2[%dma_wait3A_211, %dma_wait3A_216, %dma_wait3A_217] : memref<4096x5x40xi32, #tpu.memory_space<hbm>> -> memref<1x5x40xi32, #tpu.memory_space<hbm>>
        %dma_wait3A_219 = tpu.memref_squeeze %dma_wait3A_218 : memref<1x5x40xi32, #tpu.memory_space<hbm>> -> memref<5x40xi32, #tpu.memory_space<hbm>>
        tpu.wait_dma2 semaphore(%arg17 : memref<!tpu.dma_semaphore, #tpu.memory_space<semaphore_mem>>) src(%dma_wait3A_219 : memref<5x40xi32, #tpu.memory_space<hbm>>) dst(%arg8 : memref<5x40xi32, #tpu.memory_space<vmem>>)
        %dma_start3A_220 = arith.constant 0 : i32
        %dma_start3A_221 = arith.constant 0 : i32
        %dma_start3A_222 = arith.constant 0 : i32
        %dma_start3A_223 = tpu.memref_slice %arg12[%dma_start3A_221, %dma_start3A_222] : memref<200x128xf32, #tpu.memory_space<vmem>> -> memref<40x128xf32, #tpu.memory_space<vmem>>
        %dma_start3A_224 = arith.constant 0 : i32
        %dma_start3A_225 = tpu.memref_slice %arg8[%dma_start3A_220, %dma_start3A_224] : memref<5x40xi32, #tpu.memory_space<vmem>> -> memref<1x40xi32, #tpu.memory_space<vmem>>
        %dma_start3A_226 = tpu.memref_squeeze %dma_start3A_225 : memref<1x40xi32, #tpu.memory_space<vmem>> -> memref<40xi32, #tpu.memory_space<vmem>>
        %dma_start3A_227 = arith.constant 0 : i32
        %dma_start3A_228 = arith.constant 0 : i32
        %dma_start3A_229 = tpu.memref_slice %arg4[%dma_start3A_227, %dma_start3A_228] : memref<500000x128xf32, #tpu.memory_space<hbm>> -> memref<500000x128xf32, #tpu.memory_space<hbm>>
        tpu.enqueue_indirect_dma source(%dma_start3A_229 : memref<500000x128xf32, #tpu.memory_space<hbm>>) target(%dma_start3A_223 : memref<40x128xf32, #tpu.memory_space<vmem>>) offsets(%dma_start3A_226 : memref<40xi32, #tpu.memory_space<vmem>>) semaphore(%arg21 : memref<!tpu.dma_semaphore, #tpu.memory_space<semaphore_mem>>)
        %dma_start3A_230 = arith.constant 1 : i32
        %dma_start3A_231 = arith.constant 40 : i32
        %dma_start3A_232 = arith.constant 0 : i32
        %dma_start3A_233 = tpu.memref_slice %arg12[%dma_start3A_231, %dma_start3A_232] : memref<200x128xf32, #tpu.memory_space<vmem>> -> memref<40x128xf32, #tpu.memory_space<vmem>>
        %dma_start3A_234 = arith.constant 0 : i32
        %dma_start3A_235 = tpu.memref_slice %arg8[%dma_start3A_230, %dma_start3A_234] : memref<5x40xi32, #tpu.memory_space<vmem>> -> memref<1x40xi32, #tpu.memory_space<vmem>>
        %dma_start3A_236 = tpu.memref_squeeze %dma_start3A_235 : memref<1x40xi32, #tpu.memory_space<vmem>> -> memref<40xi32, #tpu.memory_space<vmem>>
        %dma_start3A_237 = arith.constant 0 : i32
        %dma_start3A_238 = arith.constant 0 : i32
        %dma_start3A_239 = tpu.memref_slice %arg4[%dma_start3A_237, %dma_start3A_238] : memref<500000x128xf32, #tpu.memory_space<hbm>> -> memref<500000x128xf32, #tpu.memory_space<hbm>>
        tpu.enqueue_indirect_dma source(%dma_start3A_239 : memref<500000x128xf32, #tpu.memory_space<hbm>>) target(%dma_start3A_233 : memref<40x128xf32, #tpu.memory_space<vmem>>) offsets(%dma_start3A_236 : memref<40xi32, #tpu.memory_space<vmem>>) semaphore(%arg21 : memref<!tpu.dma_semaphore, #tpu.memory_space<semaphore_mem>>)
        %dma_start3A_240 = arith.constant 2 : i32
        %dma_start3A_241 = arith.constant 80 : i32
        %dma_start3A_242 = arith.constant 0 : i32
        %dma_start3A_243 = tpu.memref_slice %arg12[%dma_start3A_241, %dma_start3A_242] : memref<200x128xf32, #tpu.memory_space<vmem>> -> memref<40x128xf32, #tpu.memory_space<vmem>>
        %dma_start3A_244 = arith.constant 0 : i32
        %dma_start3A_245 = tpu.memref_slice %arg8[%dma_start3A_240, %dma_start3A_244] : memref<5x40xi32, #tpu.memory_space<vmem>> -> memref<1x40xi32, #tpu.memory_space<vmem>>
        %dma_start3A_246 = tpu.memref_squeeze %dma_start3A_245 : memref<1x40xi32, #tpu.memory_space<vmem>> -> memref<40xi32, #tpu.memory_space<vmem>>
        %dma_start3A_247 = arith.constant 0 : i32
        %dma_start3A_248 = arith.constant 0 : i32
        %dma_start3A_249 = tpu.memref_slice %arg4[%dma_start3A_247, %dma_start3A_248] : memref<500000x128xf32, #tpu.memory_space<hbm>> -> memref<500000x128xf32, #tpu.memory_space<hbm>>
        tpu.enqueue_indirect_dma source(%dma_start3A_249 : memref<500000x128xf32, #tpu.memory_space<hbm>>) target(%dma_start3A_243 : memref<40x128xf32, #tpu.memory_space<vmem>>) offsets(%dma_start3A_246 : memref<40xi32, #tpu.memory_space<vmem>>) semaphore(%arg21 : memref<!tpu.dma_semaphore, #tpu.memory_space<semaphore_mem>>)
        %dma_start3A_250 = arith.constant 3 : i32
        %dma_start3A_251 = arith.constant 120 : i32
        %dma_start3A_252 = arith.constant 0 : i32
        %dma_start3A_253 = tpu.memref_slice %arg12[%dma_start3A_251, %dma_start3A_252] : memref<200x128xf32, #tpu.memory_space<vmem>> -> memref<40x128xf32, #tpu.memory_space<vmem>>
        %dma_start3A_254 = arith.constant 0 : i32
        %dma_start3A_255 = tpu.memref_slice %arg8[%dma_start3A_250, %dma_start3A_254] : memref<5x40xi32, #tpu.memory_space<vmem>> -> memref<1x40xi32, #tpu.memory_space<vmem>>
        %dma_start3A_256 = tpu.memref_squeeze %dma_start3A_255 : memref<1x40xi32, #tpu.memory_space<vmem>> -> memref<40xi32, #tpu.memory_space<vmem>>
        %dma_start3A_257 = arith.constant 0 : i32
        %dma_start3A_258 = arith.constant 0 : i32
        %dma_start3A_259 = tpu.memref_slice %arg4[%dma_start3A_257, %dma_start3A_258] : memref<500000x128xf32, #tpu.memory_space<hbm>> -> memref<500000x128xf32, #tpu.memory_space<hbm>>
        tpu.enqueue_indirect_dma source(%dma_start3A_259 : memref<500000x128xf32, #tpu.memory_space<hbm>>) target(%dma_start3A_253 : memref<40x128xf32, #tpu.memory_space<vmem>>) offsets(%dma_start3A_256 : memref<40xi32, #tpu.memory_space<vmem>>) semaphore(%arg21 : memref<!tpu.dma_semaphore, #tpu.memory_space<semaphore_mem>>)
        %dma_start3A_260 = arith.constant 4 : i32
        %dma_start3A_261 = arith.constant 160 : i32
        %dma_start3A_262 = arith.constant 0 : i32
        %dma_start3A_263 = tpu.memref_slice %arg12[%dma_start3A_261, %dma_start3A_262] : memref<200x128xf32, #tpu.memory_space<vmem>> -> memref<40x128xf32, #tpu.memory_space<vmem>>
        %dma_start3A_264 = arith.constant 0 : i32
        %dma_start3A_265 = tpu.memref_slice %arg8[%dma_start3A_260, %dma_start3A_264] : memref<5x40xi32, #tpu.memory_space<vmem>> -> memref<1x40xi32, #tpu.memory_space<vmem>>
        %dma_start3A_266 = tpu.memref_squeeze %dma_start3A_265 : memref<1x40xi32, #tpu.memory_space<vmem>> -> memref<40xi32, #tpu.memory_space<vmem>>
        %dma_start3A_267 = arith.constant 0 : i32
        %dma_start3A_268 = arith.constant 0 : i32
        %dma_start3A_269 = tpu.memref_slice %arg4[%dma_start3A_267, %dma_start3A_268] : memref<500000x128xf32, #tpu.memory_space<hbm>> -> memref<500000x128xf32, #tpu.memory_space<hbm>>
        tpu.enqueue_indirect_dma source(%dma_start3A_269 : memref<500000x128xf32, #tpu.memory_space<hbm>>) target(%dma_start3A_263 : memref<40x128xf32, #tpu.memory_space<vmem>>) offsets(%dma_start3A_266 : memref<40xi32, #tpu.memory_space<vmem>>) semaphore(%arg21 : memref<!tpu.dma_semaphore, #tpu.memory_space<semaphore_mem>>)
      } else {
      }
      %dma_wait3A_124 = arith.constant 0 : i32
      %dma_wait3A_125 = arith.constant 0 : i32
      %dma_wait3A_126 = tpu.memref_slice %arg4[%dma_wait3A_124, %dma_wait3A_125] : memref<500000x128xf32, #tpu.memory_space<hbm>> -> memref<200x128xf32, #tpu.memory_space<hbm>>
      %dma_wait3A_127 = arith.constant 0 : i32
      %dma_wait3A_128 = arith.constant 0 : i32
      %dma_wait3A_129 = tpu.memref_slice %arg4[%dma_wait3A_127, %dma_wait3A_128] : memref<500000x128xf32, #tpu.memory_space<hbm>> -> memref<200x128xf32, #tpu.memory_space<hbm>>
      tpu.wait_dma2 semaphore(%arg20 : memref<!tpu.dma_semaphore, #tpu.memory_space<semaphore_mem>>) src(%dma_wait3A_129 : memref<200x128xf32, #tpu.memory_space<hbm>>) dst(%arg11 : memref<200x128xf32, #tpu.memory_space<vmem>>)
      %gt3A = arith.constant 1 : i32
      %gt3A_130 = arith.cmpi sgt, %mul3A_119, %gt3A : i32
      %convert_element_type3A_131 = arith.extui %gt3A_130 : i1 to i32
      %cond3A_132 = arith.constant 0 : i32
      %cond3A_133 = arith.cmpi ne, %convert_element_type3A_131, %cond3A_132 : i32
      scf.if %cond3A_133 {
        %dma_wait3A_211 = arith.constant 0 : i32
        %dma_wait3A_212 = arith.constant 0 : i32
        %dma_wait3A_213 = arith.constant 0 : i32
        %dma_wait3A_214 = tpu.memref_slice %arg6[%dma_wait3A_211, %dma_wait3A_212, %dma_wait3A_213] : memref<4096x100x128xf32, #tpu.memory_space<hbm>> -> memref<1x100x128xf32, #tpu.memory_space<hbm>>
        %dma_wait3A_215 = tpu.memref_squeeze %dma_wait3A_214 : memref<1x100x128xf32, #tpu.memory_space<hbm>> -> memref<100x128xf32, #tpu.memory_space<hbm>>
        %dma_wait3A_216 = arith.constant 0 : i32
        %dma_wait3A_217 = arith.constant 0 : i32
        %dma_wait3A_218 = tpu.memref_slice %arg6[%dma_wait3A_211, %dma_wait3A_216, %dma_wait3A_217] : memref<4096x100x128xf32, #tpu.memory_space<hbm>> -> memref<1x100x128xf32, #tpu.memory_space<hbm>>
        %dma_wait3A_219 = tpu.memref_squeeze %dma_wait3A_218 : memref<1x100x128xf32, #tpu.memory_space<hbm>> -> memref<100x128xf32, #tpu.memory_space<hbm>>
        tpu.wait_dma2 semaphore(%arg22 : memref<!tpu.dma_semaphore, #tpu.memory_space<semaphore_mem>>) src(%arg13 : memref<100x128xf32, #tpu.memory_space<vmem>>) dst(%dma_wait3A_219 : memref<100x128xf32, #tpu.memory_space<hbm>>)
      } else {
      }
      %dma_wait3A_134 = arith.constant 0 : i32
      %dma_wait3A_135 = arith.constant 0 : i32
      %dma_wait3A_136 = arith.constant 0 : i32
      %dma_wait3A_137 = tpu.memref_slice %arg3[%dma_wait3A_134, %dma_wait3A_135, %dma_wait3A_136] : memref<4096x5x40xi32, #tpu.memory_space<hbm>> -> memref<1x5x40xi32, #tpu.memory_space<hbm>>
      %dma_wait3A_138 = tpu.memref_squeeze %dma_wait3A_137 : memref<1x5x40xi32, #tpu.memory_space<hbm>> -> memref<5x40xi32, #tpu.memory_space<hbm>>
      %dma_wait3A_139 = arith.constant 0 : i32
      %dma_wait3A_140 = arith.constant 0 : i32
      %dma_wait3A_141 = tpu.memref_slice %arg3[%dma_wait3A_134, %dma_wait3A_139, %dma_wait3A_140] : memref<4096x5x40xi32, #tpu.memory_space<hbm>> -> memref<1x5x40xi32, #tpu.memory_space<hbm>>
      %dma_wait3A_142 = tpu.memref_squeeze %dma_wait3A_141 : memref<1x5x40xi32, #tpu.memory_space<hbm>> -> memref<5x40xi32, #tpu.memory_space<hbm>>
      tpu.wait_dma2 semaphore(%arg18 : memref<!tpu.dma_semaphore, #tpu.memory_space<semaphore_mem>>) src(%dma_wait3A_142 : memref<5x40xi32, #tpu.memory_space<hbm>>) dst(%arg9 : memref<5x40xi32, #tpu.memory_space<vmem>>)
      %parallel_loop3A = arith.constant 0 : i32
      %parallel_loop3A_143 = arith.constant 100 : i32
      %parallel_loop3A_144 = arith.constant 1 : i32
      scf.for %parallel_loop3A_211 = %parallel_loop3A to %parallel_loop3A_143 step %parallel_loop3A_144  : i32 {
        %parallel_loop3A_212 = arith.constant 2 : i32
        %parallel_loop3A_213 = arith.muli %parallel_loop3A_212, %parallel_loop3A_211 : i32
        %parallel_loop3A_214 = arith.constant 0 : i32
        %parallel_loop3A_215 = arith.addi %parallel_loop3A_213, %parallel_loop3A_214 : i32
        %parallel_loop3A_216 = arith.constant 40 : i32
        %parallel_loop3A_217 = arith.divsi %parallel_loop3A_215, %parallel_loop3A_216 : i32
        %parallel_loop3A_218 = arith.constant 0 : i32
        %parallel_loop3A_219 = arith.cmpi sgt, %parallel_loop3A_215, %parallel_loop3A_218 : i32
        %parallel_loop3A_220 = arith.extui %parallel_loop3A_219 : i1 to i32
        %parallel_loop3A_221 = arith.constant 0 : i32
        %parallel_loop3A_222 = arith.cmpi slt, %parallel_loop3A_215, %parallel_loop3A_221 : i32
        %parallel_loop3A_223 = arith.extui %parallel_loop3A_222 : i1 to i32
        %parallel_loop3A_224 = arith.subi %parallel_loop3A_220, %parallel_loop3A_223 : i32
        %parallel_loop3A_225 = arith.constant 0 : i32
        %parallel_loop3A_226 = arith.cmpi sgt, %parallel_loop3A_216, %parallel_loop3A_225 : i32
        %parallel_loop3A_227 = arith.extui %parallel_loop3A_226 : i1 to i32
        %parallel_loop3A_228 = arith.constant 0 : i32
        %parallel_loop3A_229 = arith.cmpi slt, %parallel_loop3A_216, %parallel_loop3A_228 : i32
        %parallel_loop3A_230 = arith.extui %parallel_loop3A_229 : i1 to i32
        %parallel_loop3A_231 = arith.subi %parallel_loop3A_227, %parallel_loop3A_230 : i32
        %parallel_loop3A_232 = arith.cmpi ne, %parallel_loop3A_224, %parallel_loop3A_231 : i32
        %parallel_loop3A_233 = arith.remsi %parallel_loop3A_215, %parallel_loop3A_216 : i32
        %parallel_loop3A_234 = arith.constant 0 : i32
        %parallel_loop3A_235 = arith.cmpi ne, %parallel_loop3A_233, %parallel_loop3A_234 : i32
        %parallel_loop3A_236 = arith.andi %parallel_loop3A_232, %parallel_loop3A_235 : i1
        %parallel_loop3A_237 = arith.constant 1 : i32
        %parallel_loop3A_238 = arith.subi %parallel_loop3A_217, %parallel_loop3A_237 : i32
        %parallel_loop3A_239 = arith.select %parallel_loop3A_236, %parallel_loop3A_238, %parallel_loop3A_217 : i32
        %parallel_loop3A_240 = arith.constant 40 : i32
        %parallel_loop3A_241 = arith.constant 0 : i32
        %parallel_loop3A_242 = arith.cmpi eq, %parallel_loop3A_240, %parallel_loop3A_241 : i32
        %parallel_loop3A_243 = arith.constant 1 : i32
        %parallel_loop3A_244 = arith.select %parallel_loop3A_242, %parallel_loop3A_243, %parallel_loop3A_240 : i32
        %parallel_loop3A_245 = arith.remsi %parallel_loop3A_215, %parallel_loop3A_244 : i32
        %parallel_loop3A_246 = arith.constant 0 : i32
        %parallel_loop3A_247 = arith.cmpi ne, %parallel_loop3A_245, %parallel_loop3A_246 : i32
        %parallel_loop3A_248 = arith.constant 0 : i32
        %parallel_loop3A_249 = arith.cmpi slt, %parallel_loop3A_245, %parallel_loop3A_248 : i32
        %parallel_loop3A_250 = arith.constant 0 : i32
        %parallel_loop3A_251 = arith.cmpi slt, %parallel_loop3A_244, %parallel_loop3A_250 : i32
        %parallel_loop3A_252 = arith.xori %parallel_loop3A_249, %parallel_loop3A_251 : i1
        %parallel_loop3A_253 = arith.andi %parallel_loop3A_252, %parallel_loop3A_247 : i1
        %parallel_loop3A_254 = arith.addi %parallel_loop3A_245, %parallel_loop3A_244 : i32
        %parallel_loop3A_255 = arith.select %parallel_loop3A_253, %parallel_loop3A_254, %parallel_loop3A_245 : i32
        %parallel_loop3A_256 = arith.index_cast %parallel_loop3A_239 : i32 to index
        %parallel_loop3A_257 = arith.index_cast %parallel_loop3A_255 : i32 to index
        %parallel_loop3A_258 = tpu.vector_load %arg9[%parallel_loop3A_256, %parallel_loop3A_257] {strides = array<i32>} : memref<5x40xi32, #tpu.memory_space<vmem>>, vector<1x1xi32>,
        %parallel_loop3A_259 = vector.shape_cast %parallel_loop3A_258 : vector<1x1xi32> to vector<1xi32>
        %parallel_loop3A_260 = vector.extract %parallel_loop3A_259[0] : i32 from vector<1xi32>
        %parallel_loop3A_261 = arith.constant 0 : i32
        %parallel_loop3A_262 = arith.cmpi sgt, %parallel_loop3A_260, %parallel_loop3A_261 : i32
        %parallel_loop3A_263 = arith.index_cast %parallel_loop3A_215 : i32 to index
        %parallel_loop3A_264 = arith.constant 0 : index
        %parallel_loop3A_265 = tpu.vector_load %arg11[%parallel_loop3A_263, %parallel_loop3A_264] {strides = array<i32>} : memref<200x128xf32, #tpu.memory_space<vmem>>, vector<1x16xf32>,
        %parallel_loop3A_266 = vector.shape_cast %parallel_loop3A_265 : vector<1x16xf32> to vector<16xf32>
        %parallel_loop3A_267 = arith.index_cast %parallel_loop3A_215 : i32 to index
        %parallel_loop3A_268 = arith.constant 64 : index
        %parallel_loop3A_269 = tpu.vector_load %arg11[%parallel_loop3A_267, %parallel_loop3A_268] {strides = array<i32>} : memref<200x128xf32, #tpu.memory_space<vmem>>, vector<1x16xf32>,
        %parallel_loop3A_270 = vector.shape_cast %parallel_loop3A_269 : vector<1x16xf32> to vector<16xf32>
        %parallel_loop3A_271 = arith.select %parallel_loop3A_262, %parallel_loop3A_270, %parallel_loop3A_266 : vector<16xf32>
        %parallel_loop3A_272 = arith.index_cast %parallel_loop3A_211 : i32 to index
        %parallel_loop3A_273 = arith.constant 0 : index
        %parallel_loop3A_274 = tpu.vector_load %arg15[%parallel_loop3A_272, %parallel_loop3A_273] {strides = array<i32>} : memref<100x128xf32, #tpu.memory_space<vmem>>, vector<1x16xf32>,
        %parallel_loop3A_275 = vector.shape_cast %parallel_loop3A_274 : vector<1x16xf32> to vector<16xf32>
        %parallel_loop3A_276 = arith.addf %parallel_loop3A_271, %parallel_loop3A_275 : vector<16xf32>
        %parallel_loop3A_277 = arith.index_cast %parallel_loop3A_211 : i32 to index
        %parallel_loop3A_278 = arith.constant 0 : index
        %parallel_loop3A_279 = tpu.vector_load %arg13[%parallel_loop3A_277, %parallel_loop3A_278] {strides = array<i32>} : memref<100x128xf32, #tpu.memory_space<vmem>>, vector<1x16xf32>,
        %parallel_loop3A_280 = vector.shape_cast %parallel_loop3A_279 : vector<1x16xf32> to vector<16xf32>
        %parallel_loop3A_281 = vector.shape_cast %parallel_loop3A_276 : vector<16xf32> to vector<1x16xf32>
        tpu.vector_store %arg13[%parallel_loop3A_277, %parallel_loop3A_278], %parallel_loop3A_281 {strides = array<i32>} : memref<100x128xf32, #tpu.memory_space<vmem>>, vector<1x16xf32>,
        %parallel_loop3A_282 = arith.index_cast %parallel_loop3A_215 : i32 to index
        %parallel_loop3A_283 = arith.constant 16 : index
        %parallel_loop3A_284 = tpu.vector_load %arg11[%parallel_loop3A_282, %parallel_loop3A_283] {strides = array<i32>} : memref<200x128xf32, #tpu.memory_space<vmem>>, vector<1x16xf32>,
        %parallel_loop3A_285 = vector.shape_cast %parallel_loop3A_284 : vector<1x16xf32> to vector<16xf32>
        %parallel_loop3A_286 = arith.index_cast %parallel_loop3A_215 : i32 to index
        %parallel_loop3A_287 = arith.constant 80 : index
        %parallel_loop3A_288 = tpu.vector_load %arg11[%parallel_loop3A_286, %parallel_loop3A_287] {strides = array<i32>} : memref<200x128xf32, #tpu.memory_space<vmem>>, vector<1x16xf32>,
        %parallel_loop3A_289 = vector.shape_cast %parallel_loop3A_288 : vector<1x16xf32> to vector<16xf32>
        %parallel_loop3A_290 = arith.select %parallel_loop3A_262, %parallel_loop3A_289, %parallel_loop3A_285 : vector<16xf32>
        %parallel_loop3A_291 = arith.index_cast %parallel_loop3A_211 : i32 to index
        %parallel_loop3A_292 = arith.constant 16 : index
        %parallel_loop3A_293 = tpu.vector_load %arg15[%parallel_loop3A_291, %parallel_loop3A_292] {strides = array<i32>} : memref<100x128xf32, #tpu.memory_space<vmem>>, vector<1x16xf32>,
        %parallel_loop3A_294 = vector.shape_cast %parallel_loop3A_293 : vector<1x16xf32> to vector<16xf32>
        %parallel_loop3A_295 = arith.addf %parallel_loop3A_290, %parallel_loop3A_294 : vector<16xf32>
        %parallel_loop3A_296 = arith.index_cast %parallel_loop3A_211 : i32 to index
        %parallel_loop3A_297 = arith.constant 16 : index
        %parallel_loop3A_298 = tpu.vector_load %arg13[%parallel_loop3A_296, %parallel_loop3A_297] {strides = array<i32>} : memref<100x128xf32, #tpu.memory_space<vmem>>, vector<1x16xf32>,
        %parallel_loop3A_299 = vector.shape_cast %parallel_loop3A_298 : vector<1x16xf32> to vector<16xf32>
        %parallel_loop3A_300 = vector.shape_cast %parallel_loop3A_295 : vector<16xf32> to vector<1x16xf32>
        tpu.vector_store %arg13[%parallel_loop3A_296, %parallel_loop3A_297], %parallel_loop3A_300 {strides = array<i32>} : memref<100x128xf32, #tpu.memory_space<vmem>>, vector<1x16xf32>,
        %parallel_loop3A_301 = arith.index_cast %parallel_loop3A_215 : i32 to index
        %parallel_loop3A_302 = arith.constant 32 : index
        %parallel_loop3A_303 = tpu.vector_load %arg11[%parallel_loop3A_301, %parallel_loop3A_302] {strides = array<i32>} : memref<200x128xf32, #tpu.memory_space<vmem>>, vector<1x16xf32>,
        %parallel_loop3A_304 = vector.shape_cast %parallel_loop3A_303 : vector<1x16xf32> to vector<16xf32>
        %parallel_loop3A_305 = arith.index_cast %parallel_loop3A_215 : i32 to index
        %parallel_loop3A_306 = arith.constant 96 : index
        %parallel_loop3A_307 = tpu.vector_load %arg11[%parallel_loop3A_305, %parallel_loop3A_306] {strides = array<i32>} : memref<200x128xf32, #tpu.memory_space<vmem>>, vector<1x16xf32>,
        %parallel_loop3A_308 = vector.shape_cast %parallel_loop3A_307 : vector<1x16xf32> to vector<16xf32>
        %parallel_loop3A_309 = arith.select %parallel_loop3A_262, %parallel_loop3A_308, %parallel_loop3A_304 : vector<16xf32>
        %parallel_loop3A_310 = arith.index_cast %parallel_loop3A_211 : i32 to index
        %parallel_loop3A_311 = arith.constant 32 : index
        %parallel_loop3A_312 = tpu.vector_load %arg15[%parallel_loop3A_310, %parallel_loop3A_311] {strides = array<i32>} : memref<100x128xf32, #tpu.memory_space<vmem>>, vector<1x16xf32>,
        %parallel_loop3A_313 = vector.shape_cast %parallel_loop3A_312 : vector<1x16xf32> to vector<16xf32>
        %parallel_loop3A_314 = arith.addf %parallel_loop3A_309, %parallel_loop3A_313 : vector<16xf32>
        %parallel_loop3A_315 = arith.index_cast %parallel_loop3A_211 : i32 to index
        %parallel_loop3A_316 = arith.constant 32 : index
        %parallel_loop3A_317 = tpu.vector_load %arg13[%parallel_loop3A_315, %parallel_loop3A_316] {strides = array<i32>} : memref<100x128xf32, #tpu.memory_space<vmem>>, vector<1x16xf32>,
        %parallel_loop3A_318 = vector.shape_cast %parallel_loop3A_317 : vector<1x16xf32> to vector<16xf32>
        %parallel_loop3A_319 = vector.shape_cast %parallel_loop3A_314 : vector<16xf32> to vector<1x16xf32>
        tpu.vector_store %arg13[%parallel_loop3A_315, %parallel_loop3A_316], %parallel_loop3A_319 {strides = array<i32>} : memref<100x128xf32, #tpu.memory_space<vmem>>, vector<1x16xf32>,
        %parallel_loop3A_320 = arith.index_cast %parallel_loop3A_215 : i32 to index
        %parallel_loop3A_321 = arith.constant 48 : index
        %parallel_loop3A_322 = tpu.vector_load %arg11[%parallel_loop3A_320, %parallel_loop3A_321] {strides = array<i32>} : memref<200x128xf32, #tpu.memory_space<vmem>>, vector<1x16xf32>,
        %parallel_loop3A_323 = vector.shape_cast %parallel_loop3A_322 : vector<1x16xf32> to vector<16xf32>
        %parallel_loop3A_324 = arith.index_cast %parallel_loop3A_215 : i32 to index
        %parallel_loop3A_325 = arith.constant 112 : index
        %parallel_loop3A_326 = tpu.vector_load %arg11[%parallel_loop3A_324, %parallel_loop3A_325] {strides = array<i32>} : memref<200x128xf32, #tpu.memory_space<vmem>>, vector<1x16xf32>,
        %parallel_loop3A_327 = vector.shape_cast %parallel_loop3A_326 : vector<1x16xf32> to vector<16xf32>
        %parallel_loop3A_328 = arith.select %parallel_loop3A_262, %parallel_loop3A_327, %parallel_loop3A_323 : vector<16xf32>
        %parallel_loop3A_329 = arith.index_cast %parallel_loop3A_211 : i32 to index
        %parallel_loop3A_330 = arith.constant 48 : index
        %parallel_loop3A_331 = tpu.vector_load %arg15[%parallel_loop3A_329, %parallel_loop3A_330] {strides = array<i32>} : memref<100x128xf32, #tpu.memory_space<vmem>>, vector<1x16xf32>,
        %parallel_loop3A_332 = vector.shape_cast %parallel_loop3A_331 : vector<1x16xf32> to vector<16xf32>
        %parallel_loop3A_333 = arith.addf %parallel_loop3A_328, %parallel_loop3A_332 : vector<16xf32>
        %parallel_loop3A_334 = arith.index_cast %parallel_loop3A_211 : i32 to index
        %parallel_loop3A_335 = arith.constant 48 : index
        %parallel_loop3A_336 = tpu.vector_load %arg13[%parallel_loop3A_334, %parallel_loop3A_335] {strides = array<i32>} : memref<100x128xf32, #tpu.memory_space<vmem>>, vector<1x16xf32>,
        %parallel_loop3A_337 = vector.shape_cast %parallel_loop3A_336 : vector<1x16xf32> to vector<16xf32>
        %parallel_loop3A_338 = vector.shape_cast %parallel_loop3A_333 : vector<16xf32> to vector<1x16xf32>
        tpu.vector_store %arg13[%parallel_loop3A_334, %parallel_loop3A_335], %parallel_loop3A_338 {strides = array<i32>} : memref<100x128xf32, #tpu.memory_space<vmem>>, vector<1x16xf32>,
        %parallel_loop3A_339 = arith.constant 2 : i32
        %parallel_loop3A_340 = arith.muli %parallel_loop3A_339, %parallel_loop3A_211 : i32
        %parallel_loop3A_341 = arith.constant 1 : i32
        %parallel_loop3A_342 = arith.addi %parallel_loop3A_340, %parallel_loop3A_341 : i32
        %parallel_loop3A_343 = arith.constant 40 : i32
        %parallel_loop3A_344 = arith.divsi %parallel_loop3A_342, %parallel_loop3A_343 : i32
        %parallel_loop3A_345 = arith.constant 0 : i32
        %parallel_loop3A_346 = arith.cmpi sgt, %parallel_loop3A_342, %parallel_loop3A_345 : i32
        %parallel_loop3A_347 = arith.extui %parallel_loop3A_346 : i1 to i32
        %parallel_loop3A_348 = arith.constant 0 : i32
        %parallel_loop3A_349 = arith.cmpi slt, %parallel_loop3A_342, %parallel_loop3A_348 : i32
        %parallel_loop3A_350 = arith.extui %parallel_loop3A_349 : i1 to i32
        %parallel_loop3A_351 = arith.subi %parallel_loop3A_347, %parallel_loop3A_350 : i32
        %parallel_loop3A_352 = arith.constant 0 : i32
        %parallel_loop3A_353 = arith.cmpi sgt, %parallel_loop3A_343, %parallel_loop3A_352 : i32
        %parallel_loop3A_354 = arith.extui %parallel_loop3A_353 : i1 to i32
        %parallel_loop3A_355 = arith.constant 0 : i32
        %parallel_loop3A_356 = arith.cmpi slt, %parallel_loop3A_343, %parallel_loop3A_355 : i32
        %parallel_loop3A_357 = arith.extui %parallel_loop3A_356 : i1 to i32
        %parallel_loop3A_358 = arith.subi %parallel_loop3A_354, %parallel_loop3A_357 : i32
        %parallel_loop3A_359 = arith.cmpi ne, %parallel_loop3A_351, %parallel_loop3A_358 : i32
        %parallel_loop3A_360 = arith.remsi %parallel_loop3A_342, %parallel_loop3A_343 : i32
        %parallel_loop3A_361 = arith.constant 0 : i32
        %parallel_loop3A_362 = arith.cmpi ne, %parallel_loop3A_360, %parallel_loop3A_361 : i32
        %parallel_loop3A_363 = arith.andi %parallel_loop3A_359, %parallel_loop3A_362 : i1
        %parallel_loop3A_364 = arith.constant 1 : i32
        %parallel_loop3A_365 = arith.subi %parallel_loop3A_344, %parallel_loop3A_364 : i32
        %parallel_loop3A_366 = arith.select %parallel_loop3A_363, %parallel_loop3A_365, %parallel_loop3A_344 : i32
        %parallel_loop3A_367 = arith.constant 40 : i32
        %parallel_loop3A_368 = arith.constant 0 : i32
        %parallel_loop3A_369 = arith.cmpi eq, %parallel_loop3A_367, %parallel_loop3A_368 : i32
        %parallel_loop3A_370 = arith.constant 1 : i32
        %parallel_loop3A_371 = arith.select %parallel_loop3A_369, %parallel_loop3A_370, %parallel_loop3A_367 : i32
        %parallel_loop3A_372 = arith.remsi %parallel_loop3A_342, %parallel_loop3A_371 : i32
        %parallel_loop3A_373 = arith.constant 0 : i32
        %parallel_loop3A_374 = arith.cmpi ne, %parallel_loop3A_372, %parallel_loop3A_373 : i32
        %parallel_loop3A_375 = arith.constant 0 : i32
        %parallel_loop3A_376 = arith.cmpi slt, %parallel_loop3A_372, %parallel_loop3A_375 : i32
        %parallel_loop3A_377 = arith.constant 0 : i32
        %parallel_loop3A_378 = arith.cmpi slt, %parallel_loop3A_371, %parallel_loop3A_377 : i32
        %parallel_loop3A_379 = arith.xori %parallel_loop3A_376, %parallel_loop3A_378 : i1
        %parallel_loop3A_380 = arith.andi %parallel_loop3A_379, %parallel_loop3A_374 : i1
        %parallel_loop3A_381 = arith.addi %parallel_loop3A_372, %parallel_loop3A_371 : i32
        %parallel_loop3A_382 = arith.select %parallel_loop3A_380, %parallel_loop3A_381, %parallel_loop3A_372 : i32
        %parallel_loop3A_383 = arith.index_cast %parallel_loop3A_366 : i32 to index
        %parallel_loop3A_384 = arith.index_cast %parallel_loop3A_382 : i32 to index
        %parallel_loop3A_385 = tpu.vector_load %arg9[%parallel_loop3A_383, %parallel_loop3A_384] {strides = array<i32>} : memref<5x40xi32, #tpu.memory_space<vmem>>, vector<1x1xi32>,
        %parallel_loop3A_386 = vector.shape_cast %parallel_loop3A_385 : vector<1x1xi32> to vector<1xi32>
        %parallel_loop3A_387 = vector.extract %parallel_loop3A_386[0] : i32 from vector<1xi32>
        %parallel_loop3A_388 = arith.constant 0 : i32
        %parallel_loop3A_389 = arith.cmpi sgt, %parallel_loop3A_387, %parallel_loop3A_388 : i32
        %parallel_loop3A_390 = arith.index_cast %parallel_loop3A_342 : i32 to index
        %parallel_loop3A_391 = arith.constant 0 : index
        %parallel_loop3A_392 = tpu.vector_load %arg11[%parallel_loop3A_390, %parallel_loop3A_391] {strides = array<i32>} : memref<200x128xf32, #tpu.memory_space<vmem>>, vector<1x16xf32>,
        %parallel_loop3A_393 = vector.shape_cast %parallel_loop3A_392 : vector<1x16xf32> to vector<16xf32>
        %parallel_loop3A_394 = arith.index_cast %parallel_loop3A_342 : i32 to index
        %parallel_loop3A_395 = arith.constant 64 : index
        %parallel_loop3A_396 = tpu.vector_load %arg11[%parallel_loop3A_394, %parallel_loop3A_395] {strides = array<i32>} : memref<200x128xf32, #tpu.memory_space<vmem>>, vector<1x16xf32>,
        %parallel_loop3A_397 = vector.shape_cast %parallel_loop3A_396 : vector<1x16xf32> to vector<16xf32>
        %parallel_loop3A_398 = arith.select %parallel_loop3A_389, %parallel_loop3A_397, %parallel_loop3A_393 : vector<16xf32>
        %parallel_loop3A_399 = arith.index_cast %parallel_loop3A_211 : i32 to index
        %parallel_loop3A_400 = arith.constant 64 : index
        %parallel_loop3A_401 = tpu.vector_load %arg15[%parallel_loop3A_399, %parallel_loop3A_400] {strides = array<i32>} : memref<100x128xf32, #tpu.memory_space<vmem>>, vector<1x16xf32>,
        %parallel_loop3A_402 = vector.shape_cast %parallel_loop3A_401 : vector<1x16xf32> to vector<16xf32>
        %parallel_loop3A_403 = arith.addf %parallel_loop3A_398, %parallel_loop3A_402 : vector<16xf32>
        %parallel_loop3A_404 = arith.index_cast %parallel_loop3A_211 : i32 to index
        %parallel_loop3A_405 = arith.constant 64 : index
        %parallel_loop3A_406 = tpu.vector_load %arg13[%parallel_loop3A_404, %parallel_loop3A_405] {strides = array<i32>} : memref<100x128xf32, #tpu.memory_space<vmem>>, vector<1x16xf32>,
        %parallel_loop3A_407 = vector.shape_cast %parallel_loop3A_406 : vector<1x16xf32> to vector<16xf32>
        %parallel_loop3A_408 = vector.shape_cast %parallel_loop3A_403 : vector<16xf32> to vector<1x16xf32>
        tpu.vector_store %arg13[%parallel_loop3A_404, %parallel_loop3A_405], %parallel_loop3A_408 {strides = array<i32>} : memref<100x128xf32, #tpu.memory_space<vmem>>, vector<1x16xf32>,
        %parallel_loop3A_409 = arith.index_cast %parallel_loop3A_342 : i32 to index
        %parallel_loop3A_410 = arith.constant 16 : index
        %parallel_loop3A_411 = tpu.vector_load %arg11[%parallel_loop3A_409, %parallel_loop3A_410] {strides = array<i32>} : memref<200x128xf32, #tpu.memory_space<vmem>>, vector<1x16xf32>,
        %parallel_loop3A_412 = vector.shape_cast %parallel_loop3A_411 : vector<1x16xf32> to vector<16xf32>
        %parallel_loop3A_413 = arith.index_cast %parallel_loop3A_342 : i32 to index
        %parallel_loop3A_414 = arith.constant 80 : index
        %parallel_loop3A_415 = tpu.vector_load %arg11[%parallel_loop3A_413, %parallel_loop3A_414] {strides = array<i32>} : memref<200x128xf32, #tpu.memory_space<vmem>>, vector<1x16xf32>,
        %parallel_loop3A_416 = vector.shape_cast %parallel_loop3A_415 : vector<1x16xf32> to vector<16xf32>
        %parallel_loop3A_417 = arith.select %parallel_loop3A_389, %parallel_loop3A_416, %parallel_loop3A_412 : vector<16xf32>
        %parallel_loop3A_418 = arith.index_cast %parallel_loop3A_211 : i32 to index
        %parallel_loop3A_419 = arith.constant 80 : index
        %parallel_loop3A_420 = tpu.vector_load %arg15[%parallel_loop3A_418, %parallel_loop3A_419] {strides = array<i32>} : memref<100x128xf32, #tpu.memory_space<vmem>>, vector<1x16xf32>,
        %parallel_loop3A_421 = vector.shape_cast %parallel_loop3A_420 : vector<1x16xf32> to vector<16xf32>
        %parallel_loop3A_422 = arith.addf %parallel_loop3A_417, %parallel_loop3A_421 : vector<16xf32>
        %parallel_loop3A_423 = arith.index_cast %parallel_loop3A_211 : i32 to index
        %parallel_loop3A_424 = arith.constant 80 : index
        %parallel_loop3A_425 = tpu.vector_load %arg13[%parallel_loop3A_423, %parallel_loop3A_424] {strides = array<i32>} : memref<100x128xf32, #tpu.memory_space<vmem>>, vector<1x16xf32>,
        %parallel_loop3A_426 = vector.shape_cast %parallel_loop3A_425 : vector<1x16xf32> to vector<16xf32>
        %parallel_loop3A_427 = vector.shape_cast %parallel_loop3A_422 : vector<16xf32> to vector<1x16xf32>
        tpu.vector_store %arg13[%parallel_loop3A_423, %parallel_loop3A_424], %parallel_loop3A_427 {strides = array<i32>} : memref<100x128xf32, #tpu.memory_space<vmem>>, vector<1x16xf32>,
        %parallel_loop3A_428 = arith.index_cast %parallel_loop3A_342 : i32 to index
        %parallel_loop3A_429 = arith.constant 32 : index
        %parallel_loop3A_430 = tpu.vector_load %arg11[%parallel_loop3A_428, %parallel_loop3A_429] {strides = array<i32>} : memref<200x128xf32, #tpu.memory_space<vmem>>, vector<1x16xf32>,
        %parallel_loop3A_431 = vector.shape_cast %parallel_loop3A_430 : vector<1x16xf32> to vector<16xf32>
        %parallel_loop3A_432 = arith.index_cast %parallel_loop3A_342 : i32 to index
        %parallel_loop3A_433 = arith.constant 96 : index
        %parallel_loop3A_434 = tpu.vector_load %arg11[%parallel_loop3A_432, %parallel_loop3A_433] {strides = array<i32>} : memref<200x128xf32, #tpu.memory_space<vmem>>, vector<1x16xf32>,
        %parallel_loop3A_435 = vector.shape_cast %parallel_loop3A_434 : vector<1x16xf32> to vector<16xf32>
        %parallel_loop3A_436 = arith.select %parallel_loop3A_389, %parallel_loop3A_435, %parallel_loop3A_431 : vector<16xf32>
        %parallel_loop3A_437 = arith.index_cast %parallel_loop3A_211 : i32 to index
        %parallel_loop3A_438 = arith.constant 96 : index
        %parallel_loop3A_439 = tpu.vector_load %arg15[%parallel_loop3A_437, %parallel_loop3A_438] {strides = array<i32>} : memref<100x128xf32, #tpu.memory_space<vmem>>, vector<1x16xf32>,
        %parallel_loop3A_440 = vector.shape_cast %parallel_loop3A_439 : vector<1x16xf32> to vector<16xf32>
        %parallel_loop3A_441 = arith.addf %parallel_loop3A_436, %parallel_loop3A_440 : vector<16xf32>
        %parallel_loop3A_442 = arith.index_cast %parallel_loop3A_211 : i32 to index
        %parallel_loop3A_443 = arith.constant 96 : index
        %parallel_loop3A_444 = tpu.vector_load %arg13[%parallel_loop3A_442, %parallel_loop3A_443] {strides = array<i32>} : memref<100x128xf32, #tpu.memory_space<vmem>>, vector<1x16xf32>,
        %parallel_loop3A_445 = vector.shape_cast %parallel_loop3A_444 : vector<1x16xf32> to vector<16xf32>
        %parallel_loop3A_446 = vector.shape_cast %parallel_loop3A_441 : vector<16xf32> to vector<1x16xf32>
        tpu.vector_store %arg13[%parallel_loop3A_442, %parallel_loop3A_443], %parallel_loop3A_446 {strides = array<i32>} : memref<100x128xf32, #tpu.memory_space<vmem>>, vector<1x16xf32>,
        %parallel_loop3A_447 = arith.index_cast %parallel_loop3A_342 : i32 to index
        %parallel_loop3A_448 = arith.constant 48 : index
        %parallel_loop3A_449 = tpu.vector_load %arg11[%parallel_loop3A_447, %parallel_loop3A_448] {strides = array<i32>} : memref<200x128xf32, #tpu.memory_space<vmem>>, vector<1x16xf32>,
        %parallel_loop3A_450 = vector.shape_cast %parallel_loop3A_449 : vector<1x16xf32> to vector<16xf32>
        %parallel_loop3A_451 = arith.index_cast %parallel_loop3A_342 : i32 to index
        %parallel_loop3A_452 = arith.constant 112 : index
        %parallel_loop3A_453 = tpu.vector_load %arg11[%parallel_loop3A_451, %parallel_loop3A_452] {strides = array<i32>} : memref<200x128xf32, #tpu.memory_space<vmem>>, vector<1x16xf32>,
        %parallel_loop3A_454 = vector.shape_cast %parallel_loop3A_453 : vector<1x16xf32> to vector<16xf32>
        %parallel_loop3A_455 = arith.select %parallel_loop3A_389, %parallel_loop3A_454, %parallel_loop3A_450 : vector<16xf32>
        %parallel_loop3A_456 = arith.index_cast %parallel_loop3A_211 : i32 to index
        %parallel_loop3A_457 = arith.constant 112 : index
        %parallel_loop3A_458 = tpu.vector_load %arg15[%parallel_loop3A_456, %parallel_loop3A_457] {strides = array<i32>} : memref<100x128xf32, #tpu.memory_space<vmem>>, vector<1x16xf32>,
        %parallel_loop3A_459 = vector.shape_cast %parallel_loop3A_458 : vector<1x16xf32> to vector<16xf32>
        %parallel_loop3A_460 = arith.addf %parallel_loop3A_455, %parallel_loop3A_459 : vector<16xf32>
        %parallel_loop3A_461 = arith.index_cast %parallel_loop3A_211 : i32 to index
        %parallel_loop3A_462 = arith.constant 112 : index
        %parallel_loop3A_463 = tpu.vector_load %arg13[%parallel_loop3A_461, %parallel_loop3A_462] {strides = array<i32>} : memref<100x128xf32, #tpu.memory_space<vmem>>, vector<1x16xf32>,
        %parallel_loop3A_464 = vector.shape_cast %parallel_loop3A_463 : vector<1x16xf32> to vector<16xf32>
        %parallel_loop3A_465 = vector.shape_cast %parallel_loop3A_460 : vector<16xf32> to vector<1x16xf32>
        tpu.vector_store %arg13[%parallel_loop3A_461, %parallel_loop3A_462], %parallel_loop3A_465 {strides = array<i32>} : memref<100x128xf32, #tpu.memory_space<vmem>>, vector<1x16xf32>,
      } {sc.loop_unroll_factor = 4 : i64, sc.parallel_access}
      %add3A_145 = arith.addi %mul3A_2, %mul3A_119 : i32
      %dma_start3A_146 = arith.constant 0 : i32
      %dma_start3A_147 = arith.constant 0 : i32
      %dma_start3A_148 = tpu.memref_slice %arg6[%add3A_145, %dma_start3A_146, %dma_start3A_147] : memref<4096x100x128xf32, #tpu.memory_space<hbm>> -> memref<1x100x128xf32, #tpu.memory_space<hbm>>
      %dma_start3A_149 = tpu.memref_squeeze %dma_start3A_148 : memref<1x100x128xf32, #tpu.memory_space<hbm>> -> memref<100x128xf32, #tpu.memory_space<hbm>>
      %dma_start3A_150 = arith.constant 0 : i32
      %dma_start3A_151 = arith.constant 0 : i32
      %dma_start3A_152 = tpu.memref_slice %arg6[%add3A_145, %dma_start3A_150, %dma_start3A_151] : memref<4096x100x128xf32, #tpu.memory_space<hbm>> -> memref<1x100x128xf32, #tpu.memory_space<hbm>>
      %dma_start3A_153 = tpu.memref_squeeze %dma_start3A_152 : memref<1x100x128xf32, #tpu.memory_space<hbm>> -> memref<100x128xf32, #tpu.memory_space<hbm>>
      tpu.enqueue_dma source(%arg13 : memref<100x128xf32, #tpu.memory_space<vmem>>) target(%dma_start3A_153 : memref<100x128xf32, #tpu.memory_space<hbm>>) target_semaphore(%arg22 : memref<!tpu.dma_semaphore, #tpu.memory_space<semaphore_mem>>)
      %add3A_154 = arith.constant 2 : i32
      %add3A_155 = arith.addi %mul3A_119, %add3A_154 : i32
      %lt3A_156 = arith.constant 128 : i32
      %lt3A_157 = arith.cmpi slt, %add3A_155, %lt3A_156 : i32
      %convert_element_type3A_158 = arith.extui %lt3A_157 : i1 to i32
      %cond3A_159 = arith.constant 0 : i32
      %cond3A_160 = arith.cmpi ne, %convert_element_type3A_158, %cond3A_159 : i32
      scf.if %cond3A_160 {
        %add3A_211 = arith.addi %mul3A_2, %mul3A_119 : i32
        %add3A_212 = arith.constant 2 : i32
        %add3A_213 = arith.addi %add3A_211, %add3A_212 : i32
        %dma_start3A_214 = arith.constant 0 : i32
        %dma_start3A_215 = arith.constant 0 : i32
        %dma_start3A_216 = tpu.memref_slice %arg2[%add3A_213, %dma_start3A_214, %dma_start3A_215] : memref<4096x5x40xi32, #tpu.memory_space<hbm>> -> memref<1x5x40xi32, #tpu.memory_space<hbm>>
        %dma_start3A_217 = tpu.memref_squeeze %dma_start3A_216 : memref<1x5x40xi32, #tpu.memory_space<hbm>> -> memref<5x40xi32, #tpu.memory_space<hbm>>
        %dma_start3A_218 = arith.constant 0 : i32
        %dma_start3A_219 = arith.constant 0 : i32
        %dma_start3A_220 = tpu.memref_slice %arg2[%add3A_213, %dma_start3A_218, %dma_start3A_219] : memref<4096x5x40xi32, #tpu.memory_space<hbm>> -> memref<1x5x40xi32, #tpu.memory_space<hbm>>
        %dma_start3A_221 = tpu.memref_squeeze %dma_start3A_220 : memref<1x5x40xi32, #tpu.memory_space<hbm>> -> memref<5x40xi32, #tpu.memory_space<hbm>>
        tpu.enqueue_dma source(%dma_start3A_221 : memref<5x40xi32, #tpu.memory_space<hbm>>) target(%arg7 : memref<5x40xi32, #tpu.memory_space<vmem>>) target_semaphore(%arg16 : memref<!tpu.dma_semaphore, #tpu.memory_space<semaphore_mem>>)
        %dma_start3A_222 = arith.constant 0 : i32
        %dma_start3A_223 = arith.constant 0 : i32
        %dma_start3A_224 = tpu.memref_slice %arg3[%add3A_213, %dma_start3A_222, %dma_start3A_223] : memref<4096x5x40xi32, #tpu.memory_space<hbm>> -> memref<1x5x40xi32, #tpu.memory_space<hbm>>
        %dma_start3A_225 = tpu.memref_squeeze %dma_start3A_224 : memref<1x5x40xi32, #tpu.memory_space<hbm>> -> memref<5x40xi32, #tpu.memory_space<hbm>>
        %dma_start3A_226 = arith.constant 0 : i32
        %dma_start3A_227 = arith.constant 0 : i32
        %dma_start3A_228 = tpu.memref_slice %arg3[%add3A_213, %dma_start3A_226, %dma_start3A_227] : memref<4096x5x40xi32, #tpu.memory_space<hbm>> -> memref<1x5x40xi32, #tpu.memory_space<hbm>>
        %dma_start3A_229 = tpu.memref_squeeze %dma_start3A_228 : memref<1x5x40xi32, #tpu.memory_space<hbm>> -> memref<5x40xi32, #tpu.memory_space<hbm>>
        tpu.enqueue_dma source(%dma_start3A_229 : memref<5x40xi32, #tpu.memory_space<hbm>>) target(%arg9 : memref<5x40xi32, #tpu.memory_space<vmem>>) target_semaphore(%arg18 : memref<!tpu.dma_semaphore, #tpu.memory_space<semaphore_mem>>)
      } else {
      }
      %mul3A_161 = arith.constant 2 : i32
      %mul3A_162 = arith.muli %mul3A_161, %scan3A_117 : i32
      %add3A_163 = arith.constant 1 : i32
      %add3A_164 = arith.addi %mul3A_162, %add3A_163 : i32
      %add3A_165 = arith.constant 1 : i32
      %add3A_166 = arith.addi %add3A_164, %add3A_165 : i32
      %lt3A_167 = arith.constant 128 : i32
      %lt3A_168 = arith.cmpi slt, %add3A_166, %lt3A_167 : i32
      %convert_element_type3A_169 = arith.extui %lt3A_168 : i1 to i32
      %cond3A_170 = arith.constant 0 : i32
      %cond3A_171 = arith.cmpi ne, %convert_element_type3A_169, %cond3A_170 : i32
      scf.if %cond3A_171 {
        %dma_wait3A_211 = arith.constant 0 : i32
        %dma_wait3A_212 = arith.constant 0 : i32
        %dma_wait3A_213 = arith.constant 0 : i32
        %dma_wait3A_214 = tpu.memref_slice %arg2[%dma_wait3A_211, %dma_wait3A_212, %dma_wait3A_213] : memref<4096x5x40xi32, #tpu.memory_space<hbm>> -> memref<1x5x40xi32, #tpu.memory_space<hbm>>
        %dma_wait3A_215 = tpu.memref_squeeze %dma_wait3A_214 : memref<1x5x40xi32, #tpu.memory_space<hbm>> -> memref<5x40xi32, #tpu.memory_space<hbm>>
        %dma_wait3A_216 = arith.constant 0 : i32
        %dma_wait3A_217 = arith.constant 0 : i32
        %dma_wait3A_218 = tpu.memref_slice %arg2[%dma_wait3A_211, %dma_wait3A_216, %dma_wait3A_217] : memref<4096x5x40xi32, #tpu.memory_space<hbm>> -> memref<1x5x40xi32, #tpu.memory_space<hbm>>
        %dma_wait3A_219 = tpu.memref_squeeze %dma_wait3A_218 : memref<1x5x40xi32, #tpu.memory_space<hbm>> -> memref<5x40xi32, #tpu.memory_space<hbm>>
        tpu.wait_dma2 semaphore(%arg16 : memref<!tpu.dma_semaphore, #tpu.memory_space<semaphore_mem>>) src(%dma_wait3A_219 : memref<5x40xi32, #tpu.memory_space<hbm>>) dst(%arg7 : memref<5x40xi32, #tpu.memory_space<vmem>>)
        %dma_start3A_220 = arith.constant 0 : i32
        %dma_start3A_221 = arith.constant 0 : i32
        %dma_start3A_222 = arith.constant 0 : i32
        %dma_start3A_223 = tpu.memref_slice %arg11[%dma_start3A_221, %dma_start3A_222] : memref<200x128xf32, #tpu.memory_space<vmem>> -> memref<40x128xf32, #tpu.memory_space<vmem>>
        %dma_start3A_224 = arith.constant 0 : i32
        %dma_start3A_225 = tpu.memref_slice %arg7[%dma_start3A_220, %dma_start3A_224] : memref<5x40xi32, #tpu.memory_space<vmem>> -> memref<1x40xi32, #tpu.memory_space<vmem>>
        %dma_start3A_226 = tpu.memref_squeeze %dma_start3A_225 : memref<1x40xi32, #tpu.memory_space<vmem>> -> memref<40xi32, #tpu.memory_space<vmem>>
        %dma_start3A_227 = arith.constant 0 : i32
        %dma_start3A_228 = arith.constant 0 : i32
        %dma_start3A_229 = tpu.memref_slice %arg4[%dma_start3A_227, %dma_start3A_228] : memref<500000x128xf32, #tpu.memory_space<hbm>> -> memref<500000x128xf32, #tpu.memory_space<hbm>>
        tpu.enqueue_indirect_dma source(%dma_start3A_229 : memref<500000x128xf32, #tpu.memory_space<hbm>>) target(%dma_start3A_223 : memref<40x128xf32, #tpu.memory_space<vmem>>) offsets(%dma_start3A_226 : memref<40xi32, #tpu.memory_space<vmem>>) semaphore(%arg20 : memref<!tpu.dma_semaphore, #tpu.memory_space<semaphore_mem>>)
        %dma_start3A_230 = arith.constant 1 : i32
        %dma_start3A_231 = arith.constant 40 : i32
        %dma_start3A_232 = arith.constant 0 : i32
        %dma_start3A_233 = tpu.memref_slice %arg11[%dma_start3A_231, %dma_start3A_232] : memref<200x128xf32, #tpu.memory_space<vmem>> -> memref<40x128xf32, #tpu.memory_space<vmem>>
        %dma_start3A_234 = arith.constant 0 : i32
        %dma_start3A_235 = tpu.memref_slice %arg7[%dma_start3A_230, %dma_start3A_234] : memref<5x40xi32, #tpu.memory_space<vmem>> -> memref<1x40xi32, #tpu.memory_space<vmem>>
        %dma_start3A_236 = tpu.memref_squeeze %dma_start3A_235 : memref<1x40xi32, #tpu.memory_space<vmem>> -> memref<40xi32, #tpu.memory_space<vmem>>
        %dma_start3A_237 = arith.constant 0 : i32
        %dma_start3A_238 = arith.constant 0 : i32
        %dma_start3A_239 = tpu.memref_slice %arg4[%dma_start3A_237, %dma_start3A_238] : memref<500000x128xf32, #tpu.memory_space<hbm>> -> memref<500000x128xf32, #tpu.memory_space<hbm>>
        tpu.enqueue_indirect_dma source(%dma_start3A_239 : memref<500000x128xf32, #tpu.memory_space<hbm>>) target(%dma_start3A_233 : memref<40x128xf32, #tpu.memory_space<vmem>>) offsets(%dma_start3A_236 : memref<40xi32, #tpu.memory_space<vmem>>) semaphore(%arg20 : memref<!tpu.dma_semaphore, #tpu.memory_space<semaphore_mem>>)
        %dma_start3A_240 = arith.constant 2 : i32
        %dma_start3A_241 = arith.constant 80 : i32
        %dma_start3A_242 = arith.constant 0 : i32
        %dma_start3A_243 = tpu.memref_slice %arg11[%dma_start3A_241, %dma_start3A_242] : memref<200x128xf32, #tpu.memory_space<vmem>> -> memref<40x128xf32, #tpu.memory_space<vmem>>
        %dma_start3A_244 = arith.constant 0 : i32
        %dma_start3A_245 = tpu.memref_slice %arg7[%dma_start3A_240, %dma_start3A_244] : memref<5x40xi32, #tpu.memory_space<vmem>> -> memref<1x40xi32, #tpu.memory_space<vmem>>
        %dma_start3A_246 = tpu.memref_squeeze %dma_start3A_245 : memref<1x40xi32, #tpu.memory_space<vmem>> -> memref<40xi32, #tpu.memory_space<vmem>>
        %dma_start3A_247 = arith.constant 0 : i32
        %dma_start3A_248 = arith.constant 0 : i32
        %dma_start3A_249 = tpu.memref_slice %arg4[%dma_start3A_247, %dma_start3A_248] : memref<500000x128xf32, #tpu.memory_space<hbm>> -> memref<500000x128xf32, #tpu.memory_space<hbm>>
        tpu.enqueue_indirect_dma source(%dma_start3A_249 : memref<500000x128xf32, #tpu.memory_space<hbm>>) target(%dma_start3A_243 : memref<40x128xf32, #tpu.memory_space<vmem>>) offsets(%dma_start3A_246 : memref<40xi32, #tpu.memory_space<vmem>>) semaphore(%arg20 : memref<!tpu.dma_semaphore, #tpu.memory_space<semaphore_mem>>)
        %dma_start3A_250 = arith.constant 3 : i32
        %dma_start3A_251 = arith.constant 120 : i32
        %dma_start3A_252 = arith.constant 0 : i32
        %dma_start3A_253 = tpu.memref_slice %arg11[%dma_start3A_251, %dma_start3A_252] : memref<200x128xf32, #tpu.memory_space<vmem>> -> memref<40x128xf32, #tpu.memory_space<vmem>>
        %dma_start3A_254 = arith.constant 0 : i32
        %dma_start3A_255 = tpu.memref_slice %arg7[%dma_start3A_250, %dma_start3A_254] : memref<5x40xi32, #tpu.memory_space<vmem>> -> memref<1x40xi32, #tpu.memory_space<vmem>>
        %dma_start3A_256 = tpu.memref_squeeze %dma_start3A_255 : memref<1x40xi32, #tpu.memory_space<vmem>> -> memref<40xi32, #tpu.memory_space<vmem>>
        %dma_start3A_257 = arith.constant 0 : i32
        %dma_start3A_258 = arith.constant 0 : i32
        %dma_start3A_259 = tpu.memref_slice %arg4[%dma_start3A_257, %dma_start3A_258] : memref<500000x128xf32, #tpu.memory_space<hbm>> -> memref<500000x128xf32, #tpu.memory_space<hbm>>
        tpu.enqueue_indirect_dma source(%dma_start3A_259 : memref<500000x128xf32, #tpu.memory_space<hbm>>) target(%dma_start3A_253 : memref<40x128xf32, #tpu.memory_space<vmem>>) offsets(%dma_start3A_256 : memref<40xi32, #tpu.memory_space<vmem>>) semaphore(%arg20 : memref<!tpu.dma_semaphore, #tpu.memory_space<semaphore_mem>>)
        %dma_start3A_260 = arith.constant 4 : i32
        %dma_start3A_261 = arith.constant 160 : i32
        %dma_start3A_262 = arith.constant 0 : i32
        %dma_start3A_263 = tpu.memref_slice %arg11[%dma_start3A_261, %dma_start3A_262] : memref<200x128xf32, #tpu.memory_space<vmem>> -> memref<40x128xf32, #tpu.memory_space<vmem>>
        %dma_start3A_264 = arith.constant 0 : i32
        %dma_start3A_265 = tpu.memref_slice %arg7[%dma_start3A_260, %dma_start3A_264] : memref<5x40xi32, #tpu.memory_space<vmem>> -> memref<1x40xi32, #tpu.memory_space<vmem>>
        %dma_start3A_266 = tpu.memref_squeeze %dma_start3A_265 : memref<1x40xi32, #tpu.memory_space<vmem>> -> memref<40xi32, #tpu.memory_space<vmem>>
        %dma_start3A_267 = arith.constant 0 : i32
        %dma_start3A_268 = arith.constant 0 : i32
        %dma_start3A_269 = tpu.memref_slice %arg4[%dma_start3A_267, %dma_start3A_268] : memref<500000x128xf32, #tpu.memory_space<hbm>> -> memref<500000x128xf32, #tpu.memory_space<hbm>>
        tpu.enqueue_indirect_dma source(%dma_start3A_269 : memref<500000x128xf32, #tpu.memory_space<hbm>>) target(%dma_start3A_263 : memref<40x128xf32, #tpu.memory_space<vmem>>) offsets(%dma_start3A_266 : memref<40xi32, #tpu.memory_space<vmem>>) semaphore(%arg20 : memref<!tpu.dma_semaphore, #tpu.memory_space<semaphore_mem>>)
      } else {
      }
      %dma_wait3A_172 = arith.constant 0 : i32
      %dma_wait3A_173 = arith.constant 0 : i32
      %dma_wait3A_174 = tpu.memref_slice %arg4[%dma_wait3A_172, %dma_wait3A_173] : memref<500000x128xf32, #tpu.memory_space<hbm>> -> memref<200x128xf32, #tpu.memory_space<hbm>>
      %dma_wait3A_175 = arith.constant 0 : i32
      %dma_wait3A_176 = arith.constant 0 : i32
      %dma_wait3A_177 = tpu.memref_slice %arg4[%dma_wait3A_175, %dma_wait3A_176] : memref<500000x128xf32, #tpu.memory_space<hbm>> -> memref<200x128xf32, #tpu.memory_space<hbm>>
      tpu.wait_dma2 semaphore(%arg21 : memref<!tpu.dma_semaphore, #tpu.memory_space<semaphore_mem>>) src(%dma_wait3A_177 : memref<200x128xf32, #tpu.memory_space<hbm>>) dst(%arg12 : memref<200x128xf32, #tpu.memory_space<vmem>>)
      %gt3A_178 = arith.constant 1 : i32
      %gt3A_179 = arith.cmpi sgt, %add3A_164, %gt3A_178 : i32
      %convert_element_type3A_180 = arith.extui %gt3A_179 : i1 to i32
      %cond3A_181 = arith.constant 0 : i32
      %cond3A_182 = arith.cmpi ne, %convert_element_type3A_180, %cond3A_181 : i32
      scf.if %cond3A_182 {
        %dma_wait3A_211 = arith.constant 0 : i32
        %dma_wait3A_212 = arith.constant 0 : i32
        %dma_wait3A_213 = arith.constant 0 : i32
        %dma_wait3A_214 = tpu.memref_slice %arg6[%dma_wait3A_211, %dma_wait3A_212, %dma_wait3A_213] : memref<4096x100x128xf32, #tpu.memory_space<hbm>> -> memref<1x100x128xf32, #tpu.memory_space<hbm>>
        %dma_wait3A_215 = tpu.memref_squeeze %dma_wait3A_214 : memref<1x100x128xf32, #tpu.memory_space<hbm>> -> memref<100x128xf32, #tpu.memory_space<hbm>>
        %dma_wait3A_216 = arith.constant 0 : i32
        %dma_wait3A_217 = arith.constant 0 : i32
        %dma_wait3A_218 = tpu.memref_slice %arg6[%dma_wait3A_211, %dma_wait3A_216, %dma_wait3A_217] : memref<4096x100x128xf32, #tpu.memory_space<hbm>> -> memref<1x100x128xf32, #tpu.memory_space<hbm>>
        %dma_wait3A_219 = tpu.memref_squeeze %dma_wait3A_218 : memref<1x100x128xf32, #tpu.memory_space<hbm>> -> memref<100x128xf32, #tpu.memory_space<hbm>>
        tpu.wait_dma2 semaphore(%arg23 : memref<!tpu.dma_semaphore, #tpu.memory_space<semaphore_mem>>) src(%arg14 : memref<100x128xf32, #tpu.memory_space<vmem>>) dst(%dma_wait3A_219 : memref<100x128xf32, #tpu.memory_space<hbm>>)
      } else {
      }
      %dma_wait3A_183 = arith.constant 0 : i32
      %dma_wait3A_184 = arith.constant 0 : i32
      %dma_wait3A_185 = arith.constant 0 : i32
      %dma_wait3A_186 = tpu.memref_slice %arg3[%dma_wait3A_183, %dma_wait3A_184, %dma_wait3A_185] : memref<4096x5x40xi32, #tpu.memory_space<hbm>> -> memref<1x5x40xi32, #tpu.memory_space<hbm>>
      %dma_wait3A_187 = tpu.memref_squeeze %dma_wait3A_186 : memref<1x5x40xi32, #tpu.memory_space<hbm>> -> memref<5x40xi32, #tpu.memory_space<hbm>>
      %dma_wait3A_188 = arith.constant 0 : i32
      %dma_wait3A_189 = arith.constant 0 : i32
      %dma_wait3A_190 = tpu.memref_slice %arg3[%dma_wait3A_183, %dma_wait3A_188, %dma_wait3A_189] : memref<4096x5x40xi32, #tpu.memory_space<hbm>> -> memref<1x5x40xi32, #tpu.memory_space<hbm>>
      %dma_wait3A_191 = tpu.memref_squeeze %dma_wait3A_190 : memref<1x5x40xi32, #tpu.memory_space<hbm>> -> memref<5x40xi32, #tpu.memory_space<hbm>>
      tpu.wait_dma2 semaphore(%arg19 : memref<!tpu.dma_semaphore, #tpu.memory_space<semaphore_mem>>) src(%dma_wait3A_191 : memref<5x40xi32, #tpu.memory_space<hbm>>) dst(%arg10 : memref<5x40xi32, #tpu.memory_space<vmem>>)
      %parallel_loop3A_192 = arith.constant 0 : i32
      %parallel_loop3A_193 = arith.constant 100 : i32
      %parallel_loop3A_194 = arith.constant 1 : i32
      scf.for %parallel_loop3A_211 = %parallel_loop3A_192 to %parallel_loop3A_193 step %parallel_loop3A_194  : i32 {
        %parallel_loop3A_212 = arith.constant 2 : i32
        %parallel_loop3A_213 = arith.muli %parallel_loop3A_212, %parallel_loop3A_211 : i32
        %parallel_loop3A_214 = arith.constant 0 : i32
        %parallel_loop3A_215 = arith.addi %parallel_loop3A_213, %parallel_loop3A_214 : i32
        %parallel_loop3A_216 = arith.constant 40 : i32
        %parallel_loop3A_217 = arith.divsi %parallel_loop3A_215, %parallel_loop3A_216 : i32
        %parallel_loop3A_218 = arith.constant 0 : i32
        %parallel_loop3A_219 = arith.cmpi sgt, %parallel_loop3A_215, %parallel_loop3A_218 : i32
        %parallel_loop3A_220 = arith.extui %parallel_loop3A_219 : i1 to i32
        %parallel_loop3A_221 = arith.constant 0 : i32
        %parallel_loop3A_222 = arith.cmpi slt, %parallel_loop3A_215, %parallel_loop3A_221 : i32
        %parallel_loop3A_223 = arith.extui %parallel_loop3A_222 : i1 to i32
        %parallel_loop3A_224 = arith.subi %parallel_loop3A_220, %parallel_loop3A_223 : i32
        %parallel_loop3A_225 = arith.constant 0 : i32
        %parallel_loop3A_226 = arith.cmpi sgt, %parallel_loop3A_216, %parallel_loop3A_225 : i32
        %parallel_loop3A_227 = arith.extui %parallel_loop3A_226 : i1 to i32
        %parallel_loop3A_228 = arith.constant 0 : i32
        %parallel_loop3A_229 = arith.cmpi slt, %parallel_loop3A_216, %parallel_loop3A_228 : i32
        %parallel_loop3A_230 = arith.extui %parallel_loop3A_229 : i1 to i32
        %parallel_loop3A_231 = arith.subi %parallel_loop3A_227, %parallel_loop3A_230 : i32
        %parallel_loop3A_232 = arith.cmpi ne, %parallel_loop3A_224, %parallel_loop3A_231 : i32
        %parallel_loop3A_233 = arith.remsi %parallel_loop3A_215, %parallel_loop3A_216 : i32
        %parallel_loop3A_234 = arith.constant 0 : i32
        %parallel_loop3A_235 = arith.cmpi ne, %parallel_loop3A_233, %parallel_loop3A_234 : i32
        %parallel_loop3A_236 = arith.andi %parallel_loop3A_232, %parallel_loop3A_235 : i1
        %parallel_loop3A_237 = arith.constant 1 : i32
        %parallel_loop3A_238 = arith.subi %parallel_loop3A_217, %parallel_loop3A_237 : i32
        %parallel_loop3A_239 = arith.select %parallel_loop3A_236, %parallel_loop3A_238, %parallel_loop3A_217 : i32
        %parallel_loop3A_240 = arith.constant 40 : i32
        %parallel_loop3A_241 = arith.constant 0 : i32
        %parallel_loop3A_242 = arith.cmpi eq, %parallel_loop3A_240, %parallel_loop3A_241 : i32
        %parallel_loop3A_243 = arith.constant 1 : i32
        %parallel_loop3A_244 = arith.select %parallel_loop3A_242, %parallel_loop3A_243, %parallel_loop3A_240 : i32
        %parallel_loop3A_245 = arith.remsi %parallel_loop3A_215, %parallel_loop3A_244 : i32
        %parallel_loop3A_246 = arith.constant 0 : i32
        %parallel_loop3A_247 = arith.cmpi ne, %parallel_loop3A_245, %parallel_loop3A_246 : i32
        %parallel_loop3A_248 = arith.constant 0 : i32
        %parallel_loop3A_249 = arith.cmpi slt, %parallel_loop3A_245, %parallel_loop3A_248 : i32
        %parallel_loop3A_250 = arith.constant 0 : i32
        %parallel_loop3A_251 = arith.cmpi slt, %parallel_loop3A_244, %parallel_loop3A_250 : i32
        %parallel_loop3A_252 = arith.xori %parallel_loop3A_249, %parallel_loop3A_251 : i1
        %parallel_loop3A_253 = arith.andi %parallel_loop3A_252, %parallel_loop3A_247 : i1
        %parallel_loop3A_254 = arith.addi %parallel_loop3A_245, %parallel_loop3A_244 : i32
        %parallel_loop3A_255 = arith.select %parallel_loop3A_253, %parallel_loop3A_254, %parallel_loop3A_245 : i32
        %parallel_loop3A_256 = arith.index_cast %parallel_loop3A_239 : i32 to index
        %parallel_loop3A_257 = arith.index_cast %parallel_loop3A_255 : i32 to index
        %parallel_loop3A_258 = tpu.vector_load %arg10[%parallel_loop3A_256, %parallel_loop3A_257] {strides = array<i32>} : memref<5x40xi32, #tpu.memory_space<vmem>>, vector<1x1xi32>,
        %parallel_loop3A_259 = vector.shape_cast %parallel_loop3A_258 : vector<1x1xi32> to vector<1xi32>
        %parallel_loop3A_260 = vector.extract %parallel_loop3A_259[0] : i32 from vector<1xi32>
        %parallel_loop3A_261 = arith.constant 0 : i32
        %parallel_loop3A_262 = arith.cmpi sgt, %parallel_loop3A_260, %parallel_loop3A_261 : i32
        %parallel_loop3A_263 = arith.index_cast %parallel_loop3A_215 : i32 to index
        %parallel_loop3A_264 = arith.constant 0 : index
        %parallel_loop3A_265 = tpu.vector_load %arg12[%parallel_loop3A_263, %parallel_loop3A_264] {strides = array<i32>} : memref<200x128xf32, #tpu.memory_space<vmem>>, vector<1x16xf32>,
        %parallel_loop3A_266 = vector.shape_cast %parallel_loop3A_265 : vector<1x16xf32> to vector<16xf32>
        %parallel_loop3A_267 = arith.index_cast %parallel_loop3A_215 : i32 to index
        %parallel_loop3A_268 = arith.constant 64 : index
        %parallel_loop3A_269 = tpu.vector_load %arg12[%parallel_loop3A_267, %parallel_loop3A_268] {strides = array<i32>} : memref<200x128xf32, #tpu.memory_space<vmem>>, vector<1x16xf32>,
        %parallel_loop3A_270 = vector.shape_cast %parallel_loop3A_269 : vector<1x16xf32> to vector<16xf32>
        %parallel_loop3A_271 = arith.select %parallel_loop3A_262, %parallel_loop3A_270, %parallel_loop3A_266 : vector<16xf32>
        %parallel_loop3A_272 = arith.index_cast %parallel_loop3A_211 : i32 to index
        %parallel_loop3A_273 = arith.constant 0 : index
        %parallel_loop3A_274 = tpu.vector_load %arg15[%parallel_loop3A_272, %parallel_loop3A_273] {strides = array<i32>} : memref<100x128xf32, #tpu.memory_space<vmem>>, vector<1x16xf32>,
        %parallel_loop3A_275 = vector.shape_cast %parallel_loop3A_274 : vector<1x16xf32> to vector<16xf32>
        %parallel_loop3A_276 = arith.addf %parallel_loop3A_271, %parallel_loop3A_275 : vector<16xf32>
        %parallel_loop3A_277 = arith.index_cast %parallel_loop3A_211 : i32 to index
        %parallel_loop3A_278 = arith.constant 0 : index
        %parallel_loop3A_279 = tpu.vector_load %arg14[%parallel_loop3A_277, %parallel_loop3A_278] {strides = array<i32>} : memref<100x128xf32, #tpu.memory_space<vmem>>, vector<1x16xf32>,
        %parallel_loop3A_280 = vector.shape_cast %parallel_loop3A_279 : vector<1x16xf32> to vector<16xf32>
        %parallel_loop3A_281 = vector.shape_cast %parallel_loop3A_276 : vector<16xf32> to vector<1x16xf32>
        tpu.vector_store %arg14[%parallel_loop3A_277, %parallel_loop3A_278], %parallel_loop3A_281 {strides = array<i32>} : memref<100x128xf32, #tpu.memory_space<vmem>>, vector<1x16xf32>,
        %parallel_loop3A_282 = arith.index_cast %parallel_loop3A_215 : i32 to index
        %parallel_loop3A_283 = arith.constant 16 : index
        %parallel_loop3A_284 = tpu.vector_load %arg12[%parallel_loop3A_282, %parallel_loop3A_283] {strides = array<i32>} : memref<200x128xf32, #tpu.memory_space<vmem>>, vector<1x16xf32>,
        %parallel_loop3A_285 = vector.shape_cast %parallel_loop3A_284 : vector<1x16xf32> to vector<16xf32>
        %parallel_loop3A_286 = arith.index_cast %parallel_loop3A_215 : i32 to index
        %parallel_loop3A_287 = arith.constant 80 : index
        %parallel_loop3A_288 = tpu.vector_load %arg12[%parallel_loop3A_286, %parallel_loop3A_287] {strides = array<i32>} : memref<200x128xf32, #tpu.memory_space<vmem>>, vector<1x16xf32>,
        %parallel_loop3A_289 = vector.shape_cast %parallel_loop3A_288 : vector<1x16xf32> to vector<16xf32>
        %parallel_loop3A_290 = arith.select %parallel_loop3A_262, %parallel_loop3A_289, %parallel_loop3A_285 : vector<16xf32>
        %parallel_loop3A_291 = arith.index_cast %parallel_loop3A_211 : i32 to index
        %parallel_loop3A_292 = arith.constant 16 : index
        %parallel_loop3A_293 = tpu.vector_load %arg15[%parallel_loop3A_291, %parallel_loop3A_292] {strides = array<i32>} : memref<100x128xf32, #tpu.memory_space<vmem>>, vector<1x16xf32>,
        %parallel_loop3A_294 = vector.shape_cast %parallel_loop3A_293 : vector<1x16xf32> to vector<16xf32>
        %parallel_loop3A_295 = arith.addf %parallel_loop3A_290, %parallel_loop3A_294 : vector<16xf32>
        %parallel_loop3A_296 = arith.index_cast %parallel_loop3A_211 : i32 to index
        %parallel_loop3A_297 = arith.constant 16 : index
        %parallel_loop3A_298 = tpu.vector_load %arg14[%parallel_loop3A_296, %parallel_loop3A_297] {strides = array<i32>} : memref<100x128xf32, #tpu.memory_space<vmem>>, vector<1x16xf32>,
        %parallel_loop3A_299 = vector.shape_cast %parallel_loop3A_298 : vector<1x16xf32> to vector<16xf32>
        %parallel_loop3A_300 = vector.shape_cast %parallel_loop3A_295 : vector<16xf32> to vector<1x16xf32>
        tpu.vector_store %arg14[%parallel_loop3A_296, %parallel_loop3A_297], %parallel_loop3A_300 {strides = array<i32>} : memref<100x128xf32, #tpu.memory_space<vmem>>, vector<1x16xf32>,
        %parallel_loop3A_301 = arith.index_cast %parallel_loop3A_215 : i32 to index
        %parallel_loop3A_302 = arith.constant 32 : index
        %parallel_loop3A_303 = tpu.vector_load %arg12[%parallel_loop3A_301, %parallel_loop3A_302] {strides = array<i32>} : memref<200x128xf32, #tpu.memory_space<vmem>>, vector<1x16xf32>,
        %parallel_loop3A_304 = vector.shape_cast %parallel_loop3A_303 : vector<1x16xf32> to vector<16xf32>
        %parallel_loop3A_305 = arith.index_cast %parallel_loop3A_215 : i32 to index
        %parallel_loop3A_306 = arith.constant 96 : index
        %parallel_loop3A_307 = tpu.vector_load %arg12[%parallel_loop3A_305, %parallel_loop3A_306] {strides = array<i32>} : memref<200x128xf32, #tpu.memory_space<vmem>>, vector<1x16xf32>,
        %parallel_loop3A_308 = vector.shape_cast %parallel_loop3A_307 : vector<1x16xf32> to vector<16xf32>
        %parallel_loop3A_309 = arith.select %parallel_loop3A_262, %parallel_loop3A_308, %parallel_loop3A_304 : vector<16xf32>
        %parallel_loop3A_310 = arith.index_cast %parallel_loop3A_211 : i32 to index
        %parallel_loop3A_311 = arith.constant 32 : index
        %parallel_loop3A_312 = tpu.vector_load %arg15[%parallel_loop3A_310, %parallel_loop3A_311] {strides = array<i32>} : memref<100x128xf32, #tpu.memory_space<vmem>>, vector<1x16xf32>,
        %parallel_loop3A_313 = vector.shape_cast %parallel_loop3A_312 : vector<1x16xf32> to vector<16xf32>
        %parallel_loop3A_314 = arith.addf %parallel_loop3A_309, %parallel_loop3A_313 : vector<16xf32>
        %parallel_loop3A_315 = arith.index_cast %parallel_loop3A_211 : i32 to index
        %parallel_loop3A_316 = arith.constant 32 : index
        %parallel_loop3A_317 = tpu.vector_load %arg14[%parallel_loop3A_315, %parallel_loop3A_316] {strides = array<i32>} : memref<100x128xf32, #tpu.memory_space<vmem>>, vector<1x16xf32>,
        %parallel_loop3A_318 = vector.shape_cast %parallel_loop3A_317 : vector<1x16xf32> to vector<16xf32>
        %parallel_loop3A_319 = vector.shape_cast %parallel_loop3A_314 : vector<16xf32> to vector<1x16xf32>
        tpu.vector_store %arg14[%parallel_loop3A_315, %parallel_loop3A_316], %parallel_loop3A_319 {strides = array<i32>} : memref<100x128xf32, #tpu.memory_space<vmem>>, vector<1x16xf32>,
        %parallel_loop3A_320 = arith.index_cast %parallel_loop3A_215 : i32 to index
        %parallel_loop3A_321 = arith.constant 48 : index
        %parallel_loop3A_322 = tpu.vector_load %arg12[%parallel_loop3A_320, %parallel_loop3A_321] {strides = array<i32>} : memref<200x128xf32, #tpu.memory_space<vmem>>, vector<1x16xf32>,
        %parallel_loop3A_323 = vector.shape_cast %parallel_loop3A_322 : vector<1x16xf32> to vector<16xf32>
        %parallel_loop3A_324 = arith.index_cast %parallel_loop3A_215 : i32 to index
        %parallel_loop3A_325 = arith.constant 112 : index
        %parallel_loop3A_326 = tpu.vector_load %arg12[%parallel_loop3A_324, %parallel_loop3A_325] {strides = array<i32>} : memref<200x128xf32, #tpu.memory_space<vmem>>, vector<1x16xf32>,
        %parallel_loop3A_327 = vector.shape_cast %parallel_loop3A_326 : vector<1x16xf32> to vector<16xf32>
        %parallel_loop3A_328 = arith.select %parallel_loop3A_262, %parallel_loop3A_327, %parallel_loop3A_323 : vector<16xf32>
        %parallel_loop3A_329 = arith.index_cast %parallel_loop3A_211 : i32 to index
        %parallel_loop3A_330 = arith.constant 48 : index
        %parallel_loop3A_331 = tpu.vector_load %arg15[%parallel_loop3A_329, %parallel_loop3A_330] {strides = array<i32>} : memref<100x128xf32, #tpu.memory_space<vmem>>, vector<1x16xf32>,
        %parallel_loop3A_332 = vector.shape_cast %parallel_loop3A_331 : vector<1x16xf32> to vector<16xf32>
        %parallel_loop3A_333 = arith.addf %parallel_loop3A_328, %parallel_loop3A_332 : vector<16xf32>
        %parallel_loop3A_334 = arith.index_cast %parallel_loop3A_211 : i32 to index
        %parallel_loop3A_335 = arith.constant 48 : index
        %parallel_loop3A_336 = tpu.vector_load %arg14[%parallel_loop3A_334, %parallel_loop3A_335] {strides = array<i32>} : memref<100x128xf32, #tpu.memory_space<vmem>>, vector<1x16xf32>,
        %parallel_loop3A_337 = vector.shape_cast %parallel_loop3A_336 : vector<1x16xf32> to vector<16xf32>
        %parallel_loop3A_338 = vector.shape_cast %parallel_loop3A_333 : vector<16xf32> to vector<1x16xf32>
        tpu.vector_store %arg14[%parallel_loop3A_334, %parallel_loop3A_335], %parallel_loop3A_338 {strides = array<i32>} : memref<100x128xf32, #tpu.memory_space<vmem>>, vector<1x16xf32>,
        %parallel_loop3A_339 = arith.constant 2 : i32
        %parallel_loop3A_340 = arith.muli %parallel_loop3A_339, %parallel_loop3A_211 : i32
        %parallel_loop3A_341 = arith.constant 1 : i32
        %parallel_loop3A_342 = arith.addi %parallel_loop3A_340, %parallel_loop3A_341 : i32
        %parallel_loop3A_343 = arith.constant 40 : i32
        %parallel_loop3A_344 = arith.divsi %parallel_loop3A_342, %parallel_loop3A_343 : i32
        %parallel_loop3A_345 = arith.constant 0 : i32
        %parallel_loop3A_346 = arith.cmpi sgt, %parallel_loop3A_342, %parallel_loop3A_345 : i32
        %parallel_loop3A_347 = arith.extui %parallel_loop3A_346 : i1 to i32
        %parallel_loop3A_348 = arith.constant 0 : i32
        %parallel_loop3A_349 = arith.cmpi slt, %parallel_loop3A_342, %parallel_loop3A_348 : i32
        %parallel_loop3A_350 = arith.extui %parallel_loop3A_349 : i1 to i32
        %parallel_loop3A_351 = arith.subi %parallel_loop3A_347, %parallel_loop3A_350 : i32
        %parallel_loop3A_352 = arith.constant 0 : i32
        %parallel_loop3A_353 = arith.cmpi sgt, %parallel_loop3A_343, %parallel_loop3A_352 : i32
        %parallel_loop3A_354 = arith.extui %parallel_loop3A_353 : i1 to i32
        %parallel_loop3A_355 = arith.constant 0 : i32
        %parallel_loop3A_356 = arith.cmpi slt, %parallel_loop3A_343, %parallel_loop3A_355 : i32
        %parallel_loop3A_357 = arith.extui %parallel_loop3A_356 : i1 to i32
        %parallel_loop3A_358 = arith.subi %parallel_loop3A_354, %parallel_loop3A_357 : i32
        %parallel_loop3A_359 = arith.cmpi ne, %parallel_loop3A_351, %parallel_loop3A_358 : i32
        %parallel_loop3A_360 = arith.remsi %parallel_loop3A_342, %parallel_loop3A_343 : i32
        %parallel_loop3A_361 = arith.constant 0 : i32
        %parallel_loop3A_362 = arith.cmpi ne, %parallel_loop3A_360, %parallel_loop3A_361 : i32
        %parallel_loop3A_363 = arith.andi %parallel_loop3A_359, %parallel_loop3A_362 : i1
        %parallel_loop3A_364 = arith.constant 1 : i32
        %parallel_loop3A_365 = arith.subi %parallel_loop3A_344, %parallel_loop3A_364 : i32
        %parallel_loop3A_366 = arith.select %parallel_loop3A_363, %parallel_loop3A_365, %parallel_loop3A_344 : i32
        %parallel_loop3A_367 = arith.constant 40 : i32
        %parallel_loop3A_368 = arith.constant 0 : i32
        %parallel_loop3A_369 = arith.cmpi eq, %parallel_loop3A_367, %parallel_loop3A_368 : i32
        %parallel_loop3A_370 = arith.constant 1 : i32
        %parallel_loop3A_371 = arith.select %parallel_loop3A_369, %parallel_loop3A_370, %parallel_loop3A_367 : i32
        %parallel_loop3A_372 = arith.remsi %parallel_loop3A_342, %parallel_loop3A_371 : i32
        %parallel_loop3A_373 = arith.constant 0 : i32
        %parallel_loop3A_374 = arith.cmpi ne, %parallel_loop3A_372, %parallel_loop3A_373 : i32
        %parallel_loop3A_375 = arith.constant 0 : i32
        %parallel_loop3A_376 = arith.cmpi slt, %parallel_loop3A_372, %parallel_loop3A_375 : i32
        %parallel_loop3A_377 = arith.constant 0 : i32
        %parallel_loop3A_378 = arith.cmpi slt, %parallel_loop3A_371, %parallel_loop3A_377 : i32
        %parallel_loop3A_379 = arith.xori %parallel_loop3A_376, %parallel_loop3A_378 : i1
        %parallel_loop3A_380 = arith.andi %parallel_loop3A_379, %parallel_loop3A_374 : i1
        %parallel_loop3A_381 = arith.addi %parallel_loop3A_372, %parallel_loop3A_371 : i32
        %parallel_loop3A_382 = arith.select %parallel_loop3A_380, %parallel_loop3A_381, %parallel_loop3A_372 : i32
        %parallel_loop3A_383 = arith.index_cast %parallel_loop3A_366 : i32 to index
        %parallel_loop3A_384 = arith.index_cast %parallel_loop3A_382 : i32 to index
        %parallel_loop3A_385 = tpu.vector_load %arg10[%parallel_loop3A_383, %parallel_loop3A_384] {strides = array<i32>} : memref<5x40xi32, #tpu.memory_space<vmem>>, vector<1x1xi32>,
        %parallel_loop3A_386 = vector.shape_cast %parallel_loop3A_385 : vector<1x1xi32> to vector<1xi32>
        %parallel_loop3A_387 = vector.extract %parallel_loop3A_386[0] : i32 from vector<1xi32>
        %parallel_loop3A_388 = arith.constant 0 : i32
        %parallel_loop3A_389 = arith.cmpi sgt, %parallel_loop3A_387, %parallel_loop3A_388 : i32
        %parallel_loop3A_390 = arith.index_cast %parallel_loop3A_342 : i32 to index
        %parallel_loop3A_391 = arith.constant 0 : index
        %parallel_loop3A_392 = tpu.vector_load %arg12[%parallel_loop3A_390, %parallel_loop3A_391] {strides = array<i32>} : memref<200x128xf32, #tpu.memory_space<vmem>>, vector<1x16xf32>,
        %parallel_loop3A_393 = vector.shape_cast %parallel_loop3A_392 : vector<1x16xf32> to vector<16xf32>
        %parallel_loop3A_394 = arith.index_cast %parallel_loop3A_342 : i32 to index
        %parallel_loop3A_395 = arith.constant 64 : index
        %parallel_loop3A_396 = tpu.vector_load %arg12[%parallel_loop3A_394, %parallel_loop3A_395] {strides = array<i32>} : memref<200x128xf32, #tpu.memory_space<vmem>>, vector<1x16xf32>,
        %parallel_loop3A_397 = vector.shape_cast %parallel_loop3A_396 : vector<1x16xf32> to vector<16xf32>
        %parallel_loop3A_398 = arith.select %parallel_loop3A_389, %parallel_loop3A_397, %parallel_loop3A_393 : vector<16xf32>
        %parallel_loop3A_399 = arith.index_cast %parallel_loop3A_211 : i32 to index
        %parallel_loop3A_400 = arith.constant 64 : index
        %parallel_loop3A_401 = tpu.vector_load %arg15[%parallel_loop3A_399, %parallel_loop3A_400] {strides = array<i32>} : memref<100x128xf32, #tpu.memory_space<vmem>>, vector<1x16xf32>,
        %parallel_loop3A_402 = vector.shape_cast %parallel_loop3A_401 : vector<1x16xf32> to vector<16xf32>
        %parallel_loop3A_403 = arith.addf %parallel_loop3A_398, %parallel_loop3A_402 : vector<16xf32>
        %parallel_loop3A_404 = arith.index_cast %parallel_loop3A_211 : i32 to index
        %parallel_loop3A_405 = arith.constant 64 : index
        %parallel_loop3A_406 = tpu.vector_load %arg14[%parallel_loop3A_404, %parallel_loop3A_405] {strides = array<i32>} : memref<100x128xf32, #tpu.memory_space<vmem>>, vector<1x16xf32>,
        %parallel_loop3A_407 = vector.shape_cast %parallel_loop3A_406 : vector<1x16xf32> to vector<16xf32>
        %parallel_loop3A_408 = vector.shape_cast %parallel_loop3A_403 : vector<16xf32> to vector<1x16xf32>
        tpu.vector_store %arg14[%parallel_loop3A_404, %parallel_loop3A_405], %parallel_loop3A_408 {strides = array<i32>} : memref<100x128xf32, #tpu.memory_space<vmem>>, vector<1x16xf32>,
        %parallel_loop3A_409 = arith.index_cast %parallel_loop3A_342 : i32 to index
        %parallel_loop3A_410 = arith.constant 16 : index
        %parallel_loop3A_411 = tpu.vector_load %arg12[%parallel_loop3A_409, %parallel_loop3A_410] {strides = array<i32>} : memref<200x128xf32, #tpu.memory_space<vmem>>, vector<1x16xf32>,
        %parallel_loop3A_412 = vector.shape_cast %parallel_loop3A_411 : vector<1x16xf32> to vector<16xf32>
        %parallel_loop3A_413 = arith.index_cast %parallel_loop3A_342 : i32 to index
        %parallel_loop3A_414 = arith.constant 80 : index
        %parallel_loop3A_415 = tpu.vector_load %arg12[%parallel_loop3A_413, %parallel_loop3A_414] {strides = array<i32>} : memref<200x128xf32, #tpu.memory_space<vmem>>, vector<1x16xf32>,
        %parallel_loop3A_416 = vector.shape_cast %parallel_loop3A_415 : vector<1x16xf32> to vector<16xf32>
        %parallel_loop3A_417 = arith.select %parallel_loop3A_389, %parallel_loop3A_416, %parallel_loop3A_412 : vector<16xf32>
        %parallel_loop3A_418 = arith.index_cast %parallel_loop3A_211 : i32 to index
        %parallel_loop3A_419 = arith.constant 80 : index
        %parallel_loop3A_420 = tpu.vector_load %arg15[%parallel_loop3A_418, %parallel_loop3A_419] {strides = array<i32>} : memref<100x128xf32, #tpu.memory_space<vmem>>, vector<1x16xf32>,
        %parallel_loop3A_421 = vector.shape_cast %parallel_loop3A_420 : vector<1x16xf32> to vector<16xf32>
        %parallel_loop3A_422 = arith.addf %parallel_loop3A_417, %parallel_loop3A_421 : vector<16xf32>
        %parallel_loop3A_423 = arith.index_cast %parallel_loop3A_211 : i32 to index
        %parallel_loop3A_424 = arith.constant 80 : index
        %parallel_loop3A_425 = tpu.vector_load %arg14[%parallel_loop3A_423, %parallel_loop3A_424] {strides = array<i32>} : memref<100x128xf32, #tpu.memory_space<vmem>>, vector<1x16xf32>,
        %parallel_loop3A_426 = vector.shape_cast %parallel_loop3A_425 : vector<1x16xf32> to vector<16xf32>
        %parallel_loop3A_427 = vector.shape_cast %parallel_loop3A_422 : vector<16xf32> to vector<1x16xf32>
        tpu.vector_store %arg14[%parallel_loop3A_423, %parallel_loop3A_424], %parallel_loop3A_427 {strides = array<i32>} : memref<100x128xf32, #tpu.memory_space<vmem>>, vector<1x16xf32>,
        %parallel_loop3A_428 = arith.index_cast %parallel_loop3A_342 : i32 to index
        %parallel_loop3A_429 = arith.constant 32 : index
        %parallel_loop3A_430 = tpu.vector_load %arg12[%parallel_loop3A_428, %parallel_loop3A_429] {strides = array<i32>} : memref<200x128xf32, #tpu.memory_space<vmem>>, vector<1x16xf32>,
        %parallel_loop3A_431 = vector.shape_cast %parallel_loop3A_430 : vector<1x16xf32> to vector<16xf32>
        %parallel_loop3A_432 = arith.index_cast %parallel_loop3A_342 : i32 to index
        %parallel_loop3A_433 = arith.constant 96 : index
        %parallel_loop3A_434 = tpu.vector_load %arg12[%parallel_loop3A_432, %parallel_loop3A_433] {strides = array<i32>} : memref<200x128xf32, #tpu.memory_space<vmem>>, vector<1x16xf32>,
        %parallel_loop3A_435 = vector.shape_cast %parallel_loop3A_434 : vector<1x16xf32> to vector<16xf32>
        %parallel_loop3A_436 = arith.select %parallel_loop3A_389, %parallel_loop3A_435, %parallel_loop3A_431 : vector<16xf32>
        %parallel_loop3A_437 = arith.index_cast %parallel_loop3A_211 : i32 to index
        %parallel_loop3A_438 = arith.constant 96 : index
        %parallel_loop3A_439 = tpu.vector_load %arg15[%parallel_loop3A_437, %parallel_loop3A_438] {strides = array<i32>} : memref<100x128xf32, #tpu.memory_space<vmem>>, vector<1x16xf32>,
        %parallel_loop3A_440 = vector.shape_cast %parallel_loop3A_439 : vector<1x16xf32> to vector<16xf32>
        %parallel_loop3A_441 = arith.addf %parallel_loop3A_436, %parallel_loop3A_440 : vector<16xf32>
        %parallel_loop3A_442 = arith.index_cast %parallel_loop3A_211 : i32 to index
        %parallel_loop3A_443 = arith.constant 96 : index
        %parallel_loop3A_444 = tpu.vector_load %arg14[%parallel_loop3A_442, %parallel_loop3A_443] {strides = array<i32>} : memref<100x128xf32, #tpu.memory_space<vmem>>, vector<1x16xf32>,
        %parallel_loop3A_445 = vector.shape_cast %parallel_loop3A_444 : vector<1x16xf32> to vector<16xf32>
        %parallel_loop3A_446 = vector.shape_cast %parallel_loop3A_441 : vector<16xf32> to vector<1x16xf32>
        tpu.vector_store %arg14[%parallel_loop3A_442, %parallel_loop3A_443], %parallel_loop3A_446 {strides = array<i32>} : memref<100x128xf32, #tpu.memory_space<vmem>>, vector<1x16xf32>,
        %parallel_loop3A_447 = arith.index_cast %parallel_loop3A_342 : i32 to index
        %parallel_loop3A_448 = arith.constant 48 : index
        %parallel_loop3A_449 = tpu.vector_load %arg12[%parallel_loop3A_447, %parallel_loop3A_448] {strides = array<i32>} : memref<200x128xf32, #tpu.memory_space<vmem>>, vector<1x16xf32>,
        %parallel_loop3A_450 = vector.shape_cast %parallel_loop3A_449 : vector<1x16xf32> to vector<16xf32>
        %parallel_loop3A_451 = arith.index_cast %parallel_loop3A_342 : i32 to index
        %parallel_loop3A_452 = arith.constant 112 : index
        %parallel_loop3A_453 = tpu.vector_load %arg12[%parallel_loop3A_451, %parallel_loop3A_452] {strides = array<i32>} : memref<200x128xf32, #tpu.memory_space<vmem>>, vector<1x16xf32>,
        %parallel_loop3A_454 = vector.shape_cast %parallel_loop3A_453 : vector<1x16xf32> to vector<16xf32>
        %parallel_loop3A_455 = arith.select %parallel_loop3A_389, %parallel_loop3A_454, %parallel_loop3A_450 : vector<16xf32>
        %parallel_loop3A_456 = arith.index_cast %parallel_loop3A_211 : i32 to index
        %parallel_loop3A_457 = arith.constant 112 : index
        %parallel_loop3A_458 = tpu.vector_load %arg15[%parallel_loop3A_456, %parallel_loop3A_457] {strides = array<i32>} : memref<100x128xf32, #tpu.memory_space<vmem>>, vector<1x16xf32>,
        %parallel_loop3A_459 = vector.shape_cast %parallel_loop3A_458 : vector<1x16xf32> to vector<16xf32>
        %parallel_loop3A_460 = arith.addf %parallel_loop3A_455, %parallel_loop3A_459 : vector<16xf32>
        %parallel_loop3A_461 = arith.index_cast %parallel_loop3A_211 : i32 to index
        %parallel_loop3A_462 = arith.constant 112 : index
        %parallel_loop3A_463 = tpu.vector_load %arg14[%parallel_loop3A_461, %parallel_loop3A_462] {strides = array<i32>} : memref<100x128xf32, #tpu.memory_space<vmem>>, vector<1x16xf32>,
        %parallel_loop3A_464 = vector.shape_cast %parallel_loop3A_463 : vector<1x16xf32> to vector<16xf32>
        %parallel_loop3A_465 = vector.shape_cast %parallel_loop3A_460 : vector<16xf32> to vector<1x16xf32>
        tpu.vector_store %arg14[%parallel_loop3A_461, %parallel_loop3A_462], %parallel_loop3A_465 {strides = array<i32>} : memref<100x128xf32, #tpu.memory_space<vmem>>, vector<1x16xf32>,
      } {sc.loop_unroll_factor = 4 : i64, sc.parallel_access}
      %add3A_195 = arith.addi %mul3A_2, %add3A_164 : i32
      %dma_start3A_196 = arith.constant 0 : i32
      %dma_start3A_197 = arith.constant 0 : i32
      %dma_start3A_198 = tpu.memref_slice %arg6[%add3A_195, %dma_start3A_196, %dma_start3A_197] : memref<4096x100x128xf32, #tpu.memory_space<hbm>> -> memref<1x100x128xf32, #tpu.memory_space<hbm>>
      %dma_start3A_199 = tpu.memref_squeeze %dma_start3A_198 : memref<1x100x128xf32, #tpu.memory_space<hbm>> -> memref<100x128xf32, #tpu.memory_space<hbm>>
      %dma_start3A_200 = arith.constant 0 : i32
      %dma_start3A_201 = arith.constant 0 : i32
      %dma_start3A_202 = tpu.memref_slice %arg6[%add3A_195, %dma_start3A_200, %dma_start3A_201] : memref<4096x100x128xf32, #tpu.memory_space<hbm>> -> memref<1x100x128xf32, #tpu.memory_space<hbm>>
      %dma_start3A_203 = tpu.memref_squeeze %dma_start3A_202 : memref<1x100x128xf32, #tpu.memory_space<hbm>> -> memref<100x128xf32, #tpu.memory_space<hbm>>
      tpu.enqueue_dma source(%arg14 : memref<100x128xf32, #tpu.memory_space<vmem>>) target(%dma_start3A_203 : memref<100x128xf32, #tpu.memory_space<hbm>>) target_semaphore(%arg23 : memref<!tpu.dma_semaphore, #tpu.memory_space<semaphore_mem>>)
      %add3A_204 = arith.constant 2 : i32
      %add3A_205 = arith.addi %add3A_164, %add3A_204 : i32
      %lt3A_206 = arith.constant 128 : i32
      %lt3A_207 = arith.cmpi slt, %add3A_205, %lt3A_206 : i32
      %convert_element_type3A_208 = arith.extui %lt3A_207 : i1 to i32
      %cond3A_209 = arith.constant 0 : i32
      %cond3A_210 = arith.cmpi ne, %convert_element_type3A_208, %cond3A_209 : i32
      scf.if %cond3A_210 {
        %add3A_211 = arith.addi %mul3A_2, %add3A_164 : i32
        %add3A_212 = arith.constant 2 : i32
        %add3A_213 = arith.addi %add3A_211, %add3A_212 : i32
        %dma_start3A_214 = arith.constant 0 : i32
        %dma_start3A_215 = arith.constant 0 : i32
        %dma_start3A_216 = tpu.memref_slice %arg2[%add3A_213, %dma_start3A_214, %dma_start3A_215] : memref<4096x5x40xi32, #tpu.memory_space<hbm>> -> memref<1x5x40xi32, #tpu.memory_space<hbm>>
        %dma_start3A_217 = tpu.memref_squeeze %dma_start3A_216 : memref<1x5x40xi32, #tpu.memory_space<hbm>> -> memref<5x40xi32, #tpu.memory_space<hbm>>
        %dma_start3A_218 = arith.constant 0 : i32
        %dma_start3A_219 = arith.constant 0 : i32
        %dma_start3A_220 = tpu.memref_slice %arg2[%add3A_213, %dma_start3A_218, %dma_start3A_219] : memref<4096x5x40xi32, #tpu.memory_space<hbm>> -> memref<1x5x40xi32, #tpu.memory_space<hbm>>
        %dma_start3A_221 = tpu.memref_squeeze %dma_start3A_220 : memref<1x5x40xi32, #tpu.memory_space<hbm>> -> memref<5x40xi32, #tpu.memory_space<hbm>>
        tpu.enqueue_dma source(%dma_start3A_221 : memref<5x40xi32, #tpu.memory_space<hbm>>) target(%arg8 : memref<5x40xi32, #tpu.memory_space<vmem>>) target_semaphore(%arg17 : memref<!tpu.dma_semaphore, #tpu.memory_space<semaphore_mem>>)
        %dma_start3A_222 = arith.constant 0 : i32
        %dma_start3A_223 = arith.constant 0 : i32
        %dma_start3A_224 = tpu.memref_slice %arg3[%add3A_213, %dma_start3A_222, %dma_start3A_223] : memref<4096x5x40xi32, #tpu.memory_space<hbm>> -> memref<1x5x40xi32, #tpu.memory_space<hbm>>
        %dma_start3A_225 = tpu.memref_squeeze %dma_start3A_224 : memref<1x5x40xi32, #tpu.memory_space<hbm>> -> memref<5x40xi32, #tpu.memory_space<hbm>>
        %dma_start3A_226 = arith.constant 0 : i32
        %dma_start3A_227 = arith.constant 0 : i32
        %dma_start3A_228 = tpu.memref_slice %arg3[%add3A_213, %dma_start3A_226, %dma_start3A_227] : memref<4096x5x40xi32, #tpu.memory_space<hbm>> -> memref<1x5x40xi32, #tpu.memory_space<hbm>>
        %dma_start3A_229 = tpu.memref_squeeze %dma_start3A_228 : memref<1x5x40xi32, #tpu.memory_space<hbm>> -> memref<5x40xi32, #tpu.memory_space<hbm>>
        tpu.enqueue_dma source(%dma_start3A_229 : memref<5x40xi32, #tpu.memory_space<hbm>>) target(%arg10 : memref<5x40xi32, #tpu.memory_space<vmem>>) target_semaphore(%arg19 : memref<!tpu.dma_semaphore, #tpu.memory_space<semaphore_mem>>)
      } else {
      }
    }
    %scan3A_98 = arith.constant 64 : i32
    %dma_wait3A_99 = arith.constant 0 : i32
    %dma_wait3A_100 = arith.constant 0 : i32
    %dma_wait3A_101 = arith.constant 0 : i32
    %dma_wait3A_102 = tpu.memref_slice %arg6[%dma_wait3A_99, %dma_wait3A_100, %dma_wait3A_101] : memref<4096x100x128xf32, #tpu.memory_space<hbm>> -> memref<1x100x128xf32, #tpu.memory_space<hbm>>
    %dma_wait3A_103 = tpu.memref_squeeze %dma_wait3A_102 : memref<1x100x128xf32, #tpu.memory_space<hbm>> -> memref<100x128xf32, #tpu.memory_space<hbm>>
    %dma_wait3A_104 = arith.constant 0 : i32
    %dma_wait3A_105 = arith.constant 0 : i32
    %dma_wait3A_106 = tpu.memref_slice %arg6[%dma_wait3A_99, %dma_wait3A_104, %dma_wait3A_105] : memref<4096x100x128xf32, #tpu.memory_space<hbm>> -> memref<1x100x128xf32, #tpu.memory_space<hbm>>
    %dma_wait3A_107 = tpu.memref_squeeze %dma_wait3A_106 : memref<1x100x128xf32, #tpu.memory_space<hbm>> -> memref<100x128xf32, #tpu.memory_space<hbm>>
    tpu.wait_dma2 semaphore(%arg22 : memref<!tpu.dma_semaphore, #tpu.memory_space<semaphore_mem>>) src(%arg13 : memref<100x128xf32, #tpu.memory_space<vmem>>) dst(%dma_wait3A_107 : memref<100x128xf32, #tpu.memory_space<hbm>>)
    %dma_wait3A_108 = arith.constant 0 : i32
    %dma_wait3A_109 = arith.constant 0 : i32
    %dma_wait3A_110 = arith.constant 0 : i32
    %dma_wait3A_111 = tpu.memref_slice %arg6[%dma_wait3A_108, %dma_wait3A_109, %dma_wait3A_110] : memref<4096x100x128xf32, #tpu.memory_space<hbm>> -> memref<1x100x128xf32, #tpu.memory_space<hbm>>
    %dma_wait3A_112 = tpu.memref_squeeze %dma_wait3A_111 : memref<1x100x128xf32, #tpu.memory_space<hbm>> -> memref<100x128xf32, #tpu.memory_space<hbm>>
    %dma_wait3A_113 = arith.constant 0 : i32
    %dma_wait3A_114 = arith.constant 0 : i32
    %dma_wait3A_115 = tpu.memref_slice %arg6[%dma_wait3A_108, %dma_wait3A_113, %dma_wait3A_114] : memref<4096x100x128xf32, #tpu.memory_space<hbm>> -> memref<1x100x128xf32, #tpu.memory_space<hbm>>
    %dma_wait3A_116 = tpu.memref_squeeze %dma_wait3A_115 : memref<1x100x128xf32, #tpu.memory_space<hbm>> -> memref<100x128xf32, #tpu.memory_space<hbm>>
    tpu.wait_dma2 semaphore(%arg23 : memref<!tpu.dma_semaphore, #tpu.memory_space<semaphore_mem>>) src(%arg14 : memref<100x128xf32, #tpu.memory_space<vmem>>) dst(%dma_wait3A_116 : memref<100x128xf32, #tpu.memory_space<hbm>>)
    return
  }
}

</mosaic_0001>

<sc_bundles>
// kernel: _embed.3.cloned.1.call-start
scs
__scs_entry_jumppad:
0x0: {  	(pc) =	sbr.rel $0x88, $3  }
0x1: {  	(tag) =	ssettag $0x0;
	lr =	simm.s32 $0x1  }
0x2: {  	[smem:$0x3F9D] =	sst lr;
	_ =	strace $0xD0000000  }
0x3: {  	_ = 	snop  }
0x4: {  	_ = 	snop  }
0x5: {  	_ = 	snop  }
0x6: {  	_ = 	snop  }
0x7: {  	_ = 	snop  }
__scs_overlays_trampoline_lowered:
0x8: {  	[smem:$0x3FAC] =	sst s0  }
0x9: {  	[smem:$0x3FAD] =	sst s1  }
0xa: {  	[smem:$0x3FAE] =	sst s2  }
0xb: {  	[smem:$0x3FAF] =	sst s3  }
0xc: {  	[smem:$0x3FB0] =	sst s4  }
0xd: {  	[smem:$0x3FB1] =	sst s5  }
0xe: {  	[smem:$0x3FB2] =	sst s6  }
0xf: {  	[smem:$0x3FB3] =	sst s7  }
0x10: {  	[smem:$0x3FB4] =	sst s8  }
0x11: {  	[smem:$0x3FB5] =	sst s9;
	s0 =	simm.s32 @!p0 $0x0  }
0x12: {  	s1 =	sld [smem:$0x3F9B];
	s0 =	simm.s32 @p0 $0x1  }
0x13: {  	[smem:$0x3FB6] =	sst s0;
	s0 =	simm.s32 @!p1 $0x0  }
0x14: {  	s2 =	sld [smem:$0x3F9A];
	s0 =	simm.s32 @p1 $0x1  }
0x15: {  	[smem:$0x3FB7] =	sst s0;
	s0 =	simm.s32 @!p2 $0x0  }
0x16: {  	s3 =	sld [smem:$0x3FDB];
	s0 =	simm.s32 @p2 $0x1  }
0x17: {  	s4 =	simm.s32 $0x1BF5;
	[smem:$0x3FB9] =	sst s0  }
0x18: {  	s0 =	sld [smem:$0x3F9C];
	_ =	swait.ge [sflag:s4], $0x0  }
0x19: {  	s7 =	sld [smem:$0x3F9D]  }
0x1a: {  	s8 =	sadd.s32 $0xFFFFE003, lr  }
0x1b: {  	s9 =	sadd.s32 $0xFFFFFEF7, lr;
	s5 =	simm.s32 $0xFFFFFFFF;
	p2 =	slt.u32 s8, $0xFFFFF086  }
0x1c: {  	p1 =	slt.u32 s9, $0xF7A;
	s5 =	simm.s32 @!p2 $0x0  }
0x1d: {  	s5 =	simm.s32 @p1 $0x1;
	p0 =	seq.s32 s7, s2  }
0x1e: {  	s7 =	smul.u32 @!p0 $0xF7A, s2;
	p2 =	seq.s32 @!p0 s5, $0x0  }
0x1f: {  	s9 =	smul.u32 $0xF7A, s1;
	s8 =	simm.s32 @!p0 $0x1BF5;
	p2 =	por !p2, p0  }
0x20: {  	[sflag:s8] =	ssyncset.s32 @!p0 $0xFFFFF086;
	s6 =	sadd.s32 @!p0 s3, s7;
	s7 =	simm.s32 @!p0 $0x108  }
0x21: {  	s3 =	sadd.s32 s3, s9;
	s6 =	sadd.s32 @!p0 $0x88, s6;
	s7 =	simm.s32 @p2 $0x1082  }
0x22: {  	[simem:s7], [sflag:s8] =	dma.local @!p0 [hbm:s6], $0xF7A  }
0x23: {  	s9 =	sor.u32 $0xD0000000, s2;
	s6 =	simm.s32 $0x108;
	_ =	swait.ge @!p0 [sflag:s8], $0x0  }
0x24: {  	s3 =	sadd.s32 $0x88, s3;
	s6 =	simm.s32 @!p1 $0x1082;
	[sflag:s4] =	ssyncset.s32 $0xFFFFF086  }
0x25: {  	[simem:s6], [sflag:s4] =	dma.local [hbm:s3], $0xF7A  }
0x26: {  	[smem:$0x3F9D] =	sst s1;
	(tag) =	ssettag s2;
	_ =	strace s9  }
0x27: {  	s1 =	sld [smem:$0x3FAD]  }
0x28: {  	s2 =	sld [smem:$0x3FAE]  }
0x29: {  	s4 =	sld [smem:$0x3FB0]  }
0x2a: {  	p0 =	seq.s32 s5, $0x0;
	s5 =	sld [smem:$0x3FB1]  }
0x2b: {  	s6 =	sld [smem:$0x3FB2]  }
0x2c: {  	s7 =	sld [smem:$0x3FB3]  }
0x2d: {  	s3 =	simm.s32 $0x108;
	s8 =	sld [smem:$0x3FB4]  }
0x2e: {  	s3 =	simm.s32 @!p0 $0x1082;
	s9 =	sld [smem:$0x3FB5]  }
0x2f: {  	lr =	sadd.s32 s0, s3;
	s0 =	sld [smem:$0x3FAC]  }
0x30: {  	s3 =	sld [smem:$0x3FAF]  }
0x31: {  	[smem:$0x3FB8] =	sst s10  }
0x32: {  	s10 =	sld [smem:$0x3FB6];
	_ =	sdelay $0x3  }
0x33: {  	p0 =	seq.s32 s10, $0x1;
	s10 =	sld [smem:$0x3FB8];
	_ =	sdelay $0x3  }
0x34: {  	[smem:$0x3FB8] =	sst s10  }
0x35: {  	s10 =	sld [smem:$0x3FB7];
	_ =	sdelay $0x3  }
0x36: {  	p1 =	seq.s32 s10, $0x1;
	s10 =	sld [smem:$0x3FB8];
	_ =	sdelay $0x3  }
0x37: {  	[smem:$0x3FB8] =	sst s10  }
0x38: {  	s10 =	sld [smem:$0x3FB9]  }
0x39: {  	_ = 	snop;
	(pc) =	sbr.ind lr, $3  }
0x3a: {  	_ = 	snop  }
0x3b: {  	_ = 	snop  }
0x3c: {  	p2 =	seq.s32 s10, $0x1;
	s10 =	sld [smem:$0x3FB8]  }
0x3d: {  	_ =	shalt  }
0x3e: {  	_ =	shalt  }
0x3f: {  	_ =	shalt  }
0x40: {  	_ =	shalt  }
0x41: {  	_ =	shalt  }
0x42: {  	_ =	shalt  }
0x43: {  	_ =	shalt  }
0x44: {  	_ =	shalt  }
0x45: {  	_ =	shalt  }
0x46: {  	_ =	shalt  }
0x47: {  	_ =	shalt  }
0x48: {  	_ =	shalt  }
0x49: {  	_ =	shalt  }
0x4a: {  	_ =	shalt  }
0x4b: {  	_ =	shalt  }
0x4c: {  	_ =	shalt  }
0x4d: {  	_ =	shalt  }
0x4e: {  	_ =	shalt  }
0x4f: {  	_ =	shalt  }
0x50: {  	_ =	shalt  }
0x51: {  	_ =	shalt  }
0x52: {  	_ =	shalt  }
0x53: {  	_ =	shalt  }
0x54: {  	_ =	shalt  }
0x55: {  	_ =	shalt  }
0x56: {  	_ =	shalt  }
0x57: {  	_ =	shalt  }
0x58: {  	_ =	shalt  }
0x59: {  	_ =	shalt  }
0x5a: {  	_ =	shalt  }
0x5b: {  	_ =	shalt  }
0x5c: {  	_ =	shalt  }
0x5d: {  	_ =	shalt  }
0x5e: {  	_ =	shalt  }
0x5f: {  	_ =	shalt  }
0x60: {  	_ =	shalt  }
0x61: {  	_ =	shalt  }
0x62: {  	_ =	shalt  }
0x63: {  	_ =	shalt  }
0x64: {  	_ =	shalt  }
0x65: {  	_ =	shalt  }
0x66: {  	_ =	shalt  }
0x67: {  	_ =	shalt  }
0x68: {  	_ =	shalt  }
0x69: {  	_ =	shalt  }
0x6a: {  	_ =	shalt  }
0x6b: {  	_ =	shalt  }
0x6c: {  	_ =	shalt  }
0x6d: {  	_ =	shalt  }
0x6e: {  	_ =	shalt  }
0x6f: {  	_ =	shalt  }
0x70: {  	_ =	shalt  }
0x71: {  	_ =	shalt  }
0x72: {  	_ =	shalt  }
0x73: {  	_ =	shalt  }
0x74: {  	_ =	shalt  }
0x75: {  	_ =	shalt  }
0x76: {  	_ =	shalt  }
0x77: {  	_ =	shalt  }
0x78: {  	_ =	shalt  }
0x79: {  	_ =	shalt  }
0x7a: {  	_ =	shalt  }
0x7b: {  	_ =	shalt  }
0x7c: {  	_ =	shalt  }
0x7d: {  	_ =	shalt  }
0x7e: {  	_ =	shalt  }
0x7f: {  	_ =	shalt  }
0x80: {  	_ =	shalt  }
0x81: {  	_ =	shalt  }
0x82: {  	_ =	shalt  }
0x83: {  	_ =	shalt  }
0x84: {  	_ =	shalt  }
0x85: {  	_ =	shalt  }
0x86: {  	_ =	shalt  }
0x87: {  	_ =	shalt  }
.Lfunc_end0:
.L_simem_size_0:
called_computation_lowered:
.L_overlay_start_0:
0x88: {  	s2 =	sld [smem:$0x3FD9]  }
0x89: {  	s3 =	sld [smem:$0x3FFE];
	_ =	sdelay $0x1  }
0x8a: {  	s1 =	srdreg.scid  }
0x8b: {  	s0 =	sand.u32 $0x1, s1  }
0x8c: {  	s17 =	sshll.u32 s0, $0xA;
	s2 =	sadd.s32 s3, s2  }
0x8d: {  	s2 =	sadd.s32 s2, s17  }
0x8e: {  	[smem:$0x3FC4] =	sst s2  }
0x8f: {  	_ = 	snop  }
0x90: {  	s2 =	sld [smem:$0x3FC7]  }
0x91: {  	s18 =	sld [smem:$0x3FC6]  }
0x92: {  	s4 =	sld [smem:$0x3FD0];
	(tm) =	ssettm $0x1  }
0x93: {  	s5 =	sld [smem:$0x3FFB];
	_ =	sdelay $0x3  }
0x94: {  	_ =	strace s5  }
0x95: {  	s5 =	sld [smem:$0x3FFC];
	_ =	sdelay $0x3  }
0x96: {  	_ =	strace s5  }
0x97: {  	s5 =	sld [smem:$0x3FFD];
	_ =	sdelay $0x3  }
0x98: {  	_ =	strace s5  }
0x99: {  	_ =	strace $0x8FFFFFFF  }
0x9a: {  	s19 =	sld [smem:$0x3FDB];
	_ =	sdelay $0x1  }
0x9b: {  	s6 =	simm.s32 $_scs_section_size  }
0x9c: {  	s7 =	simm.s32 $_size__tile_overlayer_lowered;
	s8 =	simm.s32 $_tile_overlayer_lowered  }
0x9d: {  	s22 =	simm.s32 $0x1BFF;
	s21 =	sshll.u32 s8, $0x1;
	s5 =	sadd.s32 s6, s19  }
0x9e: {  	s9 =	simm.s32 $0x0;
	s20 =	sshll.u32 s7, $0x1;
	s7 =	sadd.s32 s21, s5  }
0x9f: {  	[timem:s9], [sflag:s22] =	dma.local [hbm:s7], s20  }
0xa0: {  	_ =	swait.ge [sflag:s22], s20  }
0xa1: {  	s6 =	ssub.s32 $0x0, s20;
	[sflag:s22] =	ssyncset.done $0x0  }
0xa2: {  	[sflag:s22] =	ssyncadd.s32 s6;
	_ =	sdelay $0x1  }
0xa3: {  	s23 =	simm.s32 $0x1B8B  }
0xa4: {  	_ =	swait.ge [sflag:s23], $0x1  }
0xa5: {  	[sflag:s23] =	ssyncset.done $0x0  }
0xa6: {  	s25 =	simm.s32 $0x1B8E;
	s24 =	sld [smem:$0x3FFE];
	[sflag:s23] =	ssyncadd.s32 $0xFFFFFFFF  }
0xa7: {  	s26 =	simm.s32 $execute0_lowered;
	[smem:$0x3FD2] =	sst s25  }
0xa8: {  	s7 =	sshll.u32 s26, $0x1;
	_ =	strace $0x80000046;
	[dreg:$0x1] =	wrdreg $0xFFFFFFFF  }
0xa9: {  	s28 =	simm.s32 $_size_execute0_lowered;
	s5 =	sadd.s32 s5, s7;
	[dreg:$0x0] =	wrdreg $0x0  }
0xaa: {  	s7 =	sshll.u32 s28, $0x1;
	[dreg:$0x2] =	wrdreg s5  }
0xab: {  	[dreg:$0x3] =	wrdreg s7  }
0xac: {  	[dreg:$0x4] =	wrdreg $0xC0  }
0xad: {  	_ =	task [dreg:s9], $0x5FFFF  }
0xae: {  	[dreg:$0x1] =	wrdreg $0xFFFFFFFF  }
0xaf: {  	[dreg:$0x0] =	wrdreg $0x60  }
0xb0: {  	[dreg:$0x2] =	wrdreg s4  }
0xb1: {  	[dreg:$0x3] =	wrdreg s24  }
0xb2: {  	[dreg:$0x4] =	wrdreg s2  }
0xb3: {  	[dreg:$0x5] =	wrdreg s18  }
0xb4: {  	[dreg:$0x6] =	wrdreg $0x9  }
0xb5: {  	_ =	task.clear_ibuf [dreg:s9], $0x7FFFF;
	_ =	strace $0x90000046  }
0xb6: {  	s29 =	simm.s32 $0x9;
	_ =	strace $0x80000048  }
0xb7: {  	_ =	swait.ge [sflag:s29], $0x1  }
0xb8: {  	[sflag:s29] =	ssyncadd.s32 $0xFFFFFFFF  }
0xb9: {  	_ =	strace $0x90000048  }
0xba: {  	_ =	sfence  }
0xbb: {  	s30 =	sld [smem:$0x0];
	_ =	sdelay $0x2  }
0xbc: {  	s31 =	sshll.u32 s1, $0xD;
	s1 =	sshrl.u32 s1, $0x2  }
0xbd: {  	s3 =	sand.u32 $0x4000, s31;
	s1 =	sadd.s32 s1, s30  }
0xbe: {  	s0 =	sor.u32 s3, s0;
	s1 =	sshll.u32 s1, $0x11  }
0xbf: {  	s0 =	sor.u32 s1, s0  }
0xc0: {  	s0 =	sadd.s32 $0x8F2B, s0  }
0xc1: {  	[sflag:s0] =	ssyncadd.remote.s32 $0x1  }
0xc2: {  	_ =	sfence.sel $0xFFFF  }
0xc3: {  	[dreg:$0x0] =	wrdreg $0xFFFFFFFF;
	(pc) =	sbr.abs _section_cstart, $3  }
0xc4: {  	[dreg:$0x1] =	wrdreg $0xFFFFFFFF  }
0xc5: {  	_ =	task.clear_ibuf [dreg:s9], $0x2FFFF;
	_ =	strace $0x9FFFFFFF  }
0xc6: {  	(tm) =	ssettm $0x7FFFFFFF  }
0xc7: {  	_ =	shalt  }
tec
execute0_lowered:
.L_overlay_start_1:
0x0: {  	(tag) =	ssettag $0x1  }
0x1: {  	s4 =	rddreg [dreg:$0x0]  }
0x2: {  	s0 =	rddreg [dreg:$0x1];
	s5 =	simm.s32 $0x0;
	s1 =	srdreg.scid  }
0x3: {  	s2 =	stileid.u32;
	[smem:$0x7FF] =	sst s5;
	s1 =	sand.u32 $0x1, s1  }
0x4: {  	s2 =	sshll.u32 s2, $0x8;
	s6 =	sadd.s32 $0x600, s0;
	s0 =	sadd.s32 $0x80600, s0  }
0x5: {  	_ =	strace $0x80000047;
	s3 =	sshll.u32 s1, $0x7;
	[smem:$0x7F6] =	sst s0  }
0x6: {  	s1 =	ssub.s32 $0x2, s1;
	[smem:$0x7FB] =	sst s6;
	s2 =	sor.u32 s3, s2  }
0x7: {  	s28 =	sshrl.u32 s1, $0x1;
	[smem:$0x7F7] =	sst s2;
	s2 =	sshll.u32 s2, $0x7  }
0x8: {  	s0 =	ssub.s32 s1, s28;
	s29 =	sadd.s32 s4, s2;
	s30 =	sor.u32 $0x80, s2  }
.Ltmp0:
0x9: {  	s2 =	sadd.s32 s6, s2;
	[smem:$0x7F8] =	sst s29;
	(pc) =	sbr.rel .LBB2_1-.Ltmp0, $4  }
0xa: {  	s0 =	smax.u32 s0, $0x1;
	[smem:$0x7F9] =	sst s2  }
0xb: {  	s31 =	sadd.s32 s4, s30;
	[smem:$0x7FD] =	sst s0  }
0xc: {  	s1 =	sadd.s32 s6, s30;
	[smem:$0x7FA] =	sst s31  }
0xd: {  	s3 =	simm.s32 $0x0;
	s2 =	simm.s32 $0x400;
	[smem:$0x7FC] =	sst s1  }
.LBB2_12:
0xe: {  	s0 =	simm.s32 $0x7  }
0xf: {  	_ =	swait.ge [sflag:s0], $0x3200  }
0x10: {  	[sflag:s0] =	ssyncset.done $0x0  }
0x11: {  	s1 =	simm.s32 $0x8;
	[sflag:s0] =	ssyncadd.s32 $0xFFFFCE00  }
0x12: {  	_ =	swait.ge [sflag:s1], $0x3200  }
0x13: {  	s3 =	sld [smem:$0x7F5]  }
0x14: {  	s31 =	sld [smem:$0x7FD];
	_ =	sdelay $0x1  }
0x15: {  	s3 =	sadd.s32 $0x1, s3  }
0x16: {  	p0 =	sne.s32 s3, s31  }
.Ltmp1:
0x17: {  	_ = 	snop;
	(pc) =	sbr.rel @!p0 .LBB2_13-.Ltmp1, $3  }
0x18: {  	_ =	sdelay $0x1  }
0x19: {  	[sflag:s1] =	ssyncset.done $0x0  }
0x1a: {  	s2 =	simm.s32 $0x400;
	[sflag:s1] =	ssyncadd.s32 $0xFFFFCE00  }
.LBB2_1:
0x1b: {  	[smem:$0x7F5] =	sst s3  }
0x1c: {  	s0 =	rddreg [dreg:$0x3];
	s1 =	simm.s32 $0x14000;
	s14 =	simm.s32 $0x9  }
0x1d: {  	[tilespmem:s1], [sflag:$0x9] =	stream.linear.gather [hbm4b:s0+s5], $0x3200, $0x38;
	[tilespmem:$0x17400] =	vst v63  }
0x1e: {  	_ =	swait.ge [sflag:s14], $0x3200  }
0x1f: {  	s15 =	sld [smem:$0x7F8]  }
0x20: {  	[sflag:s14] =	ssyncset.done $0x0  }
0x21: {  	s16 =	sld [smem:$0x7F9];
	[sflag:s14] =	ssyncadd.s32 $0xFFFFCE00  }
0x22: {  	[tilespmem:s5], [sflag:$0x1] =	stream.linear.gather [hbm4b:s15+s5], $0x280, $0x38;
	[tilespmem:$0x17400] =	vst v63  }
0x23: {  	s17 =	simm.s32 $0x800;
	s18 =	sld [smem:$0x7FA]  }
0x24: {  	[tilespmem:s17], [sflag:$0x3] =	stream.linear.gather [hbm4b:s16+s5], $0x280, $0x38;
	[tilespmem:$0x17400] =	vst v63  }
0x25: {  	s19 =	sld [smem:$0x7FC]  }
0x26: {  	[tilespmem:s2], [sflag:$0x2] =	stream.linear.gather [hbm4b:s18+s5], $0x280, $0x38;
	[tilespmem:$0x17400] =	vst v63  }
0x27: {  	s20 =	simm.s32 $0xC00;
	s21 =	simm.s32 $0x1  }
0x28: {  	[tilespmem:s20], [sflag:$0x4] =	stream.linear.gather [hbm4b:s19+s5], $0x280, $0x38;
	[tilespmem:$0x17400] =	vst v63  }
0x29: {  	_ =	swait.ge [sflag:s21], $0x280  }
0x2a: {  	[sflag:s21] =	ssyncset.done $0x0  }
0x2b: {  	[sflag:s21] =	ssyncadd.s32 $0xFFFFFD80  }
0x2c: {  	s22 =	simm.s32 $0x28;
	s23 =	simm.s32 $0x1000;
	s0 =	rddreg [dreg:$0x2]  }
0x2d: {  	[tilespmem:s23], [sflag:$0x5] =	stream.indirect.gather [hbm4b:s0+s22], $0x80, s5, s22, $0xb8;
	[tilespmem:$0x17400] =	vst v63  }
0x2e: {  	s24 =	simm.s32 $0x80;
	s4 =	simm.s32 $0x2400  }
0x2f: {  	[tilespmem:s4], [sflag:$0x5] =	stream.indirect.gather [hbm4b:s0+s22], $0x80, s24, s22, $0xb8;
	[tilespmem:$0x17400] =	vst v63  }
0x30: {  	s25 =	simm.s32 $0x100;
	s26 =	simm.s32 $0x3800  }
0x31: {  	[tilespmem:s26], [sflag:$0x5] =	stream.indirect.gather [hbm4b:s0+s22], $0x80, s25, s22, $0xb8;
	[tilespmem:$0x17400] =	vst v63  }
0x32: {  	s28 =	simm.s32 $0x180;
	s29 =	simm.s32 $0x4C00  }
0x33: {  	[tilespmem:s29], [sflag:$0x5] =	stream.indirect.gather [hbm4b:s0+s22], $0x80, s28, s22, $0xb8;
	[tilespmem:$0x17400] =	vst v63  }
0x34: {  	s30 =	simm.s32 $0x200;
	s31 =	simm.s32 $0x6000;
	s6 =	simm.s32 $0x0  }
0x35: {  	[tilespmem:s31], [sflag:$0x5] =	stream.indirect.gather [hbm4b:s0+s22], $0x80, s30, s22, $0xb8;
	[tilespmem:$0x17400] =	vst v63  }
.LBB2_2:
0x36: {  	s0 =	simm.s32 $0x2  }
0x37: {  	_ =	swait.ge [sflag:s0], $0x280  }
0x38: {  	[sflag:s0] =	ssyncset.done $0x0  }
0x39: {  	[sflag:s0] =	ssyncadd.s32 $0xFFFFFD80  }
0x3a: {  	s1 =	simm.s32 $0x28;
	s3 =	simm.s32 $0x7400;
	s0 =	rddreg [dreg:$0x2]  }
0x3b: {  	[tilespmem:s3], [sflag:$0x6] =	stream.indirect.gather [hbm4b:s0+s1], $0x80, s2, s1, $0xb8;
	[tilespmem:$0x17400] =	vst v63  }
0x3c: {  	s7 =	simm.s32 $0x480;
	s8 =	simm.s32 $0x8800;
	s9 =	simm.s32 $0x500  }
0x3d: {  	[tilespmem:s8], [sflag:$0x6] =	stream.indirect.gather [hbm4b:s0+s1], $0x80, s7, s1, $0xb8;
	[tilespmem:$0x17400] =	vst v63  }
0x3e: {  	s10 =	simm.s32 $0x9C00;
	s11 =	simm.s32 $0x580;
	s12 =	simm.s32 $0xB000  }
0x3f: {  	[tilespmem:s10], [sflag:$0x6] =	stream.indirect.gather [hbm4b:s0+s1], $0x80, s9, s1, $0xb8;
	[tilespmem:$0x17400] =	vst v63  }
0x40: {  	s13 =	simm.s32 $0x600;
	s14 =	simm.s32 $0xC400;
	s15 =	simm.s32 $0x7  }
0x41: {  	[tilespmem:s12], [sflag:$0x6] =	stream.indirect.gather [hbm4b:s0+s1], $0x80, s11, s1, $0xb8;
	[tilespmem:$0x17400] =	vst v63  }
0x42: {  	s16 =	simm.s32 $0x5;
	p0 =	seq.s32 s6, $0x0;
	s11 =	smul.u32 $0xCD, s15  }
0x43: {  	[tilespmem:s14], [sflag:$0x6] =	stream.indirect.gather [hbm4b:s0+s1], $0x80, s13, s1, $0xb8;
	[tilespmem:$0x17400] =	vst v63  }
0x44: {  	s17 =	simm.s32 $0x0;
	s0 =	sadd.s32 $0xFFFFFA65, s11;
	_ =	swait.ge [sflag:s16], $0x6400  }
0x45: {  	s2 =	simm.s32 @!p0 $0x7;
	s0 =	sshrl.u32 s0, $0xD;
	[sflag:s16] =	ssyncset.done $0x0  }
0x46: {  	s1 =	smul.u32 $0xCD, s17;
	s0 =	sand.u32 $0x7, s0;
	[sflag:s16] =	ssyncadd.s32 $0xFFFF9C00  }
0x47: {  	s0 =	smul.u32 $0x28, s0;
	_ =	swait.ge @!p0 [sflag:s2], $0x3200  }
0x48: {  	s18 =	simm.s32 $0x3;
	[sflag:s2] =	ssyncset.done @!p0 $0x0  }
0x49: {  	s1 =	sshrl.u32 s1, $0x5;
	s0 =	ssub.s32 $0x7, s0;
	[sflag:s2] =	ssyncadd.s32 @!p0 $0xFFFFCE00  }
0x4a: {  	s1 =	sand.u32 $0x780, s1;
	s0 =	sadd.s32 $0xFFFFFFF9, s0;
	_ =	swait.ge [sflag:s18], $0x280  }
0x4b: {  	s5 =	sor.u32 $0x800, s1;
	s0 =	sand.u32 $0xFF, s0;
	[sflag:s18] =	ssyncset.done $0x0  }
0x4c: {  	s0 =	sor.u32 s0, s5;
	[sflag:s18] =	ssyncadd.s32 $0xFFFFFD80  }
0x4d: {  	v0 =	vld.msk [tilespmem:s0+$0x0], $0x1;
	_ =	sdelay $0x4  }
0x4e: {  	(v2sf) =	vpush v0, $0x0;
	_ =	sdelay $0xe  }
0x4f: {  	s1 =	simm.s32 $0x1040;
	s19 =	spop (v2sf)  }
0x50: {  	s2 =	simm.s32 $0x14100;
	s0 =	simm.s32 $0x1000;
	p1 =	sgt.s32 s19, $0x0  }
0x51: {  	v0 =	vld [tilespmem:s2+$0xFFFFFF00];
	s0 =	smov.u32 @p1 s1  }
0x52: {  	v1 =	vld [tilespmem:s0+$0x0];
	_ =	sdelay $0x4  }
0x53: {  	v0 =	vadd.f32 v0, v1  }
0x54: {  	s16 =	simm.s32 $0xD900;
	s1 =	simm.s32 $0x1050;
	s0 =	simm.s32 $0x1010  }
0x55: {  	s0 =	smov.u32 @p1 s1;
	[tilespmem:s16+$0xFFFFFF00] =	vst v0  }
0x56: {  	v0 =	vld [tilespmem:s0+$0x0]  }
0x57: {  	v1 =	vld [tilespmem:s2+$0xFFFFFF10];
	_ =	sdelay $0x4  }
0x58: {  	v0 =	vadd.f32 v1, v0  }
0x59: {  	s1 =	simm.s32 $0x1060;
	s0 =	simm.s32 $0x1020  }
0x5a: {  	s0 =	smov.u32 @p1 s1;
	[tilespmem:s16+$0xFFFFFF10] =	vst v0  }
0x5b: {  	v0 =	vld [tilespmem:s0+$0x0]  }
0x5c: {  	v1 =	vld [tilespmem:s2+$0xFFFFFF20];
	_ =	sdelay $0x2  }
0x5d: {  	s20 =	simm.s32 $0xF;
	s21 =	simm.s32 $0xF  }
0x5e: {  	[dreg:$0x16] =	wrdreg s21;
	s21 =	smul.u32 $0xCD, s20  }
0x5f: {  	v0 =	vadd.f32 v1, v0  }
0x60: {  	s3 =	simm.s32 $0x1070;
	s1 =	simm.s32 $0x1030;
	s22 =	sadd.s32 $0xFFFFFA65, s21  }
0x61: {  	s4 =	simm.s32 $0x4;
	s1 =	smov.u32 @p1 s3;
	s0 =	sshrl.u32 s22, $0xD;
	[tilespmem:s16+$0xFFFFFF20] =	vst v0  }
0x62: {  	s23 =	smul.u32 $0xCD, s4;
	s24 =	sadd.s32 $0xFFFFFB32, s11;
	s0 =	sand.u32 $0x7, s0;
	v0 =	vld [tilespmem:s1+$0x0]  }
0x63: {  	s0 =	smul.u32 $0x28, s0;
	v1 =	vld [tilespmem:s2+$0xFFFFFF30];
	s1 =	sshrl.u32 s24, $0xD  }
0x64: {  	s1 =	sand.u32 $0x7, s1  }
0x65: {  	s3 =	sshrl.u32 s23, $0x5;
	s0 =	ssub.s32 $0xF, s0;
	s1 =	smul.u32 $0x28, s1  }
0x66: {  	s3 =	sand.u32 $0x780, s3;
	s0 =	sadd.s32 $0xFFFFFFF9, s0  }
0x67: {  	s23 =	sor.u32 $0x800, s3;
	s0 =	sand.u32 $0xFF, s0;
	s1 =	ssub.s32 $0x7, s1  }
0x68: {  	s0 =	sor.u32 s0, s23;
	v0 =	vadd.f32 v1, v0;
	s1 =	sadd.s32 $0xFFFFFFFA, s1  }
0x69: {  	v1 =	vld.msk [tilespmem:s0+$0x0], $0x1;
	s25 =	sand.u32 $0xFF, s1  }
0x6a: {  	[tilespmem:s16+$0xFFFFFF30] =	vst v0;
	s0 =	sor.u32 s25, s5  }
0x6b: {  	v0 =	vld.msk [tilespmem:s0+$0x0], $0x1;
	_ =	sdelay $0x2  }
0x6c: {  	(v2sf) =	vpush v1, $0x0;
	_ =	sdelay $0x1  }
0x6d: {  	(v2sf) =	vpush v0, $0x0;
	_ =	sdelay $0xc  }
0x6e: {  	s31 =	simm.s32 $0x14300;
	s26 =	spop (v2sf)  }
0x6f: {  	s1 =	simm.s32 $0x1440;
	s0 =	simm.s32 $0x1400;
	p1 =	sgt.s32 s26, $0x0  }
0x70: {  	v0 =	vld [tilespmem:s31+$0xFFFFFF00];
	s0 =	smov.u32 @p1 s1;
	s30 =	spop (v2sf)  }
0x71: {  	s3 =	simm.s32 $0x10C0;
	v1 =	vld [tilespmem:s0+$0x0];
	s0 =	simm.s32 $0x1080;
	p2 =	sgt.s32 s30, $0x0  }
0x72: {  	v2 =	vld [tilespmem:s2+$0xFFFFFF40];
	s0 =	smov.u32 @p2 s3  }
0x73: {  	v3 =	vld [tilespmem:s0+$0x0];
	_ =	sdelay $0x2  }
0x74: {  	v0 =	vadd.f32 v0, v1  }
0x75: {  	s1 =	simm.s32 $0x1450;
	s30 =	simm.s32 $0xDB00;
	s0 =	simm.s32 $0x1410  }
0x76: {  	s0 =	smov.u32 @p1 s1;
	[tilespmem:s30+$0xFFFFFF00] =	vst v0;
	v0 =	vadd.f32 v2, v3  }
0x77: {  	s1 =	simm.s32 $0x10D0;
	v1 =	vld [tilespmem:s0+$0x0];
	s0 =	simm.s32 $0x1090  }
0x78: {  	v2 =	vld [tilespmem:s31+$0xFFFFFF10];
	s0 =	smov.u32 @p2 s1;
	[tilespmem:s16+$0xFFFFFF40] =	vst v0  }
0x79: {  	v0 =	vld [tilespmem:s0+$0x0]  }
0x7a: {  	v3 =	vld [tilespmem:s2+$0xFFFFFF50];
	_ =	sdelay $0x2  }
0x7b: {  	v1 =	vadd.f32 v2, v1  }
0x7c: {  	s1 =	simm.s32 $0x1460;
	s0 =	simm.s32 $0x1420  }
0x7d: {  	s0 =	smov.u32 @p1 s1;
	[tilespmem:s30+$0xFFFFFF10] =	vst v1;
	v0 =	vadd.f32 v3, v0  }
0x7e: {  	s1 =	simm.s32 $0x10E0;
	v1 =	vld [tilespmem:s0+$0x0];
	s0 =	simm.s32 $0x10A0  }
0x7f: {  	v2 =	vld [tilespmem:s31+$0xFFFFFF20];
	s0 =	smov.u32 @p2 s1;
	[tilespmem:s16+$0xFFFFFF50] =	vst v0  }
0x80: {  	v0 =	vld [tilespmem:s0+$0x0]  }
0x81: {  	v3 =	vld [tilespmem:s2+$0xFFFFFF60];
	_ =	sdelay $0x1  }
0x82: {  	s3 =	simm.s32 $0x17  }
0x83: {  	s4 =	simm.s32 $0x17;
	s13 =	smul.u32 $0xCD, s3;
	v1 =	vadd.f32 v2, v1  }
0x84: {  	s1 =	simm.s32 $0x1470;
	[dreg:$0x1a] =	wrdreg s4;
	s0 =	simm.s32 $0x1430  }
0x85: {  	s7 =	simm.s32 $0x8;
	s14 =	sadd.s32 $0xFFFFFBFF, s11;
	s0 =	smov.u32 @p1 s1;
	[tilespmem:s30+$0xFFFFFF20] =	vst v1;
	v0 =	vadd.f32 v3, v0  }
0x86: {  	s8 =	sadd.s32 $0xFFFFFA65, s13;
	s4 =	simm.s32 $0x10F0;
	v1 =	vld [tilespmem:s0+$0x0];
	s0 =	simm.s32 $0x10B0  }
0x87: {  	s10 =	sadd.s32 $0xFFFFFB32, s21;
	s9 =	sshrl.u32 s8, $0xD;
	v2 =	vld [tilespmem:s31+$0xFFFFFF30];
	s0 =	smov.u32 @p2 s4;
	[tilespmem:s16+$0xFFFFFF60] =	vst v0  }
0x88: {  	s12 =	sshrl.u32 s10, $0xD;
	s3 =	smul.u32 $0xCD, s7;
	s1 =	sand.u32 $0x7, s9;
	v0 =	vld [tilespmem:s0+$0x0]  }
0x89: {  	s1 =	smul.u32 $0x28, s1;
	s4 =	sshrl.u32 s14, $0xD;
	s0 =	sand.u32 $0x7, s12;
	v3 =	vld [tilespmem:s2+$0xFFFFFF70]  }
0x8a: {  	s3 =	sshrl.u32 s3, $0x5;
	s4 =	sand.u32 $0x7, s4;
	s0 =	smul.u32 $0x28, s0  }
0x8b: {  	s3 =	sand.u32 $0x780, s3;
	s1 =	ssub.s32 $0x17, s1;
	s4 =	smul.u32 $0x28, s4  }
0x8c: {  	s20 =	sor.u32 $0x800, s3;
	s1 =	sadd.s32 $0xFFFFFFF9, s1;
	s0 =	ssub.s32 $0xF, s0  }
0x8d: {  	s1 =	sand.u32 $0xFF, s1;
	v1 =	vadd.f32 v2, v1;
	s15 =	ssub.s32 $0x7, s4;
	s0 =	sadd.s32 $0xFFFFFFFA, s0  }
0x8e: {  	s1 =	sor.u32 s1, s20;
	s3 =	sadd.s32 $0xFFFFFFFB, s15;
	s0 =	sand.u32 $0xFF, s0;
	v0 =	vadd.f32 v3, v0  }
0x8f: {  	v2 =	vld.msk [tilespmem:s1+$0x0], $0x1;
	[tilespmem:s30+$0xFFFFFF30] =	vst v1;
	s17 =	sand.u32 $0xFF, s3;
	s0 =	sor.u32 s0, s23  }
0x90: {  	s18 =	sor.u32 s17, s5;
	v1 =	vld.msk [tilespmem:s0+$0x0], $0x1;
	[tilespmem:s16+$0xFFFFFF70] =	vst v0  }
0x91: {  	v0 =	vld.msk [tilespmem:s18+$0x0], $0x1;
	_ =	sdelay $0x2  }
0x92: {  	(v2sf) =	vpush v2, $0x0  }
0x93: {  	(v2sf) =	vpush v1, $0x0  }
0x94: {  	(v2sf) =	vpush v0, $0x0;
	_ =	sdelay $0xc  }
0x95: {  	s19 =	spop (v2sf)  }
0x96: {  	s22 =	spop (v2sf)  }
0x97: {  	s24 =	spop (v2sf)  }
0x98: {  	s7 =	simm.s32 $0x1140;
	s4 =	simm.s32 $0x1100;
	p3 =	sgt.s32 s24, $0x0  }
0x99: {  	v0 =	vld [tilespmem:s2+$0xFFFFFF80];
	s4 =	smov.u32 @p3 s7  }
0x9a: {  	v1 =	vld [tilespmem:s4+$0x0];
	_ =	sdelay $0x4  }
0x9b: {  	v0 =	vadd.f32 v0, v1  }
0x9c: {  	s3 =	simm.s32 $0x1110;
	s4 =	simm.s32 $0x1150  }
0x9d: {  	s3 =	smov.u32 @p3 s4;
	[tilespmem:s16+$0xFFFFFF80] =	vst v0  }
0x9e: {  	v0 =	vld [tilespmem:s3+$0x0]  }
0x9f: {  	v1 =	vld [tilespmem:s2+$0xFFFFFF90];
	_ =	sdelay $0x1  }
0xa0: {  	s0 =	simm.s32 $0x1800;
	p2 =	sgt.s32 s19, $0x0;
	s3 =	simm.s32 $0x1840  }
0xa1: {  	p1 =	sgt.s32 s22, $0x0;
	s0 =	smov.u32 @p2 s3  }
0xa2: {  	s4 =	simm.s32 $0x14500;
	s3 =	simm.s32 $0x14C0;
	v3 =	vld [tilespmem:s0+$0x0];
	s0 =	simm.s32 $0x1480  }
0xa3: {  	v2 =	vld [tilespmem:s4+$0xFFFFFF00];
	s0 =	smov.u32 @p1 s3;
	v0 =	vadd.f32 v1, v0  }
0xa4: {  	s1 =	simm.s32 $0x1120;
	s3 =	simm.s32 $0x1160;
	v4 =	vld [tilespmem:s0+$0x0]  }
0xa5: {  	s25 =	simm.s32 $0x1F;
	s26 =	simm.s32 $0x1F;
	s1 =	smov.u32 @p3 s3;
	v1 =	vld [tilespmem:s31+$0xFFFFFF40];
	[tilespmem:s16+$0xFFFFFF90] =	vst v0  }
0xa6: {  	s28 =	smul.u32 $0xCD, s25;
	v0 =	vld [tilespmem:s1+$0x0];
	[dreg:$0x12] =	wrdreg s26  }
0xa7: {  	v5 =	vld [tilespmem:s2+$0xFFFFFFA0]  }
0xa8: {  	s25 =	simm.s32 $0xDD00;
	s3 =	sadd.s32 $0xFFFFFA65, s28;
	v2 =	vadd.f32 v2, v3  }
0xa9: {  	s9 =	simm.s32 $0x1850;
	s7 =	simm.s32 $0x1810;
	s3 =	sshrl.u32 s3, $0xD  }
0xaa: {  	s7 =	smov.u32 @p2 s9;
	s9 =	simm.s32 $0x14D0;
	s3 =	sand.u32 $0x7, s3;
	[tilespmem:s25+$0xFFFFFF00] =	vst v2;
	v1 =	vadd.f32 v1, v4  }
0xab: {  	s0 =	simm.s32 $0xC;
	s3 =	smul.u32 $0x28, s3;
	v2 =	vld [tilespmem:s7+$0x0];
	s7 =	simm.s32 $0x1490  }
0xac: {  	s1 =	smul.u32 $0xCD, s0;
	v3 =	vld [tilespmem:s4+$0xFFFFFF10];
	s7 =	smov.u32 @p1 s9;
	[tilespmem:s30+$0xFFFFFF40] =	vst v1;
	v0 =	vadd.f32 v5, v0  }
0xad: {  	s9 =	simm.s32 $0x1170;
	v1 =	vld [tilespmem:s7+$0x0];
	s7 =	simm.s32 $0x1130  }
0xae: {  	s3 =	ssub.s32 $0x1F, s3;
	s1 =	sshrl.u32 s1, $0x5;
	v4 =	vld [tilespmem:s31+$0xFFFFFF50];
	s7 =	smov.u32 @p3 s9;
	[tilespmem:s16+$0xFFFFFFA0] =	vst v0  }
0xaf: {  	s8 =	sadd.s32 $0xFFFFFCCC, s11;
	s3 =	sadd.s32 $0xFFFFFFF9, s3;
	s1 =	sand.u32 $0x780, s1;
	v0 =	vld [tilespmem:s7+$0x0]  }
0xb0: {  	s3 =	sand.u32 $0xFF, s3;
	s18 =	sor.u32 $0x800, s1;
	s9 =	sshrl.u32 s8, $0xD;
	v5 =	vld [tilespmem:s2+$0xFFFFFFB0]  }
0xb1: {  	s3 =	sor.u32 s3, s18;
	v2 =	vadd.f32 v3, v2;
	s1 =	sand.u32 $0x7, s9  }
0xb2: {  	s9 =	simm.s32 $0x1860;
	s1 =	smul.u32 $0x28, s1;
	s7 =	simm.s32 $0x1820  }
0xb3: {  	v3 =	vld.msk [tilespmem:s3+$0x0], $0x1;
	[tilespmem:s25+$0xFFFFFF10] =	vst v2;
	s7 =	smov.u32 @p2 s9;
	v1 =	vadd.f32 v4, v1  }
0xb4: {  	s3 =	simm.s32 $0x14A0;
	s1 =	ssub.s32 $0x7, s1;
	v2 =	vld [tilespmem:s7+$0x0];
	s7 =	simm.s32 $0x14E0  }
0xb5: {  	v4 =	vld [tilespmem:s4+$0xFFFFFF20];
	s1 =	sadd.s32 $0xFFFFFFFC, s1;
	[tilespmem:s30+$0xFFFFFF50] =	vst v1;
	s3 =	smov.u32 @p1 s7;
	v0 =	vadd.f32 v5, v0  }
0xb6: {  	s1 =	sand.u32 $0xFF, s1;
	v1 =	vld [tilespmem:s3+$0x0]  }
0xb7: {  	s1 =	sor.u32 s1, s5;
	v5 =	vld [tilespmem:s31+$0xFFFFFF60];
	[tilespmem:s16+$0xFFFFFFB0] =	vst v0  }
0xb8: {  	v0 =	vld.msk [tilespmem:s1+$0x0], $0x1;
	_ =	sdelay $0x1  }
0xb9: {  	v2 =	vadd.f32 v4, v2  }
0xba: {  	s3 =	simm.s32 $0x1870;
	s1 =	simm.s32 $0x1830  }
0xbb: {  	(v2sf) =	vpush v3, $0x0;
	[tilespmem:s25+$0xFFFFFF20] =	vst v2;
	s1 =	smov.u32 @p2 s3;
	v1 =	vadd.f32 v5, v1  }
0xbc: {  	s3 =	simm.s32 $0x14F0;
	v2 =	vld [tilespmem:s1+$0x0];
	s1 =	simm.s32 $0x14B0;
	(v2sf) =	vpush v0, $0x0  }
0xbd: {  	s10 =	sadd.s32 $0xFFFFFB32, s13;
	s1 =	smov.u32 @p1 s3;
	[tilespmem:s30+$0xFFFFFF60] =	vst v1;
	v0 =	vld [tilespmem:s4+$0xFFFFFF30]  }
0xbe: {  	s14 =	sadd.s32 $0xFFFFFBFF, s21;
	s12 =	sshrl.u32 s10, $0xD;
	v1 =	vld [tilespmem:s1+$0x0]  }
0xbf: {  	s3 =	sshrl.u32 s14, $0xD;
	s1 =	sand.u32 $0x7, s12;
	v3 =	vld [tilespmem:s31+$0xFFFFFF70]  }
0xc0: {  	s3 =	sand.u32 $0x7, s3;
	s1 =	smul.u32 $0x28, s1  }
0xc1: {  	s3 =	smul.u32 $0x28, s3  }
0xc2: {  	s1 =	ssub.s32 $0x17, s1  }
0xc3: {  	s3 =	ssub.s32 $0xF, s3;
	s1 =	sadd.s32 $0xFFFFFFFA, s1;
	v0 =	vadd.f32 v0, v2  }
0xc4: {  	s3 =	sadd.s32 $0xFFFFFFFB, s3;
	s1 =	sand.u32 $0xFF, s1;
	v1 =	vadd.f32 v3, v1  }
0xc5: {  	s3 =	sand.u32 $0xFF, s3;
	s1 =	sor.u32 s1, s20;
	[tilespmem:s25+$0xFFFFFF30] =	vst v0  }
0xc6: {  	s15 =	sor.u32 s3, s23;
	[tilespmem:s30+$0xFFFFFF70] =	vst v1;
	v0 =	vld.msk [tilespmem:s1+$0x0], $0x1  }
0xc7: {  	v1 =	vld.msk [tilespmem:s15+$0x0], $0x1;
	_ =	sdelay $0x2  }
0xc8: {  	s17 =	spop (v2sf)  }
0xc9: {  	(v2sf) =	vpush v0, $0x0;
	s19 =	spop (v2sf)  }
0xca: {  	s9 =	simm.s32 $0x11C0;
	s7 =	simm.s32 $0x1180;
	(v2sf) =	vpush v1, $0x0;
	p2 =	sgt.s32 s19, $0x0  }
0xcb: {  	v0 =	vld [tilespmem:s2+$0xFFFFFFC0];
	s7 =	smov.u32 @p2 s9  }
0xcc: {  	v1 =	vld [tilespmem:s7+$0x0];
	_ =	sdelay $0x4  }
0xcd: {  	v0 =	vadd.f32 v0, v1  }
0xce: {  	s3 =	simm.s32 $0x1190;
	s7 =	simm.s32 $0x11D0  }
0xcf: {  	s3 =	smov.u32 @p2 s7;
	[tilespmem:s16+$0xFFFFFFC0] =	vst v0  }
0xd0: {  	v0 =	vld [tilespmem:s3+$0x0]  }
0xd1: {  	v1 =	vld [tilespmem:s2+$0xFFFFFFD0];
	_ =	sdelay $0x2  }
0xd2: {  	s22 =	spop (v2sf)  }
0xd3: {  	s24 =	spop (v2sf)  }
0xd4: {  	s10 =	simm.s32 $0x1540;
	s9 =	simm.s32 $0x1500;
	p3 =	sgt.s32 s24, $0x0;
	v0 =	vadd.f32 v1, v0  }
0xd5: {  	s3 =	simm.s32 $0x11A0;
	v1 =	vld [tilespmem:s31+$0xFFFFFF80];
	s9 =	smov.u32 @p3 s10;
	s10 =	simm.s32 $0x11E0  }
0xd6: {  	v2 =	vld [tilespmem:s9+$0x0];
	[tilespmem:s16+$0xFFFFFFD0] =	vst v0;
	s3 =	smov.u32 @p2 s10  }
0xd7: {  	v0 =	vld [tilespmem:s3+$0x0]  }
0xd8: {  	v3 =	vld [tilespmem:s2+$0xFFFFFFE0];
	_ =	sdelay $0x2  }
0xd9: {  	v1 =	vadd.f32 v1, v2  }
0xda: {  	s9 =	simm.s32 $0x1510;
	s10 =	simm.s32 $0x1550  }
0xdb: {  	v6 =	vld [tilespmem:s4+$0xFFFFFF40];
	s9 =	smov.u32 @p3 s10;
	v0 =	vadd.f32 v3, v0;
	[tilespmem:s30+$0xFFFFFF80] =	vst v1  }
0xdc: {  	s0 =	simm.s32 $0x14700;
	v1 =	vld [tilespmem:s9+$0x0]  }
0xdd: {  	p1 =	sgt.s32 s17, $0x0;
	s10 =	simm.s32 $0x11F0;
	s9 =	simm.s32 $0x11B0;
	v3 =	vld [tilespmem:s31+$0xFFFFFF90];
	[tilespmem:s16+$0xFFFFFFE0] =	vst v0  }
0xde: {  	s1 =	simm.s32 $0x1C00;
	s9 =	smov.u32 @p2 s10;
	s10 =	simm.s32 $0x1C40;
	v4 =	vld [tilespmem:s2+$0xFFFFFFF0]  }
0xdf: {  	s26 =	sadd.s32 $0xFFFFFD99, s11;
	p2 =	sgt.s32 s22, $0x0;
	v0 =	vld [tilespmem:s9+$0x0];
	s1 =	smov.u32 @p1 s10  }
0xe0: {  	s10 =	simm.s32 $0x1880;
	s9 =	sshrl.u32 s26, $0xD;
	v5 =	vld [tilespmem:s1+$0x0];
	s1 =	simm.s32 $0x18C0  }
0xe1: {  	v2 =	vld [tilespmem:s0+$0xFFFFFF00];
	s3 =	sand.u32 $0x7, s9;
	s10 =	smov.u32 @p2 s1  }
0xe2: {  	s8 =	smul.u32 $0x28, s3;
	v7 =	vld [tilespmem:s10+$0x0]  }
0xe3: {  	v1 =	vadd.f32 v3, v1  }
0xe4: {  	s7 =	simm.s32 $0x1520;
	s9 =	simm.s32 $0x1560;
	s1 =	ssub.s32 $0x7, s8  }
0xe5: {  	s7 =	smov.u32 @p3 s9;
	[tilespmem:s30+$0xFFFFFF90] =	vst v1;
	v0 =	vadd.f32 v4, v0;
	s1 =	sadd.s32 $0xFFFFFFFD, s1  }
0xe6: {  	s3 =	simm.s32 $0xDF00;
	v1 =	vadd.f32 v2, v5;
	v2 =	vld [tilespmem:s7+$0x0];
	s1 =	sand.u32 $0xFF, s1  }
0xe7: {  	s9 =	simm.s32 $0x1C50;
	s7 =	simm.s32 $0x1C10;
	v3 =	vld [tilespmem:s31+$0xFFFFFFA0];
	[tilespmem:s16+$0xFFFFFFF0] =	vst v0;
	s1 =	sor.u32 s1, s5;
	v0 =	vadd.f32 v6, v7  }
0xe8: {  	s7 =	smov.u32 @p1 s9;
	[tilespmem:s3+$0xFFFFFF00] =	vst v1;
	v1 =	vld.msk [tilespmem:s1+$0x0], $0x1  }
0xe9: {  	s12 =	simm.s32 $0x27;
	s1 =	simm.s32 $0x1890;
	v4 =	vld [tilespmem:s7+$0x0];
	s7 =	simm.s32 $0x18D0;
	[tilespmem:s25+$0xFFFFFF40] =	vst v0  }
0xea: {  	v5 =	vld [tilespmem:s0+$0xFFFFFF10];
	s1 =	smov.u32 @p2 s7;
	[dreg:$0x6] =	wrdreg s12  }
0xeb: {  	s8 =	simm.s32 $0x27;
	v0 =	vld [tilespmem:s1+$0x0]  }
0xec: {  	s24 =	smul.u32 $0xCD, s8;
	v2 =	vadd.f32 v3, v2;
	v6 =	vld [tilespmem:s4+$0xFFFFFF50]  }
0xed: {  	s15 =	simm.s32 $0x10;
	s9 =	simm.s32 $0x1570;
	s7 =	simm.s32 $0x1530;
	(v2sf) =	vpush v1, $0x0  }
0xee: {  	s17 =	smul.u32 $0xCD, s15;
	s14 =	sadd.s32 $0xFFFFFA65, s24;
	s7 =	smov.u32 @p3 s9;
	[tilespmem:s30+$0xFFFFFFA0] =	vst v2  }
0xef: {  	s19 =	sadd.s32 $0xFFFFFCCC, s21;
	s10 =	simm.s32 $0x1C20;
	s1 =	sshrl.u32 s14, $0xD;
	v1 =	vadd.f32 v5, v4;
	v2 =	vld [tilespmem:s7+$0x0]  }
0xf0: {  	s12 =	simm.s32 $0x1C60;
	s1 =	sand.u32 $0x7, s1;
	v3 =	vld [tilespmem:s31+$0xFFFFFFB0];
	s7 =	sshrl.u32 s19, $0xD  }
0xf1: {  	s10 =	smov.u32 @p1 s12;
	s1 =	smul.u32 $0x28, s1;
	s7 =	sand.u32 $0x7, s7;
	[tilespmem:s3+$0xFFFFFF10] =	vst v1;
	v0 =	vadd.f32 v6, v0  }
0xf2: {  	s12 =	simm.s32 $0x18E0;
	s7 =	smul.u32 $0x28, s7;
	v1 =	vld [tilespmem:s10+$0x0];
	s10 =	simm.s32 $0x18A0  }
0xf3: {  	s9 =	sshrl.u32 s17, $0x5;
	s1 =	ssub.s32 $0x27, s1;
	v4 =	vld [tilespmem:s0+$0xFFFFFF20];
	s10 =	smov.u32 @p2 s12;
	[tilespmem:s25+$0xFFFFFF50] =	vst v0  }
0xf4: {  	s9 =	sand.u32 $0x780, s9;
	s1 =	sadd.s32 $0xFFFFFFF9, s1;
	s7 =	ssub.s32 $0xF, s7;
	v0 =	vld [tilespmem:s10+$0x0]  }
0xf5: {  	s19 =	sor.u32 $0x800, s9;
	s1 =	sand.u32 $0xFF, s1;
	v2 =	vadd.f32 v3, v2;
	s7 =	sadd.s32 $0xFFFFFFFC, s7;
	v5 =	vld [tilespmem:s4+$0xFFFFFF60]  }
0xf6: {  	s1 =	sor.u32 s1, s19;
	s7 =	sand.u32 $0xFF, s7  }
0xf7: {  	v3 =	vld.msk [tilespmem:s1+$0x0], $0x1;
	[tilespmem:s30+$0xFFFFFFB0] =	vst v2;
	s22 =	sor.u32 s7, s23  }
0xf8: {  	v1 =	vadd.f32 v4, v1;
	v2 =	vld.msk [tilespmem:s22+$0x0], $0x1  }
0xf9: {  	s1 =	simm.s32 $0x1C30;
	s7 =	simm.s32 $0x1C70  }
0xfa: {  	s26 =	sadd.s32 $0xFFFFFB32, s28;
	s1 =	smov.u32 @p1 s7;
	[tilespmem:s3+$0xFFFFFF20] =	vst v1;
	v1 =	vld [tilespmem:s2+$0x0];
	v0 =	vadd.f32 v5, v0  }
0xfb: {  	s9 =	simm.s32 $0x18F0;
	s12 =	sadd.s32 $0xFFFFFBFF, s13;
	s7 =	simm.s32 $0x18B0;
	v4 =	vld [tilespmem:s1+$0x0]  }
0xfc: {  	s10 =	simm.s32 $0x1200;
	s7 =	smov.u32 @p2 s9;
	v5 =	vld [tilespmem:s0+$0xFFFFFF30];
	(v2sf) =	vpush v3, $0x0;
	[tilespmem:s25+$0xFFFFFF60] =	vst v0;
	s8 =	spop (v2sf)  }
0xfd: {  	s9 =	simm.s32 $0x1240;
	s1 =	sshrl.u32 s26, $0xD;
	(v2sf) =	vpush v2, $0x0;
	v0 =	vld [tilespmem:s7+$0x0];
	p2 =	sgt.s32 s8, $0x0  }
0xfe: {  	s1 =	sand.u32 $0x7, s1;
	v2 =	vld [tilespmem:s4+$0xFFFFFF70];
	s7 =	sshrl.u32 s12, $0xD;
	s10 =	smov.u32 @p2 s9  }
0xff: {  	s1 =	smul.u32 $0x28, s1;
	s7 =	sand.u32 $0x7, s7;
	v3 =	vld [tilespmem:s10+$0x0]  }
0x100: {  	s7 =	smul.u32 $0x28, s7  }
0x101: {  	s1 =	ssub.s32 $0x1F, s1  }
0x102: {  	v4 =	vadd.f32 v5, v4;
	s1 =	sadd.s32 $0xFFFFFFFA, s1;
	s7 =	ssub.s32 $0x17, s7  }
0x103: {  	s1 =	sand.u32 $0xFF, s1;
	v0 =	vadd.f32 v2, v0;
	s7 =	sadd.s32 $0xFFFFFFFB, s7  }
0x104: {  	[tilespmem:s3+$0xFFFFFF30] =	vst v4;
	s1 =	sor.u32 s1, s18;
	s7 =	sand.u32 $0xFF, s7;
	v1 =	vadd.f32 v1, v3  }
0x105: {  	s9 =	simm.s32 $0x1250;
	v2 =	vld.msk [tilespmem:s1+$0x0], $0x1;
	[tilespmem:s25+$0xFFFFFF70] =	vst v0;
	s14 =	sor.u32 s7, s20;
	s7 =	simm.s32 $0x1210  }
0x106: {  	v0 =	vld.msk [tilespmem:s14+$0x0], $0x1;
	s7 =	smov.u32 @p2 s9;
	[tilespmem:s16+$0x0] =	vst v1  }
0x107: {  	v1 =	vld [tilespmem:s7+$0x0]  }
0x108: {  	v3 =	vld [tilespmem:s2+$0x10];
	_ =	sdelay $0x2  }
0x109: {  	(v2sf) =	vpush v2, $0x0;
	s15 =	spop (v2sf)  }
0x10a: {  	(v2sf) =	vpush v0, $0x0;
	s17 =	spop (v2sf)  }
0x10b: {  	s10 =	simm.s32 $0x15C0;
	s9 =	simm.s32 $0x1580;
	p1 =	sgt.s32 s17, $0x0;
	v0 =	vadd.f32 v3, v1  }
0x10c: {  	s7 =	simm.s32 $0x1220;
	s9 =	smov.u32 @p1 s10;
	s10 =	simm.s32 $0x1260;
	v1 =	vld [tilespmem:s31+$0xFFFFFFC0]  }
0x10d: {  	v2 =	vld [tilespmem:s9+$0x0];
	s7 =	smov.u32 @p2 s10;
	[tilespmem:s16+$0x10] =	vst v0  }
0x10e: {  	v0 =	vld [tilespmem:s7+$0x0]  }
0x10f: {  	v3 =	vld [tilespmem:s2+$0x20];
	_ =	sdelay $0x2  }
0x110: {  	v1 =	vadd.f32 v1, v2  }
0x111: {  	s9 =	simm.s32 $0x15D0;
	s7 =	simm.s32 $0x1590  }
0x112: {  	s7 =	smov.u32 @p1 s9;
	[tilespmem:s30+$0xFFFFFFC0] =	vst v1;
	v0 =	vadd.f32 v3, v0  }
0x113: {  	s9 =	simm.s32 $0x1270;
	v1 =	vld [tilespmem:s7+$0x0];
	s7 =	simm.s32 $0x1230  }
0x114: {  	v2 =	vld [tilespmem:s31+$0xFFFFFFD0];
	[tilespmem:s16+$0x20] =	vst v0;
	s7 =	smov.u32 @p2 s9  }
0x115: {  	s22 =	sadd.s32 $0xFFFFFE66, s11;
	v0 =	vld [tilespmem:s7+$0x0]  }
0x116: {  	s26 =	spop (v2sf);
	v3 =	vld [tilespmem:s2+$0x30];
	s7 =	sshrl.u32 s22, $0xD  }
0x117: {  	s12 =	simm.s32 $0x1940;
	s8 =	spop (v2sf);
	s7 =	sand.u32 $0x7, s7  }
0x118: {  	s9 =	simm.s32 $0x1900;
	p4 =	sgt.s32 s8, $0x0;
	s7 =	smul.u32 $0x28, s7  }
0x119: {  	s9 =	smov.u32 @p4 s12;
	v1 =	vadd.f32 v2, v1  }
0x11a: {  	s12 =	simm.s32 $0x15E0;
	v2 =	vld [tilespmem:s9+$0x0];
	s9 =	simm.s32 $0x15A0;
	s7 =	ssub.s32 $0x7, s7  }
0x11b: {  	v4 =	vld [tilespmem:s4+$0xFFFFFF80];
	s9 =	smov.u32 @p1 s12;
	[tilespmem:s30+$0xFFFFFFD0] =	vst v1;
	v0 =	vadd.f32 v3, v0;
	s7 =	sadd.s32 $0xFFFFFFFE, s7  }
0x11c: {  	v1 =	vld [tilespmem:s9+$0x0];
	s7 =	sand.u32 $0xFF, s7  }
0x11d: {  	v3 =	vld [tilespmem:s31+$0xFFFFFFE0];
	[tilespmem:s16+$0x30] =	vst v0;
	s7 =	sor.u32 s7, s5  }
0x11e: {  	v0 =	vld.msk [tilespmem:s7+$0x0], $0x1  }
0x11f: {  	s1 =	simm.s32 $0x2000  }
0x120: {  	p2 =	sgt.s32 s15, $0x0;
	s8 =	simm.s32 $0x14900;
	s7 =	simm.s32 $0x2040  }
0x121: {  	v5 =	vld [tilespmem:s8+$0xFFFFFF00];
	s1 =	smov.u32 @p2 s7;
	v2 =	vadd.f32 v4, v2  }
0x122: {  	v4 =	vld [tilespmem:s1+$0x0]  }
0x123: {  	s7 =	simm.s32 $0x1950;
	s1 =	simm.s32 $0x1910;
	[tilespmem:s25+$0xFFFFFF80] =	vst v2;
	v1 =	vadd.f32 v3, v1;
	(v2sf) =	vpush v0, $0x0  }
0x124: {  	s10 =	simm.s32 $0x1CC0;
	s1 =	smov.u32 @p4 s7;
	v2 =	vld [tilespmem:s4+$0xFFFFFF90]  }
0x125: {  	p3 =	sgt.s32 s26, $0x0;
	s7 =	simm.s32 $0x15F0;
	v0 =	vld [tilespmem:s1+$0x0];
	s1 =	simm.s32 $0x15B0;
	[tilespmem:s30+$0xFFFFFFE0] =	vst v1  }
0x126: {  	s9 =	sadd.s32 $0xFFFFFD99, s21;
	s1 =	smov.u32 @p1 s7;
	s7 =	simm.s32 $0x1C80;
	v3 =	vld [tilespmem:s31+$0xFFFFFFF0]  }
0x127: {  	v1 =	vld [tilespmem:s1+$0x0];
	s1 =	sshrl.u32 s9, $0xD;
	s7 =	smov.u32 @p3 s10;
	v4 =	vadd.f32 v5, v4  }
0x128: {  	s10 =	simm.s32 $0xE100;
	s1 =	sand.u32 $0x7, s1;
	v5 =	vld [tilespmem:s7+$0x0]  }
0x129: {  	s12 =	simm.s32 $0x2050;
	s7 =	simm.s32 $0x2010;
	s1 =	smul.u32 $0x28, s1;
	[tilespmem:s10+$0xFFFFFF00] =	vst v4;
	v4 =	vld [tilespmem:s0+$0xFFFFFF40]  }
0x12a: {  	s7 =	smov.u32 @p2 s12;
	v0 =	vadd.f32 v2, v0  }
0x12b: {  	s12 =	simm.s32 $0x1960;
	v2 =	vld [tilespmem:s7+$0x0];
	s7 =	simm.s32 $0x1920;
	s1 =	ssub.s32 $0xF, s1  }
0x12c: {  	v6 =	vld [tilespmem:s8+$0xFFFFFF10];
	s7 =	smov.u32 @p4 s12;
	[tilespmem:s25+$0xFFFFFF90] =	vst v0;
	v0 =	vadd.f32 v3, v1;
	s1 =	sadd.s32 $0xFFFFFFFD, s1  }
0x12d: {  	v1 =	vld [tilespmem:s7+$0x0];
	s1 =	sand.u32 $0xFF, s1  }
0x12e: {  	v3 =	vld [tilespmem:s4+$0xFFFFFFA0];
	[tilespmem:s30+$0xFFFFFFF0] =	vst v0;
	s1 =	sor.u32 s1, s23;
	v0 =	vadd.f32 v4, v5  }
0x12f: {  	s7 =	simm.s32 $0x1CD0;
	v4 =	vld.msk [tilespmem:s1+$0x0], $0x1;
	s1 =	simm.s32 $0x1C90  }
0x130: {  	s12 =	simm.s32 $0x2060;
	s1 =	smov.u32 @p3 s7;
	s7 =	simm.s32 $0x2020;
	[tilespmem:s3+$0xFFFFFF40] =	vst v0  }
0x131: {  	s17 =	simm.s32 $0x12C0;
	s15 =	simm.s32 $0x2F;
	v2 =	vadd.f32 v6, v2;
	s7 =	smov.u32 @p2 s12;
	v0 =	vld [tilespmem:s1+$0x0]  }
0x132: {  	s12 =	simm.s32 $0x2F;
	v5 =	vld [tilespmem:s0+$0xFFFFFF50];
	[dreg:$0xe] =	wrdreg s15;
	s14 =	spop (v2sf)  }
0x133: {  	s26 =	simm.s32 $0x14;
	v1 =	vadd.f32 v3, v1;
	[tilespmem:s10+$0xFFFFFF10] =	vst v2;
	p1 =	sgt.s32 s14, $0x0;
	s14 =	smul.u32 $0xCD, s12  }
0x134: {  	s1 =	simm.s32 $0x1930;
	s15 =	simm.s32 $0x1280;
	v2 =	vld [tilespmem:s7+$0x0];
	s7 =	smul.u32 $0xCD, s26  }
0x135: {  	[tilespmem:s25+$0xFFFFFFA0] =	vst v1;
	s12 =	simm.s32 $0x1970;
	s15 =	smov.u32 @p1 s17;
	s17 =	sadd.s32 $0xFFFFFA65, s14  }
0x136: {  	s9 =	sadd.s32 $0xFFFFFCCC, s13;
	(v2sf) =	vpush v4, $0x0;
	v3 =	vld [tilespmem:s4+$0xFFFFFFB0];
	s1 =	smov.u32 @p4 s12;
	s22 =	sshrl.u32 s17, $0xD  }
0x137: {  	s7 =	sshrl.u32 s7, $0x5;
	s12 =	sshrl.u32 s9, $0xD;
	v1 =	vld [tilespmem:s1+$0x0];
	s1 =	sand.u32 $0x7, s22  }
0x138: {  	v0 =	vadd.f32 v5, v0;
	v5 =	vld [tilespmem:s8+$0xFFFFFF20];
	s7 =	sand.u32 $0x780, s7;
	s12 =	sand.u32 $0x7, s12;
	s1 =	smul.u32 $0x28, s1  }
0x139: {  	v4 =	vld [tilespmem:s15+$0x0];
	s15 =	simm.s32 $0x1CA0;
	s12 =	smul.u32 $0x28, s12;
	s17 =	simm.s32 $0x1CE0  }
0x13a: {  	[tilespmem:s3+$0xFFFFFF50] =	vst v0;
	v0 =	vld [tilespmem:s2+$0x40];
	s15 =	smov.u32 @p3 s17;
	s22 =	sor.u32 $0x800, s7;
	s1 =	ssub.s32 $0x2F, s1  }
0x13b: {  	v6 =	vld [tilespmem:s15+$0x0];
	[dreg:$0x1e] =	wrdreg s22;
	s1 =	sadd.s32 $0xFFFFFFF9, s1  }
0x13c: {  	s12 =	ssub.s32 $0x17, s12;
	v7 =	vld [tilespmem:s0+$0xFFFFFF60];
	s1 =	sand.u32 $0xFF, s1  }
0x13d: {  	s15 =	sadd.s32 $0xFFFFFFFC, s12;
	v1 =	vadd.f32 v3, v1;
	s1 =	sor.u32 s1, s22  }
0x13e: {  	s7 =	sand.u32 $0xFF, s15;
	v3 =	vld.msk [tilespmem:s1+$0x0], $0x1  }
0x13f: {  	s17 =	sor.u32 s7, s20;
	v0 =	vadd.f32 v0, v4;
	s7 =	simm.s32 $0x2070;
	[tilespmem:s25+$0xFFFFFFB0] =	vst v1;
	s1 =	simm.s32 $0x2030  }
0x140: {  	s12 =	simm.s32 $0x12D0;
	v1 =	vld.msk [tilespmem:s17+$0x0], $0x1;
	s1 =	smov.u32 @p2 s7;
	s7 =	simm.s32 $0x1290  }
0x141: {  	v2 =	vadd.f32 v5, v2;
	[tilespmem:s16+$0x40] =	vst v0;
	v4 =	vadd.f32 v7, v6;
	v7 =	vld [tilespmem:s31+$0x0];
	s7 =	smov.u32 @p1 s12  }
0x142: {  	v0 =	vld [tilespmem:s7+$0x0]  }
0x143: {  	s26 =	sadd.s32 $0xFFFFFB32, s24;
	[tilespmem:s10+$0xFFFFFF20] =	vst v2;
	(v2sf) =	vpush v3, $0x0;
	v3 =	vld [tilespmem:s2+$0x50]  }
0x144: {  	s15 =	simm.s32 $0x1600;
	s17 =	sadd.s32 $0xFFFFFBFF, s28;
	v2 =	vld [tilespmem:s1+$0x0];
	s1 =	simm.s32 $0x1CB0  }
0x145: {  	[tilespmem:s3+$0xFFFFFF60] =	vst v4;
	s12 =	sshrl.u32 s26, $0xD;
	s7 =	simm.s32 $0x1CF0;
	s9 =	spop (v2sf);
	(v2sf) =	vpush v1, $0x0;
	v1 =	vld [tilespmem:s8+$0xFFFFFF30]  }
0x146: {  	v5 =	vld [tilespmem:s0+$0xFFFFFF70];
	s1 =	smov.u32 @p3 s7;
	p2 =	sgt.s32 s9, $0x0;
	s7 =	simm.s32 $0x1640  }
0x147: {  	s26 =	sshrl.u32 s17, $0xD;
	v4 =	vld [tilespmem:s1+$0x0];
	s15 =	smov.u32 @p2 s7;
	s1 =	sand.u32 $0x7, s12  }
0x148: {  	s7 =	sand.u32 $0x7, s26;
	v6 =	vld [tilespmem:s15+$0x0];
	s1 =	smul.u32 $0x28, s1;
	v0 =	vadd.f32 v3, v0  }
0x149: {  	s12 =	simm.s32 $0x12A0;
	s7 =	smul.u32 $0x28, s7;
	s15 =	simm.s32 $0x12E0  }
0x14a: {  	s12 =	smov.u32 @p1 s15;
	s1 =	ssub.s32 $0x27, s1;
	v1 =	vadd.f32 v1, v2;
	[tilespmem:s16+$0x50] =	vst v0  }
0x14b: {  	s7 =	ssub.s32 $0x1F, s7;
	s1 =	sadd.s32 $0xFFFFFFFA, s1;
	v0 =	vld [tilespmem:s12+$0x0]  }
0x14c: {  	s7 =	sadd.s32 $0xFFFFFFFB, s7;
	s1 =	sand.u32 $0xFF, s1;
	v2 =	vadd.f32 v5, v4;
	[tilespmem:s10+$0xFFFFFF30] =	vst v1;
	v1 =	vld [tilespmem:s2+$0x60]  }
0x14d: {  	s7 =	sand.u32 $0xFF, s7;
	s1 =	sor.u32 s1, s19;
	v4 =	vadd.f32 v7, v6  }
0x14e: {  	s7 =	sor.u32 s7, s18;
	[tilespmem:s3+$0xFFFFFF70] =	vst v2;
	v3 =	vld.msk [tilespmem:s1+$0x0], $0x1  }
0x14f: {  	[tilespmem:s30+$0x0] =	vst v4;
	v2 =	vld.msk [tilespmem:s7+$0x0], $0x1;
	s1 =	simm.s32 $0x1610;
	s7 =	simm.s32 $0x1650  }
0x150: {  	v5 =	vld [tilespmem:s31+$0x10];
	s1 =	smov.u32 @p2 s7  }
0x151: {  	v4 =	vld [tilespmem:s1+$0x0];
	v0 =	vadd.f32 v1, v0  }
0x152: {  	s7 =	simm.s32 $0x12F0;
	s1 =	simm.s32 $0x12B0  }
0x153: {  	s1 =	smov.u32 @p1 s7;
	[tilespmem:s16+$0x60] =	vst v0  }
0x154: {  	s17 =	sadd.s32 $0xFFFFFF33, s11;
	s7 =	simm.s32 $0x1980;
	s9 =	spop (v2sf);
	v0 =	vld [tilespmem:s1+$0x0]  }
0x155: {  	(v2sf) =	vpush v3, $0x0;
	s15 =	spop (v2sf);
	v1 =	vld [tilespmem:s2+$0x70];
	s1 =	sshrl.u32 s17, $0xD;
	s17 =	simm.s32 $0x1660  }
0x156: {  	(v2sf) =	vpush v2, $0x0;
	v2 =	vadd.f32 v5, v4;
	p5 =	sgt.s32 s15, $0x0;
	s15 =	simm.s32 $0x19C0;
	s1 =	sand.u32 $0x7, s1  }
0x157: {  	v4 =	vld [tilespmem:s4+$0xFFFFFFC0];
	s7 =	smov.u32 @p5 s15;
	s1 =	smul.u32 $0x28, s1;
	s15 =	simm.s32 $0x1620  }
0x158: {  	[tilespmem:s30+$0x10] =	vst v2;
	v3 =	vld [tilespmem:s7+$0x0];
	s15 =	smov.u32 @p2 s17  }
0x159: {  	v2 =	vld [tilespmem:s15+$0x0];
	s1 =	sxor.u32 $0xFFFFFFFF, s1  }
0x15a: {  	v0 =	vadd.f32 v1, v0;
	s1 =	sadd.s32 $0x7, s1;
	v1 =	vld [tilespmem:s31+$0x20]  }
0x15b: {  	s1 =	sand.u32 $0xFF, s1  }
0x15c: {  	[tilespmem:s16+$0x70] =	vst v0;
	s1 =	sor.u32 s1, s5  }
0x15d: {  	v0 =	vld.msk [tilespmem:s1+$0x0], $0x1  }
0x15e: {  	v3 =	vadd.f32 v4, v3  }
0x15f: {  	s7 =	simm.s32 $0x19D0;
	s1 =	simm.s32 $0x1990;
	v1 =	vadd.f32 v1, v2  }
0x160: {  	s15 =	simm.s32 $0x1670;
	s1 =	smov.u32 @p5 s7;
	s7 =	simm.s32 $0x1630;
	[tilespmem:s25+$0xFFFFFFC0] =	vst v3  }
0x161: {  	s7 =	smov.u32 @p2 s15;
	v2 =	vld [tilespmem:s1+$0x0];
	[tilespmem:s30+$0x20] =	vst v1  }
0x162: {  	(v2sf) =	vpush v0, $0x0;
	v0 =	vld [tilespmem:s7+$0x0];
	[dreg:$0x1b] =	wrdreg s21  }
0x163: {  	v1 =	vld [tilespmem:s31+$0x30]  }
0x164: {  	s26 =	spop (v2sf)  }
0x165: {  	s21 =	sadd.s32 $0xFFFFFE66, s21;
	s7 =	simm.s32 $0x1D00;
	s15 =	spop (v2sf);
	v3 =	vld [tilespmem:s4+$0xFFFFFFD0]  }
0x166: {  	s1 =	sshrl.u32 s21, $0xD;
	p2 =	sgt.s32 s15, $0x0;
	s15 =	simm.s32 $0x1D40  }
0x167: {  	s12 =	simm.s32 $0x2440;
	s1 =	sand.u32 $0x7, s1;
	s7 =	smov.u32 @p2 s15  }
0x168: {  	p1 =	sgt.s32 s9, $0x0;
	s1 =	smul.u32 $0x28, s1;
	v4 =	vld [tilespmem:s7+$0x0];
	s7 =	simm.s32 $0x2400;
	v0 =	vadd.f32 v1, v0  }
0x169: {  	v5 =	vld [tilespmem:s0+$0xFFFFFF80];
	s7 =	smov.u32 @p1 s12  }
0x16a: {  	s9 =	simm.s32 $0x14B00;
	s1 =	ssub.s32 $0xF, s1;
	v6 =	vld [tilespmem:s7+$0x0];
	v2 =	vadd.f32 v3, v2;
	[tilespmem:s30+$0x30] =	vst v0  }
0x16b: {  	s12 =	simm.s32 $0x19E0;
	v1 =	vld [tilespmem:s9+$0xFFFFFF00];
	s7 =	simm.s32 $0x19A0;
	[smem:$0x7EA] =	sst s23  }
0x16c: {  	s1 =	sadd.s32 $0xFFFFFFFE, s1;
	s7 =	smov.u32 @p5 s12;
	[tilespmem:s25+$0xFFFFFFD0] =	vst v2  }
0x16d: {  	s1 =	sand.u32 $0xFF, s1;
	v3 =	vld [tilespmem:s7+$0x0]  }
0x16e: {  	s1 =	sor.u32 s1, s23;
	v2 =	vadd.f32 v5, v4;
	v4 =	vld [tilespmem:s4+$0xFFFFFFE0]  }
0x16f: {  	p4 =	sgt.s32 s26, $0x0;
	v0 =	vld.msk [tilespmem:s1+$0x0], $0x1  }
0x170: {  	s12 =	simm.s32 $0x2450;
	s1 =	simm.s32 $0x1D10;
	s7 =	simm.s32 $0x1D50  }
0x171: {  	s23 =	simm.s32 $0xE300;
	v1 =	vadd.f32 v1, v6;
	v6 =	vld [tilespmem:s2+$0x80];
	s1 =	smov.u32 @p2 s7;
	[tilespmem:s3+$0xFFFFFF80] =	vst v2;
	s7 =	simm.s32 $0x2410  }
0x172: {  	s7 =	smov.u32 @p1 s12;
	v2 =	vld [tilespmem:s1+$0x0];
	s1 =	simm.s32 $0x2080;
	s12 =	simm.s32 $0x20C0  }
0x173: {  	v5 =	vld [tilespmem:s0+$0xFFFFFF90];
	[tilespmem:s23+$0xFFFFFF00] =	vst v1;
	s1 =	smov.u32 @p4 s12;
	s26 =	spop (v2sf);
	v3 =	vadd.f32 v4, v3  }
0x174: {  	s12 =	simm.s32 $0x1340;
	(v2sf) =	vpush v0, $0x0;
	v0 =	vld [tilespmem:s7+$0x0];
	s7 =	simm.s32 $0x1300;
	p3 =	sgt.s32 s26, $0x0  }
0x175: {  	v1 =	vld [tilespmem:s1+$0x0];
	s1 =	simm.s32 $0x19B0;
	s7 =	smov.u32 @p3 s12;
	[tilespmem:s25+$0xFFFFFFE0] =	vst v3  }
0x176: {  	v4 =	vld [tilespmem:s7+$0x0];
	s7 =	simm.s32 $0x19F0;
	[dreg:$0x11] =	wrdreg s13;
	s13 =	sadd.s32 $0xFFFFFD99, s13  }
0x177: {  	s1 =	smov.u32 @p5 s7;
	s15 =	sshrl.u32 s13, $0xD  }
0x178: {  	v3 =	vld [tilespmem:s1+$0x0];
	s1 =	sand.u32 $0x7, s15  }
0x179: {  	v2 =	vadd.f32 v5, v2;
	v5 =	vld [tilespmem:s4+$0xFFFFFFF0];
	s1 =	smul.u32 $0x28, s1  }
0x17a: {  	s12 =	simm.s32 $0x1D60;
	s7 =	simm.s32 $0x1D20;
	v7 =	vld [tilespmem:s9+$0xFFFFFF10]  }
0x17b: {  	s7 =	smov.u32 @p2 s12;
	[tilespmem:s3+$0xFFFFFF90] =	vst v2;
	v8 =	vld [tilespmem:s8+$0xFFFFFF40];
	v4 =	vadd.f32 v6, v4;
	s1 =	ssub.s32 $0x17, s1  }
0x17c: {  	s12 =	simm.s32 $0x1350;
	v2 =	vld [tilespmem:s7+$0x0];
	s7 =	simm.s32 $0x1310;
	s1 =	sadd.s32 $0xFFFFFFFD, s1  }
0x17d: {  	s17 =	simm.s32 $0x37;
	s7 =	smov.u32 @p3 s12;
	v6 =	vld [tilespmem:s0+$0xFFFFFFA0];
	[tilespmem:s16+$0x80] =	vst v4;
	s1 =	sand.u32 $0xFF, s1  }
0x17e: {  	v3 =	vadd.f32 v5, v3;
	v4 =	vld [tilespmem:s7+$0x0];
	[dreg:$0x14] =	wrdreg s20;
	s1 =	sor.u32 s1, s20;
	s20 =	simm.s32 $0x37  }
0x17f: {  	s21 =	smul.u32 $0xCD, s17;
	[smem:$0x7EB] =	sst s20  }
0x180: {  	s11 =	sshrl.u32 s11, $0xD;
	s17 =	simm.s32 $0x20D0;
	[tilespmem:s25+$0xFFFFFFF0] =	vst v3;
	v3 =	vld [tilespmem:s2+$0x90]  }
0x181: {  	s26 =	sadd.s32 $0xFFFFFA65, s21;
	s15 =	simm.s32 $0x2090;
	s12 =	simm.s32 $0x2460;
	v0 =	vadd.f32 v7, v0  }
0x182: {  	s15 =	smov.u32 @p4 s17;
	v1 =	vadd.f32 v8, v1;
	s7 =	simm.s32 $0x2420;
	v5 =	vld.msk [tilespmem:s1+$0x0], $0x1;
	[smem:$0x7EC] =	sst s21  }
0x183: {  	s17 =	simm.s32 $0x1D70;
	s7 =	smov.u32 @p1 s12;
	s12 =	simm.s32 $0x1D30;
	[tilespmem:s23+$0xFFFFFF10] =	vst v0;
	v0 =	vadd.f32 v6, v2  }
0x184: {  	s12 =	smov.u32 @p2 s17;
	s13 =	spop (v2sf);
	s1 =	sshrl.u32 s26, $0xD;
	[tilespmem:s10+$0xFFFFFF40] =	vst v1;
	v2 =	vld [tilespmem:s7+$0x0]  }
0x185: {  	s25 =	simm.s32 $0x18;
	p2 =	sgt.s32 s13, $0x0;
	s1 =	sand.u32 $0x7, s1;
	v1 =	vld [tilespmem:s15+$0x0];
	[tilespmem:s3+$0xFFFFFFA0] =	vst v0;
	v3 =	vadd.f32 v3, v4  }
0x186: {  	s7 =	simm.s32 $0x1680;
	s15 =	simm.s32 $0x16C0;
	s21 =	smul.u32 $0x28, s1;
	v0 =	vld [tilespmem:s12+$0x0]  }
0x187: {  	s26 =	simm.s32 $0x18;
	s1 =	smul.u32 $0xCD, s25;
	s7 =	smov.u32 @p2 s15;
	(v2sf) =	vpush v5, $0x0;
	v5 =	vld [tilespmem:s8+$0xFFFFFF50];
	[tilespmem:s16+$0x90] =	vst v3  }
0x188: {  	s15 =	simm.s32 $0x1360;
	v4 =	vld [tilespmem:s7+$0x0];
	s7 =	simm.s32 $0x1320;
	[smem:$0x7ED] =	sst s26  }
0x189: {  	s11 =	sand.u32 $0x7, s11;
	s7 =	smov.u32 @p3 s15;
	v6 =	vld [tilespmem:s9+$0xFFFFFF20]  }
0x18a: {  	s11 =	smul.u32 $0x28, s11;
	s15 =	sshrl.u32 s1, $0x5;
	v3 =	vld [tilespmem:s7+$0x0]  }
0x18b: {  	s17 =	simm.s32 $0x20A0;
	s12 =	ssub.s32 $0x37, s21;
	s15 =	sand.u32 $0x780, s15;
	v7 =	vld [tilespmem:s0+$0xFFFFFFB0]  }
0x18c: {  	s13 =	sadd.s32 $0xFFFFFCCC, s28;
	s12 =	sadd.s32 $0xFFFFFFF9, s12;
	s21 =	sor.u32 $0x800, s15;
	v62 =	vld [tilespmem:s31+$0x40];
	v1 =	vadd.f32 v5, v1  }
0x18d: {  	s20 =	sshrl.u32 s13, $0xD;
	s12 =	sand.u32 $0xFF, s12;
	v5 =	vld [tilespmem:s2+$0xA0];
	[smem:$0x7EE] =	sst s21  }
0x18e: {  	s7 =	sand.u32 $0x7, s20;
	s20 =	simm.s32 $0x20E0;
	s12 =	sor.u32 s12, s21;
	[tilespmem:s10+$0xFFFFFF50] =	vst v1;
	v1 =	vadd.f32 v6, v2  }
0x18f: {  	s29 =	simm.s32 $0xDD00;
	s11 =	ssub.s32 $0x7, s11;
	s17 =	smov.u32 @p4 s20;
	v9 =	vld.msk [tilespmem:s12+$0x0], $0x1  }
0x190: {  	s15 =	simm.s32 $0x2430;
	s7 =	smul.u32 $0x28, s7;
	s12 =	simm.s32 $0x2470;
	v2 =	vld [tilespmem:s17+$0x0];
	[tilespmem:s23+$0xFFFFFF20] =	vst v1  }
0x191: {  	s26 =	simm.s32 $0xDF00;
	s15 =	smov.u32 @p1 s12;
	v0 =	vadd.f32 v7, v0;
	v6 =	vld [tilespmem:s8+$0xFFFFFF60];
	[dreg:$0x7] =	wrdreg s18  }
0x192: {  	s11 =	sand.u32 $0xFF, s11;
	s7 =	ssub.s32 $0x1F, s7;
	v1 =	vadd.f32 v62, v4;
	v4 =	vld [tilespmem:s15+$0x0];
	[smem:$0x7EF] =	sst s26  }
0x193: {  	s0 =	simm.s32 $0x1690;
	s20 =	simm.s32 $0x20B0;
	s7 =	sadd.s32 $0xFFFFFFFC, s7;
	[tilespmem:s3+$0xFFFFFFB0] =	vst v0  }
0x194: {  	s21 =	simm.s32 $0x20F0;
	s7 =	sand.u32 $0xFF, s7;
	v0 =	vadd.f32 v5, v3;
	[dreg:$0x1c] =	wrdreg s14  }
0x195: {  	s20 =	smov.u32 @p4 s21;
	s17 =	simm.s32 $0x16D0;
	s7 =	sor.u32 s7, s18;
	[tilespmem:s30+$0x40] =	vst v1  }
0x196: {  	s21 =	simm.s32 $0x1330;
	s0 =	smov.u32 @p2 s17;
	s3 =	simm.s32 $0x1370;
	v3 =	vld.msk [tilespmem:s7+$0x0], $0x1;
	[tilespmem:s16+$0xA0] =	vst v0  }
0x197: {  	s15 =	simm.s32 $0x14B00;
	v2 =	vadd.f32 v6, v2;
	s21 =	smov.u32 @p3 s3;
	v1 =	vld [tilespmem:s0+$0x0];
	[smem:$0x7F0] =	sst s24  }
0x198: {  	s5 =	sor.u32 s11, s5;
	s11 =	simm.s32 $0x2200;
	v0 =	vld [tilespmem:s21+$0x0];
	[dreg:$0xa] =	wrdreg s15  }
0x199: {  	s25 =	smov.u32 s19;
	s19 =	simm.s32 $0x14100;
	s1 =	sadd.s32 $0xFFFFFB32, s14;
	v5 =	vld [tilespmem:s9+$0xFFFFFF30];
	[tilespmem:s10+$0xFFFFFF60] =	vst v2  }
0x19a: {  	s14 =	sadd.s32 $0xFFFFFBFF, s24;
	s17 =	spop (v2sf);
	v6 =	vld [tilespmem:s31+$0x50];
	[dreg:$0x5] =	wrdreg s19  }
0x19b: {  	s3 =	sshrl.u32 s1, $0xD;
	s0 =	sshrl.u32 s14, $0xD;
	p4 =	sgt.s32 s17, $0x0;
	v2 =	vld [tilespmem:s2+$0xB0]  }
0x19c: {  	s17 =	simm.s32 $0x1A00;
	s0 =	sand.u32 $0x7, s0;
	s15 =	simm.s32 $0x1A40;
	v7 =	vld [tilespmem:s20+$0x0]  }
0x19d: {  	s7 =	sand.u32 $0x7, s3;
	s18 =	smul.u32 $0x28, s0;
	s17 =	smov.u32 @p4 s15;
	v63 =	vld [tilespmem:s8+$0xFFFFFF70]  }
0x19e: {  	s7 =	smul.u32 $0x28, s7;
	s24 =	simm.s32 $0xE300;
	s21 =	simm.s32 $0x16E0;
	v10 =	vld [tilespmem:s17+$0x0];
	v4 =	vadd.f32 v5, v4  }
0x19f: {  	s0 =	simm.s32 $0x16A0;
	s20 =	ssub.s32 $0x27, s18;
	v5 =	vld [tilespmem:s4+$0x0];
	[dreg:$0xb] =	wrdreg s24  }
0x1a0: {  	s7 =	ssub.s32 $0x2F, s7;
	s0 =	smov.u32 @p2 s21;
	s2 =	sadd.s32 $0xFFFFFFFB, s20;
	[tilespmem:s23+$0xFFFFFF30] =	vst v4  }
0x1a1: {  	s7 =	sadd.s32 $0xFFFFFFFA, s7;
	s21 =	sand.u32 $0xFF, s2;
	[dreg:$0x17] =	wrdreg s25  }
0x1a2: {  	v1 =	vadd.f32 v6, v1;
	s15 =	sor.u32 s21, s25;
	[smem:$0x7F1] =	sst s6;
	s25 =	sshll.u32 s6, $0x1  }
0x1a3: {  	s13 =	simm.s32 $0x14700;
	s7 =	sand.u32 $0xFF, s7;
	[smem:$0x7F2] =	sst s25  }
0x1a4: {  	s12 =	simm.s32 $0xD900;
	s26 =	simm.s32 $0x1200;
	s7 =	sor.u32 s7, s22;
	v2 =	vadd.f32 v2, v0;
	[tilespmem:s30+$0x50] =	vst v1  }
0x1a5: {  	s14 =	simm.s32 $0x1E00;
	s9 =	simm.s32 $0x14900;
	v0 =	vld.msk [tilespmem:s7+$0x0], $0x1;
	[smem:$0x7F3] =	sst s26  }
0x1a6: {  	s19 =	simm.s32 $0x14500;
	s18 =	simm.s32 $0x1A00;
	s30 =	simm.s32 $0x2600;
	[tilespmem:s16+$0xB0] =	vst v2  }
0x1a7: {  	(v2sf) =	vpush v9, $0x0;
	s17 =	simm.s32 $0x1A50;
	s20 =	simm.s32 $0xDB00;
	v1 =	vld [tilespmem:s0+$0x0];
	[dreg:$0x1d] =	wrdreg s30  }
0x1a8: {  	(v2sf) =	vpush v3, $0x0;
	s22 =	simm.s32 $0x1600;
	s21 =	simm.s32 $0xE500;
	v6 =	vadd.f32 v63, v7;
	v3 =	vld [tilespmem:s31+$0x60];
	s31 =	simm.s32 $0xE100  }
0x1a9: {  	s23 =	simm.s32 $0x1A10;
	s6 =	simm.s32 $0x2A00;
	v2 =	vld.msk [tilespmem:s5+$0x0], $0x1;
	[smem:$0x7F4] =	sst s31  }
0x1aa: {  	s25 =	simm.s32 $0x14D00;
	v4 =	vadd.f32 v5, v10;
	s7 =	simm.s32 $0x14300;
	s26 =	simm.s32 $0x3F;
	[tilespmem:s10+$0xFFFFFF70] =	vst v6  }
.LBB2_3:
0x1ab: {  	[smem:$0x7E2] =	sst s12  }
0x1ac: {  	s1 =	sld [smem:$0x7ED]  }
0x1ad: {  	s0 =	rddreg [dreg:$0x1b]  }
0x1ae: {  	s23 =	smov.u32 @p4 s17;
	s31 =	sadd.s32 $0xB0, s22;
	s16 =	rddreg [dreg:$0x11]  }
0x1af: {  	s30 =	smov.u32 s22;
	s24 =	smov.u32 s28;
	s5 =	smov.u32 s18  }
0x1b0: {  	v5 =	vld.msk [tilespmem:s15+$0x0], $0x1;
	s15 =	smul.u32 $0xCD, s26;
	s4 =	sadd.s32 $0xFFFFFE40, s6;
	s10 =	smov.u32 s7  }
0x1b1: {  	s12 =	smov.u32 s6;
	s3 =	smov.u32 s0;
	s22 =	smov.u32 s16  }
0x1b2: {  	s16 =	sadd.s32 $0x60, s18;
	s8 =	sadd.s32 $0xF0, s30;
	[dreg:$0x11] =	wrdreg s24  }
0x1b3: {  	s0 =	sadd.s32 $0xFFFFFF80, s14;
	[smem:$0x7E7] =	sst s3;
	s17 =	sadd.s32 $0xFFFFFA65, s15  }
0x1b4: {  	[tilespmem:s29+$0x0] =	vst v4;
	s31 =	smov.u32 @p2 s8;
	s3 =	sadd.s32 $0xFFFFFF33, s3;
	[dreg:$0x1b] =	wrdreg s22  }
0x1b5: {  	s1 =	sadd.s32 $0x4, s1;
	v4 =	vld [tilespmem:s23+$0x0];
	s23 =	sadd.s32 $0x20, s18;
	[smem:$0x7E3] =	sst s26  }
0x1b6: {  	s2 =	spop (v2sf);
	[smem:$0x7E4] =	sst s7;
	s18 =	smov.u32 s29  }
0x1b7: {  	v7 =	vld [tilespmem:s25+$0xFFFFFF00];
	s29 =	smov.u32 s13;
	p3 =	sgt.s32 s2, $0x0;
	s2 =	sadd.s32 $0xFFFFFE00, s6  }
0x1b8: {  	v3 =	vadd.f32 v3, v1;
	v1 =	vld [tilespmem:s7+$0x80];
	s7 =	smov.u32 s25;
	s28 =	smul.u32 $0xCD, s1;
	s6 =	sshrl.u32 s17, $0xD  }
0x1b9: {  	v6 =	vld [tilespmem:s19+$0x10];
	(v2sf) =	vpush v2, $0x0;
	s23 =	smov.u32 @p4 s16;
	p1 =	slt.u32 s1, $0x60;
	s2 =	smov.u32 @p3 s4  }
0x1ba: {  	s4 =	sadd.s32 $0xFFFFFFC0, s14;
	s6 =	sand.u32 $0x7, s6;
	(v2sf) =	vpush v0, $0x0;
	v2 =	vld [tilespmem:s2+$0x0];
	s8 =	spop (v2sf)  }
0x1bb: {  	[tilespmem:s20+$0x60] =	vst v3;
	s2 =	smul.u32 $0x28, s6;
	(v2sf) =	vpush v5, $0x0;
	v5 =	vld [tilespmem:s13+$0xFFFFFFC0];
	s13 =	smov.u32 s18;
	s6 =	sadd.s32 $0xFFFFFE10, s12  }
0x1bc: {  	v0 =	vld [tilespmem:s31+$0x0];
	p5 =	sgt.s32 s8, $0x0;
	s31 =	sshrl.u32 s3, $0xD;
	s8 =	rddreg [dreg:$0x1c]  }
0x1bd: {  	s3 =	sshrl.u32 s28, $0x5;
	s28 =	rddreg [dreg:$0x5];
	s0 =	smov.u32 @p5 s4  }
0x1be: {  	v3 =	vadd.f32 v6, v4;
	v4 =	vld [tilespmem:s10+$0x70];
	s10 =	sand.u32 $0x7, s31;
	s2 =	ssub.s32 s26, s2;
	s4 =	sadd.s32 $0xFFFFFE50, s12  }
0x1bf: {  	s26 =	sld [smem:$0x7EA];
	s16 =	smul.u32 $0x28, s10;
	s2 =	sadd.s32 $0xFFFFFFF9, s2  }
0x1c0: {  	v6 =	vld [tilespmem:s0+$0x0];
	s10 =	smov.u32 s9;
	[tilespmem:s18+$0x10] =	vst v3;
	s18 =	sand.u32 $0x780, s3;
	s3 =	rddreg [dreg:$0x16]  }
0x1c1: {  	s2 =	sand.u32 $0xFF, s2;
	v3 =	vld [tilespmem:s23+$0x0];
	s31 =	sor.u32 $0x800, s18;
	v2 =	vadd.f32 v7, v2;
	[smem:$0x7ED] =	sst s1  }
0x1c2: {  	v8 =	vld [tilespmem:s9+$0xFFFFFF80];
	s6 =	smov.u32 @p3 s4;
	s1 =	sld [smem:$0x7F0];
	s2 =	sor.u32 s2, s31  }
0x1c3: {  	s9 =	smov.u32 s8;
	s0 =	sxor.u32 $0xFFFFFFFF, s16;
	s16 =	sld [smem:$0x7EC];
	v4 =	vadd.f32 v4, v0;
	v0 =	vld.msk [tilespmem:s2+$0x0], $0x1;
	[tilespmem:s21+$0xFFFFFF00] =	vst v2  }
0x1c4: {  	s23 =	smov.u32 s26;
	s0 =	sadd.s32 s3, s0;
	v2 =	vld [tilespmem:s6+$0x0];
	[smem:$0x7F0] =	sst s9  }
0x1c5: {  	s17 =	smov.u32 s20;
	s0 =	sand.u32 $0xFF, s0;
	[smem:$0x7E9] =	sst s23  }
0x1c6: {  	s2 =	sadd.s32 $0xFFFFFF90, s14;
	s4 =	smov.u32 s1;
	s1 =	sld [smem:$0x7F3]  }
0x1c7: {  	v7 =	vld [tilespmem:s19+$0x20];
	s0 =	sor.u32 s0, s26;
	s18 =	smov.u32 s16;
	[smem:$0x7E5] =	sst s4  }
0x1c8: {  	s23 =	smov.u32 s5;
	s6 =	sadd.s32 $0xFFFFFF00, s11;
	[dreg:$0x1c] =	wrdreg s18  }
0x1c9: {  	s26 =	sadd.s32 $0xFFFFFE66, s22;
	s4 =	sadd.s32 $0xFFFFFFD0, s14;
	s18 =	sld [smem:$0x7EF]  }
0x1ca: {  	v5 =	vadd.f32 v5, v6;
	[tilespmem:s20+$0x70] =	vst v4;
	s20 =	smov.u32 s15;
	s16 =	sshrl.u32 s26, $0xD;
	s26 =	rddreg [dreg:$0xa]  }
0x1cb: {  	v4 =	vld.msk [tilespmem:s0+$0x0], $0x1;
	s2 =	smov.u32 @p5 s4;
	[smem:$0x7EC] =	sst s20;
	s0 =	sadd.s32 $0x30, s5  }
0x1cc: {  	v3 =	vadd.f32 v7, v3;
	s20 =	smov.u32 s11;
	s11 =	rddreg [dreg:$0x1d];
	s4 =	sadd.s32 $0x180, s1;
	[tilespmem:s18+$0xFFFFFFC0] =	vst v5  }
0x1cd: {  	s8 =	sadd.s32 $0xFFFFFE80, s11;
	s15 =	sadd.s32 $0xFFFFFEC0, s11;
	v5 =	vld [tilespmem:s2+$0x0];
	s2 =	sadd.s32 $0x70, s5  }
0x1ce: {  	s5 =	smov.u32 s13;
	[smem:$0x7E6] =	sst s13;
	[tilespmem:s13+$0x20] =	vst v3;
	s13 =	sadd.s32 $0xFFFFFF40, s20  }
0x1cf: {  	v6 =	vld [tilespmem:s25+$0xFFFFFF10];
	s25 =	spop (v2sf);
	s0 =	smov.u32 @p4 s2;
	s2 =	sadd.s32 $0x1C0, s1  }
0x1d0: {  	v7 =	vld [tilespmem:s29+$0xFFFFFFD0];
	p6 =	sgt.s32 s25, $0x0;
	s9 =	spop (v2sf);
	s25 =	sand.u32 $0x7, s16  }
0x1d1: {  	v11 =	vld [tilespmem:s26+$0xFFFFFF40];
	s4 =	smov.u32 @p6 s2;
	p4 =	sgt.s32 s9, $0x0;
	s22 =	spop (v2sf)  }
0x1d2: {  	v9 =	vld [tilespmem:s19+$0x30];
	s9 =	smul.u32 $0x28, s25;
	s2 =	sadd.s32 $0xFFFFFFA0, s14;
	s25 =	rddreg [dreg:$0x1a]  }
0x1d3: {  	v3 =	vld [tilespmem:s0+$0x0];
	s8 =	smov.u32 @p4 s15;
	p2 =	sgt.s32 s22, $0x0;
	s15 =	rddreg [dreg:$0x14]  }
0x1d4: {  	v10 =	vld [tilespmem:s4+$0x0];
	s4 =	sadd.s32 $0xFFFFFFE0, s14;
	s22 =	rddreg [dreg:$0x7];
	s6 =	smov.u32 @p2 s13  }
0x1d5: {  	(v2sf) =	vpush v4, $0x0;
	v4 =	vld [tilespmem:s28+$0xC0];
	s2 =	smov.u32 @p5 s4;
	s16 =	smov.u32 s15;
	s15 =	sld [smem:$0x7E2];
	v5 =	vadd.f32 v7, v5  }
0x1d6: {  	v2 =	vadd.f32 v6, v2;
	s0 =	ssub.s32 s25, s9;
	s13 =	smov.u32 s22;
	s9 =	sld [smem:$0x7EE];
	v7 =	vld [tilespmem:s8+$0x0]  }
0x1d7: {  	s4 =	sadd.s32 $0xFFFFFE20, s12;
	v6 =	vld [tilespmem:s6+$0x0];
	s6 =	sadd.s32 $0xFFFFFE60, s12;
	[dreg:$0x14] =	wrdreg s13;
	[tilespmem:s18+$0xFFFFFFD0] =	vst v5  }
0x1d8: {  	s4 =	smov.u32 @p3 s6;
	s6 =	rddreg [dreg:$0x1e];
	v3 =	vadd.f32 v9, v3;
	v5 =	vld [tilespmem:s2+$0x0];
	[tilespmem:s21+$0xFFFFFF10] =	vst v2  }
0x1d9: {  	s0 =	sadd.s32 $0xFFFFFFFE, s0;
	v2 =	vld [tilespmem:s4+$0x0];
	[smem:$0x7EA] =	sst s16  }
0x1da: {  	s0 =	sand.u32 $0xFF, s0;
	s8 =	smov.u32 s6;
	[tilespmem:s5+$0x30] =	vst v3;
	s5 =	rddreg [dreg:$0x17]  }
0x1db: {  	s0 =	sor.u32 s0, s16;
	s2 =	sadd.s32 $0x190, s1;
	[dreg:$0x17] =	wrdreg s8  }
0x1dc: {  	s4 =	sadd.s32 $0x1D0, s1;
	s16 =	smov.u32 s9;
	s9 =	rddreg [dreg:$0xb]  }
0x1dd: {  	s6 =	smov.u32 s31;
	v52 =	vld [tilespmem:s29+$0xFFFFFFE0];
	s2 =	smov.u32 @p6 s4;
	[dreg:$0x1e] =	wrdreg s16  }
0x1de: {  	v4 =	vadd.f32 v4, v10;
	v3 =	vadd.f32 v11, v7;
	v7 =	vld.msk [tilespmem:s0+$0x0], $0x1;
	s22 =	smov.u32 s5;
	s0 =	sadd.s32 $0xFFFFFE90, s11;
	s5 =	sld [smem:$0x7F4]  }
0x1df: {  	s4 =	sadd.s32 $0xFFFFFED0, s11;
	s16 =	smov.u32 s25;
	s25 =	rddreg [dreg:$0x12]  }
0x1e0: {  	s31 =	sadd.s32 $0xFFFFFD99, s24;
	[tilespmem:s15+$0xC0] =	vst v4;
	s0 =	smov.u32 @p4 s4;
	[dreg:$0x16] =	wrdreg s16  }
0x1e1: {  	v4 =	vadd.f32 v8, v6;
	v6 =	vld [tilespmem:s2+$0x0];
	s2 =	sadd.s32 $0xFFFFFF10, s20;
	s4 =	sadd.s32 $0xFFFFFF50, s20;
	[dreg:$0x7] =	wrdreg s22;
	[tilespmem:s9+$0xFFFFFF40] =	vst v3  }
0x1e2: {  	s8 =	smov.u32 s3;
	s2 =	smov.u32 @p2 s4;
	v53 =	vld [tilespmem:s0+$0x0];
	[smem:$0x7EE] =	sst s6  }
0x1e3: {  	v3 =	vld [tilespmem:s28+$0xD0];
	s4 =	sadd.s32 $0x100, s30;
	[tilespmem:s5+$0xFFFFFF80] =	vst v4;
	v4 =	vadd.f32 v52, v5;
	[smem:$0x7E8] =	sst s8;
	s0 =	sadd.s32 $0xFFFFFFB0, s14  }
0x1e4: {  	s8 =	smov.u32 s25;
	s25 =	sld [smem:$0x7EB];
	v5 =	vld [tilespmem:s2+$0x0];
	s2 =	sadd.s32 $0xFFFFFFF0, s14  }
0x1e5: {  	s6 =	sadd.s32 $0x140, s30;
	v54 =	vld [tilespmem:s10+$0xFFFFFF90];
	[dreg:$0x1a] =	wrdreg s8;
	[tilespmem:s18+$0xFFFFFFE0] =	vst v4;
	s0 =	smov.u32 @p5 s2  }
0x1e6: {  	s2 =	sadd.s32 $0x1A0, s1;
	v4 =	vld [tilespmem:s0+$0x0];
	s0 =	sshrl.u32 s31, $0xD;
	s3 =	spop (v2sf)  }
0x1e7: {  	s31 =	smov.u32 s25;
	s25 =	sld [smem:$0x7E3];
	p5 =	sgt.s32 s3, $0x0  }
0x1e8: {  	v3 =	vadd.f32 v3, v6;
	s0 =	sand.u32 $0x7, s0;
	s4 =	smov.u32 @p5 s6;
	s6 =	sadd.s32 $0x1E0, s1  }
0x1e9: {  	s0 =	smul.u32 $0x28, s0;
	s2 =	smov.u32 @p6 s6;
	s6 =	rddreg [dreg:$0x6]  }
0x1ea: {  	(v2sf) =	vpush v7, $0x0;
	s3 =	smov.u32 s15;
	v7 =	vld [tilespmem:s4+$0x0];
	[tilespmem:s15+$0xD0] =	vst v3;
	s15 =	rddreg [dreg:$0xe]  }
0x1eb: {  	v55 =	vld [tilespmem:s29+$0xFFFFFFF0];
	s4 =	smov.u32 s25;
	s0 =	ssub.s32 s8, s0;
	s8 =	smov.u32 s5  }
0x1ec: {  	v6 =	vld [tilespmem:s26+$0xFFFFFF50];
	[dreg:$0xe] =	wrdreg s31;
	s16 =	smov.u32 s6;
	s24 =	smov.u32 s15  }
0x1ed: {  	v3 =	vadd.f32 v54, v5;
	v5 =	vld [tilespmem:s2+$0x0];
	[smem:$0x7EB] =	sst s4;
	s2 =	sadd.s32 $0xFFFFFF20, s20;
	s4 =	sadd.s32 $0xFFFFFF60, s20  }
0x1ee: {  	s0 =	sadd.s32 $0xFFFFFFFD, s0;
	s15 =	smov.u32 s18;
	s6 =	sld [smem:$0x7E4]  }
0x1ef: {  	s18 =	smov.u32 s14;
	s14 =	smov.u32 s12;
	[dreg:$0x12] =	wrdreg s16  }
0x1f0: {  	[dreg:$0x6] =	wrdreg s24;
	s2 =	smov.u32 @p2 s4;
	s0 =	sand.u32 $0xFF, s0  }
0x1f1: {  	v56 =	vld [tilespmem:s28+$0xE0];
	[tilespmem:s5+$0xFFFFFF90] =	vst v3;
	v3 =	vadd.f32 v55, v4;
	s24 =	smov.u32 s9;
	s4 =	sadd.s32 $0xFFFFFEE0, s11;
	[dreg:$0x1d] =	wrdreg s14  }
0x1f2: {  	v4 =	vadd.f32 v6, v53;
	s5 =	smov.u32 s21;
	s9 =	smov.u32 s20;
	s20 =	sld [smem:$0x7E5];
	v6 =	vld [tilespmem:s2+$0x0]  }
0x1f3: {  	s2 =	sadd.s32 $0xFFFFFEA0, s11;
	v58 =	vld [tilespmem:s10+$0xFFFFFFA0];
	s0 =	sor.u32 s0, s13;
	[dreg:$0xb] =	wrdreg s5;
	[tilespmem:s15+$0xFFFFFFF0] =	vst v3  }
0x1f4: {  	v57 =	vld [tilespmem:s7+$0xFFFFFF20];
	s5 =	smov.u32 s23;
	s13 =	smov.u32 s11;
	s14 =	smov.u32 s9;
	[tilespmem:s24+$0xFFFFFF50] =	vst v4;
	v1 =	vadd.f32 v1, v7  }
0x1f5: {  	s2 =	smov.u32 @p4 s4;
	s4 =	sadd.s32 $0x150, s30;
	v3 =	vld.msk [tilespmem:s0+$0x0], $0x1;
	s0 =	sadd.s32 $0x110, s30  }
0x1f6: {  	s11 =	smov.u32 s13;
	s13 =	smov.u32 s10;
	v4 =	vld [tilespmem:s2+$0x0];
	s0 =	smov.u32 @p5 s4;
	[tilespmem:s17+$0x80] =	vst v1;
	v1 =	vadd.f32 v56, v5  }
0x1f7: {  	s2 =	sadd.s32 $0x1F0, s1;
	s4 =	sadd.s32 $0x80, s5;
	v5 =	vld [tilespmem:s0+$0x0];
	s0 =	sadd.s32 $0x1B0, s1  }
0x1f8: {  	s1 =	smov.u32 s30;
	v7 =	vld [tilespmem:s6+$0x90];
	s30 =	smov.u32 s29;
	[tilespmem:s3+$0xE0] =	vst v1;
	s0 =	smov.u32 @p6 s2  }
0x1f9: {  	s29 =	smov.u32 s15;
	v1 =	vadd.f32 v58, v6;
	s2 =	sadd.s32 $0xFFFFFF70, s9;
	v6 =	vld [tilespmem:s0+$0x0];
	s0 =	sadd.s32 $0xFFFFFF30, s9  }
0x1fa: {  	(v2sf) =	vpush v3, $0x0;
	v3 =	vld [tilespmem:s28+$0xF0];
	s28 =	smov.u32 s6;
	s9 =	smov.u32 s19;
	s19 =	sadd.s32 $0xFFFFFCCC, s20  }
0x1fb: {  	v59 =	vld [tilespmem:s26+$0xFFFFFF60];
	s6 =	sadd.s32 $0xC0, s5;
	[tilespmem:s8+$0xFFFFFFA0] =	vst v1;
	s0 =	smov.u32 @p2 s2;
	s2 =	sadd.s32 $0x120, s1  }
0x1fc: {  	[dreg:$0x5] =	wrdreg s28;
	v1 =	vld [tilespmem:s0+$0x0];
	s23 =	spop (v2sf);
	s0 =	sshrl.u32 s19, $0xD  }
0x1fd: {  	v60 =	vld [tilespmem:s10+$0xFFFFFFB0];
	s10 =	smov.u32 s26;
	s19 =	smov.u32 s7;
	s26 =	sld [smem:$0x7E6]  }
0x1fe: {  	p2 =	sgt.s32 s23, $0x0;
	v5 =	vadd.f32 v7, v5;
	s0 =	sand.u32 $0x7, s0;
	s23 =	rddreg [dreg:$0x1c]  }
0x1ff: {  	v7 =	vld [tilespmem:s9+$0x40];
	[dreg:$0xa] =	wrdreg s19;
	s4 =	smov.u32 @p2 s6;
	s6 =	sadd.s32 $0x160, s1  }
0x200: {  	v2 =	vadd.f32 v57, v2;
	s19 =	smov.u32 s30;
	s0 =	smul.u32 $0x28, s0;
	v61 =	vld [tilespmem:s4+$0x0];
	[tilespmem:s17+$0x90] =	vst v5;
	s2 =	smov.u32 @p5 s6  }
0x201: {  	s4 =	sadd.s32 $0xFFFFFE70, s12;
	s6 =	sadd.s32 $0x40, s18;
	v5 =	vld [tilespmem:s2+$0x0];
	s2 =	sadd.s32 $0xFFFFFE30, s12  }
0x202: {  	v3 =	vadd.f32 v3, v6;
	s0 =	ssub.s32 s16, s0;
	[tilespmem:s21+$0xFFFFFF20] =	vst v2;
	v2 =	vld [tilespmem:s30+$0x0];
	s16 =	smov.u32 s26;
	s30 =	sld [smem:$0x7F0]  }
0x203: {  	s26 =	sadd.s32 $0x8, s25;
	s25 =	sld [smem:$0x7E7];
	s2 =	smov.u32 @p3 s4  }
0x204: {  	v4 =	vadd.f32 v59, v4;
	v6 =	vld [tilespmem:s28+$0xA0];
	[tilespmem:s3+$0xF0] =	vst v3;
	s0 =	sadd.s32 $0xFFFFFFFC, s0;
	s3 =	smov.u32 s17;
	s17 =	smov.u32 s9  }
0x205: {  	v1 =	vadd.f32 v60, v1;
	s4 =	sadd.s32 $0xFFFFFEF0, s11;
	v3 =	vld [tilespmem:s2+$0x0];
	s0 =	sand.u32 $0xFF, s0;
	s2 =	sadd.s32 $0xFFFFFEB0, s11  }
0x206: {  	v62 =	vld [tilespmem:s7+$0xFFFFFF30];
	[smem:$0x7EF] =	sst s8;
	[tilespmem:s24+$0xFFFFFF60] =	vst v4;
	s0 =	sor.u32 s0, s22;
	s22 =	smov.u32 s5  }
0x207: {  	[tilespmem:s8+$0xFFFFFFB0] =	vst v1;
	s2 =	smov.u32 @p4 s4;
	s8 =	sadd.s32 $0xFFFFFB32, s23;
	s30 =	sadd.s32 $0xFFFFFBFF, s30;
	v63 =	vld [tilespmem:s10+$0xFFFFFF70];
	v1 =	vadd.f32 v7, v61  }
0x208: {  	v4 =	vld.msk [tilespmem:s0+$0x0], $0x1;
	s0 =	sadd.s32 $0x90, s22;
	s4 =	sadd.s32 $0xD0, s22;
	s15 =	sshrl.u32 s8, $0xD  }
0x209: {  	v7 =	vld [tilespmem:s2+$0x0];
	s8 =	smov.u32 s18;
	s0 =	smov.u32 @p2 s4;
	s2 =	sand.u32 $0x7, s15;
	[tilespmem:s16+$0x40] =	vst v1  }
0x20a: {  	(v2sf) =	vpush v0, $0x0;
	v0 =	vadd.f32 v6, v5;
	s4 =	sadd.s32 $0x170, s1;
	s2 =	smul.u32 $0x28, s2;
	v1 =	vld [tilespmem:s0+$0x0];
	[smem:$0x7F3] =	sst s1  }
0x20b: {  	s0 =	sadd.s32 $0x130, s1;
	v5 =	vld [tilespmem:s9+$0x50];
	s9 =	smov.u32 s10;
	s10 =	rddreg [dreg:$0x6]  }
0x20c: {  	[tilespmem:s3+$0xA0] =	vst v0;
	s1 =	sshrl.u32 s30, $0xD;
	s30 =	sld [smem:$0x7E8];
	s0 =	smov.u32 @p5 s4  }
0x20d: {  	s2 =	ssub.s32 s31, s2;
	s31 =	rddreg [dreg:$0x1e];
	s4 =	sand.u32 $0x7, s1;
	v6 =	vld [tilespmem:s0+$0x0]  }
0x20e: {  	s23 =	spop (v2sf);
	s0 =	sshrl.u32 s25, $0xD;
	(v2sf) =	vpush v4, $0x0;
	v4 =	vld [tilespmem:s28+$0xB0];
	s28 =	smov.u32 s20  }
0x20f: {  	s2 =	sadd.s32 $0xFFFFFFFA, s2;
	s25 =	sadd.s32 $0x200, s7;
	s4 =	smul.u32 $0x28, s4  }
0x210: {  	s20 =	smov.u32 s16;
	s7 =	smov.u32 s17;
	p4 =	sgt.s32 s23, $0x0  }
0x211: {  	s0 =	sand.u32 $0x7, s0;
	s2 =	sand.u32 $0xFF, s2;
	s8 =	smov.u32 @p4 s6  }
0x212: {  	v0 =	vadd.f32 v62, v3;
	s23 =	rddreg [dreg:$0x17];
	s0 =	smul.u32 $0x28, s0;
	s2 =	sor.u32 s2, s31;
	v3 =	vld [tilespmem:s8+$0x0]  }
0x213: {  	s6 =	sadd.s32 $0xA0, s22;
	s15 =	ssub.s32 s10, s4;
	s31 =	sld [smem:$0x7E9];
	v1 =	vadd.f32 v5, v1  }
.Ltmp2:
0x214: {  	[tilespmem:s21+$0xFFFFFF30] =	vst v0;
	s8 =	sadd.s32 $0xE0, s22;
	s21 =	sadd.s32 $0x200, s21;
	v5 =	vadd.f32 v4, v6;
	(pc) =	sbr.rel @p1 .LBB2_3-.Ltmp2, $4  }
0x215: {  	v0 =	vld.msk [tilespmem:s2+$0x0], $0x1;
	s6 =	smov.u32 @p2 s8;
	s0 =	ssub.s32 s30, s0;
	s2 =	sadd.s32 $0xFFFFFFFB, s15;
	[tilespmem:s16+$0x50] =	vst v1;
	v6 =	vadd.f32 v63, v7  }
0x216: {  	s0 =	sand.u32 $0xFF, s0;
	s2 =	sand.u32 $0xFF, s2;
	v1 =	vld [tilespmem:s6+$0x0];
	s6 =	sadd.s32 $0x400, s12;
	[tilespmem:s3+$0xB0] =	vst v5  }
0x217: {  	s12 =	smov.u32 s3;
	s0 =	sor.u32 s0, s31;
	[smem:$0x7F4] =	sst s24;
	[tilespmem:s24+$0xFFFFFF70] =	vst v6;
	v4 =	vadd.f32 v2, v3;
	v3 =	vld [tilespmem:s17+$0x60]  }
0x218: {  	s15 =	sor.u32 s2, s23;
	s23 =	sadd.s32 $0x10, s18;
	s17 =	sadd.s32 $0x50, s18;
	v2 =	vld.msk [tilespmem:s0+$0x0], $0x1  }
0x219: {  	s23 =	smov.u32 @p4 s17;
	[tilespmem:s29+$0x0] =	vst v4  }
0x21a: {  	v4 =	vld [tilespmem:s23+$0x0]  }
0x21b: {  	v5 =	vld [tilespmem:s19+$0x10];
	_ =	sdelay $0x4  }
0x21c: {  	v4 =	vadd.f32 v5, v4  }
0x21d: {  	s0 =	sadd.s32 $0x20, s18;
	s1 =	sadd.s32 $0x60, s18  }
0x21e: {  	v36 =	vld.msk [tilespmem:s15+$0x0], $0x1;
	s0 =	smov.u32 @p4 s1;
	v1 =	vadd.f32 v3, v1;
	[tilespmem:s29+$0x10] =	vst v4  }
0x21f: {  	v4 =	vld [tilespmem:s0+$0x0]  }
0x220: {  	s1 =	sadd.s32 $0xF0, s22;
	(v2sf) =	vpush v2, $0x0;
	[tilespmem:s20+$0x60] =	vst v1;
	v37 =	vld [tilespmem:s19+$0x20];
	s0 =	sadd.s32 $0xB0, s22  }
0x221: {  	v1 =	vld [tilespmem:s7+$0x70];
	s0 =	smov.u32 @p2 s1  }
0x222: {  	s3 =	smov.u32 s29;
	s24 =	smov.u32 s20;
	v38 =	vld [tilespmem:s0+$0x0]  }
0x223: {  	s4 =	sadd.s32 $0xFFFFFFC0, s14;
	(v2sf) =	vpush v0, $0x0;
	s20 =	rddreg [dreg:$0x1b];
	s1 =	spop (v2sf)  }
0x224: {  	s15 =	smov.u32 s13;
	(v2sf) =	vpush v36, $0x0;
	s2 =	sadd.s32 $0xFFFFFF33, s20;
	s29 =	spop (v2sf)  }
0x225: {  	s30 =	sshrl.u32 s2, $0xD;
	s2 =	sadd.s32 $0xFFFFFF80, s14;
	p3 =	sgt.s32 s29, $0x0;
	v2 =	vadd.f32 v37, v4  }
0x226: {  	s29 =	smov.u32 s7;
	s0 =	sand.u32 $0x7, s30;
	s2 =	smov.u32 @p3 s4  }
0x227: {  	s0 =	smul.u32 $0x28, s0;
	s4 =	sadd.s32 $0x70, s18;
	v39 =	vld [tilespmem:s2+$0x0];
	s2 =	sadd.s32 $0x30, s18;
	[tilespmem:s3+$0x20] =	vst v2;
	v0 =	vadd.f32 v1, v38  }
0x228: {  	v40 =	vld [tilespmem:s13+$0xFFFFFFC0];
	s7 =	smov.u32 s3;
	s2 =	smov.u32 @p4 s4;
	s3 =	rddreg [dreg:$0x11]  }
0x229: {  	s0 =	sxor.u32 $0xFFFFFFFF, s0;
	v2 =	vld [tilespmem:s2+$0x0];
	s17 =	rddreg [dreg:$0x16];
	s31 =	sadd.s32 $0xFFFFFE66, s3;
	[tilespmem:s24+$0x70] =	vst v0  }
0x22a: {  	v41 =	vld [tilespmem:s19+$0x30];
	s0 =	sadd.s32 s17, s0;
	s2 =	sshrl.u32 s31, $0xD;
	s31 =	sld [smem:$0x7EA]  }
0x22b: {  	s26 =	smov.u32 s3;
	s4 =	rddreg [dreg:$0x1a];
	s2 =	sand.u32 $0x7, s2  }
0x22c: {  	s0 =	sand.u32 $0xFF, s0;
	s23 =	sld [smem:$0x7EF];
	s3 =	smul.u32 $0x28, s2  }
0x22d: {  	s13 =	smov.u32 s18;
	v3 =	vadd.f32 v40, v39;
	s18 =	smov.u32 s4;
	s0 =	sor.u32 s0, s31  }
0x22e: {  	s2 =	sadd.s32 $0xFFFFFF90, s14;
	v0 =	vld.msk [tilespmem:s0+$0x0], $0x1;
	s0 =	ssub.s32 s4, s3;
	s4 =	sadd.s32 $0xFFFFFFD0, s14  }
0x22f: {  	s5 =	spop (v2sf);
	[tilespmem:s23+$0xFFFFFFC0] =	vst v3;
	v1 =	vadd.f32 v41, v2;
	s2 =	smov.u32 @p3 s4  }
0x230: {  	v42 =	vld [tilespmem:s2+$0x0];
	[smem:$0x7DB] =	sst s5  }
0x231: {  	s8 =	smov.u32 s19;
	s0 =	sadd.s32 $0xFFFFFFFE, s0;
	[tilespmem:s7+$0x30] =	vst v1  }
0x232: {  	s19 =	spop (v2sf);
	s0 =	sand.u32 $0xFF, s0;
	v3 =	vld [tilespmem:s15+$0xFFFFFFD0];
	s16 =	rddreg [dreg:$0x14]  }
0x233: {  	s3 =	spop (v2sf);
	s0 =	sor.u32 s0, s16  }
0x234: {  	s4 =	sadd.s32 $0xFFFFFF40, s11;
	p5 =	sgt.s32 s3, $0x0;
	(v2sf) =	vpush v0, $0x0;
	v43 =	vld.msk [tilespmem:s0+$0x0], $0x1;
	s0 =	sadd.s32 $0xFFFFFF00, s11  }
0x235: {  	v45 =	vld [tilespmem:s9+$0xFFFFFF80];
	s0 =	smov.u32 @p5 s4  }
0x236: {  	v44 =	vld [tilespmem:s0+$0x0]  }
0x237: {  	v2 =	vadd.f32 v3, v42  }
0x238: {  	p2 =	sgt.s32 s1, $0x0;
	s1 =	sadd.s32 $0xFFFFFE40, s6;
	s0 =	sadd.s32 $0xFFFFFE00, s6  }
0x239: {  	s10 =	smov.u32 s14;
	v47 =	vld [tilespmem:s25+$0xFFFFFF00];
	s0 =	smov.u32 @p2 s1;
	[tilespmem:s23+$0xFFFFFFD0] =	vst v2;
	(v2sf) =	vpush v43, $0x0  }
0x23a: {  	s1 =	sadd.s32 $0xFFFFFFE0, s14;
	v46 =	vld [tilespmem:s0+$0x0];
	s0 =	sadd.s32 $0xFFFFFFA0, s14;
	s14 =	sld [smem:$0x7F4]  }
0x23b: {  	s3 =	smov.u32 s6;
	s4 =	sadd.s32 $0xFFFFFF10, s11;
	s0 =	smov.u32 @p3 s1;
	v48 =	vld [tilespmem:s15+$0xFFFFFFE0];
	v1 =	vadd.f32 v45, v44  }
0x23c: {  	s1 =	sadd.s32 $0xFFFFFE50, s6;
	v2 =	vld [tilespmem:s0+$0x0];
	s0 =	sadd.s32 $0xFFFFFE10, s6;
	s6 =	sadd.s32 $0xFFFFFF50, s11  }
0x23d: {  	s4 =	smov.u32 @p5 s6;
	[tilespmem:s14+$0xFFFFFF80] =	vst v1  }
0x23e: {  	v1 =	vld [tilespmem:s4+$0x0]  }
0x23f: {  	v0 =	vadd.f32 v47, v46;
	v50 =	vld [tilespmem:s9+$0xFFFFFF90]  }
0x240: {  	p1 =	sgt.s32 s19, $0x0;
	s5 =	smov.u32 s22;
	s22 =	rddreg [dreg:$0x1d];
	v7 =	vld [tilespmem:s29+$0x80]  }
0x241: {  	s0 =	smov.u32 @p2 s1;
	v57 =	vld [tilespmem:s8+$0x40];
	s1 =	sadd.s32 $0xFFFFFE80, s22;
	s2 =	sadd.s32 $0xFFFFFEC0, s22;
	[tilespmem:s21+$0xFFFFFF00] =	vst v0;
	v49 =	vadd.f32 v48, v2  }
0x242: {  	s4 =	sadd.s32 $0xFFFFFFF0, s10;
	s1 =	smov.u32 @p1 s2;
	s2 =	sadd.s32 $0xFFFFFFB0, s10;
	v51 =	vld [tilespmem:s0+$0x0]  }
0x243: {  	s0 =	sadd.s32 $0x100, s5;
	v6 =	vld [tilespmem:s25+$0xFFFFFF10];
	s2 =	smov.u32 @p3 s4;
	[tilespmem:s23+$0xFFFFFFE0] =	vst v49;
	s4 =	spop (v2sf)  }
0x244: {  	v52 =	vld [tilespmem:s1+$0x0];
	s1 =	sadd.s32 $0x140, s5;
	s19 =	rddreg [dreg:$0xa];
	p4 =	sgt.s32 s4, $0x0  }
0x245: {  	v54 =	vld [tilespmem:s19+$0xFFFFFF40];
	s0 =	smov.u32 @p4 s1  }
0x246: {  	s6 =	sadd.s32 $0xFFFFFD99, s28;
	v1 =	vadd.f32 v50, v1;
	v53 =	vld [tilespmem:s0+$0x0]  }
0x247: {  	v0 =	vld [tilespmem:s2+$0x0];
	s2 =	sadd.s32 $0xC0, s13;
	s4 =	sshrl.u32 s6, $0xD;
	s6 =	sadd.s32 $0xFFFFFED0, s22  }
0x248: {  	v8 =	vld [tilespmem:s15+$0xFFFFFFF0];
	s1 =	sadd.s32 $0xFFFFFF60, s11;
	s0 =	sadd.s32 $0xFFFFFF20, s11;
	[tilespmem:s14+$0xFFFFFF90] =	vst v1;
	v3 =	vadd.f32 v6, v51;
	s16 =	spop (v2sf)  }
0x249: {  	s0 =	smov.u32 @p5 s1;
	s1 =	sadd.s32 $0x80, s13;
	v55 =	vld [tilespmem:s9+$0xFFFFFFA0];
	p3 =	sgt.s32 s16, $0x0  }
0x24a: {  	v1 =	vld [tilespmem:s0+$0x0];
	s0 =	sand.u32 $0x7, s4;
	s4 =	sadd.s32 $0xFFFFFE90, s22;
	[tilespmem:s21+$0xFFFFFF10] =	vst v3;
	v2 =	vadd.f32 v54, v52;
	s1 =	smov.u32 @p3 s2  }
0x24b: {  	s16 =	rddreg [dreg:$0xb];
	s2 =	sadd.s32 $0xFFFFFE20, s3;
	v56 =	vadd.f32 v7, v53;
	v9 =	vld [tilespmem:s1+$0x0];
	s1 =	sadd.s32 $0xFFFFFE60, s3  }
0x24c: {  	s0 =	smul.u32 $0x28, s0;
	s4 =	smov.u32 @p1 s6;
	v12 =	vld [tilespmem:s25+$0xFFFFFF20];
	[tilespmem:s16+$0xFFFFFF40] =	vst v2;
	s2 =	smov.u32 @p2 s1  }
0x24d: {  	v0 =	vadd.f32 v8, v0;
	s6 =	rddreg [dreg:$0x12];
	s1 =	sadd.s32 $0x110, s5;
	[tilespmem:s24+$0x80] =	vst v56;
	v58 =	vld [tilespmem:s2+$0x0];
	s2 =	sadd.s32 $0x150, s5  }
0x24e: {  	s0 =	ssub.s32 s6, s0;
	v59 =	vld [tilespmem:s29+$0x90];
	s1 =	smov.u32 @p4 s2  }
0x24f: {  	[tilespmem:s23+$0xFFFFFFF0] =	vst v0;
	v1 =	vadd.f32 v55, v1;
	s0 =	sadd.s32 $0xFFFFFFFD, s0;
	v3 =	vld [tilespmem:s1+$0x0]  }
0x250: {  	v2 =	vld [tilespmem:s4+$0x0];
	s0 =	sand.u32 $0xFF, s0;
	s2 =	rddreg [dreg:$0x7];
	v61 =	vadd.f32 v57, v9  }
0x251: {  	v63 =	vld [tilespmem:s19+$0xFFFFFF50];
	[tilespmem:s14+$0xFFFFFFA0] =	vst v1;
	s0 =	sor.u32 s0, s2;
	s1 =	sadd.s32 $0xFFFFFF30, s11;
	s2 =	sadd.s32 $0xFFFFFF70, s11  }
0x252: {  	v60 =	vld.msk [tilespmem:s0+$0x0], $0x1;
	s1 =	smov.u32 @p5 s2;
	[tilespmem:s7+$0x40] =	vst v61  }
0x253: {  	s0 =	sadd.s32 $0x90, s13;
	v62 =	vld [tilespmem:s1+$0x0];
	s1 =	sadd.s32 $0xD0, s13;
	s4 =	sld [smem:$0x7F0]  }
0x254: {  	v13 =	vld [tilespmem:s9+$0xFFFFFFB0];
	s0 =	smov.u32 @p3 s1;
	v0 =	vadd.f32 v59, v3  }
0x255: {  	s30 =	smov.u32 s7;
	s2 =	sadd.s32 $0x160, s5;
	s1 =	sadd.s32 $0x120, s5;
	v1 =	vld [tilespmem:s0+$0x0]  }
0x256: {  	s7 =	rddreg [dreg:$0x1e];
	s1 =	smov.u32 @p4 s2;
	v14 =	vld [tilespmem:s8+$0x50];
	s0 =	sadd.s32 $0xFFFFFCCC, s4;
	[tilespmem:s24+$0x90] =	vst v0  }
0x257: {  	v2 =	vadd.f32 v63, v2;
	s0 =	sshrl.u32 s0, $0xD;
	v15 =	vld [tilespmem:s1+$0x0]  }
0x258: {  	v16 =	vld [tilespmem:s29+$0xA0];
	[smem:$0x7E4] =	sst s29;
	s0 =	sand.u32 $0x7, s0  }
0x259: {  	v17 =	vadd.f32 v12, v58;
	[tilespmem:s16+$0xFFFFFF50] =	vst v2;
	s0 =	smul.u32 $0x28, s0  }
0x25a: {  	s2 =	sadd.s32 $0xFFFFFEE0, s22;
	v3 =	vadd.f32 v13, v62;
	s1 =	sadd.s32 $0xFFFFFEA0, s22;
	s6 =	rddreg [dreg:$0x6]  }
0x25b: {  	s1 =	smov.u32 @p1 s2;
	[tilespmem:s21+$0xFFFFFF20] =	vst v17;
	s0 =	ssub.s32 s6, s0  }
0x25c: {  	s2 =	sadd.s32 $0xFFFFFE70, s3;
	v0 =	vadd.f32 v14, v1;
	v18 =	vld [tilespmem:s1+$0x0];
	s1 =	sadd.s32 $0xFFFFFE30, s3;
	[tilespmem:s14+$0xFFFFFFB0] =	vst v3;
	s0 =	sadd.s32 $0xFFFFFFFC, s0  }
0x25d: {  	(v2sf) =	vpush v60, $0x0;
	v19 =	vld [tilespmem:s19+$0xFFFFFF60];
	s1 =	smov.u32 @p2 s2;
	s2 =	rddreg [dreg:$0x17];
	s0 =	sand.u32 $0xFF, s0  }
0x25e: {  	[tilespmem:s30+$0x50] =	vst v0;
	v20 =	vld [tilespmem:s1+$0x0];
	s1 =	sadd.s32 $0xA0, s13;
	s0 =	sor.u32 s0, s2;
	s2 =	sadd.s32 $0xE0, s13  }
0x25f: {  	s4 =	sld [smem:$0x7EC];
	v21 =	vld.msk [tilespmem:s0+$0x0], $0x1;
	s1 =	smov.u32 @p3 s2  }
0x260: {  	v22 =	vadd.f32 v16, v15;
	v0 =	vld [tilespmem:s1+$0x0];
	[smem:$0x7DD] =	sst s5  }
0x261: {  	s2 =	sadd.s32 $0x170, s5;
	s1 =	sadd.s32 $0x130, s5;
	[smem:$0x7DE] =	sst s24  }
0x262: {  	s1 =	smov.u32 @p4 s2;
	[tilespmem:s24+$0xA0] =	vst v22;
	v23 =	vld [tilespmem:s8+$0x60]  }
0x263: {  	s0 =	sadd.s32 $0xFFFFFB32, s4;
	v24 =	vld [tilespmem:s1+$0x0]  }
0x264: {  	v4 =	vadd.f32 v19, v18;
	s4 =	sadd.s32 $0xFFFFFEF0, s22;
	s0 =	sshrl.u32 s0, $0xD;
	v25 =	vld [tilespmem:s29+$0xB0]  }
0x265: {  	s5 =	sshrl.u32 s20, $0xD;
	s0 =	sand.u32 $0x7, s0;
	s2 =	sadd.s32 $0xFFFFFEB0, s22  }
0x266: {  	v26 =	vld [tilespmem:s25+$0xFFFFFF30];
	[tilespmem:s16+$0xFFFFFF60] =	vst v4;
	s2 =	smov.u32 @p1 s4;
	s0 =	smul.u32 $0x28, s0;
	s1 =	sand.u32 $0x7, s5  }
0x267: {  	s6 =	rddreg [dreg:$0x1c];
	s4 =	sadd.s32 $0xB0, s13;
	s1 =	smul.u32 $0x28, s1;
	v0 =	vadd.f32 v23, v0  }
0x268: {  	s20 =	sld [smem:$0x7EB];
	v4 =	vld [tilespmem:s2+$0x0];
	s2 =	sadd.s32 $0xFFFFFBFF, s6;
	s6 =	sadd.s32 $0xF0, s13  }
0x269: {  	v27 =	vld [tilespmem:s19+$0xFFFFFF70];
	s2 =	sshrl.u32 s2, $0xD;
	s4 =	smov.u32 @p3 s6;
	s1 =	ssub.s32 s17, s1;
	v28 =	vadd.f32 v25, v24;
	[tilespmem:s30+$0x60] =	vst v0  }
0x26a: {  	s29 =	sadd.s32 $0xFFFFFF33, s26;
	s2 =	sand.u32 $0x7, s2;
	s1 =	sand.u32 $0xFF, s1;
	v0 =	vld [tilespmem:s4+$0x0]  }
0x26b: {  	(v2sf) =	vpush v21, $0x0;
	s0 =	ssub.s32 s20, s0;
	v1 =	vadd.f32 v26, v20;
	s1 =	sor.u32 s1, s31;
	s31 =	rddreg [dreg:$0xe];
	[tilespmem:s24+$0xB0] =	vst v28;
	v29 =	vld [tilespmem:s8+$0x70]  }
0x26c: {  	s6 =	spop (v2sf);
	s2 =	smul.u32 $0x28, s2;
	s0 =	sadd.s32 $0xFFFFFFFA, s0;
	v30 =	vld.msk [tilespmem:s1+$0x0], $0x1  }
0x26d: {  	p5 =	sgt.s32 s6, $0x0;
	s0 =	sand.u32 $0xFF, s0;
	s4 =	sshrl.u32 s29, $0xD;
	[tilespmem:s21+$0xFFFFFF30] =	vst v1  }
0x26e: {  	s2 =	ssub.s32 s31, s2;
	s17 =	sld [smem:$0x7EE];
	s24 =	sand.u32 $0x7, s4  }
0x26f: {  	s4 =	smov.u32 s10;
	s20 =	sadd.s32 $0xFFFFFFFB, s2;
	s2 =	sadd.s32 $0x40, s10  }
0x270: {  	v34 =	vld [tilespmem:s15+$0x0];
	v31 =	vadd.f32 v27, v4;
	s26 =	smov.u32 s31;
	s31 =	smul.u32 $0x28, s24;
	s4 =	smov.u32 @p5 s2  }
0x271: {  	s29 =	sand.u32 $0xFF, s20;
	s0 =	sor.u32 s0, s17;
	v33 =	vld [tilespmem:s4+$0x0];
	v0 =	vadd.f32 v29, v0;
	(v2sf) =	vpush v30, $0x0  }
0x272: {  	[tilespmem:s16+$0xFFFFFF70] =	vst v31;
	s17 =	sxor.u32 $0xFFFFFFFF, s31;
	v32 =	vld.msk [tilespmem:s0+$0x0], $0x1;
	s0 =	sor.u32 s29, s7  }
0x273: {  	v1 =	vld.msk [tilespmem:s0+$0x0], $0x1;
	s0 =	sadd.s32 s18, s17;
	[tilespmem:s30+$0x70] =	vst v0  }
0x274: {  	s29 =	smov.u32 s18;
	s0 =	sand.u32 $0xFF, s0;
	s18 =	rddreg [dreg:$0x14]  }
0x275: {  	s0 =	sor.u32 s0, s18  }
0x276: {  	v0 =	vld.msk [tilespmem:s0+$0x0], $0x1  }
0x277: {  	v35 =	vadd.f32 v34, v33;
	(v2sf) =	vpush v32, $0x0  }
0x278: {  	s1 =	sadd.s32 $0x50, s10;
	s0 =	sadd.s32 $0x10, s10  }
0x279: {  	(v2sf) =	vpush v1, $0x0;
	s0 =	smov.u32 @p5 s1;
	[tilespmem:s23+$0x0] =	vst v35  }
0x27a: {  	s20 =	spop (v2sf);
	v36 =	vld [tilespmem:s0+$0x0]  }
0x27b: {  	s2 =	sadd.s32 $0xFFFFFFC0, s11;
	p4 =	sgt.s32 s20, $0x0;
	s1 =	sadd.s32 $0xFFFFFF80, s11;
	v38 =	vld [tilespmem:s15+$0x10];
	(v2sf) =	vpush v0, $0x0  }
0x27c: {  	v39 =	vld [tilespmem:s9+$0xFFFFFFC0];
	s1 =	smov.u32 @p4 s2  }
0x27d: {  	v37 =	vld [tilespmem:s1+$0x0];
	_ =	sdelay $0x2  }
0x27e: {  	v0 =	vadd.f32 v38, v36;
	s24 =	spop (v2sf)  }
0x27f: {  	s0 =	sadd.s32 $0x20, s10;
	s1 =	sadd.s32 $0x60, s10;
	[smem:$0x7DC] =	sst s24  }
0x280: {  	s0 =	smov.u32 @p5 s1;
	v1 =	vadd.f32 v39, v37;
	[tilespmem:s23+$0x10] =	vst v0  }
0x281: {  	s4 =	sadd.s32 $0xFFFFFFD0, s11;
	s1 =	sadd.s32 $0xFFFFFF90, s11;
	v0 =	vld [tilespmem:s0+$0x0]  }
0x282: {  	s1 =	smov.u32 @p4 s4;
	[tilespmem:s14+$0xFFFFFFC0] =	vst v1;
	v42 =	vld [tilespmem:s15+$0x20]  }
0x283: {  	v1 =	vld [tilespmem:s1+$0x0]  }
0x284: {  	v43 =	vld [tilespmem:s9+$0xFFFFFFD0];
	s31 =	spop (v2sf)  }
0x285: {  	s6 =	sadd.s32 $0xFFFFFEC0, s3;
	s4 =	sadd.s32 $0xFFFFFE80, s3;
	v44 =	vld [tilespmem:s25+$0xFFFFFF40];
	p1 =	sgt.s32 s31, $0x0  }
0x286: {  	v46 =	vld [tilespmem:s19+$0xFFFFFF80];
	s2 =	spop (v2sf);
	s4 =	smov.u32 @p1 s6  }
0x287: {  	s0 =	sadd.s32 $0xFFFFFF00, s22;
	s1 =	sadd.s32 $0xFFFFFF40, s22;
	p3 =	sgt.s32 s2, $0x0;
	v40 =	vld [tilespmem:s4+$0x0];
	v0 =	vadd.f32 v42, v0  }
0x288: {  	v47 =	vld [tilespmem:s8+$0x80];
	s0 =	smov.u32 @p3 s1;
	s6 =	spop (v2sf)  }
0x289: {  	s1 =	sadd.s32 $0x140, s13;
	v41 =	vld [tilespmem:s0+$0x0];
	s0 =	sadd.s32 $0x100, s13;
	v1 =	vadd.f32 v43, v1;
	p2 =	sgt.s32 s6, $0x0;
	[tilespmem:s23+$0x20] =	vst v0  }
0x28a: {  	s0 =	smov.u32 @p2 s1;
	v51 =	vld [tilespmem:s15+$0x30]  }
0x28b: {  	[tilespmem:s14+$0xFFFFFFD0] =	vst v1;
	s1 =	sadd.s32 $0x70, s10;
	v45 =	vld [tilespmem:s0+$0x0];
	s0 =	sadd.s32 $0x30, s10  }
0x28c: {  	s4 =	sadd.s32 $0xFFFFFFE0, s11;
	v52 =	vld [tilespmem:s9+$0xFFFFFFE0];
	v48 =	vadd.f32 v44, v40;
	s0 =	smov.u32 @p5 s1;
	s1 =	sadd.s32 $0xFFFFFFA0, s11  }
0x28d: {  	v49 =	vld [tilespmem:s0+$0x0];
	s1 =	smov.u32 @p4 s4  }
0x28e: {  	v3 =	vadd.f32 v46, v41;
	s0 =	sadd.s32 $0xFFFFFE90, s3;
	s4 =	sadd.s32 $0xFFFFFED0, s3;
	[tilespmem:s21+$0xFFFFFF40] =	vst v48;
	v1 =	vld [tilespmem:s1+$0x0]  }
0x28f: {  	s7 =	sadd.s32 $0xFFFFFE66, s28;
	s6 =	sadd.s32 $0x150, s13;
	s0 =	smov.u32 @p1 s4;
	v54 =	vld [tilespmem:s25+$0xFFFFFF50]  }
0x290: {  	s1 =	sadd.s32 $0xFFFFFF10, s22;
	s4 =	sadd.s32 $0xFFFFFF50, s22;
	[tilespmem:s16+$0xFFFFFF80] =	vst v3;
	v0 =	vld [tilespmem:s0+$0x0];
	s0 =	sshrl.u32 s7, $0xD;
	v50 =	vadd.f32 v47, v45  }
0x291: {  	s1 =	smov.u32 @p3 s4;
	s4 =	sadd.s32 $0x110, s13;
	v53 =	vld [tilespmem:s19+$0xFFFFFF90];
	s0 =	sand.u32 $0x7, s0  }
0x292: {  	v3 =	vld [tilespmem:s1+$0x0];
	s4 =	smov.u32 @p2 s6;
	s0 =	smul.u32 $0x28, s0;
	[tilespmem:s30+$0x80] =	vst v50  }
0x293: {  	v2 =	vadd.f32 v51, v49;
	v4 =	vld [tilespmem:s4+$0x0];
	s18 =	rddreg [dreg:$0x12]  }
0x294: {  	v55 =	vld [tilespmem:s8+$0x90];
	v1 =	vadd.f32 v52, v1;
	s0 =	ssub.s32 s18, s0  }
0x295: {  	[tilespmem:s23+$0x30] =	vst v2;
	s0 =	sadd.s32 $0xFFFFFFFE, s0  }
0x296: {  	s5 =	smov.u32 s11;
	v0 =	vadd.f32 v54, v0;
	s11 =	rddreg [dreg:$0x7];
	[tilespmem:s14+$0xFFFFFFE0] =	vst v1;
	s0 =	sand.u32 $0xFF, s0  }
0x297: {  	v3 =	vadd.f32 v53, v3;
	v59 =	vld [tilespmem:s9+$0xFFFFFFF0];
	s0 =	sor.u32 s0, s11  }
0x298: {  	[tilespmem:s21+$0xFFFFFF50] =	vst v0;
	v2 =	vld.msk [tilespmem:s0+$0x0], $0x1  }
0x299: {  	s1 =	sadd.s32 $0xFFFFFFF0, s5;
	[tilespmem:s16+$0xFFFFFF90] =	vst v3;
	v61 =	vld [tilespmem:s25+$0xFFFFFF60];
	s0 =	sadd.s32 $0xFFFFFFB0, s5;
	v56 =	vadd.f32 v55, v4  }
0x29a: {  	s4 =	sadd.s32 $0xFFFFFF60, s22;
	v60 =	vld [tilespmem:s19+$0xFFFFFFA0];
	s0 =	smov.u32 @p4 s1;
	s1 =	sadd.s32 $0xFFFFFF20, s22  }
0x29b: {  	s2 =	smov.u32 s8;
	v1 =	vld [tilespmem:s0+$0x0];
	s1 =	smov.u32 @p3 s4;
	[tilespmem:s30+$0x90] =	vst v56  }
0x29c: {  	s0 =	sadd.s32 $0xFFFFFEA0, s3;
	s4 =	sadd.s32 $0xFFFFFEE0, s3;
	v57 =	vld [tilespmem:s1+$0x0];
	s20 =	sld [smem:$0x7F0]  }
0x29d: {  	s0 =	smov.u32 @p1 s4;
	s1 =	sadd.s32 $0x120, s13;
	s4 =	sadd.s32 $0x160, s13;
	v62 =	vld [tilespmem:s2+$0xA0];
	(v2sf) =	vpush v2, $0x0  }
0x29e: {  	v0 =	vld [tilespmem:s0+$0x0];
	s1 =	smov.u32 @p2 s4  }
0x29f: {  	v58 =	vld [tilespmem:s1+$0x0];
	s8 =	sadd.s32 $0xFFFFFD99, s20  }
0x2a0: {  	s0 =	sshrl.u32 s8, $0xD  }
0x2a1: {  	s31 =	rddreg [dreg:$0x17];
	v1 =	vadd.f32 v59, v1;
	s0 =	sand.u32 $0x7, s0  }
0x2a2: {  	[smem:$0x7E0] =	sst s2;
	v63 =	vadd.f32 v60, v57;
	s0 =	smul.u32 $0x28, s0  }
0x2a3: {  	s24 =	smov.u32 s30;
	s7 =	sadd.s32 $0xFFFFFEF0, s3;
	s8 =	rddreg [dreg:$0x6];
	[tilespmem:s14+$0xFFFFFFF0] =	vst v1;
	v0 =	vadd.f32 v61, v0  }
0x2a4: {  	s4 =	sadd.s32 $0xFFFFFF70, s22;
	s1 =	sadd.s32 $0xFFFFFF30, s22;
	[tilespmem:s16+$0xFFFFFFA0] =	vst v63;
	v2 =	vadd.f32 v62, v58;
	s0 =	ssub.s32 s8, s0  }
0x2a5: {  	s6 =	sadd.s32 $0xFFFFFEB0, s3;
	s1 =	smov.u32 @p3 s4;
	[tilespmem:s21+$0xFFFFFF60] =	vst v0;
	s0 =	sadd.s32 $0xFFFFFFFD, s0  }
0x2a6: {  	s6 =	smov.u32 @p1 s7;
	v3 =	vld [tilespmem:s1+$0x0];
	s30 =	rddreg [dreg:$0x1c];
	[tilespmem:s24+$0xA0] =	vst v2;
	s0 =	sand.u32 $0xFF, s0  }
0x2a7: {  	s4 =	sadd.s32 $0x170, s13;
	v0 =	vld [tilespmem:s6+$0x0];
	s6 =	rddreg [dreg:$0x11];
	s0 =	sor.u32 s0, s31  }
0x2a8: {  	s1 =	sadd.s32 $0x130, s13;
	s17 =	sadd.s32 $0xFFFFFCCC, s30;
	v1 =	vld.msk [tilespmem:s0+$0x0], $0x1;
	[smem:$0x7E6] =	sst s24  }
0x2a9: {  	s1 =	smov.u32 @p2 s4;
	s0 =	sshrl.u32 s17, $0xD;
	s17 =	sld [smem:$0x7EC];
	v8 =	vld [tilespmem:s19+$0xFFFFFFB0]  }
0x2aa: {  	v2 =	vld [tilespmem:s1+$0x0];
	s0 =	sand.u32 $0x7, s0;
	s1 =	sshrl.u32 s6, $0xD  }
0x2ab: {  	s0 =	smul.u32 $0x28, s0;
	s1 =	sand.u32 $0x7, s1  }
0x2ac: {  	v9 =	vld [tilespmem:s2+$0xB0];
	s2 =	sadd.s32 $0xFFFFFBFF, s17;
	s1 =	smul.u32 $0x28, s1;
	s7 =	spop (v2sf)  }
0x2ad: {  	v10 =	vld [tilespmem:s25+$0xFFFFFF70];
	s0 =	ssub.s32 s26, s0;
	p1 =	sgt.s32 s7, $0x0;
	s7 =	sshrl.u32 s2, $0xD  }
0x2ae: {  	s2 =	smov.u32 s26;
	v3 =	vadd.f32 v8, v3;
	s26 =	sld [smem:$0x7EB];
	s4 =	sand.u32 $0x7, s7  }
0x2af: {  	(v2sf) =	vpush v1, $0x0;
	s4 =	smul.u32 $0x28, s4  }
0x2b0: {  	s0 =	sadd.s32 $0xFFFFFFFC, s0;
	s1 =	ssub.s32 s29, s1;
	[tilespmem:s16+$0xFFFFFFB0] =	vst v3  }
0x2b1: {  	s0 =	sand.u32 $0xFF, s0;
	v2 =	vadd.f32 v9, v2;
	s4 =	ssub.s32 s26, s4;
	s26 =	rddreg [dreg:$0x1e]  }
0x2b2: {  	v0 =	vadd.f32 v10, v0;
	s1 =	sand.u32 $0xFF, s1;
	s29 =	rddreg [dreg:$0x14];
	s0 =	sor.u32 s0, s26  }
0x2b3: {  	[tilespmem:s24+$0xB0] =	vst v2;
	v12 =	vld.msk [tilespmem:s0+$0x0], $0x1;
	s0 =	sor.u32 s1, s29  }
0x2b4: {  	[tilespmem:s21+$0xFFFFFF70] =	vst v0;
	v2 =	vld.msk [tilespmem:s0+$0x0], $0x1  }
0x2b5: {  	s6 =	sadd.s32 $0x80, s10;
	s7 =	sadd.s32 $0xC0, s10;
	s29 =	sld [smem:$0x7EE]  }
0x2b6: {  	v13 =	vld [tilespmem:s15+$0x40];
	s6 =	smov.u32 @p1 s7;
	s4 =	sadd.s32 $0xFFFFFFFB, s4  }
0x2b7: {  	v11 =	vld [tilespmem:s6+$0x0];
	s4 =	sand.u32 $0xFF, s4  }
0x2b8: {  	s6 =	sor.u32 s4, s29;
	(v2sf) =	vpush v12, $0x0  }
0x2b9: {  	v0 =	vld.msk [tilespmem:s6+$0x0], $0x1;
	(v2sf) =	vpush v2, $0x0;
	_ =	sdelay $0x2  }
0x2ba: {  	v14 =	vadd.f32 v13, v11  }
0x2bb: {  	s1 =	sadd.s32 $0xD0, s10;
	s0 =	sadd.s32 $0x90, s10  }
0x2bc: {  	v18 =	vld [tilespmem:s9+$0x0];
	s0 =	smov.u32 @p1 s1;
	[tilespmem:s23+$0x40] =	vst v14;
	s7 =	spop (v2sf);
	(v2sf) =	vpush v0, $0x0  }
0x2bd: {  	s1 =	sadd.s32 $0x40, s5;
	s4 =	smov.u32 s5;
	v15 =	vld [tilespmem:s0+$0x0];
	p4 =	sgt.s32 s7, $0x0  }
0x2be: {  	v17 =	vld [tilespmem:s15+$0x50];
	s4 =	smov.u32 @p4 s1  }
0x2bf: {  	v16 =	vld [tilespmem:s4+$0x0];
	_ =	sdelay $0x3  }
0x2c0: {  	s0 =	sadd.s32 $0xA0, s10;
	v0 =	vadd.f32 v17, v15;
	s1 =	sadd.s32 $0xE0, s10  }
0x2c1: {  	s0 =	smov.u32 @p1 s1;
	v1 =	vadd.f32 v18, v16  }
0x2c2: {  	s1 =	sadd.s32 $0x10, s5;
	s4 =	sadd.s32 $0x50, s5;
	[tilespmem:s23+$0x50] =	vst v0;
	s24 =	spop (v2sf)  }
0x2c3: {  	s1 =	smov.u32 @p4 s4;
	s4 =	sadd.s32 $0xFFFFFFC0, s22;
	v0 =	vld [tilespmem:s0+$0x0];
	[tilespmem:s14+$0x0] =	vst v1;
	s6 =	spop (v2sf)  }
0x2c4: {  	s0 =	sadd.s32 $0xFFFFFF80, s22;
	v1 =	vld [tilespmem:s1+$0x0];
	p3 =	sgt.s32 s24, $0x0;
	[smem:$0x7DF] =	sst s6  }
0x2c5: {  	s0 =	smov.u32 @p3 s4;
	v19 =	vld [tilespmem:s9+$0x10]  }
0x2c6: {  	v20 =	vld [tilespmem:s0+$0x0]  }
0x2c7: {  	v21 =	vld [tilespmem:s19+$0xFFFFFFC0]  }
0x2c8: {  	s7 =	spop (v2sf)  }
0x2c9: {  	s4 =	sadd.s32 $0xFFFFFF40, s3;
	s0 =	sadd.s32 $0xFFFFFF00, s3;
	p2 =	sgt.s32 s7, $0x0  }
0x2ca: {  	v23 =	vld [tilespmem:s15+$0x60];
	s0 =	smov.u32 @p2 s4;
	v1 =	vadd.f32 v19, v1  }
0x2cb: {  	s4 =	sadd.s32 $0x60, s5;
	v22 =	vld [tilespmem:s0+$0x0];
	s0 =	sadd.s32 $0x20, s5  }
0x2cc: {  	v24 =	vld [tilespmem:s25+$0xFFFFFF80];
	s0 =	smov.u32 @p4 s4;
	v25 =	vadd.f32 v21, v20;
	[tilespmem:s14+$0x10] =	vst v1  }
0x2cd: {  	v26 =	vld [tilespmem:s0+$0x0]  }
0x2ce: {  	s4 =	sadd.s32 $0xFFFFFFD0, s22;
	[tilespmem:s16+$0xFFFFFFC0] =	vst v25;
	s0 =	sadd.s32 $0xFFFFFF90, s22;
	v27 =	vld [tilespmem:s9+$0x20]  }
0x2cf: {  	v0 =	vadd.f32 v23, v0;
	v28 =	vld [tilespmem:s19+$0xFFFFFFD0];
	s0 =	smov.u32 @p3 s4  }
0x2d0: {  	v1 =	vld [tilespmem:s0+$0x0]  }
0x2d1: {  	[tilespmem:s23+$0x60] =	vst v0;
	v2 =	vadd.f32 v24, v22;
	s4 =	sadd.s32 $0xF0, s10;
	s0 =	sadd.s32 $0xB0, s10  }
0x2d2: {  	s6 =	sadd.s32 $0xFFFFFF50, s3;
	v30 =	vld [tilespmem:s15+$0x70];
	s0 =	smov.u32 @p1 s4;
	s4 =	sadd.s32 $0xFFFFFF10, s3  }
0x2d3: {  	s24 =	sadd.s32 $0xFFFFFF33, s28;
	[tilespmem:s21+$0xFFFFFF80] =	vst v2;
	v29 =	vld [tilespmem:s0+$0x0];
	s4 =	smov.u32 @p2 s6;
	v3 =	vadd.f32 v27, v26  }
0x2d4: {  	s0 =	sshrl.u32 s24, $0xD;
	s6 =	sadd.s32 $0x70, s5;
	v2 =	vld [tilespmem:s4+$0x0];
	s4 =	sadd.s32 $0x30, s5  }
0x2d5: {  	s1 =	sadd.s32 $0xFFFFFE66, s20;
	v31 =	vld [tilespmem:s25+$0xFFFFFF90];
	s0 =	sand.u32 $0x7, s0;
	s4 =	smov.u32 @p4 s6;
	[tilespmem:s14+$0x20] =	vst v3;
	v0 =	vadd.f32 v28, v1  }
0x2d6: {  	s7 =	sadd.s32 $0xFFFFFFE0, s22;
	s0 =	smul.u32 $0x28, s0;
	s6 =	sadd.s32 $0xFFFFFFA0, s22;
	v32 =	vld [tilespmem:s4+$0x0]  }
0x2d7: {  	s6 =	smov.u32 @p3 s7;
	v3 =	vld [tilespmem:s9+$0x30];
	s4 =	sshrl.u32 s1, $0xD;
	[tilespmem:s16+$0xFFFFFFD0] =	vst v0  }
0x2d8: {  	s0 =	sxor.u32 $0xFFFFFFFF, s0;
	s4 =	sand.u32 $0x7, s4;
	v0 =	vld [tilespmem:s6+$0x0]  }
0x2d9: {  	v5 =	vadd.f32 v30, v29;
	s0 =	sadd.s32 s18, s0;
	s4 =	smul.u32 $0x28, s4;
	v33 =	vld [tilespmem:s19+$0xFFFFFFE0]  }
0x2da: {  	s7 =	sadd.s32 $0xFFFFFF60, s3;
	s0 =	sand.u32 $0xFF, s0;
	s6 =	sadd.s32 $0xFFFFFF20, s3  }
0x2db: {  	v2 =	vadd.f32 v31, v2;
	[tilespmem:s23+$0x70] =	vst v5;
	s0 =	sor.u32 s0, s11;
	s6 =	smov.u32 @p2 s7;
	s7 =	ssub.s32 s8, s4  }
0x2dc: {  	v34 =	vld.msk [tilespmem:s0+$0x0], $0x1;
	v1 =	vadd.f32 v3, v32;
	s0 =	sadd.s32 $0xFFFFFFFE, s7  }
0x2dd: {  	[tilespmem:s21+$0xFFFFFF90] =	vst v2;
	s0 =	sand.u32 $0xFF, s0  }
0x2de: {  	v2 =	vld [tilespmem:s6+$0x0];
	[tilespmem:s14+$0x30] =	vst v1;
	s0 =	sor.u32 s0, s31;
	v0 =	vadd.f32 v33, v0  }
0x2df: {  	s4 =	sadd.s32 $0xFFFFFFF0, s22;
	v1 =	vld.msk [tilespmem:s0+$0x0], $0x1;
	s0 =	sadd.s32 $0xFFFFFFB0, s22  }
0x2e0: {  	v35 =	vld [tilespmem:s25+$0xFFFFFFA0];
	s0 =	smov.u32 @p3 s4;
	[tilespmem:s16+$0xFFFFFFE0] =	vst v0  }
0x2e1: {  	v0 =	vld [tilespmem:s0+$0x0]  }
0x2e2: {  	v36 =	vld [tilespmem:s19+$0xFFFFFFF0];
	_ =	sdelay $0x1  }
0x2e3: {  	s18 =	sadd.s32 $0xFFFFFD99, s30  }
0x2e4: {  	s0 =	sshrl.u32 s18, $0xD;
	v2 =	vadd.f32 v35, v2  }
0x2e5: {  	s6 =	sadd.s32 $0xFFFFFF70, s3;
	s4 =	sadd.s32 $0xFFFFFF30, s3;
	s0 =	sand.u32 $0x7, s0  }
0x2e6: {  	(v2sf) =	vpush v34, $0x0;
	s4 =	smov.u32 @p2 s6;
	s0 =	smul.u32 $0x28, s0;
	[tilespmem:s21+$0xFFFFFFA0] =	vst v2;
	v0 =	vadd.f32 v36, v0  }
0x2e7: {  	s1 =	smov.u32 s30;
	s30 =	sadd.s32 $0xFFFFFCCC, s17;
	v37 =	vld [tilespmem:s4+$0x0]  }
0x2e8: {  	v2 =	vld [tilespmem:s25+$0xFFFFFFB0];
	s4 =	sshrl.u32 s30, $0xD;
	s0 =	ssub.s32 s2, s0;
	[tilespmem:s16+$0xFFFFFFF0] =	vst v0  }
0x2e9: {  	s4 =	sand.u32 $0x7, s4;
	s0 =	sadd.s32 $0xFFFFFFFD, s0;
	s18 =	sld [smem:$0x7EB]  }
0x2ea: {  	(v2sf) =	vpush v1, $0x0;
	s4 =	smul.u32 $0x28, s4;
	s0 =	sand.u32 $0xFF, s0  }
0x2eb: {  	s0 =	sor.u32 s0, s26  }
0x2ec: {  	v0 =	vld.msk [tilespmem:s0+$0x0], $0x1;
	s4 =	ssub.s32 s18, s4  }
0x2ed: {  	v1 =	vadd.f32 v2, v37;
	s0 =	sadd.s32 $0xFFFFFFFC, s4  }
0x2ee: {  	s0 =	sand.u32 $0xFF, s0  }
0x2ef: {  	[tilespmem:s21+$0xFFFFFFB0] =	vst v1;
	s0 =	sor.u32 s0, s29  }
0x2f0: {  	v1 =	vld.msk [tilespmem:s0+$0x0], $0x1  }
0x2f1: {  	(v2sf) =	vpush v0, $0x0;
	_ =	sdelay $0x3  }
0x2f2: {  	s6 =	spop (v2sf);
	(v2sf) =	vpush v1, $0x0  }
0x2f3: {  	s4 =	sadd.s32 $0x140, s10;
	p4 =	sgt.s32 s6, $0x0;
	s0 =	sadd.s32 $0x100, s10  }
0x2f4: {  	v40 =	vld [tilespmem:s15+$0x80];
	s0 =	smov.u32 @p4 s4  }
0x2f5: {  	v38 =	vld [tilespmem:s0+$0x0]  }
0x2f6: {  	s7 =	spop (v2sf)  }
0x2f7: {  	s6 =	sadd.s32 $0xC0, s5;
	s4 =	sadd.s32 $0x80, s5;
	p3 =	sgt.s32 s7, $0x0  }
0x2f8: {  	v41 =	vld [tilespmem:s9+$0x40];
	s4 =	smov.u32 @p3 s6  }
0x2f9: {  	v39 =	vld [tilespmem:s4+$0x0]  }
0x2fa: {  	v0 =	vadd.f32 v40, v38  }
0x2fb: {  	s0 =	sadd.s32 $0x110, s10;
	s4 =	sadd.s32 $0x150, s10  }
0x2fc: {  	s6 =	sadd.s32 $0xD0, s5;
	s0 =	smov.u32 @p4 s4;
	s4 =	sadd.s32 $0x90, s5;
	[tilespmem:s23+$0x80] =	vst v0  }
0x2fd: {  	s4 =	smov.u32 @p3 s6;
	v0 =	vld [tilespmem:s0+$0x0];
	s30 =	spop (v2sf)  }
0x2fe: {  	s6 =	smov.u32 s22;
	s0 =	sadd.s32 $0x40, s22;
	v43 =	vld [tilespmem:s15+$0x90];
	v1 =	vadd.f32 v41, v39;
	p2 =	sgt.s32 s30, $0x0  }
0x2ff: {  	v45 =	vld [tilespmem:s19+$0x0];
	s6 =	smov.u32 @p2 s0  }
0x300: {  	[tilespmem:s14+$0x40] =	vst v1;
	v42 =	vld [tilespmem:s6+$0x0]  }
0x301: {  	v1 =	vld [tilespmem:s4+$0x0];
	s4 =	spop (v2sf)  }
0x302: {  	v44 =	vld [tilespmem:s9+$0x50];
	s0 =	sadd.s32 $0xFFFFFF80, s3;
	p1 =	sgt.s32 s4, $0x0;
	s4 =	sadd.s32 $0xFFFFFFC0, s3  }
0x303: {  	v47 =	vld [tilespmem:s25+$0xFFFFFFC0];
	v0 =	vadd.f32 v43, v0;
	s0 =	smov.u32 @p1 s4  }
0x304: {  	v46 =	vld [tilespmem:s0+$0x0]  }
0x305: {  	[tilespmem:s23+$0x90] =	vst v0;
	v48 =	vadd.f32 v45, v42;
	s4 =	sadd.s32 $0x160, s10;
	s0 =	sadd.s32 $0x120, s10  }
0x306: {  	s6 =	sadd.s32 $0xE0, s5;
	v53 =	vld [tilespmem:s15+$0xA0];
	s0 =	smov.u32 @p4 s4;
	s4 =	sadd.s32 $0xA0, s5  }
0x307: {  	v1 =	vadd.f32 v44, v1;
	[tilespmem:s16+$0x0] =	vst v48;
	v49 =	vld [tilespmem:s0+$0x0];
	s4 =	smov.u32 @p3 s6;
	s0 =	sadd.s32 $0x10, s22;
	s6 =	sadd.s32 $0x50, s22  }
0x308: {  	v52 =	vld [tilespmem:s19+$0x10];
	s0 =	smov.u32 @p2 s6  }
0x309: {  	[tilespmem:s14+$0x50] =	vst v1;
	v51 =	vld [tilespmem:s0+$0x0];
	v50 =	vadd.f32 v47, v46  }
0x30a: {  	v1 =	vld [tilespmem:s4+$0x0];
	s4 =	sadd.s32 $0xFFFFFFD0, s3;
	s0 =	sadd.s32 $0xFFFFFF90, s3  }
0x30b: {  	v54 =	vld [tilespmem:s9+$0x60];
	s0 =	smov.u32 @p1 s4;
	[tilespmem:s21+$0xFFFFFFC0] =	vst v50  }
0x30c: {  	v0 =	vld [tilespmem:s0+$0x0]  }
0x30d: {  	v55 =	vld [tilespmem:s25+$0xFFFFFFD0]  }
0x30e: {  	v3 =	vadd.f32 v52, v51  }
0x30f: {  	s4 =	sadd.s32 $0x60, s22;
	s0 =	sadd.s32 $0x20, s22  }
0x310: {  	v2 =	vadd.f32 v53, v49;
	s0 =	smov.u32 @p2 s4;
	[tilespmem:s16+$0x10] =	vst v3  }
0x311: {  	v1 =	vadd.f32 v54, v1;
	s4 =	sadd.s32 $0x170, s10;
	v3 =	vld [tilespmem:s0+$0x0];
	s0 =	sadd.s32 $0x130, s10  }
0x312: {  	s6 =	sadd.s32 $0xF0, s5;
	[tilespmem:s23+$0xA0] =	vst v2;
	v56 =	vld [tilespmem:s19+$0x20];
	s0 =	smov.u32 @p4 s4;
	v0 =	vadd.f32 v55, v0;
	s4 =	sadd.s32 $0xB0, s5  }
0x313: {  	[tilespmem:s14+$0x60] =	vst v1;
	v57 =	vld [tilespmem:s0+$0x0];
	s4 =	smov.u32 @p3 s6;
	s0 =	sadd.s32 $0xFFFFFFA0, s3;
	s6 =	sadd.s32 $0xFFFFFFE0, s3  }
0x314: {  	v1 =	vld [tilespmem:s4+$0x0];
	s0 =	smov.u32 @p1 s6;
	[tilespmem:s21+$0xFFFFFFD0] =	vst v0  }
0x315: {  	s7 =	sadd.s32 $0xFFFFFF33, s20;
	v0 =	vld [tilespmem:s0+$0x0]  }
0x316: {  	s6 =	sshrl.u32 s28, $0xD;
	s4 =	sshrl.u32 s7, $0xD;
	v60 =	vld [tilespmem:s25+$0xFFFFFFE0]  }
0x317: {  	s7 =	sadd.s32 $0x70, s22;
	s28 =	sadd.s32 $0xFFFFFE66, s1;
	s4 =	sand.u32 $0x7, s4;
	v2 =	vadd.f32 v56, v3  }
0x318: {  	v58 =	vld [tilespmem:s15+$0xB0];
	s0 =	sand.u32 $0x7, s6;
	s6 =	sadd.s32 $0x30, s22;
	s4 =	smul.u32 $0x28, s4  }
0x319: {  	v59 =	vld [tilespmem:s9+$0x70];
	s0 =	smul.u32 $0x28, s0;
	s6 =	smov.u32 @p2 s7;
	s7 =	sadd.s32 $0xFFFFFFF0, s3;
	[tilespmem:s16+$0x20] =	vst v2  }
0x31a: {  	s4 =	sxor.u32 $0xFFFFFFFF, s4;
	v2 =	vld [tilespmem:s6+$0x0];
	s30 =	rddreg [dreg:$0x12];
	s6 =	sshrl.u32 s28, $0xD  }
0x31b: {  	v61 =	vld [tilespmem:s19+$0x30];
	s4 =	sadd.s32 s8, s4;
	s0 =	ssub.s32 s30, s0;
	s6 =	sand.u32 $0x7, s6;
	v0 =	vadd.f32 v60, v0  }
0x31c: {  	s4 =	sand.u32 $0xFF, s4;
	s0 =	sand.u32 $0xFF, s0;
	s6 =	smul.u32 $0x28, s6  }
0x31d: {  	v4 =	vadd.f32 v58, v57;
	s0 =	sor.u32 s0, s11;
	s11 =	sor.u32 s4, s31;
	s4 =	sadd.s32 $0xFFFFFFB0, s3;
	[tilespmem:s21+$0xFFFFFFE0] =	vst v0  }
0x31e: {  	s30 =	sadd.s32 $0xFFFFFD99, s17;
	s4 =	smov.u32 @p1 s7;
	v63 =	vld [tilespmem:s25+$0xFFFFFFF0]  }
0x31f: {  	v1 =	vadd.f32 v59, v1;
	[tilespmem:s23+$0xB0] =	vst v4;
	s28 =	ssub.s32 s2, s6;
	v0 =	vld [tilespmem:s4+$0x0];
	s4 =	sshrl.u32 s30, $0xD  }
0x320: {  	v62 =	vld.msk [tilespmem:s0+$0x0], $0x1;
	v2 =	vadd.f32 v61, v2;
	s0 =	sadd.s32 $0xFFFFFFFE, s28;
	s4 =	sand.u32 $0x7, s4  }
0x321: {  	[tilespmem:s14+$0x70] =	vst v1;
	s0 =	sand.u32 $0xFF, s0;
	s6 =	smul.u32 $0x28, s4  }
0x322: {  	v1 =	vld.msk [tilespmem:s11+$0x0], $0x1;
	[tilespmem:s16+$0x30] =	vst v2;
	s0 =	sor.u32 s0, s26  }
0x323: {  	v2 =	vld.msk [tilespmem:s0+$0x0], $0x1;
	s0 =	ssub.s32 s18, s6  }
0x324: {  	v0 =	vadd.f32 v63, v0;
	s0 =	sadd.s32 $0xFFFFFFFD, s0  }
0x325: {  	s0 =	sand.u32 $0xFF, s0  }
0x326: {  	[tilespmem:s21+$0xFFFFFFF0] =	vst v0;
	s0 =	sor.u32 s0, s29  }
0x327: {  	(v2sf) =	vpush v62, $0x0;
	v0 =	vld.msk [tilespmem:s0+$0x0], $0x1  }
0x328: {  	(v2sf) =	vpush v1, $0x0;
	_ =	sdelay $0x1  }
0x329: {  	(v2sf) =	vpush v2, $0x0;
	_ =	sdelay $0x1  }
0x32a: {  	(v2sf) =	vpush v0, $0x0;
	_ =	sdelay $0x9  }
0x32b: {  	s6 =	spop (v2sf)  }
0x32c: {  	s7 =	spop (v2sf)  }
0x32d: {  	s4 =	sadd.s32 $0x140, s5;
	s0 =	sadd.s32 $0x100, s5;
	p1 =	sgt.s32 s7, $0x0  }
0x32e: {  	v10 =	vld [tilespmem:s9+$0x80];
	s24 =	smov.u32 s8;
	s0 =	smov.u32 @p1 s4;
	s8 =	spop (v2sf)  }
0x32f: {  	s7 =	sadd.s32 $0xC0, s22;
	s4 =	sadd.s32 $0x80, s22;
	v8 =	vld [tilespmem:s0+$0x0];
	p2 =	sgt.s32 s8, $0x0  }
0x330: {  	v11 =	vld [tilespmem:s19+$0x40];
	s4 =	smov.u32 @p2 s7;
	s11 =	spop (v2sf)  }
0x331: {  	s0 =	sadd.s32 $0x40, s3;
	v9 =	vld [tilespmem:s4+$0x0];
	s4 =	smov.u32 s3;
	p3 =	sgt.s32 s11, $0x0  }
0x332: {  	v13 =	vld [tilespmem:s25+$0x0];
	s4 =	smov.u32 @p3 s0  }
0x333: {  	v12 =	vld [tilespmem:s4+$0x0]  }
0x334: {  	v0 =	vadd.f32 v10, v8;
	_ =	sdelay $0x1  }
0x335: {  	s0 =	sadd.s32 $0x110, s5;
	[tilespmem:s14+$0x80] =	vst v0;
	v1 =	vadd.f32 v11, v9;
	s4 =	sadd.s32 $0x150, s5  }
0x336: {  	s7 =	sadd.s32 $0xD0, s22;
	v14 =	vld [tilespmem:s9+$0x90];
	s0 =	smov.u32 @p1 s4;
	s4 =	sadd.s32 $0x90, s22  }
0x337: {  	v0 =	vld [tilespmem:s0+$0x0];
	s4 =	smov.u32 @p2 s7;
	[tilespmem:s16+$0x40] =	vst v1;
	v2 =	vadd.f32 v13, v12  }
0x338: {  	s0 =	sadd.s32 $0x10, s3;
	v1 =	vld [tilespmem:s4+$0x0];
	s4 =	sadd.s32 $0x50, s3  }
0x339: {  	v15 =	vld [tilespmem:s19+$0x50];
	s0 =	smov.u32 @p3 s4;
	[tilespmem:s21+$0x0] =	vst v2  }
0x33a: {  	v2 =	vld [tilespmem:s0+$0x0]  }
0x33b: {  	v16 =	vld [tilespmem:s25+$0x10]  }
0x33c: {  	v0 =	vadd.f32 v14, v0  }
0x33d: {  	s4 =	sadd.s32 $0x160, s5;
	s0 =	sadd.s32 $0x120, s5  }
0x33e: {  	v1 =	vadd.f32 v15, v1;
	s0 =	smov.u32 @p1 s4;
	[tilespmem:s14+$0x90] =	vst v0  }
0x33f: {  	s7 =	sadd.s32 $0xE0, s22;
	s4 =	sadd.s32 $0xA0, s22;
	v0 =	vld [tilespmem:s0+$0x0]  }
0x340: {  	s4 =	smov.u32 @p2 s7;
	[tilespmem:s16+$0x50] =	vst v1;
	v17 =	vld [tilespmem:s9+$0xA0];
	v2 =	vadd.f32 v16, v2  }
0x341: {  	s0 =	sadd.s32 $0x20, s3;
	v1 =	vld [tilespmem:s4+$0x0];
	s4 =	sadd.s32 $0x60, s3  }
0x342: {  	v18 =	vld [tilespmem:s19+$0x60];
	s0 =	smov.u32 @p3 s4;
	[tilespmem:s21+$0x10] =	vst v2  }
0x343: {  	v2 =	vld [tilespmem:s0+$0x0]  }
0x344: {  	v19 =	vld [tilespmem:s25+$0x20]  }
0x345: {  	v0 =	vadd.f32 v17, v0  }
0x346: {  	s4 =	sadd.s32 $0x170, s5;
	s0 =	sadd.s32 $0x130, s5  }
0x347: {  	v1 =	vadd.f32 v18, v1;
	s0 =	smov.u32 @p1 s4;
	[tilespmem:s14+$0xA0] =	vst v0  }
0x348: {  	s7 =	sadd.s32 $0xF0, s22;
	s4 =	sadd.s32 $0xB0, s22;
	v0 =	vld [tilespmem:s0+$0x0]  }
0x349: {  	s20 =	sshrl.u32 s20, $0xD;
	s4 =	smov.u32 @p2 s7;
	[tilespmem:s16+$0x60] =	vst v1;
	v20 =	vld [tilespmem:s9+$0xB0];
	v2 =	vadd.f32 v19, v2  }
0x34a: {  	s28 =	sadd.s32 $0xFFFFFF33, s1;
	s8 =	sadd.s32 $0x70, s3;
	s7 =	sadd.s32 $0x30, s3;
	v1 =	vld [tilespmem:s4+$0x0]  }
0x34b: {  	s0 =	sand.u32 $0x7, s20;
	s7 =	smov.u32 @p3 s8;
	v21 =	vld [tilespmem:s19+$0x70];
	s4 =	sshrl.u32 s28, $0xD;
	[tilespmem:s21+$0x20] =	vst v2  }
0x34c: {  	s30 =	sadd.s32 $0xFFFFFE66, s17;
	s0 =	smul.u32 $0x28, s0;
	s4 =	sand.u32 $0x7, s4;
	v2 =	vld [tilespmem:s7+$0x0]  }
0x34d: {  	s4 =	smul.u32 $0x28, s4;
	v22 =	vld [tilespmem:s25+$0x30];
	s7 =	sshrl.u32 s30, $0xD  }
0x34e: {  	s7 =	sand.u32 $0x7, s7  }
0x34f: {  	s0 =	ssub.s32 s24, s0;
	v0 =	vadd.f32 v20, v0;
	s4 =	sxor.u32 $0xFFFFFFFF, s4;
	s7 =	smul.u32 $0x28, s7  }
0x350: {  	s0 =	sand.u32 $0xFF, s0;
	v1 =	vadd.f32 v21, v1;
	s4 =	sadd.s32 s2, s4  }
0x351: {  	s0 =	sor.u32 s0, s31;
	[tilespmem:s14+$0xB0] =	vst v0;
	s4 =	sand.u32 $0xFF, s4;
	s7 =	ssub.s32 s18, s7  }
0x352: {  	v0 =	vld.msk [tilespmem:s0+$0x0], $0x1;
	[tilespmem:s16+$0x70] =	vst v1;
	s4 =	sor.u32 s4, s26;
	v23 =	vadd.f32 v22, v2;
	s8 =	sadd.s32 $0xFFFFFFFE, s7  }
0x353: {  	v24 =	vld.msk [tilespmem:s4+$0x0], $0x1;
	s11 =	sand.u32 $0xFF, s8  }
0x354: {  	[tilespmem:s21+$0x30] =	vst v23;
	s0 =	sor.u32 s11, s29  }
0x355: {  	v1 =	vld.msk [tilespmem:s0+$0x0], $0x1;
	_ =	sdelay $0x1  }
0x356: {  	(v2sf) =	vpush v0, $0x0  }
0x357: {  	(v2sf) =	vpush v24, $0x0;
	_ =	sdelay $0x1  }
0x358: {  	(v2sf) =	vpush v1, $0x0;
	_ =	sdelay $0xb  }
0x359: {  	s7 =	spop (v2sf)  }
0x35a: {  	s20 =	spop (v2sf)  }
0x35b: {  	s4 =	sadd.s32 $0x140, s22;
	s0 =	sadd.s32 $0x100, s22;
	p1 =	sgt.s32 s20, $0x0  }
0x35c: {  	v27 =	vld [tilespmem:s19+$0x80];
	s0 =	smov.u32 @p1 s4;
	s28 =	spop (v2sf)  }
0x35d: {  	s8 =	sadd.s32 $0xC0, s3;
	s4 =	sadd.s32 $0x80, s3;
	v25 =	vld [tilespmem:s0+$0x0];
	p2 =	sgt.s32 s28, $0x0  }
0x35e: {  	v28 =	vld [tilespmem:s25+$0x40];
	s4 =	smov.u32 @p2 s8  }
0x35f: {  	v26 =	vld [tilespmem:s4+$0x0];
	_ =	sdelay $0x2  }
0x360: {  	v0 =	vadd.f32 v27, v25  }
0x361: {  	s0 =	sadd.s32 $0x110, s22;
	s4 =	sadd.s32 $0x150, s22  }
0x362: {  	s0 =	smov.u32 @p1 s4;
	[tilespmem:s16+$0x80] =	vst v0;
	v1 =	vadd.f32 v28, v26  }
0x363: {  	s8 =	sadd.s32 $0xD0, s3;
	s4 =	sadd.s32 $0x90, s3;
	v0 =	vld [tilespmem:s0+$0x0]  }
0x364: {  	s4 =	smov.u32 @p2 s8;
	v29 =	vld [tilespmem:s19+$0x90];
	[tilespmem:s21+$0x40] =	vst v1  }
0x365: {  	v1 =	vld [tilespmem:s4+$0x0]  }
0x366: {  	v30 =	vld [tilespmem:s25+$0x50];
	_ =	sdelay $0x2  }
0x367: {  	v0 =	vadd.f32 v29, v0  }
0x368: {  	s0 =	sadd.s32 $0x120, s22;
	s4 =	sadd.s32 $0x160, s22  }
0x369: {  	s0 =	smov.u32 @p1 s4;
	[tilespmem:s16+$0x90] =	vst v0;
	v1 =	vadd.f32 v30, v1  }
0x36a: {  	s8 =	sadd.s32 $0xE0, s3;
	s4 =	sadd.s32 $0xA0, s3;
	v0 =	vld [tilespmem:s0+$0x0]  }
0x36b: {  	s4 =	smov.u32 @p2 s8;
	v31 =	vld [tilespmem:s19+$0xA0];
	[tilespmem:s21+$0x50] =	vst v1  }
0x36c: {  	v1 =	vld [tilespmem:s4+$0x0]  }
0x36d: {  	v32 =	vld [tilespmem:s25+$0x60];
	_ =	sdelay $0x2  }
0x36e: {  	v0 =	vadd.f32 v31, v0  }
0x36f: {  	s0 =	sadd.s32 $0x130, s22;
	s4 =	sadd.s32 $0x170, s22  }
0x370: {  	s0 =	smov.u32 @p1 s4;
	[tilespmem:s16+$0xA0] =	vst v0;
	v1 =	vadd.f32 v32, v1  }
0x371: {  	s8 =	sadd.s32 $0xF0, s3;
	s4 =	sadd.s32 $0xB0, s3;
	v0 =	vld [tilespmem:s0+$0x0]  }
0x372: {  	s4 =	smov.u32 @p2 s8;
	v33 =	vld [tilespmem:s19+$0xB0];
	[tilespmem:s21+$0x60] =	vst v1  }
0x373: {  	s31 =	sadd.s32 $0xFFFFFF33, s17;
	s30 =	sshrl.u32 s1, $0xD;
	v1 =	vld [tilespmem:s4+$0x0]  }
0x374: {  	s0 =	sand.u32 $0x7, s30;
	v34 =	vld [tilespmem:s25+$0x70];
	s4 =	sshrl.u32 s31, $0xD  }
0x375: {  	s0 =	smul.u32 $0x28, s0;
	s4 =	sand.u32 $0x7, s4  }
0x376: {  	s4 =	smul.u32 $0x28, s4;
	_ =	sdelay $0x1  }
0x377: {  	s0 =	ssub.s32 s2, s0;
	v0 =	vadd.f32 v33, v0;
	s4 =	sxor.u32 $0xFFFFFFFF, s4  }
0x378: {  	s0 =	sand.u32 $0xFF, s0;
	v1 =	vadd.f32 v34, v1;
	s4 =	sadd.s32 s18, s4  }
0x379: {  	s0 =	sor.u32 s0, s26;
	[tilespmem:s16+$0xB0] =	vst v0;
	s4 =	sand.u32 $0xFF, s4  }
0x37a: {  	v0 =	vld.msk [tilespmem:s0+$0x0], $0x1;
	[tilespmem:s21+$0x70] =	vst v1;
	s1 =	sor.u32 s4, s29  }
0x37b: {  	v1 =	vld.msk [tilespmem:s1+$0x0], $0x1;
	_ =	sdelay $0x3  }
0x37c: {  	(v2sf) =	vpush v0, $0x0  }
0x37d: {  	(v2sf) =	vpush v1, $0x0;
	_ =	sdelay $0xd  }
0x37e: {  	s8 =	spop (v2sf)  }
0x37f: {  	s2 =	spop (v2sf)  }
0x380: {  	s0 =	sadd.s32 $0x100, s3;
	s4 =	sadd.s32 $0x140, s3;
	p1 =	sgt.s32 s2, $0x0  }
0x381: {  	v36 =	vld [tilespmem:s25+$0x80];
	s0 =	smov.u32 @p1 s4  }
0x382: {  	v35 =	vld [tilespmem:s0+$0x0];
	_ =	sdelay $0x4  }
0x383: {  	v0 =	vadd.f32 v36, v35  }
0x384: {  	s4 =	sadd.s32 $0x150, s3;
	s0 =	sadd.s32 $0x110, s3  }
0x385: {  	s0 =	smov.u32 @p1 s4;
	[tilespmem:s21+$0x80] =	vst v0  }
0x386: {  	v0 =	vld [tilespmem:s0+$0x0]  }
0x387: {  	v37 =	vld [tilespmem:s25+$0x90];
	_ =	sdelay $0x4  }
0x388: {  	v0 =	vadd.f32 v37, v0;
	_ =	sdelay $0x1  }
0x389: {  	s4 =	sadd.s32 $0x160, s3;
	s0 =	sadd.s32 $0x120, s3;
	[tilespmem:s21+$0x90] =	vst v0  }
0x38a: {  	s0 =	smov.u32 @p1 s4;
	s4 =	sld [smem:$0x7DB]  }
0x38b: {  	s28 =	sld [smem:$0x7F3]  }
0x38c: {  	s11 =	sld [smem:$0x7DC];
	_ =	sdelay $0x1  }
0x38d: {  	v0 =	vld [tilespmem:s0+$0x0];
	p3 =	sgt.s32 s4, $0x0;
	s0 =	sadd.s32 $0x180, s28  }
0x38e: {  	v38 =	vld [tilespmem:s25+$0xA0];
	s4 =	sadd.s32 $0x1C0, s28;
	p2 =	sgt.s32 s11, $0x0;
	s11 =	rddreg [dreg:$0x5]  }
0x38f: {  	s24 =	smov.u32 s18;
	s18 =	sld [smem:$0x7DD];
	s0 =	smov.u32 @p3 s4;
	v40 =	vld [tilespmem:s11+$0xC0]  }
0x390: {  	s31 =	sld [smem:$0x7E4];
	v39 =	vld [tilespmem:s0+$0x0];
	_ =	sdelay $0x1  }
0x391: {  	s2 =	sadd.s32 $0x1C0, s18;
	s0 =	sadd.s32 $0x180, s18  }
0x392: {  	v42 =	vld [tilespmem:s31+$0xC0];
	v0 =	vadd.f32 v38, v0;
	s0 =	smov.u32 @p2 s2  }
0x393: {  	s2 =	sadd.s32 $0x170, s3;
	v41 =	vld [tilespmem:s0+$0x0];
	s0 =	sadd.s32 $0x130, s3  }
0x394: {  	[tilespmem:s21+$0xA0] =	vst v0;
	s0 =	smov.u32 @p1 s2;
	v43 =	vadd.f32 v40, v39  }
0x395: {  	s17 =	sshrl.u32 s17, $0xD;
	s2 =	sadd.s32 $0x1D0, s28;
	v0 =	vld [tilespmem:s0+$0x0];
	s0 =	sadd.s32 $0x190, s28  }
0x396: {  	s4 =	sadd.s32 $0x1D0, s18;
	v44 =	vld [tilespmem:s25+$0xB0];
	s0 =	smov.u32 @p3 s2;
	s2 =	sadd.s32 $0x190, s18;
	[tilespmem:s12+$0xC0] =	vst v43  }
0x397: {  	s20 =	sand.u32 $0x7, s17;
	s2 =	smov.u32 @p2 s4;
	s4 =	sld [smem:$0x7DE]  }
0x398: {  	v45 =	vadd.f32 v42, v41;
	v46 =	vld [tilespmem:s0+$0x0];
	s0 =	smul.u32 $0x28, s20;
	_ =	sdelay $0x1  }
0x399: {  	v47 =	vld [tilespmem:s11+$0xD0];
	s0 =	ssub.s32 s24, s0;
	[tilespmem:s4+$0xC0] =	vst v45  }
0x39a: {  	v0 =	vadd.f32 v44, v0;
	s0 =	sand.u32 $0xFF, s0;
	v1 =	vld [tilespmem:s2+$0x0];
	s26 =	sld [smem:$0x7DF]  }
0x39b: {  	v48 =	vld [tilespmem:s31+$0xD0];
	s0 =	sor.u32 s0, s29;
	s29 =	sld [smem:$0x7E0]  }
0x39c: {  	[tilespmem:s21+$0xB0] =	vst v0  }
0x39d: {  	s1 =	sadd.s32 $0x180, s13;
	s2 =	sadd.s32 $0x1C0, s13;
	v52 =	vld.msk [tilespmem:s0+$0x0], $0x1;
	p1 =	sgt.s32 s26, $0x0  }
0x39e: {  	v50 =	vld [tilespmem:s29+$0xC0];
	s1 =	smov.u32 @p1 s2  }
0x39f: {  	v51 =	vadd.f32 v47, v46;
	v49 =	vld [tilespmem:s1+$0x0]  }
0x3a0: {  	v53 =	vadd.f32 v48, v1  }
0x3a1: {  	s0 =	sadd.s32 $0x1A0, s28;
	[tilespmem:s12+$0xD0] =	vst v51;
	s1 =	sadd.s32 $0x1E0, s28  }
0x3a2: {  	v55 =	vld [tilespmem:s11+$0xE0];
	s0 =	smov.u32 @p3 s1;
	[tilespmem:s4+$0xD0] =	vst v53  }
0x3a3: {  	s1 =	sadd.s32 $0x1E0, s18;
	v54 =	vld [tilespmem:s0+$0x0];
	s0 =	sadd.s32 $0x1A0, s18;
	s30 =	sld [smem:$0x7E6]  }
0x3a4: {  	(v2sf) =	vpush v52, $0x0;
	s0 =	smov.u32 @p2 s1;
	v58 =	vld [tilespmem:s31+$0xE0];
	v56 =	vadd.f32 v50, v49  }
0x3a5: {  	s1 =	sadd.s32 $0x1D0, s13;
	v57 =	vld [tilespmem:s0+$0x0];
	s0 =	sadd.s32 $0x190, s13  }
0x3a6: {  	s0 =	smov.u32 @p1 s1;
	[tilespmem:s30+$0xC0] =	vst v56  }
0x3a7: {  	v59 =	vld [tilespmem:s0+$0x0]  }
0x3a8: {  	v61 =	vadd.f32 v55, v54;
	v60 =	vld [tilespmem:s29+$0xD0]  }
0x3a9: {  	s1 =	sadd.s32 $0x1F0, s28;
	s0 =	sadd.s32 $0x1B0, s28  }
0x3aa: {  	v20 =	vld [tilespmem:s15+$0xC0];
	s0 =	smov.u32 @p3 s1;
	[tilespmem:s12+$0xE0] =	vst v61;
	v62 =	vadd.f32 v58, v57  }
0x3ab: {  	p5 =	sgt.s32 s6, $0x0;
	s1 =	sadd.s32 $0x1F0, s18;
	v0 =	vld [tilespmem:s0+$0x0];
	s0 =	sadd.s32 $0x1B0, s18  }
0x3ac: {  	v22 =	vld [tilespmem:s9+$0xC0];
	s2 =	sadd.s32 $0x1E0, s13;
	[tilespmem:s4+$0xE0] =	vst v62;
	s0 =	smov.u32 @p2 s1;
	s1 =	sadd.s32 $0x1A0, s13  }
0x3ad: {  	v17 =	vld [tilespmem:s0+$0x0];
	s1 =	smov.u32 @p1 s2;
	s0 =	sadd.s32 $0x180, s10;
	s2 =	sadd.s32 $0x1C0, s10;
	v16 =	vadd.f32 v60, v59  }
0x3ae: {  	v10 =	vld [tilespmem:s19+$0xC0];
	s0 =	smov.u32 @p5 s2  }
0x3af: {  	v19 =	vld [tilespmem:s0+$0x0];
	[tilespmem:s30+$0xD0] =	vst v16  }
0x3b0: {  	p4 =	sgt.s32 s7, $0x0;
	s0 =	sadd.s32 $0x180, s5;
	v1 =	vld [tilespmem:s1+$0x0];
	s1 =	sadd.s32 $0x1C0, s5  }
0x3b1: {  	v11 =	vld [tilespmem:s25+$0xC0];
	s0 =	smov.u32 @p4 s1  }
0x3b2: {  	p3 =	sgt.s32 s8, $0x0;
	s1 =	sadd.s32 $0x1C0, s22;
	v21 =	vld [tilespmem:s0+$0x0];
	s0 =	sadd.s32 $0x180, s22  }
0x3b3: {  	v63 =	vld [tilespmem:s11+$0xF0];
	s20 =	spop (v2sf);
	s0 =	smov.u32 @p3 s1  }
0x3b4: {  	p2 =	sgt.s32 s20, $0x0;
	s1 =	sadd.s32 $0x1C0, s3;
	v23 =	vld [tilespmem:s0+$0x0];
	s0 =	sadd.s32 $0x180, s3  }
0x3b5: {  	v18 =	vld [tilespmem:s31+$0xF0];
	v5 =	vadd.f32 v20, v19;
	s0 =	smov.u32 @p2 s1  }
0x3b6: {  	s1 =	sadd.s32 $0x1D0, s10;
	v24 =	vld [tilespmem:s0+$0x0];
	s0 =	sadd.s32 $0x190, s10  }
0x3b7: {  	v12 =	vld [tilespmem:s29+$0xE0];
	[tilespmem:s23+$0xC0] =	vst v5;
	s0 =	smov.u32 @p5 s1;
	v25 =	vadd.f32 v22, v21  }
0x3b8: {  	s1 =	sadd.s32 $0x1D0, s5;
	v26 =	vld [tilespmem:s0+$0x0];
	s0 =	sadd.s32 $0x190, s5  }
0x3b9: {  	v27 =	vld [tilespmem:s15+$0xD0];
	[tilespmem:s14+$0xC0] =	vst v25;
	s0 =	smov.u32 @p4 s1;
	v28 =	vadd.f32 v10, v23  }
0x3ba: {  	s1 =	sadd.s32 $0x1D0, s22;
	v29 =	vld [tilespmem:s0+$0x0];
	s0 =	sadd.s32 $0x190, s22  }
0x3bb: {  	v30 =	vld [tilespmem:s9+$0xD0];
	[tilespmem:s16+$0xC0] =	vst v28;
	s0 =	smov.u32 @p3 s1;
	v31 =	vadd.f32 v11, v24  }
0x3bc: {  	s1 =	sadd.s32 $0x1D0, s3;
	v32 =	vld [tilespmem:s0+$0x0];
	s0 =	sadd.s32 $0x190, s3  }
0x3bd: {  	v1 =	vadd.f32 v12, v1;
	v33 =	vld [tilespmem:s19+$0xD0];
	[tilespmem:s21+$0xC0] =	vst v31;
	s0 =	smov.u32 @p2 s1  }
0x3be: {  	s2 =	sadd.s32 $0x1F0, s13;
	s1 =	sadd.s32 $0x1B0, s13;
	v34 =	vadd.f32 v27, v26;
	v35 =	vld [tilespmem:s0+$0x0]  }
0x3bf: {  	[tilespmem:s30+$0xE0] =	vst v1;
	s1 =	smov.u32 @p1 s2;
	s0 =	sadd.s32 $0x1A0, s10;
	s2 =	sadd.s32 $0x1E0, s10;
	v36 =	vld [tilespmem:s25+$0xD0]  }
0x3c0: {  	v37 =	vld [tilespmem:s1+$0x0];
	[tilespmem:s23+$0xD0] =	vst v34;
	s0 =	smov.u32 @p5 s2;
	v38 =	vadd.f32 v30, v29  }
0x3c1: {  	s1 =	sadd.s32 $0x1E0, s5;
	v39 =	vld [tilespmem:s0+$0x0];
	s0 =	sadd.s32 $0x1A0, s5  }
0x3c2: {  	v40 =	vld [tilespmem:s15+$0xE0];
	[tilespmem:s14+$0xD0] =	vst v38;
	s0 =	smov.u32 @p4 s1;
	v41 =	vadd.f32 v33, v32  }
0x3c3: {  	s1 =	sadd.s32 $0x1E0, s22;
	v42 =	vld [tilespmem:s0+$0x0];
	s0 =	sadd.s32 $0x1A0, s22  }
0x3c4: {  	v43 =	vld [tilespmem:s9+$0xE0];
	[tilespmem:s16+$0xD0] =	vst v41;
	s0 =	smov.u32 @p3 s1;
	v1 =	vadd.f32 v36, v35  }
0x3c5: {  	s1 =	sadd.s32 $0x1E0, s3;
	v5 =	vld [tilespmem:s0+$0x0];
	s0 =	sadd.s32 $0x1A0, s3  }
0x3c6: {  	v44 =	vld [tilespmem:s19+$0xE0];
	s0 =	smov.u32 @p2 s1;
	[tilespmem:s21+$0xD0] =	vst v1  }
0x3c7: {  	v45 =	vadd.f32 v40, v39;
	v46 =	vld [tilespmem:s0+$0x0]  }
0x3c8: {  	s1 =	sadd.s32 $0x1F0, s10;
	s0 =	sadd.s32 $0x1B0, s10;
	v47 =	vld [tilespmem:s25+$0xE0]  }
0x3c9: {  	v48 =	vld [tilespmem:s29+$0xF0];
	s0 =	smov.u32 @p5 s1;
	[tilespmem:s23+$0xE0] =	vst v45;
	v49 =	vadd.f32 v43, v42  }
0x3ca: {  	s1 =	sadd.s32 $0x1F0, s5;
	v50 =	vld [tilespmem:s0+$0x0];
	s0 =	sadd.s32 $0x1B0, s5  }
0x3cb: {  	v51 =	vld [tilespmem:s15+$0xF0];
	s0 =	smov.u32 @p4 s1;
	[tilespmem:s14+$0xE0] =	vst v49;
	v52 =	vadd.f32 v44, v5  }
0x3cc: {  	s1 =	sadd.s32 $0x1F0, s22;
	v53 =	vld [tilespmem:s0+$0x0];
	s0 =	sadd.s32 $0x1B0, s22  }
0x3cd: {  	v54 =	vld [tilespmem:s9+$0xF0];
	s0 =	smov.u32 @p3 s1;
	[tilespmem:s16+$0xE0] =	vst v52;
	v55 =	vadd.f32 v47, v46  }
0x3ce: {  	s1 =	sadd.s32 $0x1F0, s3;
	v56 =	vld [tilespmem:s0+$0x0];
	s0 =	sadd.s32 $0x1B0, s3  }
0x3cf: {  	v0 =	vadd.f32 v63, v0;
	v57 =	vld [tilespmem:s19+$0xF0];
	s0 =	smov.u32 @p2 s1;
	[tilespmem:s21+$0xE0] =	vst v55  }
0x3d0: {  	v3 =	vadd.f32 v18, v17;
	v1 =	vld [tilespmem:s0+$0x0]  }
0x3d1: {  	[tilespmem:s12+$0xF0] =	vst v0;
	v59 =	vadd.f32 v48, v37;
	v58 =	vld [tilespmem:s25+$0xF0]  }
0x3d2: {  	[tilespmem:s4+$0xF0] =	vst v3;
	v60 =	vadd.f32 v51, v50  }
0x3d3: {  	[tilespmem:s30+$0xF0] =	vst v59  }
0x3d4: {  	v61 =	vadd.f32 v54, v53;
	[tilespmem:s23+$0xF0] =	vst v60  }
0x3d5: {  	s26 =	sld [smem:$0x7F7];
	v62 =	vadd.f32 v57, v56  }
0x3d6: {  	s28 =	sld [smem:$0x7F2];
	[tilespmem:s14+$0xF0] =	vst v61;
	v63 =	vadd.f32 v58, v1  }
0x3d7: {  	[tilespmem:s16+$0xF0] =	vst v62  }
0x3d8: {  	[tilespmem:s21+$0xF0] =	vst v63  }
0x3d9: {  	s31 =	sld [smem:$0x7F1];
	_ =	sdelay $0x2  }
0x3da: {  	p1 =	sne.s32 s31, $0x3F  }
.Ltmp3:
0x3db: {  	s3 =	sor.u32 s26, s28;
	s29 =	sld [smem:$0x7F6];
	(pc) =	sbr.rel @p1 .LBB2_6-.Ltmp3, $4  }
0x3dc: {  	s0 =	smul.u32 $0x680, s3  }
0x3dd: {  	s2 =	simm.s32 $0x0  }
0x3de: {  	s30 =	simm.s32 $0xD800;
	[smem:$0x7E1] =	sst s3;
	s0 =	sadd.s32 s29, s0  }
0x3df: {  	[hbm4b:s0+s2] =	stream.linear.scatter [tilespmem:s30], [sflag:$0x7], $0x3200, $0x38;
	[tilespmem:$0x17400] =	vst v63  }
.Ltmp4:
0x3e0: {  	(pc) =	sbr.rel .LBB2_7-.Ltmp4, $4  }
0x3e1: {  	s0 =	simm.s32 $0x6  }
0x3e2: {  	_ =	swait.ge [sflag:s0], $0x6400  }
0x3e3: {  	[sflag:s0] =	ssyncset.done $0x0  }
0x3e4: {  	[sflag:s0] =	ssyncadd.s32 $0xFFFF9C00  }
.LBB2_6:
0x3e5: {  	s0 =	sshll.u32 s3, $0x7;
	s1 =	rddreg [dreg:$0x0]  }
0x3e6: {  	s17 =	sld [smem:$0x7FB];
	s0 =	sadd.s32 $0x100, s0  }
0x3e7: {  	s1 =	sadd.s32 s1, s0  }
0x3e8: {  	[tilespmem:s2], [sflag:$0x1] =	stream.linear.gather [hbm4b:s1+s2], $0x280, $0x38;
	[tilespmem:$0x17400] =	vst v63  }
0x3e9: {  	s18 =	simm.s32 $0x800;
	s19 =	simm.s32 $0x1;
	s0 =	sadd.s32 s17, s0  }
0x3ea: {  	[tilespmem:s18], [sflag:$0x3] =	stream.linear.gather [hbm4b:s0+s2], $0x280, $0x38;
	[tilespmem:$0x17400] =	vst v63  }
0x3eb: {  	_ =	swait.ge [sflag:s19], $0x280  }
0x3ec: {  	[sflag:s19] =	ssyncset.done $0x0  }
0x3ed: {  	[sflag:s19] =	ssyncadd.s32 $0xFFFFFD80  }
0x3ee: {  	s20 =	simm.s32 $0x28;
	s21 =	simm.s32 $0x1000;
	s0 =	rddreg [dreg:$0x2]  }
0x3ef: {  	[tilespmem:s21], [sflag:$0x5] =	stream.indirect.gather [hbm4b:s0+s20], $0x80, s2, s20, $0xb8;
	[tilespmem:$0x17400] =	vst v63  }
0x3f0: {  	s22 =	simm.s32 $0x80;
	s23 =	simm.s32 $0x2400  }
0x3f1: {  	[tilespmem:s23], [sflag:$0x5] =	stream.indirect.gather [hbm4b:s0+s20], $0x80, s22, s20, $0xb8;
	[tilespmem:$0x17400] =	vst v63  }
0x3f2: {  	s24 =	simm.s32 $0x100;
	s25 =	simm.s32 $0x3800  }
0x3f3: {  	[tilespmem:s25], [sflag:$0x5] =	stream.indirect.gather [hbm4b:s0+s20], $0x80, s24, s20, $0xb8;
	[tilespmem:$0x17400] =	vst v63  }
0x3f4: {  	s26 =	simm.s32 $0x180;
	s28 =	simm.s32 $0x4C00;
	s29 =	simm.s32 $0x200  }
0x3f5: {  	[tilespmem:s28], [sflag:$0x5] =	stream.indirect.gather [hbm4b:s0+s20], $0x80, s26, s20, $0xb8;
	[tilespmem:$0x17400] =	vst v63  }
.Ltmp5:
0x3f6: {  	s30 =	simm.s32 $0x6000;
	s31 =	simm.s32 $0x6;
	(pc) =	sbr.rel @p0 .LBB2_8-.Ltmp5, $4  }
0x3f7: {  	[tilespmem:s30], [sflag:$0x5] =	stream.indirect.gather [hbm4b:s0+s20], $0x80, s29, s20, $0xb8;
	[tilespmem:$0x17400] =	vst v63  }
0x3f8: {  	_ =	swait.ge [sflag:s31], $0x6400  }
0x3f9: {  	[sflag:s31] =	ssyncset.done $0x0  }
0x3fa: {  	[sflag:s31] =	ssyncadd.s32 $0xFFFF9C00  }
.LBB2_7:
0x3fb: {  	s0 =	simm.s32 $0x8  }
0x3fc: {  	_ =	swait.ge [sflag:s0], $0x3200  }
0x3fd: {  	[sflag:s0] =	ssyncset.done $0x0  }
0x3fe: {  	[sflag:s0] =	ssyncadd.s32 $0xFFFFCE00  }
.LBB2_8:
0x3ff: {  	s0 =	simm.s32 $0x7  }
0x400: {  	s28 =	smul.u32 $0xCD, s0;
	_ =	sdelay $0x1  }
0x401: {  	s0 =	sadd.s32 $0xFFFFFA65, s28  }
0x402: {  	s1 =	simm.s32 $0x0;
	s0 =	sshrl.u32 s0, $0xD  }
0x403: {  	s1 =	smul.u32 $0xCD, s1;
	s0 =	sand.u32 $0x7, s0  }
0x404: {  	s0 =	smul.u32 $0x28, s0;
	_ =	sdelay $0x1  }
0x405: {  	s2 =	simm.s32 $0x4;
	s1 =	sshrl.u32 s1, $0x5;
	s0 =	ssub.s32 $0x7, s0  }
0x406: {  	_ =	swait.ge [sflag:s2], $0x280;
	s1 =	sand.u32 $0x780, s1;
	s0 =	sadd.s32 $0xFFFFFFF9, s0  }
0x407: {  	[sflag:s2] =	ssyncset.done $0x0;
	s1 =	sadd.s32 $0xC00, s1;
	s0 =	sand.u32 $0xFF, s0  }
0x408: {  	[sflag:s2] =	ssyncadd.s32 $0xFFFFFD80;
	s0 =	sor.u32 s0, s1  }
0x409: {  	v0 =	vld.msk [tilespmem:s0+$0x0], $0x1;
	_ =	sdelay $0x4  }
0x40a: {  	(v2sf) =	vpush v0, $0x0;
	_ =	sdelay $0xe  }
0x40b: {  	s30 =	simm.s32 $0x14100;
	s9 =	spop (v2sf)  }
0x40c: {  	s2 =	simm.s32 $0x7440;
	s0 =	simm.s32 $0x7400;
	p0 =	sgt.s32 s9, $0x0  }
0x40d: {  	v0 =	vld [tilespmem:s30+$0xFFFFFF00];
	s0 =	smov.u32 @p0 s2  }
0x40e: {  	v1 =	vld [tilespmem:s0+$0x0];
	_ =	sdelay $0x4  }
0x40f: {  	v0 =	vadd.f32 v0, v1  }
0x410: {  	s31 =	simm.s32 $0x10D00;
	s2 =	simm.s32 $0x7450;
	s0 =	simm.s32 $0x7410  }
0x411: {  	s0 =	smov.u32 @p0 s2;
	[tilespmem:s31+$0xFFFFFF00] =	vst v0  }
0x412: {  	v0 =	vld [tilespmem:s0+$0x0]  }
0x413: {  	v1 =	vld [tilespmem:s30+$0xFFFFFF10];
	_ =	sdelay $0x4  }
0x414: {  	v0 =	vadd.f32 v1, v0  }
0x415: {  	s2 =	simm.s32 $0x7460;
	s0 =	simm.s32 $0x7420  }
0x416: {  	s0 =	smov.u32 @p0 s2;
	[tilespmem:s31+$0xFFFFFF10] =	vst v0  }
0x417: {  	v0 =	vld [tilespmem:s0+$0x0]  }
0x418: {  	v1 =	vld [tilespmem:s30+$0xFFFFFF20];
	_ =	sdelay $0x2  }
0x419: {  	s10 =	simm.s32 $0xF  }
0x41a: {  	s16 =	smul.u32 $0xCD, s10  }
0x41b: {  	s11 =	simm.s32 $0xF;
	s3 =	simm.s32 $0x7430;
	v0 =	vadd.f32 v1, v0  }
0x41c: {  	s4 =	simm.s32 $0x7470;
	s12 =	sadd.s32 $0xFFFFFA65, s16;
	[dreg:$0x18] =	wrdreg s11  }
0x41d: {  	s6 =	simm.s32 $0x4;
	s3 =	smov.u32 @p0 s4;
	s0 =	sshrl.u32 s12, $0xD;
	[tilespmem:s31+$0xFFFFFF20] =	vst v0  }
0x41e: {  	s13 =	smul.u32 $0xCD, s6;
	s14 =	sadd.s32 $0xFFFFFB32, s28;
	s0 =	sand.u32 $0x7, s0;
	v0 =	vld [tilespmem:s3+$0x0]  }
0x41f: {  	s0 =	smul.u32 $0x28, s0;
	v1 =	vld [tilespmem:s30+$0xFFFFFF30];
	s3 =	sshrl.u32 s14, $0xD  }
0x420: {  	s3 =	sand.u32 $0x7, s3  }
0x421: {  	s4 =	sshrl.u32 s13, $0x5;
	s0 =	ssub.s32 $0xF, s0;
	s3 =	smul.u32 $0x28, s3  }
0x422: {  	s4 =	sand.u32 $0x780, s4;
	s0 =	sadd.s32 $0xFFFFFFF9, s0  }
0x423: {  	s19 =	sadd.s32 $0xC00, s4;
	s0 =	sand.u32 $0xFF, s0;
	s3 =	ssub.s32 $0x7, s3  }
0x424: {  	s0 =	sor.u32 s0, s19;
	v0 =	vadd.f32 v1, v0;
	s3 =	sadd.s32 $0xFFFFFFFA, s3  }
0x425: {  	v1 =	vld.msk [tilespmem:s0+$0x0], $0x1;
	s15 =	sand.u32 $0xFF, s3  }
0x426: {  	[tilespmem:s31+$0xFFFFFF30] =	vst v0;
	s0 =	sor.u32 s15, s1  }
0x427: {  	v0 =	vld.msk [tilespmem:s0+$0x0], $0x1;
	_ =	sdelay $0x2  }
0x428: {  	(v2sf) =	vpush v1, $0x0;
	_ =	sdelay $0x1  }
0x429: {  	(v2sf) =	vpush v0, $0x0;
	_ =	sdelay $0xc  }
0x42a: {  	s22 =	simm.s32 $0x14300;
	s17 =	spop (v2sf)  }
0x42b: {  	s4 =	simm.s32 $0x7840;
	s3 =	simm.s32 $0x7800;
	p0 =	sgt.s32 s17, $0x0  }
0x42c: {  	v0 =	vld [tilespmem:s22+$0xFFFFFF00];
	s3 =	smov.u32 @p0 s4;
	s18 =	spop (v2sf)  }
0x42d: {  	s6 =	simm.s32 $0x74C0;
	v1 =	vld [tilespmem:s3+$0x0];
	s3 =	simm.s32 $0x7480;
	p1 =	sgt.s32 s18, $0x0  }
0x42e: {  	v2 =	vld [tilespmem:s30+$0xFFFFFF40];
	s3 =	smov.u32 @p1 s6  }
0x42f: {  	v3 =	vld [tilespmem:s3+$0x0];
	_ =	sdelay $0x2  }
0x430: {  	v0 =	vadd.f32 v0, v1  }
0x431: {  	s4 =	simm.s32 $0x7850;
	s18 =	simm.s32 $0x10F00;
	s3 =	simm.s32 $0x7810  }
0x432: {  	s3 =	smov.u32 @p0 s4;
	[tilespmem:s18+$0xFFFFFF00] =	vst v0;
	v0 =	vadd.f32 v2, v3  }
0x433: {  	s4 =	simm.s32 $0x74D0;
	v1 =	vld [tilespmem:s3+$0x0];
	s3 =	simm.s32 $0x7490  }
0x434: {  	v2 =	vld [tilespmem:s22+$0xFFFFFF10];
	s3 =	smov.u32 @p1 s4;
	[tilespmem:s31+$0xFFFFFF40] =	vst v0  }
0x435: {  	v0 =	vld [tilespmem:s3+$0x0]  }
0x436: {  	v3 =	vld [tilespmem:s30+$0xFFFFFF50];
	_ =	sdelay $0x2  }
0x437: {  	v1 =	vadd.f32 v2, v1  }
0x438: {  	s4 =	simm.s32 $0x7860;
	s3 =	simm.s32 $0x7820  }
0x439: {  	s3 =	smov.u32 @p0 s4;
	[tilespmem:s18+$0xFFFFFF10] =	vst v1;
	v0 =	vadd.f32 v3, v0  }
0x43a: {  	s4 =	simm.s32 $0x74E0;
	v1 =	vld [tilespmem:s3+$0x0];
	s3 =	simm.s32 $0x74A0  }
0x43b: {  	v2 =	vld [tilespmem:s22+$0xFFFFFF20];
	s3 =	smov.u32 @p1 s4;
	[tilespmem:s31+$0xFFFFFF50] =	vst v0  }
0x43c: {  	v0 =	vld [tilespmem:s3+$0x0]  }
0x43d: {  	v3 =	vld [tilespmem:s30+$0xFFFFFF60];
	_ =	sdelay $0x1  }
0x43e: {  	s20 =	simm.s32 $0x17  }
0x43f: {  	s21 =	simm.s32 $0x17;
	s25 =	smul.u32 $0xCD, s20;
	v1 =	vadd.f32 v2, v1  }
0x440: {  	s4 =	simm.s32 $0x7870;
	[dreg:$0x10] =	wrdreg s21;
	s3 =	simm.s32 $0x7830  }
0x441: {  	s23 =	simm.s32 $0x8;
	s7 =	sadd.s32 $0xFFFFFA65, s25;
	s3 =	smov.u32 @p0 s4;
	[tilespmem:s18+$0xFFFFFF20] =	vst v1;
	v0 =	vadd.f32 v3, v0  }
0x442: {  	s24 =	sshrl.u32 s7, $0xD;
	s7 =	simm.s32 $0x74F0;
	v1 =	vld [tilespmem:s3+$0x0];
	s3 =	simm.s32 $0x74B0  }
0x443: {  	s26 =	sadd.s32 $0xFFFFFB32, s16;
	s2 =	sadd.s32 $0xFFFFFBFF, s28;
	v2 =	vld [tilespmem:s22+$0xFFFFFF30];
	s3 =	smov.u32 @p1 s7;
	[tilespmem:s31+$0xFFFFFF60] =	vst v0  }
0x444: {  	s0 =	sshrl.u32 s26, $0xD;
	s6 =	smul.u32 $0xCD, s23;
	s4 =	sand.u32 $0x7, s24;
	v0 =	vld [tilespmem:s3+$0x0]  }
0x445: {  	s4 =	smul.u32 $0x28, s4;
	s7 =	sshrl.u32 s2, $0xD;
	s3 =	sand.u32 $0x7, s0;
	v3 =	vld [tilespmem:s30+$0xFFFFFF70]  }
0x446: {  	s6 =	sshrl.u32 s6, $0x5;
	s7 =	sand.u32 $0x7, s7;
	s3 =	smul.u32 $0x28, s3  }
0x447: {  	s6 =	sand.u32 $0x780, s6;
	s4 =	ssub.s32 $0x17, s4;
	s7 =	smul.u32 $0x28, s7  }
0x448: {  	s17 =	sadd.s32 $0xC00, s6;
	s4 =	sadd.s32 $0xFFFFFFF9, s4;
	s3 =	ssub.s32 $0xF, s3  }
0x449: {  	s4 =	sand.u32 $0xFF, s4;
	v1 =	vadd.f32 v2, v1;
	s5 =	ssub.s32 $0x7, s7;
	s3 =	sadd.s32 $0xFFFFFFFA, s3  }
0x44a: {  	s4 =	sor.u32 s4, s17;
	s6 =	sadd.s32 $0xFFFFFFFB, s5;
	s3 =	sand.u32 $0xFF, s3;
	v0 =	vadd.f32 v3, v0  }
0x44b: {  	v2 =	vld.msk [tilespmem:s4+$0x0], $0x1;
	[tilespmem:s18+$0xFFFFFF30] =	vst v1;
	s6 =	sand.u32 $0xFF, s6;
	s3 =	sor.u32 s3, s19  }
0x44c: {  	s7 =	sor.u32 s6, s1;
	v1 =	vld.msk [tilespmem:s3+$0x0], $0x1;
	[tilespmem:s31+$0xFFFFFF70] =	vst v0  }
0x44d: {  	v0 =	vld.msk [tilespmem:s7+$0x0], $0x1;
	_ =	sdelay $0x2  }
0x44e: {  	(v2sf) =	vpush v2, $0x0  }
0x44f: {  	(v2sf) =	vpush v1, $0x0  }
0x450: {  	(v2sf) =	vpush v0, $0x0;
	_ =	sdelay $0xc  }
0x451: {  	s8 =	spop (v2sf)  }
0x452: {  	s10 =	spop (v2sf)  }
0x453: {  	s11 =	spop (v2sf)  }
0x454: {  	s9 =	simm.s32 $0x7540;
	s7 =	simm.s32 $0x7500;
	p2 =	sgt.s32 s11, $0x0  }
0x455: {  	v0 =	vld [tilespmem:s30+$0xFFFFFF80];
	s7 =	smov.u32 @p2 s9  }
0x456: {  	v1 =	vld [tilespmem:s7+$0x0];
	_ =	sdelay $0x4  }
0x457: {  	v0 =	vadd.f32 v0, v1  }
0x458: {  	s3 =	simm.s32 $0x7510;
	s7 =	simm.s32 $0x7550  }
0x459: {  	s3 =	smov.u32 @p2 s7;
	[tilespmem:s31+$0xFFFFFF80] =	vst v0  }
0x45a: {  	v0 =	vld [tilespmem:s3+$0x0]  }
0x45b: {  	v1 =	vld [tilespmem:s30+$0xFFFFFF90];
	_ =	sdelay $0x1  }
0x45c: {  	s4 =	simm.s32 $0x7C00;
	p1 =	sgt.s32 s8, $0x0;
	s7 =	simm.s32 $0x7C40  }
0x45d: {  	s26 =	simm.s32 $0x14500;
	s4 =	smov.u32 @p1 s7  }
0x45e: {  	p0 =	sgt.s32 s10, $0x0;
	s7 =	simm.s32 $0x78C0;
	v3 =	vld [tilespmem:s4+$0x0];
	s4 =	simm.s32 $0x7880  }
0x45f: {  	v2 =	vld [tilespmem:s26+$0xFFFFFF00];
	s4 =	smov.u32 @p0 s7;
	v0 =	vadd.f32 v1, v0  }
0x460: {  	s6 =	simm.s32 $0x7520;
	s7 =	simm.s32 $0x7560;
	v4 =	vld [tilespmem:s4+$0x0]  }
0x461: {  	s13 =	simm.s32 $0x1F;
	s12 =	simm.s32 $0x1F;
	s6 =	smov.u32 @p2 s7;
	v1 =	vld [tilespmem:s22+$0xFFFFFF40];
	[tilespmem:s31+$0xFFFFFF90] =	vst v0  }
0x462: {  	s0 =	smul.u32 $0xCD, s12;
	v0 =	vld [tilespmem:s6+$0x0];
	[dreg:$0x9] =	wrdreg s13  }
0x463: {  	v5 =	vld [tilespmem:s30+$0xFFFFFFA0]  }
0x464: {  	s23 =	simm.s32 $0x11100;
	s15 =	sadd.s32 $0xFFFFFA65, s0;
	v2 =	vadd.f32 v2, v3  }
0x465: {  	s10 =	simm.s32 $0x7C50;
	s9 =	simm.s32 $0x7C10;
	s7 =	sshrl.u32 s15, $0xD  }
0x466: {  	s14 =	simm.s32 $0xC;
	s9 =	smov.u32 @p1 s10;
	s7 =	sand.u32 $0x7, s7;
	[tilespmem:s23+$0xFFFFFF00] =	vst v2;
	v1 =	vadd.f32 v1, v4  }
0x467: {  	s10 =	simm.s32 $0x78D0;
	s7 =	smul.u32 $0x28, s7;
	v2 =	vld [tilespmem:s9+$0x0];
	s9 =	simm.s32 $0x7890  }
0x468: {  	s6 =	smul.u32 $0xCD, s14;
	v3 =	vld [tilespmem:s26+$0xFFFFFF10];
	s9 =	smov.u32 @p0 s10;
	[tilespmem:s18+$0xFFFFFF40] =	vst v1;
	v0 =	vadd.f32 v5, v0  }
0x469: {  	s10 =	simm.s32 $0x7570;
	v1 =	vld [tilespmem:s9+$0x0];
	s9 =	simm.s32 $0x7530  }
0x46a: {  	s7 =	ssub.s32 $0x1F, s7;
	s6 =	sshrl.u32 s6, $0x5;
	v4 =	vld [tilespmem:s22+$0xFFFFFF50];
	s9 =	smov.u32 @p2 s10;
	[tilespmem:s31+$0xFFFFFFA0] =	vst v0  }
0x46b: {  	s20 =	sadd.s32 $0xFFFFFCCC, s28;
	s7 =	sadd.s32 $0xFFFFFFF9, s7;
	s6 =	sand.u32 $0x780, s6;
	v0 =	vld [tilespmem:s9+$0x0]  }
0x46c: {  	s21 =	sshrl.u32 s20, $0xD;
	s7 =	sand.u32 $0xFF, s7;
	s8 =	sadd.s32 $0xC00, s6;
	v5 =	vld [tilespmem:s30+$0xFFFFFFB0]  }
0x46d: {  	s6 =	sand.u32 $0x7, s21;
	s7 =	sor.u32 s7, s8;
	v2 =	vadd.f32 v3, v2  }
0x46e: {  	s6 =	smul.u32 $0x28, s6;
	s10 =	simm.s32 $0x7C60;
	s9 =	simm.s32 $0x7C20  }
0x46f: {  	v3 =	vld.msk [tilespmem:s7+$0x0], $0x1;
	[tilespmem:s23+$0xFFFFFF10] =	vst v2;
	s9 =	smov.u32 @p1 s10;
	v1 =	vadd.f32 v4, v1  }
0x470: {  	s7 =	simm.s32 $0x78A0;
	s6 =	ssub.s32 $0x7, s6;
	v2 =	vld [tilespmem:s9+$0x0];
	s9 =	simm.s32 $0x78E0  }
0x471: {  	s6 =	sadd.s32 $0xFFFFFFFC, s6;
	v4 =	vld [tilespmem:s26+$0xFFFFFF20];
	[tilespmem:s18+$0xFFFFFF50] =	vst v1;
	s7 =	smov.u32 @p0 s9;
	v0 =	vadd.f32 v5, v0  }
0x472: {  	s6 =	sand.u32 $0xFF, s6;
	v1 =	vld [tilespmem:s7+$0x0]  }
0x473: {  	s6 =	sor.u32 s6, s1;
	v5 =	vld [tilespmem:s22+$0xFFFFFF60];
	[tilespmem:s31+$0xFFFFFFB0] =	vst v0  }
0x474: {  	v0 =	vld.msk [tilespmem:s6+$0x0], $0x1;
	_ =	sdelay $0x1  }
0x475: {  	v2 =	vadd.f32 v4, v2  }
0x476: {  	s7 =	simm.s32 $0x7C70;
	s6 =	simm.s32 $0x7C30  }
0x477: {  	(v2sf) =	vpush v3, $0x0;
	[tilespmem:s23+$0xFFFFFF20] =	vst v2;
	s6 =	smov.u32 @p1 s7;
	v1 =	vadd.f32 v5, v1  }
0x478: {  	s7 =	simm.s32 $0x78F0;
	v2 =	vld [tilespmem:s6+$0x0];
	s6 =	simm.s32 $0x78B0;
	(v2sf) =	vpush v0, $0x0  }
0x479: {  	s24 =	sadd.s32 $0xFFFFFB32, s25;
	s6 =	smov.u32 @p0 s7;
	[tilespmem:s18+$0xFFFFFF60] =	vst v1;
	v0 =	vld [tilespmem:s26+$0xFFFFFF30]  }
0x47a: {  	s2 =	sshrl.u32 s24, $0xD;
	s3 =	sadd.s32 $0xFFFFFBFF, s16;
	v1 =	vld [tilespmem:s6+$0x0]  }
0x47b: {  	s7 =	sshrl.u32 s3, $0xD;
	s6 =	sand.u32 $0x7, s2;
	v3 =	vld [tilespmem:s22+$0xFFFFFF70]  }
0x47c: {  	s7 =	sand.u32 $0x7, s7;
	s6 =	smul.u32 $0x28, s6  }
0x47d: {  	s7 =	smul.u32 $0x28, s7  }
0x47e: {  	s6 =	ssub.s32 $0x17, s6  }
0x47f: {  	s7 =	ssub.s32 $0xF, s7;
	s6 =	sadd.s32 $0xFFFFFFFA, s6;
	v0 =	vadd.f32 v0, v2  }
0x480: {  	s7 =	sadd.s32 $0xFFFFFFFB, s7;
	s6 =	sand.u32 $0xFF, s6;
	v1 =	vadd.f32 v3, v1  }
0x481: {  	s7 =	sand.u32 $0xFF, s7;
	s6 =	sor.u32 s6, s17;
	[tilespmem:s23+$0xFFFFFF30] =	vst v0  }
0x482: {  	s4 =	sor.u32 s7, s19;
	[tilespmem:s18+$0xFFFFFF70] =	vst v1;
	v0 =	vld.msk [tilespmem:s6+$0x0], $0x1  }
0x483: {  	v1 =	vld.msk [tilespmem:s4+$0x0], $0x1;
	_ =	sdelay $0x2  }
0x484: {  	s5 =	spop (v2sf)  }
0x485: {  	(v2sf) =	vpush v0, $0x0;
	s11 =	spop (v2sf)  }
0x486: {  	s10 =	simm.s32 $0x75C0;
	s9 =	simm.s32 $0x7580;
	(v2sf) =	vpush v1, $0x0;
	p1 =	sgt.s32 s11, $0x0  }
0x487: {  	v0 =	vld [tilespmem:s30+$0xFFFFFFC0];
	s9 =	smov.u32 @p1 s10  }
0x488: {  	v1 =	vld [tilespmem:s9+$0x0];
	_ =	sdelay $0x4  }
0x489: {  	v0 =	vadd.f32 v0, v1  }
0x48a: {  	s7 =	simm.s32 $0x7590;
	s9 =	simm.s32 $0x75D0  }
0x48b: {  	s7 =	smov.u32 @p1 s9;
	[tilespmem:s31+$0xFFFFFFC0] =	vst v0  }
0x48c: {  	v0 =	vld [tilespmem:s7+$0x0]  }
0x48d: {  	v1 =	vld [tilespmem:s30+$0xFFFFFFD0];
	_ =	sdelay $0x2  }
0x48e: {  	s12 =	spop (v2sf)  }
0x48f: {  	s13 =	spop (v2sf)  }
0x490: {  	s11 =	simm.s32 $0x7940;
	s10 =	simm.s32 $0x7900;
	p2 =	sgt.s32 s13, $0x0;
	v0 =	vadd.f32 v1, v0  }
0x491: {  	s9 =	simm.s32 $0x75A0;
	v1 =	vld [tilespmem:s22+$0xFFFFFF80];
	s10 =	smov.u32 @p2 s11;
	s11 =	simm.s32 $0x75E0  }
0x492: {  	v2 =	vld [tilespmem:s10+$0x0];
	[tilespmem:s31+$0xFFFFFFD0] =	vst v0;
	s9 =	smov.u32 @p1 s11  }
0x493: {  	v0 =	vld [tilespmem:s9+$0x0]  }
0x494: {  	v3 =	vld [tilespmem:s30+$0xFFFFFFE0];
	_ =	sdelay $0x2  }
0x495: {  	v1 =	vadd.f32 v1, v2  }
0x496: {  	s2 =	simm.s32 $0x14700;
	s10 =	simm.s32 $0x7950;
	s9 =	simm.s32 $0x7910  }
0x497: {  	s9 =	smov.u32 @p2 s10;
	v2 =	vld [tilespmem:s2+$0xFFFFFF00];
	v0 =	vadd.f32 v3, v0;
	[tilespmem:s18+$0xFFFFFF80] =	vst v1  }
0x498: {  	v1 =	vld [tilespmem:s9+$0x0]  }
0x499: {  	p0 =	sgt.s32 s5, $0x0;
	s10 =	simm.s32 $0x75F0;
	s9 =	simm.s32 $0x75B0;
	v3 =	vld [tilespmem:s22+$0xFFFFFF90];
	[tilespmem:s31+$0xFFFFFFE0] =	vst v0  }
0x49a: {  	s6 =	simm.s32 $0x8000;
	s9 =	smov.u32 @p1 s10;
	s10 =	simm.s32 $0x8040;
	v4 =	vld [tilespmem:s30+$0xFFFFFFF0]  }
0x49b: {  	s14 =	sadd.s32 $0xFFFFFD99, s28;
	p1 =	sgt.s32 s12, $0x0;
	v0 =	vld [tilespmem:s9+$0x0];
	s6 =	smov.u32 @p0 s10  }
0x49c: {  	s10 =	simm.s32 $0x7C80;
	s9 =	sshrl.u32 s14, $0xD;
	v5 =	vld [tilespmem:s6+$0x0];
	s6 =	simm.s32 $0x7CC0  }
0x49d: {  	v6 =	vld [tilespmem:s26+$0xFFFFFF40];
	s15 =	sand.u32 $0x7, s9;
	s10 =	smov.u32 @p1 s6  }
0x49e: {  	s20 =	smul.u32 $0x28, s15;
	v7 =	vld [tilespmem:s10+$0x0];
	v1 =	vadd.f32 v3, v1  }
0x49f: {  	s7 =	simm.s32 $0x7920;
	s9 =	simm.s32 $0x7960  }
0x4a0: {  	s7 =	smov.u32 @p2 s9;
	s6 =	ssub.s32 $0x7, s20;
	[tilespmem:s18+$0xFFFFFF90] =	vst v1  }
0x4a1: {  	v0 =	vadd.f32 v4, v0;
	s6 =	sadd.s32 $0xFFFFFFFD, s6;
	v1 =	vadd.f32 v2, v5;
	v2 =	vld [tilespmem:s7+$0x0]  }
0x4a2: {  	s3 =	simm.s32 $0x11300;
	s6 =	sand.u32 $0xFF, s6;
	v3 =	vld [tilespmem:s22+$0xFFFFFFA0]  }
0x4a3: {  	s10 =	simm.s32 $0x8050;
	s7 =	simm.s32 $0x8010;
	[tilespmem:s31+$0xFFFFFFF0] =	vst v0;
	s6 =	sor.u32 s6, s1;
	v0 =	vadd.f32 v6, v7  }
0x4a4: {  	s7 =	smov.u32 @p0 s10;
	[tilespmem:s3+$0xFFFFFF00] =	vst v1;
	v1 =	vld.msk [tilespmem:s6+$0x0], $0x1  }
0x4a5: {  	s21 =	simm.s32 $0x27;
	s6 =	simm.s32 $0x7C90;
	v4 =	vld [tilespmem:s7+$0x0];
	s7 =	simm.s32 $0x7CD0;
	[tilespmem:s23+$0xFFFFFF40] =	vst v0  }
0x4a6: {  	s5 =	simm.s32 $0x27;
	v5 =	vld [tilespmem:s2+$0xFFFFFF10];
	s6 =	smov.u32 @p1 s7;
	[dreg:$0x8] =	wrdreg s21  }
0x4a7: {  	s21 =	smul.u32 $0xCD, s5;
	v2 =	vadd.f32 v3, v2;
	v0 =	vld [tilespmem:s6+$0x0]  }
0x4a8: {  	s4 =	simm.s32 $0x10;
	s10 =	simm.s32 $0x7970;
	s7 =	simm.s32 $0x7930;
	v6 =	vld [tilespmem:s26+$0xFFFFFF50]  }
0x4a9: {  	s11 =	simm.s32 $0x8020;
	s7 =	smov.u32 @p2 s10;
	s24 =	sadd.s32 $0xFFFFFA65, s21;
	(v2sf) =	vpush v1, $0x0;
	[tilespmem:s18+$0xFFFFFFA0] =	vst v2  }
0x4aa: {  	s12 =	simm.s32 $0x8060;
	s9 =	sadd.s32 $0xFFFFFCCC, s16;
	s6 =	sshrl.u32 s24, $0xD;
	v2 =	vld [tilespmem:s7+$0x0]  }
0x4ab: {  	s5 =	smul.u32 $0xCD, s4;
	v1 =	vadd.f32 v5, v4;
	v3 =	vld [tilespmem:s22+$0xFFFFFFB0];
	s7 =	sshrl.u32 s9, $0xD;
	s6 =	sand.u32 $0x7, s6  }
0x4ac: {  	s11 =	smov.u32 @p0 s12;
	s7 =	sand.u32 $0x7, s7;
	s6 =	smul.u32 $0x28, s6  }
0x4ad: {  	s12 =	simm.s32 $0x7CE0;
	s10 =	sshrl.u32 s5, $0x5;
	[tilespmem:s3+$0xFFFFFF10] =	vst v1;
	s7 =	smul.u32 $0x28, s7;
	v0 =	vadd.f32 v6, v0  }
0x4ae: {  	s10 =	sand.u32 $0x780, s10;
	v1 =	vld [tilespmem:s11+$0x0];
	s11 =	simm.s32 $0x7CA0;
	s6 =	ssub.s32 $0x27, s6  }
0x4af: {  	v4 =	vld [tilespmem:s2+$0xFFFFFF20];
	s11 =	smov.u32 @p1 s12;
	s7 =	ssub.s32 $0xF, s7;
	[tilespmem:s23+$0xFFFFFF50] =	vst v0;
	s6 =	sadd.s32 $0xFFFFFFF9, s6  }
0x4b0: {  	s14 =	sadd.s32 $0xC00, s10;
	v2 =	vadd.f32 v3, v2;
	s7 =	sadd.s32 $0xFFFFFFFC, s7;
	v0 =	vld [tilespmem:s11+$0x0];
	s6 =	sand.u32 $0xFF, s6  }
0x4b1: {  	v5 =	vld [tilespmem:s26+$0xFFFFFF60];
	s7 =	sand.u32 $0xFF, s7;
	s6 =	sor.u32 s6, s14  }
0x4b2: {  	[tilespmem:s18+$0xFFFFFFB0] =	vst v2;
	s10 =	sor.u32 s7, s19;
	v3 =	vld.msk [tilespmem:s6+$0x0], $0x1  }
0x4b3: {  	v2 =	vld.msk [tilespmem:s10+$0x0], $0x1  }
0x4b4: {  	v1 =	vadd.f32 v4, v1  }
0x4b5: {  	s7 =	simm.s32 $0x8070;
	s6 =	simm.s32 $0x8030  }
0x4b6: {  	s13 =	sadd.s32 $0xFFFFFBFF, s25;
	s6 =	smov.u32 @p0 s7;
	[tilespmem:s3+$0xFFFFFF20] =	vst v1;
	v1 =	vld [tilespmem:s30+$0x0];
	v0 =	vadd.f32 v5, v0  }
0x4b7: {  	s11 =	sadd.s32 $0xFFFFFB32, s0;
	s10 =	simm.s32 $0x7CF0;
	s7 =	simm.s32 $0x7CB0;
	v4 =	vld [tilespmem:s6+$0x0];
	(v2sf) =	vpush v3, $0x0  }
0x4b8: {  	s7 =	smov.u32 @p1 s10;
	s10 =	simm.s32 $0x7640;
	v5 =	vld [tilespmem:s2+$0xFFFFFF30];
	[tilespmem:s23+$0xFFFFFF60] =	vst v0;
	s12 =	spop (v2sf);
	(v2sf) =	vpush v2, $0x0  }
0x4b9: {  	s6 =	sshrl.u32 s11, $0xD;
	s11 =	simm.s32 $0x7600;
	v0 =	vld [tilespmem:s7+$0x0];
	p0 =	sgt.s32 s12, $0x0  }
0x4ba: {  	s6 =	sand.u32 $0x7, s6;
	v2 =	vld [tilespmem:s26+$0xFFFFFF70];
	s7 =	sshrl.u32 s13, $0xD;
	s11 =	smov.u32 @p0 s10  }
0x4bb: {  	s6 =	smul.u32 $0x28, s6;
	s7 =	sand.u32 $0x7, s7;
	v3 =	vld [tilespmem:s11+$0x0]  }
0x4bc: {  	s7 =	smul.u32 $0x28, s7  }
0x4bd: {  	s6 =	ssub.s32 $0x1F, s6  }
0x4be: {  	v4 =	vadd.f32 v5, v4;
	s6 =	sadd.s32 $0xFFFFFFFA, s6;
	s7 =	ssub.s32 $0x17, s7  }
0x4bf: {  	s6 =	sand.u32 $0xFF, s6;
	v0 =	vadd.f32 v2, v0;
	s7 =	sadd.s32 $0xFFFFFFFB, s7  }
0x4c0: {  	[tilespmem:s3+$0xFFFFFF30] =	vst v4;
	s6 =	sor.u32 s6, s8;
	s7 =	sand.u32 $0xFF, s7;
	v1 =	vadd.f32 v1, v3  }
0x4c1: {  	s10 =	simm.s32 $0x7650;
	v2 =	vld.msk [tilespmem:s6+$0x0], $0x1;
	[tilespmem:s23+$0xFFFFFF70] =	vst v0;
	s15 =	sor.u32 s7, s17;
	s7 =	simm.s32 $0x7610  }
0x4c2: {  	v0 =	vld.msk [tilespmem:s15+$0x0], $0x1;
	s7 =	smov.u32 @p0 s10;
	[tilespmem:s31+$0x0] =	vst v1  }
0x4c3: {  	v1 =	vld [tilespmem:s7+$0x0]  }
0x4c4: {  	v3 =	vld [tilespmem:s30+$0x10];
	_ =	sdelay $0x1  }
0x4c5: {  	(v2sf) =	vpush v2, $0x0;
	s20 =	spop (v2sf)  }
0x4c6: {  	(v2sf) =	vpush v0, $0x0;
	s24 =	spop (v2sf)  }
0x4c7: {  	s11 =	simm.s32 $0x79C0;
	s10 =	simm.s32 $0x7980;
	p3 =	sgt.s32 s24, $0x0  }
0x4c8: {  	v0 =	vadd.f32 v3, v1;
	v1 =	vld [tilespmem:s22+$0xFFFFFFC0];
	s10 =	smov.u32 @p3 s11  }
0x4c9: {  	v2 =	vld [tilespmem:s10+$0x0]  }
0x4ca: {  	s7 =	simm.s32 $0x7620;
	s11 =	simm.s32 $0x7660  }
0x4cb: {  	[tilespmem:s31+$0x10] =	vst v0;
	s7 =	smov.u32 @p0 s11  }
0x4cc: {  	v0 =	vld [tilespmem:s7+$0x0]  }
0x4cd: {  	v3 =	vld [tilespmem:s30+$0x20]  }
0x4ce: {  	v1 =	vadd.f32 v1, v2  }
0x4cf: {  	s10 =	simm.s32 $0x79D0;
	s7 =	simm.s32 $0x7990  }
0x4d0: {  	s7 =	smov.u32 @p3 s10;
	[tilespmem:s18+$0xFFFFFFC0] =	vst v1  }
0x4d1: {  	v1 =	vld [tilespmem:s7+$0x0]  }
0x4d2: {  	v0 =	vadd.f32 v3, v0;
	v2 =	vld [tilespmem:s22+$0xFFFFFFD0]  }
0x4d3: {  	s4 =	sadd.s32 $0xFFFFFE66, s28  }
0x4d4: {  	s10 =	simm.s32 $0x7670;
	s5 =	spop (v2sf);
	s7 =	simm.s32 $0x7630;
	[tilespmem:s31+$0x20] =	vst v0  }
0x4d5: {  	s12 =	simm.s32 $0x7D40;
	s7 =	smov.u32 @p0 s10;
	v3 =	vld [tilespmem:s30+$0x30];
	s9 =	spop (v2sf)  }
0x4d6: {  	s11 =	simm.s32 $0x7D00;
	v0 =	vld [tilespmem:s7+$0x0];
	s7 =	sshrl.u32 s4, $0xD;
	p2 =	sgt.s32 s9, $0x0  }
0x4d7: {  	s7 =	sand.u32 $0x7, s7;
	s11 =	smov.u32 @p2 s12;
	v1 =	vadd.f32 v2, v1  }
0x4d8: {  	s7 =	smul.u32 $0x28, s7;
	s12 =	simm.s32 $0x79E0;
	v2 =	vld [tilespmem:s11+$0x0];
	s11 =	simm.s32 $0x79A0  }
0x4d9: {  	v4 =	vld [tilespmem:s26+$0xFFFFFF80];
	s11 =	smov.u32 @p3 s12;
	[tilespmem:s18+$0xFFFFFFD0] =	vst v1  }
0x4da: {  	s7 =	ssub.s32 $0x7, s7;
	v1 =	vld [tilespmem:s11+$0x0]  }
0x4db: {  	v0 =	vadd.f32 v3, v0;
	s7 =	sadd.s32 $0xFFFFFFFE, s7;
	v3 =	vld [tilespmem:s22+$0xFFFFFFE0]  }
0x4dc: {  	s6 =	simm.s32 $0x8400;
	s24 =	simm.s32 $0x14900;
	s7 =	sand.u32 $0xFF, s7  }
0x4dd: {  	v5 =	vld [tilespmem:s24+$0xFFFFFF00];
	p0 =	sgt.s32 s20, $0x0;
	s11 =	simm.s32 $0x8440;
	[tilespmem:s31+$0x30] =	vst v0;
	s7 =	sor.u32 s7, s1  }
0x4de: {  	s6 =	smov.u32 @p0 s11;
	v0 =	vld.msk [tilespmem:s7+$0x0], $0x1;
	v2 =	vadd.f32 v4, v2  }
0x4df: {  	p1 =	sgt.s32 s5, $0x0;
	s7 =	simm.s32 $0x7D50;
	v4 =	vld [tilespmem:s6+$0x0];
	s6 =	simm.s32 $0x7D10  }
0x4e0: {  	v6 =	vld [tilespmem:s2+$0xFFFFFF40];
	s10 =	simm.s32 $0x80C0;
	s6 =	smov.u32 @p2 s7;
	s7 =	simm.s32 $0x8080;
	[tilespmem:s23+$0xFFFFFF80] =	vst v2;
	v1 =	vadd.f32 v3, v1  }
0x4e1: {  	s7 =	smov.u32 @p1 s10;
	s10 =	simm.s32 $0x79F0;
	v2 =	vld [tilespmem:s6+$0x0];
	s6 =	simm.s32 $0x79B0  }
0x4e2: {  	v3 =	vld [tilespmem:s26+$0xFFFFFF90];
	[tilespmem:s18+$0xFFFFFFE0] =	vst v1;
	s6 =	smov.u32 @p3 s10  }
0x4e3: {  	s12 =	sadd.s32 $0xFFFFFD99, s16;
	v1 =	vld [tilespmem:s6+$0x0]  }
0x4e4: {  	(v2sf) =	vpush v0, $0x0;
	v4 =	vadd.f32 v5, v4;
	v5 =	vld [tilespmem:s22+$0xFFFFFFF0];
	s6 =	sshrl.u32 s12, $0xD  }
0x4e5: {  	s4 =	simm.s32 $0x11500;
	v0 =	vld [tilespmem:s7+$0x0];
	s6 =	sand.u32 $0x7, s6  }
0x4e6: {  	s7 =	simm.s32 $0x8410;
	s12 =	simm.s32 $0x8450;
	s6 =	smul.u32 $0x28, s6  }
0x4e7: {  	s7 =	smov.u32 @p0 s12;
	[tilespmem:s4+$0xFFFFFF00] =	vst v4;
	v2 =	vadd.f32 v3, v2  }
0x4e8: {  	s12 =	simm.s32 $0x7D60;
	v3 =	vld [tilespmem:s7+$0x0];
	s7 =	simm.s32 $0x7D20;
	s6 =	ssub.s32 $0xF, s6  }
0x4e9: {  	v4 =	vld [tilespmem:s24+$0xFFFFFF10];
	s7 =	smov.u32 @p2 s12;
	[tilespmem:s23+$0xFFFFFF90] =	vst v2;
	v1 =	vadd.f32 v5, v1;
	s6 =	sadd.s32 $0xFFFFFFFD, s6  }
0x4ea: {  	v0 =	vadd.f32 v6, v0;
	v2 =	vld [tilespmem:s7+$0x0];
	s6 =	sand.u32 $0xFF, s6  }
0x4eb: {  	s12 =	simm.s32 $0x80D0;
	v5 =	vld [tilespmem:s26+$0xFFFFFFA0];
	s7 =	simm.s32 $0x8090;
	[tilespmem:s18+$0xFFFFFFF0] =	vst v1;
	s6 =	sor.u32 s6, s19  }
0x4ec: {  	s15 =	simm.s32 $0x2F;
	[tilespmem:s3+$0xFFFFFF40] =	vst v0;
	s7 =	smov.u32 @p1 s12;
	v1 =	vld.msk [tilespmem:s6+$0x0], $0x1  }
0x4ed: {  	s13 =	simm.s32 $0x2F;
	v0 =	vld [tilespmem:s7+$0x0];
	[dreg:$0xd] =	wrdreg s15  }
0x4ee: {  	s5 =	simm.s32 $0x14;
	s10 =	smul.u32 $0xCD, s13;
	v3 =	vadd.f32 v4, v3;
	v4 =	vld [tilespmem:s2+$0xFFFFFF50]  }
0x4ef: {  	s9 =	smul.u32 $0xCD, s5;
	s13 =	simm.s32 $0x7D70  }
0x4f0: {  	s20 =	sadd.s32 $0xFFFFFA65, s10;
	s6 =	simm.s32 $0x8420;
	s7 =	simm.s32 $0x8460;
	v2 =	vadd.f32 v5, v2  }
0x4f1: {  	s12 =	simm.s32 $0x7D30;
	s6 =	smov.u32 @p0 s7;
	s7 =	sshrl.u32 s20, $0xD;
	[tilespmem:s4+$0xFFFFFF10] =	vst v3  }
0x4f2: {  	s11 =	sadd.s32 $0xFFFFFCCC, s25;
	s12 =	smov.u32 @p2 s13;
	s7 =	sand.u32 $0x7, s7;
	v3 =	vld [tilespmem:s6+$0x0];
	[tilespmem:s23+$0xFFFFFFA0] =	vst v2  }
0x4f3: {  	s13 =	simm.s32 $0x7680;
	s7 =	smul.u32 $0x28, s7;
	(v2sf) =	vpush v1, $0x0;
	s15 =	spop (v2sf);
	v1 =	vld [tilespmem:s12+$0x0];
	v0 =	vadd.f32 v4, v0  }
0x4f4: {  	v2 =	vld [tilespmem:s26+$0xFFFFFFB0];
	s12 =	sshrl.u32 s11, $0xD;
	p2 =	sgt.s32 s15, $0x0;
	s15 =	simm.s32 $0x76C0  }
0x4f5: {  	s6 =	sshrl.u32 s9, $0x5;
	s12 =	sand.u32 $0x7, s12;
	s13 =	smov.u32 @p2 s15;
	[tilespmem:s3+$0xFFFFFF50] =	vst v0;
	v0 =	vld [tilespmem:s30+$0x40]  }
0x4f6: {  	s6 =	sand.u32 $0x780, s6;
	s12 =	smul.u32 $0x28, s12;
	v4 =	vld [tilespmem:s13+$0x0]  }
0x4f7: {  	s7 =	ssub.s32 $0x2F, s7;
	s15 =	simm.s32 $0x80E0;
	s13 =	simm.s32 $0x80A0  }
0x4f8: {  	v6 =	vld [tilespmem:s24+$0xFFFFFF20];
	s7 =	sadd.s32 $0xFFFFFFF9, s7;
	s13 =	smov.u32 @p1 s15;
	s12 =	ssub.s32 $0x17, s12  }
0x4f9: {  	s9 =	sadd.s32 $0xC00, s6;
	s7 =	sand.u32 $0xFF, s7;
	v5 =	vld [tilespmem:s13+$0x0];
	v1 =	vadd.f32 v2, v1;
	s13 =	sadd.s32 $0xFFFFFFFC, s12  }
0x4fa: {  	s7 =	sor.u32 s7, s9;
	v7 =	vld [tilespmem:s2+$0xFFFFFF60];
	s6 =	sand.u32 $0xFF, s13  }
0x4fb: {  	v2 =	vld.msk [tilespmem:s7+$0x0], $0x1;
	[tilespmem:s23+$0xFFFFFFB0] =	vst v1;
	s6 =	sor.u32 s6, s17;
	v0 =	vadd.f32 v0, v4  }
0x4fc: {  	s7 =	simm.s32 $0x76D0;
	v1 =	vld.msk [tilespmem:s6+$0x0], $0x1;
	s6 =	simm.s32 $0x7690  }
0x4fd: {  	v3 =	vadd.f32 v6, v3;
	s6 =	smov.u32 @p2 s7;
	[tilespmem:s31+$0x40] =	vst v0  }
0x4fe: {  	s7 =	simm.s32 $0x8470;
	v0 =	vld [tilespmem:s6+$0x0];
	s6 =	simm.s32 $0x8430  }
0x4ff: {  	[tilespmem:s4+$0xFFFFFF20] =	vst v3;
	v4 =	vadd.f32 v7, v5;
	v3 =	vld [tilespmem:s30+$0x50];
	s6 =	smov.u32 @p0 s7  }
0x500: {  	s5 =	sadd.s32 $0xFFFFFBFF, s0;
	s12 =	simm.s32 $0x80F0;
	(v2sf) =	vpush v2, $0x0;
	s7 =	simm.s32 $0x80B0;
	v5 =	vld [tilespmem:s6+$0x0]  }
0x501: {  	s15 =	sadd.s32 $0xFFFFFB32, s21;
	s13 =	simm.s32 $0x7A00;
	[tilespmem:s3+$0xFFFFFF60] =	vst v4;
	s7 =	smov.u32 @p1 s12;
	(v2sf) =	vpush v1, $0x0;
	v1 =	vld [tilespmem:s24+$0xFFFFFF30]  }
0x502: {  	s6 =	sshrl.u32 s15, $0xD;
	v4 =	vld [tilespmem:s2+$0xFFFFFF70];
	s12 =	simm.s32 $0x7A40;
	s20 =	spop (v2sf)  }
0x503: {  	v2 =	vld [tilespmem:s7+$0x0];
	s6 =	sand.u32 $0x7, s6;
	s7 =	sshrl.u32 s5, $0xD;
	p0 =	sgt.s32 s20, $0x0  }
0x504: {  	v6 =	vld [tilespmem:s22+$0x0];
	s6 =	smul.u32 $0x28, s6;
	s7 =	sand.u32 $0x7, s7;
	s13 =	smov.u32 @p0 s12;
	v0 =	vadd.f32 v3, v0  }
0x505: {  	s7 =	smul.u32 $0x28, s7;
	s12 =	simm.s32 $0x76A0;
	v3 =	vld [tilespmem:s13+$0x0];
	s13 =	simm.s32 $0x76E0  }
0x506: {  	s6 =	ssub.s32 $0x27, s6;
	s12 =	smov.u32 @p2 s13;
	[tilespmem:s31+$0x50] =	vst v0  }
0x507: {  	v1 =	vadd.f32 v1, v5;
	s6 =	sadd.s32 $0xFFFFFFFA, s6;
	s7 =	ssub.s32 $0x1F, s7;
	v0 =	vld [tilespmem:s12+$0x0]  }
0x508: {  	s6 =	sand.u32 $0xFF, s6;
	v2 =	vadd.f32 v4, v2;
	s7 =	sadd.s32 $0xFFFFFFFB, s7;
	v4 =	vld [tilespmem:s30+$0x60]  }
0x509: {  	[tilespmem:s4+$0xFFFFFF30] =	vst v1;
	s6 =	sor.u32 s6, s14;
	s7 =	sand.u32 $0xFF, s7  }
0x50a: {  	v1 =	vld.msk [tilespmem:s6+$0x0], $0x1;
	[tilespmem:s3+$0xFFFFFF70] =	vst v2;
	s7 =	sor.u32 s7, s8;
	v3 =	vadd.f32 v6, v3  }
0x50b: {  	s6 =	simm.s32 $0x7A10;
	v2 =	vld.msk [tilespmem:s7+$0x0], $0x1;
	s7 =	simm.s32 $0x7A50  }
0x50c: {  	s6 =	smov.u32 @p0 s7;
	[tilespmem:s18+$0x0] =	vst v3  }
0x50d: {  	v0 =	vadd.f32 v4, v0;
	v3 =	vld [tilespmem:s6+$0x0]  }
0x50e: {  	s7 =	simm.s32 $0x76B0;
	s6 =	simm.s32 $0x76F0;
	v4 =	vld [tilespmem:s22+$0x10]  }
0x50f: {  	s7 =	smov.u32 @p2 s6;
	[tilespmem:s31+$0x60] =	vst v0  }
0x510: {  	s13 =	sadd.s32 $0xFFFFFF33, s28;
	s11 =	spop (v2sf);
	v0 =	vld [tilespmem:s7+$0x0]  }
0x511: {  	s15 =	sshrl.u32 s13, $0xD;
	(v2sf) =	vpush v1, $0x0;
	v1 =	vld [tilespmem:s30+$0x70];
	s12 =	spop (v2sf)  }
0x512: {  	s13 =	simm.s32 $0x7DC0;
	p2 =	sgt.s32 s12, $0x0;
	s12 =	simm.s32 $0x7D80  }
0x513: {  	(v2sf) =	vpush v2, $0x0;
	s7 =	sand.u32 $0x7, s15;
	s12 =	smov.u32 @p2 s13;
	v3 =	vadd.f32 v4, v3  }
0x514: {  	s7 =	smul.u32 $0x28, s7;
	s13 =	simm.s32 $0x7A60;
	v2 =	vld [tilespmem:s12+$0x0];
	s12 =	simm.s32 $0x7A20  }
0x515: {  	v4 =	vld [tilespmem:s26+$0xFFFFFFC0];
	s12 =	smov.u32 @p0 s13;
	[tilespmem:s18+$0x10] =	vst v3  }
0x516: {  	s7 =	sxor.u32 $0xFFFFFFFF, s7;
	v0 =	vadd.f32 v1, v0;
	v1 =	vld [tilespmem:s12+$0x0]  }
0x517: {  	s7 =	sadd.s32 $0x7, s7;
	v3 =	vld [tilespmem:s22+$0x20]  }
0x518: {  	s7 =	sand.u32 $0xFF, s7  }
0x519: {  	s7 =	sor.u32 s7, s1;
	[tilespmem:s31+$0x70] =	vst v0  }
0x51a: {  	v0 =	vld.msk [tilespmem:s7+$0x0], $0x1;
	v2 =	vadd.f32 v4, v2  }
0x51b: {  	s12 =	simm.s32 $0x7DD0;
	s7 =	simm.s32 $0x7D90  }
0x51c: {  	s7 =	smov.u32 @p2 s12;
	[tilespmem:s23+$0xFFFFFFC0] =	vst v2;
	v1 =	vadd.f32 v3, v1  }
0x51d: {  	s12 =	simm.s32 $0x7A70;
	v2 =	vld [tilespmem:s7+$0x0];
	s7 =	simm.s32 $0x7A30  }
0x51e: {  	v3 =	vld [tilespmem:s26+$0xFFFFFFD0];
	s7 =	smov.u32 @p0 s12;
	[tilespmem:s18+$0x20] =	vst v1  }
0x51f: {  	(v2sf) =	vpush v0, $0x0;
	v0 =	vld [tilespmem:s7+$0x0];
	[smem:$0x7CD] =	sst s16  }
0x520: {  	s5 =	sadd.s32 $0xFFFFFE66, s16;
	v1 =	vld [tilespmem:s22+$0x30]  }
0x521: {  	s13 =	spop (v2sf);
	s7 =	sshrl.u32 s5, $0xD  }
0x522: {  	s15 =	simm.s32 $0x8140;
	s20 =	spop (v2sf);
	s7 =	sand.u32 $0x7, s7  }
0x523: {  	s12 =	simm.s32 $0x8100;
	p1 =	sgt.s32 s20, $0x0;
	s7 =	smul.u32 $0x28, s7  }
0x524: {  	s12 =	smov.u32 @p1 s15;
	v2 =	vadd.f32 v3, v2;
	v3 =	vld [tilespmem:s2+$0xFFFFFF80]  }
0x525: {  	s15 =	simm.s32 $0x7DE0;
	v4 =	vld [tilespmem:s12+$0x0];
	s12 =	simm.s32 $0x7DA0;
	s7 =	ssub.s32 $0xF, s7;
	v0 =	vadd.f32 v1, v0  }
0x526: {  	s12 =	smov.u32 @p2 s15;
	[tilespmem:s23+$0xFFFFFFD0] =	vst v2;
	s7 =	sadd.s32 $0xFFFFFFFE, s7  }
0x527: {  	p0 =	sgt.s32 s11, $0x0;
	v2 =	vld [tilespmem:s12+$0x0];
	s7 =	sand.u32 $0xFF, s7;
	s12 =	simm.s32 $0x8840;
	[tilespmem:s18+$0x30] =	vst v0  }
0x528: {  	v1 =	vld [tilespmem:s26+$0xFFFFFFE0];
	s6 =	sor.u32 s7, s19;
	s7 =	simm.s32 $0x8800;
	[smem:$0x7CE] =	sst s19  }
0x529: {  	s7 =	smov.u32 @p0 s12;
	v0 =	vld.msk [tilespmem:s6+$0x0], $0x1  }
0x52a: {  	s2 =	simm.s32 $0x14B00;
	v3 =	vadd.f32 v3, v4;
	v4 =	vld [tilespmem:s7+$0x0]  }
0x52b: {  	v5 =	vld [tilespmem:s2+$0xFFFFFF00]  }
0x52c: {  	s12 =	simm.s32 $0x8150;
	s6 =	simm.s32 $0x8110  }
0x52d: {  	s16 =	simm.s32 $0x84C0;
	v6 =	vld [tilespmem:s30+$0x80];
	s6 =	smov.u32 @p1 s12;
	[tilespmem:s3+$0xFFFFFF80] =	vst v3;
	v1 =	vadd.f32 v1, v2  }
0x52e: {  	s7 =	simm.s32 $0x14700;
	s12 =	simm.s32 $0x7DF0;
	v3 =	vld [tilespmem:s6+$0x0];
	s6 =	simm.s32 $0x7DB0  }
0x52f: {  	p3 =	sgt.s32 s13, $0x0;
	v2 =	vld [tilespmem:s7+$0xFFFFFF90];
	s6 =	smov.u32 @p2 s12;
	[tilespmem:s23+$0xFFFFFFE0] =	vst v1;
	s11 =	spop (v2sf)  }
0x530: {  	s15 =	simm.s32 $0x7740;
	s12 =	simm.s32 $0x7700;
	p2 =	sgt.s32 s11, $0x0;
	(v2sf) =	vpush v0, $0x0;
	v0 =	vld [tilespmem:s6+$0x0];
	v4 =	vadd.f32 v5, v4  }
0x531: {  	s20 =	simm.s32 $0x11700;
	v5 =	vld [tilespmem:s26+$0xFFFFFFF0];
	s12 =	smov.u32 @p2 s15;
	s15 =	sadd.s32 $0xFFFFFD99, s25  }
0x532: {  	s13 =	simm.s32 $0x8850;
	v1 =	vld [tilespmem:s12+$0x0];
	s6 =	sshrl.u32 s15, $0xD;
	s12 =	simm.s32 $0x8810;
	[tilespmem:s20+$0xFFFFFF00] =	vst v4  }
0x533: {  	s15 =	simm.s32 $0x8480;
	s12 =	smov.u32 @p0 s13;
	s6 =	sand.u32 $0x7, s6;
	v7 =	vld [tilespmem:s2+$0xFFFFFF10]  }
0x534: {  	v2 =	vadd.f32 v2, v3;
	s15 =	smov.u32 @p3 s16;
	v3 =	vld [tilespmem:s12+$0x0];
	s6 =	smul.u32 $0x28, s6  }
0x535: {  	s13 =	simm.s32 $0x8160;
	s12 =	simm.s32 $0x8120;
	v4 =	vld [tilespmem:s15+$0x0]  }
0x536: {  	[tilespmem:s3+$0xFFFFFF90] =	vst v2;
	s12 =	smov.u32 @p1 s13;
	v0 =	vadd.f32 v5, v0;
	v5 =	vld [tilespmem:s24+$0xFFFFFF40];
	s6 =	ssub.s32 $0x17, s6  }
0x537: {  	v2 =	vld [tilespmem:s12+$0x0];
	s6 =	sadd.s32 $0xFFFFFFFD, s6  }
0x538: {  	s13 =	simm.s32 $0x7750;
	v1 =	vadd.f32 v6, v1;
	v6 =	vld [tilespmem:s7+$0xFFFFFFA0];
	[tilespmem:s23+$0xFFFFFFF0] =	vst v0;
	s6 =	sand.u32 $0xFF, s6  }
0x539: {  	s12 =	simm.s32 $0x7710;
	[dreg:$0x15] =	wrdreg s17;
	s6 =	sor.u32 s6, s17  }
0x53a: {  	s16 =	simm.s32 $0x37;
	s12 =	smov.u32 @p2 s13;
	[tilespmem:s31+$0x80] =	vst v1;
	v0 =	vld.msk [tilespmem:s6+$0x0], $0x1  }
0x53b: {  	s19 =	smul.u32 $0xCD, s16;
	v3 =	vadd.f32 v7, v3;
	s17 =	simm.s32 $0x37;
	v1 =	vld [tilespmem:s12+$0x0]  }
0x53c: {  	s15 =	simm.s32 $0x8130;
	s16 =	simm.s32 $0x8170;
	v7 =	vld [tilespmem:s30+$0x90];
	v4 =	vadd.f32 v5, v4;
	[smem:$0x7CF] =	sst s17  }
0x53d: {  	s15 =	smov.u32 @p1 s16;
	s6 =	simm.s32 $0x8820;
	s12 =	simm.s32 $0x8860;
	[tilespmem:s20+$0xFFFFFF10] =	vst v3;
	v2 =	vadd.f32 v6, v2  }
0x53e: {  	s13 =	simm.s32 $0x84D0;
	s6 =	smov.u32 @p0 s12;
	s12 =	simm.s32 $0x8490;
	[tilespmem:s4+$0xFFFFFF40] =	vst v4  }
0x53f: {  	v3 =	vld [tilespmem:s6+$0x0];
	s12 =	smov.u32 @p3 s13;
	s13 =	simm.s32 $0x7AC0;
	[tilespmem:s3+$0xFFFFFFA0] =	vst v2;
	s23 =	spop (v2sf)  }
0x540: {  	v4 =	vld [tilespmem:s12+$0x0];
	s12 =	simm.s32 $0x7A80;
	[smem:$0x7D0] =	sst s19;
	p1 =	sgt.s32 s23, $0x0  }
0x541: {  	s11 =	simm.s32 $0x18;
	(v2sf) =	vpush v0, $0x0;
	s19 =	sadd.s32 $0xFFFFFA65, s19;
	v1 =	vadd.f32 v7, v1;
	v0 =	vld [tilespmem:s15+$0x0];
	s12 =	smov.u32 @p1 s13  }
0x542: {  	s6 =	sshrl.u32 s19, $0xD;
	s13 =	simm.s32 $0x7760;
	v2 =	vld [tilespmem:s12+$0x0];
	s12 =	simm.s32 $0x7720  }
0x543: {  	v5 =	vld [tilespmem:s24+$0xFFFFFF50];
	s23 =	smul.u32 $0xCD, s11;
	s6 =	sand.u32 $0x7, s6;
	[tilespmem:s31+$0x90] =	vst v1;
	s12 =	smov.u32 @p2 s13  }
0x544: {  	s15 =	sadd.s32 $0xFFFFFCCC, s0;
	s6 =	smul.u32 $0x28, s6;
	v1 =	vld [tilespmem:s12+$0x0];
	[smem:$0x7D1] =	sst s0  }
0x545: {  	s16 =	simm.s32 $0x14700;
	s13 =	sshrl.u32 s15, $0xD;
	s15 =	simm.s32 $0x84E0;
	v6 =	vld [tilespmem:s2+$0xFFFFFF20]  }
0x546: {  	s6 =	ssub.s32 $0x37, s6;
	s12 =	sshrl.u32 s23, $0x5;
	[smem:$0x7D2] =	sst s16  }
0x547: {  	s13 =	sand.u32 $0x7, s13;
	s6 =	sadd.s32 $0xFFFFFFF9, s6;
	s12 =	sand.u32 $0x780, s12;
	v7 =	vld [tilespmem:s7+$0xFFFFFFB0]  }
0x548: {  	s13 =	smul.u32 $0x28, s13;
	v4 =	vadd.f32 v5, v4;
	s6 =	sand.u32 $0xFF, s6;
	v8 =	vld [tilespmem:s22+$0x40];
	s17 =	sadd.s32 $0xC00, s12  }
0x549: {  	v5 =	vld [tilespmem:s30+$0xA0];
	s12 =	simm.s32 $0x84A0;
	[smem:$0x7D3] =	sst s17;
	s6 =	sor.u32 s6, s17  }
0x54a: {  	s12 =	smov.u32 @p3 s15;
	s13 =	ssub.s32 $0x1F, s13;
	v9 =	vld.msk [tilespmem:s6+$0x0], $0x1;
	[tilespmem:s4+$0xFFFFFF50] =	vst v4;
	v3 =	vadd.f32 v6, v3  }
0x54b: {  	s15 =	simm.s32 $0x8870;
	s19 =	sadd.s32 $0xFFFFFFFC, s13;
	s13 =	simm.s32 $0x8830;
	v4 =	vld [tilespmem:s12+$0x0]  }
0x54c: {  	s29 =	simm.s32 $0x8200;
	s23 =	simm.s32 $0x11300;
	s13 =	smov.u32 @p0 s15;
	v6 =	vld [tilespmem:s24+$0xFFFFFF60];
	v0 =	vadd.f32 v7, v0;
	[tilespmem:s20+$0xFFFFFF20] =	vst v3  }
0x54d: {  	s5 =	simm.s32 $0x11100;
	s16 =	simm.s32 $0x7A90;
	v3 =	vld [tilespmem:s13+$0x0];
	[smem:$0x7D4] =	sst s23  }
0x54e: {  	s17 =	simm.s32 $0x7AD0;
	s12 =	simm.s32 $0x84B0;
	s15 =	simm.s32 $0x84F0;
	v2 =	vadd.f32 v8, v2;
	[tilespmem:s3+$0xFFFFFFB0] =	vst v0  }
0x54f: {  	s6 =	sand.u32 $0xFF, s19;
	s12 =	smov.u32 @p3 s15;
	[dreg:$0x19] =	wrdreg s8  }
0x550: {  	s6 =	sor.u32 s6, s8;
	s15 =	simm.s32 $0x7770;
	s13 =	simm.s32 $0x7730;
	v0 =	vadd.f32 v5, v1;
	[tilespmem:s18+$0x40] =	vst v2  }
0x551: {  	s16 =	smov.u32 @p1 s17;
	s13 =	smov.u32 @p2 s15;
	v5 =	vld.msk [tilespmem:s6+$0x0], $0x1;
	[dreg:$0x1f] =	wrdreg s10  }
0x552: {  	s3 =	spop (v2sf);
	s15 =	simm.s32 $0x7E40;
	s8 =	simm.s32 $0x14B00;
	v2 =	vadd.f32 v6, v4;
	v1 =	vld [tilespmem:s16+$0x0];
	[tilespmem:s31+$0xA0] =	vst v0  }
0x553: {  	p3 =	sgt.s32 s3, $0x0;
	s16 =	simm.s32 $0x7E00;
	v0 =	vld [tilespmem:s13+$0x0];
	[smem:$0x7D5] =	sst s8  }
0x554: {  	s0 =	sadd.s32 $0xFFFFFB32, s10;
	s16 =	smov.u32 @p3 s15;
	s15 =	simm.s32 $0x14100;
	v4 =	vld [tilespmem:s2+$0xFFFFFF30];
	[tilespmem:s4+$0xFFFFFF60] =	vst v2  }
0x555: {  	s7 =	sadd.s32 $0xFFFFFBFF, s21;
	s6 =	sshrl.u32 s0, $0xD;
	v6 =	vld [tilespmem:s22+$0x50];
	[dreg:$0xf] =	wrdreg s15  }
0x556: {  	s17 =	simm.s32 $0x11700;
	s23 =	simm.s32 $0x8600;
	s6 =	sand.u32 $0x7, s6;
	v2 =	vld [tilespmem:s30+$0xB0]  }
0x557: {  	s0 =	smov.u32 s21;
	s21 =	simm.s32 $0x14900;
	s6 =	smul.u32 $0x28, s6;
	v7 =	vld [tilespmem:s12+$0x0]  }
0x558: {  	s10 =	sshrl.u32 s28, $0xD;
	s28 =	simm.s32 $0x14500;
	s13 =	sshrl.u32 s7, $0xD;
	v63 =	vld [tilespmem:s24+$0xFFFFFF70]  }
0x559: {  	s13 =	sand.u32 $0x7, s13;
	s2 =	sand.u32 $0x7, s10;
	s6 =	ssub.s32 $0x2F, s6;
	v10 =	vld [tilespmem:s16+$0x0];
	v3 =	vadd.f32 v4, v3  }
0x55a: {  	s10 =	simm.s32 $0x14300;
	s3 =	smul.u32 $0x28, s13;
	v4 =	vld [tilespmem:s26+$0x0];
	[dreg:$0xc] =	wrdreg s17  }
0x55b: {  	s2 =	smul.u32 $0x28, s2;
	s15 =	simm.s32 $0x7AE0;
	s6 =	sadd.s32 $0xFFFFFFFA, s6;
	[tilespmem:s20+$0xFFFFFF30] =	vst v3  }
0x55c: {  	s13 =	simm.s32 $0x14D00;
	s12 =	simm.s32 $0x7AA0;
	v1 =	vadd.f32 v6, v1;
	[dreg:$0x13] =	wrdreg s9  }
0x55d: {  	s6 =	sand.u32 $0xFF, s6;
	s24 =	simm.s32 $0x8A00;
	[smem:$0x7D6] =	sst s14  }
0x55e: {  	(v2sf) =	vpush v9, $0x0;
	s30 =	simm.s32 $0x3F;
	s19 =	sor.u32 s6, s9;
	v2 =	vadd.f32 v2, v0;
	s20 =	simm.s32 $0x7600;
	[tilespmem:s18+$0x50] =	vst v1  }
0x55f: {  	s16 =	simm.s32 $0x7E50;
	s12 =	smov.u32 @p1 s15;
	v0 =	vld.msk [tilespmem:s19+$0x0], $0x1;
	[smem:$0x7D7] =	sst s20  }
0x560: {  	s3 =	ssub.s32 $0x27, s3;
	s2 =	ssub.s32 $0x7, s2;
	s15 =	simm.s32 $0x7E10;
	[tilespmem:s31+$0xB0] =	vst v2  }
0x561: {  	s3 =	sadd.s32 $0xFFFFFFFB, s3;
	s2 =	sand.u32 $0xFF, s2;
	v1 =	vld [tilespmem:s12+$0x0];
	[smem:$0x7D8] =	sst s23  }
0x562: {  	s3 =	sand.u32 $0xFF, s3;
	s2 =	sor.u32 s2, s1;
	[smem:$0x7D9] =	sst s24  }
0x563: {  	(v2sf) =	vpush v5, $0x0;
	s26 =	simm.s32 $0x7E00;
	s1 =	simm.s32 $0x8E00;
	v6 =	vadd.f32 v63, v7;
	s31 =	simm.s32 $0x11500;
	v2 =	vld.msk [tilespmem:s2+$0x0], $0x1  }
0x564: {  	s6 =	sor.u32 s3, s14;
	s14 =	simm.s32 $0x10F00;
	v3 =	vld [tilespmem:s22+$0x60];
	[smem:$0x7DA] =	sst s31  }
0x565: {  	s9 =	simm.s32 $0x7A00;
	s18 =	simm.s32 $0x10D00;
	v4 =	vadd.f32 v4, v10;
	s12 =	simm.s32 $0x11900;
	[tilespmem:s4+$0xFFFFFF70] =	vst v6  }
.LBB2_9:
0x566: {  	s15 =	smov.u32 @p3 s16;
	s16 =	sadd.s32 $0xB0, s9;
	s2 =	sld [smem:$0x7CD]  }
0x567: {  	v5 =	vld.msk [tilespmem:s6+$0x0], $0x1;
	s17 =	smov.u32 s25;
	s6 =	sld [smem:$0x7D1];
	s20 =	smov.u32 s18  }
0x568: {  	s8 =	sadd.s32 $0xF0, s9;
	s18 =	smov.u32 s9;
	s9 =	sld [smem:$0x7D2]  }
0x569: {  	s23 =	smov.u32 s5;
	s22 =	sadd.s32 $0x60, s26;
	s24 =	rddreg [dreg:$0xf]  }
0x56a: {  	[tilespmem:s5+$0x0] =	vst v4;
	s5 =	smov.u32 s29;
	[smem:$0x7CD] =	sst s17;
	s11 =	sadd.s32 $0x4, s11  }
0x56b: {  	s3 =	sadd.s32 $0xFFFFFE40, s1;
	s16 =	smov.u32 @p1 s8;
	[smem:$0x7CB] =	sst s11  }
0x56c: {  	s19 =	smov.u32 s2;
	s4 =	smov.u32 s6;
	s6 =	smul.u32 $0xCD, s30  }
0x56d: {  	s7 =	spop (v2sf);
	s2 =	sadd.s32 $0xFFFFFE00, s1;
	[smem:$0x7C8] =	sst s19  }
0x56e: {  	v6 =	vld [tilespmem:s28+$0x10];
	p0 =	slt.u32 s11, $0x60;
	[smem:$0x7C2] =	sst s4;
	s4 =	sadd.s32 $0xFFFFFF80, s29  }
0x56f: {  	p2 =	sgt.s32 s7, $0x0;
	s7 =	smov.u32 s28;
	v4 =	vld [tilespmem:s15+$0x0];
	s15 =	sadd.s32 $0x20, s26  }
0x570: {  	s31 =	sadd.s32 $0xFFFFFA65, s6;
	s2 =	smov.u32 @p2 s3;
	s3 =	sadd.s32 $0xFFFFFFC0, s29  }
0x571: {  	v3 =	vadd.f32 v3, v1;
	[smem:$0x7C4] =	sst s10;
	s29 =	smul.u32 $0xCD, s11;
	s31 =	sshrl.u32 s31, $0xD  }
0x572: {  	(v2sf) =	vpush v2, $0x0;
	v2 =	vld [tilespmem:s2+$0x0];
	[smem:$0x7C3] =	sst s14;
	s25 =	spop (v2sf);
	s15 =	smov.u32 @p3 s22  }
0x573: {  	v7 =	vld [tilespmem:s13+$0xFFFFFF00];
	[tilespmem:s14+$0x60] =	vst v3;
	s8 =	sand.u32 $0x7, s31;
	s31 =	sadd.s32 $0xFFFFFF33, s19;
	p4 =	sgt.s32 s25, $0x0  }
0x574: {  	(v2sf) =	vpush v0, $0x0;
	v0 =	vld [tilespmem:s16+$0x0];
	s19 =	sshrl.u32 s29, $0x5;
	s29 =	sadd.s32 $0xFFFFFE66, s17;
	s2 =	smul.u32 $0x28, s8;
	v3 =	vadd.f32 v6, v4  }
0x575: {  	s17 =	sld [smem:$0x7D5];
	s16 =	sshrl.u32 s31, $0xD;
	s4 =	smov.u32 @p4 s3;
	v4 =	vld [tilespmem:s10+$0x70]  }
0x576: {  	s25 =	sand.u32 $0x7, s16;
	s16 =	sld [smem:$0x7D0];
	s2 =	ssub.s32 s30, s2;
	v6 =	vld [tilespmem:s4+$0x0];
	[tilespmem:s23+$0x10] =	vst v3  }
0x577: {  	s31 =	sand.u32 $0x780, s19;
	s2 =	sadd.s32 $0xFFFFFFF9, s2;
	v3 =	vld [tilespmem:s15+$0x0];
	[smem:$0x7C6] =	sst s28  }
0x578: {  	v2 =	vadd.f32 v7, v2;
	s2 =	sand.u32 $0xFF, s2;
	s15 =	sadd.s32 $0xC00, s31;
	v7 =	vld [tilespmem:s28+$0x20];
	s28 =	rddreg [dreg:$0x18]  }
0x579: {  	v1 =	vld [tilespmem:s10+$0x80];
	s11 =	smov.u32 s0;
	s31 =	sld [smem:$0x7D4];
	s2 =	sor.u32 s2, s15  }
0x57a: {  	(v2sf) =	vpush v5, $0x0;
	s10 =	smov.u32 s12;
	s19 =	smov.u32 s16;
	v4 =	vadd.f32 v4, v0;
	v0 =	vld.msk [tilespmem:s2+$0x0], $0x1;
	[tilespmem:s12+$0xFFFFFF00] =	vst v2;
	s12 =	rddreg [dreg:$0x1f]  }
0x57b: {  	s8 =	sadd.s32 $0xFFFFFE10, s1;
	s4 =	sadd.s32 $0xFFFFFE50, s1;
	[dreg:$0x1f] =	wrdreg s19  }
0x57c: {  	v5 =	vld [tilespmem:s9+$0xFFFFFFC0];
	s3 =	smul.u32 $0x28, s25;
	s8 =	smov.u32 @p2 s4;
	s19 =	sld [smem:$0x7D9]  }
0x57d: {  	s0 =	smov.u32 s1;
	s22 =	smov.u32 s6;
	v2 =	vld [tilespmem:s8+$0x0];
	s8 =	sld [smem:$0x7CE]  }
0x57e: {  	s29 =	sshrl.u32 s29, $0xD;
	s3 =	sxor.u32 $0xFFFFFFFF, s3;
	[smem:$0x7D1] =	sst s11  }
0x57f: {  	s3 =	sadd.s32 s28, s3;
	[smem:$0x7D0] =	sst s22;
	[tilespmem:s14+$0x70] =	vst v4;
	s14 =	smov.u32 s12  }
0x580: {  	s4 =	sand.u32 $0xFF, s3;
	s3 =	sadd.s32 $0xFFFFFF90, s5;
	[smem:$0x7C9] =	sst s14  }
0x581: {  	s11 =	smov.u32 s21;
	s12 =	sand.u32 $0x7, s29;
	s14 =	sld [smem:$0x7D7]  }
0x582: {  	v5 =	vadd.f32 v5, v6;
	s16 =	sadd.s32 $0xFFFFFE80, s19;
	s22 =	sadd.s32 $0xFFFFFEC0, s19;
	s25 =	smov.u32 s8  }
0x583: {  	v8 =	vld [tilespmem:s21+$0xFFFFFF80];
	s2 =	sor.u32 s4, s8;
	s4 =	sadd.s32 $0xFFFFFFD0, s5;
	[smem:$0x7CC] =	sst s25  }
0x584: {  	s1 =	spop (v2sf);
	v4 =	vld.msk [tilespmem:s2+$0x0], $0x1;
	[tilespmem:s31+$0xFFFFFFC0] =	vst v5;
	s3 =	smov.u32 @p4 s4;
	s25 =	rddreg [dreg:$0x15]  }
0x585: {  	s2 =	sadd.s32 $0x30, s26;
	p5 =	sgt.s32 s1, $0x0;
	v5 =	vld [tilespmem:s3+$0x0];
	[smem:$0x7C5] =	sst s26  }
0x586: {  	v3 =	vadd.f32 v7, v3;
	s6 =	spop (v2sf);
	s3 =	sadd.s32 $0x70, s26;
	s26 =	sld [smem:$0x7D8]  }
0x587: {  	v6 =	vld [tilespmem:s13+$0xFFFFFF10];
	s4 =	sadd.s32 $0x180, s14;
	[smem:$0x7C7] =	sst s23;
	s1 =	smov.u32 s25  }
0x588: {  	v7 =	vld [tilespmem:s9+$0xFFFFFFD0];
	[tilespmem:s23+$0x20] =	vst v3;
	s25 =	smov.u32 s13;
	s2 =	smov.u32 @p3 s3;
	s3 =	sadd.s32 $0x1C0, s14  }
0x589: {  	v9 =	vld [tilespmem:s7+$0x30];
	p3 =	sgt.s32 s6, $0x0;
	s7 =	spop (v2sf);
	s4 =	smov.u32 @p5 s3  }
0x58a: {  	v11 =	vld [tilespmem:s17+$0xFFFFFF40];
	s16 =	smov.u32 @p3 s22;
	s22 =	smul.u32 $0x28, s12;
	s12 =	rddreg [dreg:$0x10]  }
0x58b: {  	v3 =	vld [tilespmem:s2+$0x0];
	p1 =	sgt.s32 s7, $0x0;
	s3 =	sadd.s32 $0xFFFFFFA0, s5;
	s7 =	rddreg [dreg:$0x19]  }
0x58c: {  	s8 =	sadd.s32 $0xFFFFFF00, s26;
	s21 =	sadd.s32 $0xFFFFFF40, s26;
	v10 =	vld [tilespmem:s4+$0x0];
	s4 =	sadd.s32 $0xFFFFFFE0, s5  }
0x58d: {  	s13 =	smov.u32 s7;
	(v2sf) =	vpush v4, $0x0;
	v4 =	vld [tilespmem:s24+$0xC0];
	s2 =	ssub.s32 s12, s22;
	s22 =	sld [smem:$0x7D3];
	v5 =	vadd.f32 v7, v5  }
0x58e: {  	v2 =	vadd.f32 v6, v2;
	s8 =	smov.u32 @p1 s21;
	s3 =	smov.u32 @p4 s4;
	[dreg:$0x15] =	wrdreg s13;
	v7 =	vld [tilespmem:s16+$0x0]  }
0x58f: {  	s4 =	sadd.s32 $0xFFFFFE20, s0;
	v6 =	vld [tilespmem:s8+$0x0];
	s8 =	sadd.s32 $0xFFFFFE60, s0;
	s16 =	rddreg [dreg:$0x13];
	[tilespmem:s31+$0xFFFFFFD0] =	vst v5  }
0x590: {  	s4 =	smov.u32 @p2 s8;
	s8 =	sld [smem:$0x7D6];
	v5 =	vld [tilespmem:s3+$0x0];
	[tilespmem:s10+$0xFFFFFF10] =	vst v2  }
0x591: {  	s2 =	sadd.s32 $0xFFFFFFFE, s2;
	s21 =	smov.u32 s16;
	v2 =	vld [tilespmem:s4+$0x0];
	[smem:$0x7CE] =	sst s1  }
0x592: {  	s2 =	sand.u32 $0xFF, s2;
	v3 =	vadd.f32 v9, v3;
	[smem:$0x7D6] =	sst s21  }
0x593: {  	s2 =	sor.u32 s2, s1;
	s1 =	smov.u32 s15;
	s15 =	rddreg [dreg:$0x9]  }
0x594: {  	s6 =	smov.u32 s10;
	[tilespmem:s23+$0x30] =	vst v3;
	s23 =	smov.u32 s22;
	s22 =	sld [smem:$0x7C2]  }
0x595: {  	v4 =	vadd.f32 v4, v10;
	s10 =	smov.u32 s8;
	s8 =	smov.u32 s12;
	s12 =	rddreg [dreg:$0xd]  }
0x596: {  	v52 =	vld [tilespmem:s9+$0xFFFFFFE0];
	s3 =	sadd.s32 $0x190, s14;
	s4 =	sadd.s32 $0x1D0, s14;
	[dreg:$0x13] =	wrdreg s23  }
0x597: {  	v3 =	vadd.f32 v11, v7;
	v7 =	vld.msk [tilespmem:s2+$0x0], $0x1;
	s3 =	smov.u32 @p5 s4;
	s23 =	rddreg [dreg:$0xc];
	[tilespmem:s20+$0xC0] =	vst v4  }
0x598: {  	s7 =	smov.u32 s24;
	s2 =	sadd.s32 $0xFFFFFE90, s19;
	[dreg:$0x18] =	wrdreg s8;
	v4 =	vadd.f32 v8, v6;
	v6 =	vld [tilespmem:s3+$0x0]  }
0x599: {  	s4 =	sadd.s32 $0xFFFFFED0, s19;
	s16 =	smov.u32 s15;
	[tilespmem:s23+$0xFFFFFF40] =	vst v3;
	v3 =	vld [tilespmem:s24+$0xD0];
	s24 =	sld [smem:$0x7DA]  }
0x59a: {  	s2 =	smov.u32 @p3 s4;
	s4 =	sadd.s32 $0xFFFFFF50, s26;
	s3 =	sadd.s32 $0xFFFFFF10, s26  }
0x59b: {  	v53 =	vld [tilespmem:s2+$0x0];
	s3 =	smov.u32 @p1 s4;
	[smem:$0x7D3] =	sst s1;
	s4 =	smov.u32 s28  }
0x59c: {  	s8 =	sadd.s32 $0x140, s18;
	s15 =	smov.u32 s12;
	[smem:$0x7CA] =	sst s4;
	[tilespmem:s24+$0xFFFFFF80] =	vst v4;
	v4 =	vadd.f32 v52, v5  }
0x59d: {  	[dreg:$0x19] =	wrdreg s10;
	s2 =	sadd.s32 $0xFFFFFFB0, s5;
	v5 =	vld [tilespmem:s3+$0x0];
	s3 =	sadd.s32 $0xFFFFFFF0, s5  }
0x59e: {  	[dreg:$0x10] =	wrdreg s16;
	s21 =	sadd.s32 $0xFFFFFD99, s22;
	v54 =	vld [tilespmem:s11+$0xFFFFFF90];
	[tilespmem:s31+$0xFFFFFFE0] =	vst v4;
	s2 =	smov.u32 @p4 s3  }
0x59f: {  	s4 =	sadd.s32 $0x100, s18;
	v4 =	vld [tilespmem:s2+$0x0];
	s2 =	sshrl.u32 s21, $0xD;
	s1 =	spop (v2sf)  }
0x5a0: {  	s3 =	sadd.s32 $0x1A0, s14;
	s2 =	sand.u32 $0x7, s2;
	p4 =	sgt.s32 s1, $0x0  }
0x5a1: {  	v3 =	vadd.f32 v3, v6;
	s2 =	smul.u32 $0x28, s2;
	s4 =	smov.u32 @p4 s8;
	s8 =	sadd.s32 $0x1E0, s14  }
0x5a2: {  	s1 =	smov.u32 s30;
	s3 =	smov.u32 @p5 s8;
	s8 =	rddreg [dreg:$0x8]  }
0x5a3: {  	(v2sf) =	vpush v7, $0x0;
	s30 =	smov.u32 s20;
	s21 =	smov.u32 s1;
	v7 =	vld [tilespmem:s4+$0x0];
	[tilespmem:s20+$0xD0] =	vst v3;
	s20 =	sld [smem:$0x7CF]  }
0x5a4: {  	v55 =	vld [tilespmem:s9+$0xFFFFFFF0];
	s4 =	sadd.s32 $0xFFFFFF60, s26;
	s2 =	ssub.s32 s16, s2;
	s16 =	smov.u32 s31  }
0x5a5: {  	v6 =	vld [tilespmem:s17+$0xFFFFFF50];
	s31 =	smov.u32 s26;
	[dreg:$0x8] =	wrdreg s15;
	s28 =	smov.u32 s8  }
0x5a6: {  	v3 =	vadd.f32 v54, v5;
	v5 =	vld [tilespmem:s3+$0x0];
	[smem:$0x7CF] =	sst s21;
	s3 =	sadd.s32 $0xFFFFFF20, s26;
	s8 =	smov.u32 s7  }
0x5a7: {  	v56 =	vld [tilespmem:s7+$0xE0];
	s2 =	sadd.s32 $0xFFFFFFFD, s2;
	s21 =	smov.u32 s24;
	s7 =	rddreg [dreg:$0x1f]  }
0x5a8: {  	s26 =	smov.u32 s19;
	[dreg:$0x9] =	wrdreg s28;
	s3 =	smov.u32 @p1 s4  }
0x5a9: {  	v57 =	vld [tilespmem:s25+$0xFFFFFF20];
	[tilespmem:s24+$0xFFFFFF90] =	vst v3;
	v3 =	vadd.f32 v55, v4;
	s2 =	sand.u32 $0xFF, s2;
	s4 =	sadd.s32 $0xFFFFFEE0, s19;
	s24 =	sld [smem:$0x7C5]  }
0x5aa: {  	v4 =	vadd.f32 v6, v53;
	s12 =	smov.u32 s20;
	v6 =	vld [tilespmem:s3+$0x0];
	s20 =	smov.u32 s23;
	s3 =	sadd.s32 $0xFFFFFEA0, s19  }
0x5ab: {  	v58 =	vld [tilespmem:s11+$0xFFFFFFA0];
	s2 =	sor.u32 s2, s13;
	s13 =	smov.u32 s25;
	s25 =	sld [smem:$0x7C3];
	[tilespmem:s16+$0xFFFFFFF0] =	vst v3  }
0x5ac: {  	s23 =	smov.u32 s6;
	s19 =	sld [smem:$0x7D1];
	[tilespmem:s20+$0xFFFFFF50] =	vst v4;
	s3 =	smov.u32 @p3 s4  }
0x5ad: {  	s4 =	sadd.s32 $0x150, s18;
	[dreg:$0xc] =	wrdreg s23;
	v1 =	vadd.f32 v1, v7;
	v3 =	vld.msk [tilespmem:s2+$0x0], $0x1;
	s2 =	sadd.s32 $0x110, s18  }
0x5ae: {  	s29 =	smov.u32 s31;
	s2 =	smov.u32 @p4 s4;
	s4 =	sld [smem:$0x7C4]  }
0x5af: {  	s23 =	smov.u32 s5;
	s5 =	smov.u32 s0;
	[dreg:$0xd] =	wrdreg s12;
	v4 =	vld [tilespmem:s3+$0x0];
	[tilespmem:s25+$0x80] =	vst v1;
	v1 =	vadd.f32 v56, v5  }
0x5b0: {  	s3 =	sadd.s32 $0x1F0, s14;
	s19 =	sadd.s32 $0xFFFFFCCC, s19;
	v5 =	vld [tilespmem:s2+$0x0];
	s2 =	sadd.s32 $0x1B0, s14  }
0x5b1: {  	s14 =	smov.u32 s18;
	s18 =	smov.u32 s24;
	v7 =	vld [tilespmem:s4+$0x90];
	[tilespmem:s30+$0xE0] =	vst v1;
	s2 =	smov.u32 @p5 s3  }
0x5b2: {  	v1 =	vadd.f32 v58, v6;
	s3 =	sadd.s32 $0xFFFFFF70, s31;
	s24 =	smov.u32 s4;
	v6 =	vld [tilespmem:s2+$0x0];
	[smem:$0x7D9] =	sst s5  }
0x5b3: {  	s4 =	sadd.s32 $0x80, s18;
	s2 =	sadd.s32 $0xFFFFFF30, s31;
	(v2sf) =	vpush v3, $0x0;
	v3 =	vld [tilespmem:s8+$0xF0];
	s8 =	sld [smem:$0x7C6]  }
0x5b4: {  	[dreg:$0xf] =	wrdreg s24;
	[tilespmem:s21+$0xFFFFFFA0] =	vst v1;
	s2 =	smov.u32 @p1 s3;
	s3 =	sadd.s32 $0x120, s14  }
0x5b5: {  	v1 =	vld [tilespmem:s2+$0x0];
	s5 =	spop (v2sf);
	s2 =	sshrl.u32 s19, $0xD;
	s19 =	smov.u32 s11  }
0x5b6: {  	v60 =	vld [tilespmem:s11+$0xFFFFFFB0];
	s11 =	smov.u32 s25;
	s31 =	smov.u32 s8;
	p1 =	sgt.s32 s5, $0x0  }
0x5b7: {  	s8 =	sadd.s32 $0xC0, s18;
	s2 =	sand.u32 $0x7, s2;
	s5 =	smov.u32 s9;
	v5 =	vadd.f32 v7, v5  }
0x5b8: {  	s4 =	smov.u32 @p1 s8;
	s8 =	sadd.s32 $0x160, s14;
	s2 =	smul.u32 $0x28, s2  }
0x5b9: {  	s9 =	sld [smem:$0x7C7];
	v61 =	vld [tilespmem:s4+$0x0];
	s3 =	smov.u32 @p4 s8;
	s8 =	smov.u32 s17;
	[tilespmem:s25+$0x90] =	vst v5  }
0x5ba: {  	v3 =	vadd.f32 v3, v6;
	s4 =	smov.u32 s13;
	s2 =	ssub.s32 s28, s2;
	v5 =	vld [tilespmem:s3+$0x0];
	[smem:$0x7D2] =	sst s19  }
0x5bb: {  	v2 =	vadd.f32 v57, v2;
	v59 =	vld [tilespmem:s17+$0xFFFFFF60];
	s28 =	smov.u32 s5;
	[smem:$0x7D5] =	sst s4;
	s3 =	sadd.s32 $0xFFFFFE30, s0  }
0x5bc: {  	s4 =	sadd.s32 $0xFFFFFE70, s0;
	v6 =	vld [tilespmem:s24+$0xA0];
	[tilespmem:s30+$0xF0] =	vst v3;
	s30 =	smov.u32 s1;
	s2 =	sadd.s32 $0xFFFFFFFC, s2  }
0x5bd: {  	[tilespmem:s6+$0xFFFFFF20] =	vst v2;
	v2 =	vld [tilespmem:s5+$0x0];
	s19 =	smov.u32 s9;
	s5 =	smov.u32 s16;
	s9 =	smov.u32 s8  }
0x5be: {  	v7 =	vld [tilespmem:s31+$0x40];
	s1 =	smov.u32 s0;
	s8 =	sadd.s32 $0x40, s23;
	s3 =	smov.u32 @p2 s4  }
0x5bf: {  	v1 =	vadd.f32 v60, v1;
	s2 =	sand.u32 $0xFF, s2;
	s4 =	sadd.s32 $0xFFFFFEF0, s26;
	v3 =	vld [tilespmem:s3+$0x0];
	[smem:$0x7D8] =	sst s26  }
0x5c0: {  	v4 =	vadd.f32 v59, v4;
	v62 =	vld [tilespmem:s13+$0xFFFFFF30];
	s30 =	sadd.s32 $0x8, s30;
	s13 =	sadd.s32 $0x200, s13;
	[smem:$0x7D4] =	sst s21  }
0x5c1: {  	s3 =	sadd.s32 $0xFFFFFEB0, s26;
	[tilespmem:s21+$0xFFFFFFB0] =	vst v1;
	s2 =	sor.u32 s2, s10;
	s21 =	sld [smem:$0x7C8]  }
0x5c2: {  	[tilespmem:s20+$0xFFFFFF60] =	vst v4;
	s10 =	sadd.s32 $0xFFFFFB32, s7;
	s26 =	sld [smem:$0x7C9];
	s3 =	smov.u32 @p3 s4  }
0x5c3: {  	v4 =	vld.msk [tilespmem:s2+$0x0], $0x1;
	s2 =	sadd.s32 $0x90, s18;
	s4 =	sadd.s32 $0xD0, s18;
	s16 =	sshrl.u32 s10, $0xD  }
0x5c4: {  	s1 =	sadd.s32 $0x400, s1;
	v1 =	vadd.f32 v7, v61;
	v7 =	vld [tilespmem:s3+$0x0];
	s2 =	smov.u32 @p1 s4;
	s3 =	sand.u32 $0x7, s16  }
0x5c5: {  	s4 =	sadd.s32 $0x170, s14;
	s16 =	smov.u32 s23;
	s3 =	smul.u32 $0x28, s3  }
0x5c6: {  	s25 =	sshrl.u32 s21, $0xD;
	s0 =	smov.u32 s26;
	s10 =	sadd.s32 $0xFFFFFBFF, s26  }
0x5c7: {  	(v2sf) =	vpush v0, $0x0;
	v63 =	vld [tilespmem:s9+$0xFFFFFF70];
	[tilespmem:s19+$0x40] =	vst v1;
	v0 =	vadd.f32 v6, v5;
	s21 =	smov.u32 s9;
	s9 =	smov.u32 s18;
	s26 =	sld [smem:$0x7CC]  }
0x5c8: {  	v1 =	vld [tilespmem:s2+$0x0];
	s2 =	sadd.s32 $0x130, s14;
	[smem:$0x7D7] =	sst s14;
	s14 =	sshrl.u32 s10, $0xD  }
0x5c9: {  	v5 =	vld [tilespmem:s31+$0x50];
	s10 =	smov.u32 s31;
	[tilespmem:s11+$0xA0] =	vst v0;
	s2 =	smov.u32 @p4 s4;
	s17 =	spop (v2sf)  }
0x5ca: {  	s3 =	ssub.s32 s12, s3;
	s4 =	sand.u32 $0x7, s14;
	v6 =	vld [tilespmem:s2+$0x0];
	p3 =	sgt.s32 s17, $0x0  }
0x5cb: {  	s14 =	smov.u32 s19;
	s12 =	sadd.s32 $0x200, s6;
	(v2sf) =	vpush v4, $0x0;
	v4 =	vld [tilespmem:s24+$0xB0];
	s16 =	smov.u32 @p3 s8  }
0x5cc: {  	v0 =	vadd.f32 v62, v3;
	s2 =	sand.u32 $0x7, s25;
	s3 =	sadd.s32 $0xFFFFFFFA, s3;
	s24 =	sld [smem:$0x7CA];
	v3 =	vld [tilespmem:s16+$0x0]  }
0x5cd: {  	s4 =	smul.u32 $0x28, s4;
	s3 =	sand.u32 $0xFF, s3;
	s17 =	rddreg [dreg:$0x13]  }
0x5ce: {  	s25 =	smov.u32 s22;
	s2 =	smul.u32 $0x28, s2;
	s3 =	sor.u32 s3, s17;
	v1 =	vadd.f32 v5, v1  }
0x5cf: {  	s8 =	sadd.s32 $0xA0, s18;
	[tilespmem:s6+$0xFFFFFF30] =	vst v0;
	s16 =	sadd.s32 $0xE0, s18;
	s18 =	ssub.s32 s15, s4  }
.Ltmp6:
0x5d0: {  	s2 =	ssub.s32 s24, s2;
	s15 =	sadd.s32 $0x10, s23;
	v0 =	vld.msk [tilespmem:s3+$0x0], $0x1;
	[tilespmem:s19+$0x50] =	vst v1;
	v5 =	vadd.f32 v4, v6;
	(pc) =	sbr.rel @p0 .LBB2_9-.Ltmp6, $4  }
0x5d1: {  	s8 =	smov.u32 @p1 s16;
	s3 =	sadd.s32 $0xFFFFFFFB, s18;
	v6 =	vadd.f32 v63, v7;
	v4 =	vadd.f32 v2, v3;
	v3 =	vld [tilespmem:s31+$0x60];
	s31 =	sld [smem:$0x7D6]  }
0x5d2: {  	s2 =	sand.u32 $0xFF, s2;
	s18 =	smov.u32 s11;
	s16 =	sadd.s32 $0x50, s23;
	v1 =	vld [tilespmem:s8+$0x0];
	[tilespmem:s11+$0xB0] =	vst v5  }
0x5d3: {  	s3 =	sand.u32 $0xFF, s3;
	s2 =	sor.u32 s2, s26;
	[smem:$0x7DA] =	sst s20;
	[tilespmem:s20+$0xFFFFFF70] =	vst v6  }
0x5d4: {  	s26 =	smov.u32 s23;
	s11 =	sld [smem:$0x7CB];
	v2 =	vld.msk [tilespmem:s2+$0x0], $0x1;
	s6 =	sor.u32 s3, s31  }
0x5d5: {  	s15 =	smov.u32 @p3 s16;
	[tilespmem:s5+$0x0] =	vst v4  }
0x5d6: {  	v4 =	vld [tilespmem:s15+$0x0]  }
0x5d7: {  	v5 =	vld [tilespmem:s28+$0x10];
	_ =	sdelay $0x4  }
0x5d8: {  	v4 =	vadd.f32 v5, v4  }
0x5d9: {  	s2 =	sadd.s32 $0x20, s26;
	s3 =	sadd.s32 $0x60, s26;
	v1 =	vadd.f32 v3, v1  }
0x5da: {  	v36 =	vld.msk [tilespmem:s6+$0x0], $0x1;
	s2 =	smov.u32 @p3 s3;
	[tilespmem:s5+$0x10] =	vst v4  }
0x5db: {  	s15 =	smov.u32 s5;
	(v2sf) =	vpush v2, $0x0;
	[tilespmem:s14+$0x60] =	vst v1;
	v4 =	vld [tilespmem:s2+$0x0]  }
0x5dc: {  	s3 =	sadd.s32 $0xF0, s9;
	v37 =	vld [tilespmem:s28+$0x20];
	s2 =	sadd.s32 $0xB0, s9;
	s5 =	sld [smem:$0x7CD]  }
0x5dd: {  	v1 =	vld [tilespmem:s10+$0x70];
	s2 =	smov.u32 @p1 s3  }
0x5de: {  	v38 =	vld [tilespmem:s2+$0x0]  }
0x5df: {  	s24 =	spop (v2sf);
	(v2sf) =	vpush v0, $0x0;
	s7 =	sld [smem:$0x7D2];
	s4 =	sadd.s32 $0xFFFFFF33, s5  }
0x5e0: {  	s6 =	sadd.s32 $0xFFFFFFC0, s29;
	s31 =	spop (v2sf);
	(v2sf) =	vpush v36, $0x0;
	s4 =	sshrl.u32 s4, $0xD  }
0x5e1: {  	p2 =	sgt.s32 s31, $0x0;
	s2 =	sand.u32 $0x7, s4;
	s4 =	sadd.s32 $0xFFFFFF80, s29;
	v2 =	vadd.f32 v37, v4  }
0x5e2: {  	v40 =	vld [tilespmem:s7+$0xFFFFFFC0];
	s4 =	smov.u32 @p2 s6  }
0x5e3: {  	s6 =	sadd.s32 $0x70, s26;
	v39 =	vld [tilespmem:s4+$0x0];
	s4 =	sadd.s32 $0x30, s26;
	[tilespmem:s15+$0x20] =	vst v2;
	v0 =	vadd.f32 v1, v38  }
0x5e4: {  	s22 =	smov.u32 s26;
	s2 =	smul.u32 $0x28, s2;
	s4 =	smov.u32 @p3 s6;
	v41 =	vld [tilespmem:s28+$0x30]  }
0x5e5: {  	s11 =	smov.u32 s10;
	s30 =	smov.u32 s29;
	s16 =	rddreg [dreg:$0x18];
	v2 =	vld [tilespmem:s4+$0x0];
	[tilespmem:s14+$0x70] =	vst v0  }
0x5e6: {  	s2 =	sxor.u32 $0xFFFFFFFF, s2;
	s6 =	sadd.s32 $0xFFFFFE66, s25;
	s29 =	sld [smem:$0x7CE]  }
0x5e7: {  	s2 =	sadd.s32 s16, s2;
	s4 =	sshrl.u32 s6, $0xD;
	s26 =	sld [smem:$0x7D4]  }
0x5e8: {  	s6 =	sadd.s32 $0xFFFFFFD0, s30;
	s2 =	sand.u32 $0xFF, s2;
	s4 =	sand.u32 $0x7, s4;
	v3 =	vadd.f32 v40, v39  }
0x5e9: {  	s8 =	smul.u32 $0x28, s4;
	s4 =	sadd.s32 $0xFFFFFF90, s30;
	s2 =	sor.u32 s2, s29  }
0x5ea: {  	s10 =	rddreg [dreg:$0x10];
	s17 =	spop (v2sf);
	s4 =	smov.u32 @p2 s6;
	v0 =	vld.msk [tilespmem:s2+$0x0], $0x1;
	[tilespmem:s26+$0xFFFFFFC0] =	vst v3;
	v1 =	vadd.f32 v41, v2  }
0x5eb: {  	v42 =	vld [tilespmem:s4+$0x0];
	[smem:$0x7BF] =	sst s17  }
0x5ec: {  	s2 =	ssub.s32 s10, s8;
	[tilespmem:s15+$0x30] =	vst v1  }
0x5ed: {  	s2 =	sadd.s32 $0xFFFFFFFE, s2;
	s10 =	sld [smem:$0x7D8]  }
0x5ee: {  	s20 =	spop (v2sf);
	s2 =	sand.u32 $0xFF, s2;
	v3 =	vld [tilespmem:s7+$0xFFFFFFD0];
	s19 =	rddreg [dreg:$0x15]  }
0x5ef: {  	s6 =	spop (v2sf);
	s2 =	sor.u32 s2, s19;
	(v2sf) =	vpush v0, $0x0  }
0x5f0: {  	p4 =	sgt.s32 s6, $0x0;
	v43 =	vld.msk [tilespmem:s2+$0x0], $0x1;
	s2 =	sadd.s32 $0xFFFFFF00, s10;
	s6 =	sadd.s32 $0xFFFFFF40, s10  }
0x5f1: {  	s2 =	smov.u32 @p4 s6  }
0x5f2: {  	p1 =	sgt.s32 s24, $0x0;
	s3 =	sadd.s32 $0xFFFFFE40, s1;
	v44 =	vld [tilespmem:s2+$0x0];
	s2 =	sadd.s32 $0xFFFFFE00, s1  }
0x5f3: {  	v45 =	vld [tilespmem:s21+$0xFFFFFF80];
	v2 =	vadd.f32 v3, v42;
	s2 =	smov.u32 @p1 s3  }
0x5f4: {  	s3 =	sadd.s32 $0xFFFFFFE0, s30;
	v46 =	vld [tilespmem:s2+$0x0];
	s2 =	sadd.s32 $0xFFFFFFA0, s30  }
0x5f5: {  	v47 =	vld [tilespmem:s13+$0xFFFFFF00];
	[tilespmem:s26+$0xFFFFFFD0] =	vst v2;
	(v2sf) =	vpush v43, $0x0;
	s2 =	smov.u32 @p2 s3  }
0x5f6: {  	v2 =	vld [tilespmem:s2+$0x0]  }
0x5f7: {  	v48 =	vld [tilespmem:s7+$0xFFFFFFE0];
	s24 =	sld [smem:$0x7DA]  }
0x5f8: {  	v1 =	vadd.f32 v45, v44  }
0x5f9: {  	s8 =	sadd.s32 $0xFFFFFF50, s10;
	s6 =	sadd.s32 $0xFFFFFF10, s10  }
0x5fa: {  	s6 =	smov.u32 @p4 s8;
	s8 =	sld [smem:$0x7D1];
	[tilespmem:s24+$0xFFFFFF80] =	vst v1  }
0x5fb: {  	v0 =	vadd.f32 v47, v46;
	s19 =	sld [smem:$0x7D9]  }
0x5fc: {  	s31 =	smov.u32 s13;
	p0 =	sgt.s32 s20, $0x0;
	v7 =	vld [tilespmem:s11+$0x80];
	v49 =	vadd.f32 v48, v2  }
0x5fd: {  	s13 =	smov.u32 s12;
	s3 =	sadd.s32 $0xFFFFFE50, s1;
	s2 =	sadd.s32 $0xFFFFFE10, s1;
	v1 =	vld [tilespmem:s6+$0x0];
	[tilespmem:s12+$0xFFFFFF00] =	vst v0  }
0x5fe: {  	s2 =	smov.u32 @p1 s3;
	v50 =	vld [tilespmem:s21+$0xFFFFFF90];
	s3 =	sadd.s32 $0xFFFFFE80, s19;
	[tilespmem:s26+$0xFFFFFFE0] =	vst v49;
	s12 =	spop (v2sf)  }
0x5ff: {  	v51 =	vld [tilespmem:s2+$0x0];
	s4 =	sadd.s32 $0xFFFFFEC0, s19;
	p3 =	sgt.s32 s12, $0x0;
	s12 =	sld [smem:$0x7D5]  }
0x600: {  	v6 =	vld [tilespmem:s31+$0xFFFFFF10];
	s3 =	smov.u32 @p0 s4  }
0x601: {  	s23 =	smov.u32 s9;
	v52 =	vld [tilespmem:s3+$0x0]  }
0x602: {  	s2 =	sadd.s32 $0x100, s23;
	s3 =	sadd.s32 $0x140, s23;
	v54 =	vld [tilespmem:s12+$0xFFFFFF40]  }
0x603: {  	s9 =	smov.u32 s1;
	v57 =	vld [tilespmem:s28+$0x40];
	s2 =	smov.u32 @p3 s3  }
0x604: {  	s17 =	sadd.s32 $0xFFFFFD99, s8;
	s6 =	sadd.s32 $0xFFFFFFF0, s30;
	s4 =	sadd.s32 $0xFFFFFFB0, s30;
	v1 =	vadd.f32 v50, v1;
	v53 =	vld [tilespmem:s2+$0x0]  }
0x605: {  	s1 =	sshrl.u32 s17, $0xD;
	v8 =	vld [tilespmem:s7+$0xFFFFFFF0];
	s4 =	smov.u32 @p2 s6;
	s3 =	sadd.s32 $0xFFFFFF60, s10;
	v3 =	vadd.f32 v6, v51  }
0x606: {  	v0 =	vld [tilespmem:s4+$0x0];
	s4 =	sadd.s32 $0xC0, s22;
	s2 =	sadd.s32 $0xFFFFFF20, s10;
	[tilespmem:s24+$0xFFFFFF90] =	vst v1;
	s20 =	spop (v2sf)  }
0x607: {  	s2 =	smov.u32 @p4 s3;
	s3 =	sadd.s32 $0x80, s22;
	v55 =	vld [tilespmem:s21+$0xFFFFFFA0];
	[tilespmem:s13+$0xFFFFFF10] =	vst v3;
	p2 =	sgt.s32 s20, $0x0;
	v2 =	vadd.f32 v54, v52  }
0x608: {  	v1 =	vld [tilespmem:s2+$0x0];
	s2 =	sand.u32 $0x7, s1;
	s17 =	rddreg [dreg:$0xc];
	s3 =	smov.u32 @p2 s4  }
0x609: {  	s2 =	smul.u32 $0x28, s2;
	s4 =	sadd.s32 $0xFFFFFE20, s9;
	v9 =	vld [tilespmem:s3+$0x0];
	s3 =	sadd.s32 $0xFFFFFE60, s9;
	v56 =	vadd.f32 v7, v53;
	[tilespmem:s17+$0xFFFFFF40] =	vst v2  }
0x60a: {  	v12 =	vld [tilespmem:s31+$0xFFFFFF20];
	s4 =	smov.u32 @p1 s3;
	s3 =	rddreg [dreg:$0x9]  }
0x60b: {  	v0 =	vadd.f32 v8, v0;
	v58 =	vld [tilespmem:s4+$0x0];
	s4 =	sadd.s32 $0x150, s23;
	[tilespmem:s14+$0x80] =	vst v56;
	s2 =	ssub.s32 s3, s2;
	s3 =	sadd.s32 $0x110, s23  }
0x60c: {  	s8 =	sadd.s32 $0xFFFFFED0, s19;
	s6 =	sadd.s32 $0xFFFFFE90, s19;
	v59 =	vld [tilespmem:s11+$0x90];
	s3 =	smov.u32 @p3 s4  }
0x60d: {  	s6 =	smov.u32 @p0 s8;
	[tilespmem:s26+$0xFFFFFFF0] =	vst v0;
	s2 =	sadd.s32 $0xFFFFFFFD, s2;
	v3 =	vld [tilespmem:s3+$0x0]  }
0x60e: {  	v1 =	vadd.f32 v55, v1;
	v2 =	vld [tilespmem:s6+$0x0];
	s1 =	rddreg [dreg:$0x19];
	s2 =	sand.u32 $0xFF, s2  }
0x60f: {  	v63 =	vld [tilespmem:s12+$0xFFFFFF50];
	s4 =	sadd.s32 $0xFFFFFF70, s10;
	s3 =	sadd.s32 $0xFFFFFF30, s10;
	s2 =	sor.u32 s2, s1  }
0x610: {  	[tilespmem:s24+$0xFFFFFFA0] =	vst v1;
	v61 =	vadd.f32 v57, v9;
	s3 =	smov.u32 @p4 s4;
	v60 =	vld.msk [tilespmem:s2+$0x0], $0x1  }
0x611: {  	v62 =	vld [tilespmem:s3+$0x0];
	s2 =	sadd.s32 $0x90, s22;
	s3 =	sadd.s32 $0xD0, s22  }
0x612: {  	v13 =	vld [tilespmem:s21+$0xFFFFFFB0];
	[tilespmem:s15+$0x40] =	vst v61;
	s4 =	sadd.s32 $0xFFFFFCCC, s0;
	s2 =	smov.u32 @p2 s3;
	v0 =	vadd.f32 v59, v3  }
0x613: {  	s3 =	sadd.s32 $0x120, s23;
	v1 =	vld [tilespmem:s2+$0x0];
	s2 =	sshrl.u32 s4, $0xD;
	s4 =	sadd.s32 $0x160, s23  }
0x614: {  	v14 =	vld [tilespmem:s28+$0x50];
	s3 =	smov.u32 @p3 s4;
	[tilespmem:s14+$0x90] =	vst v0  }
0x615: {  	v2 =	vadd.f32 v63, v2;
	v15 =	vld [tilespmem:s3+$0x0]  }
0x616: {  	v17 =	vadd.f32 v12, v58;
	v16 =	vld [tilespmem:s11+$0xA0];
	[smem:$0x7C4] =	sst s11  }
0x617: {  	s2 =	sand.u32 $0x7, s2;
	s4 =	sadd.s32 $0xFFFFFEE0, s19;
	v3 =	vadd.f32 v13, v62;
	s3 =	sadd.s32 $0xFFFFFEA0, s19;
	[tilespmem:s17+$0xFFFFFF50] =	vst v2  }
0x618: {  	s2 =	smul.u32 $0x28, s2;
	s3 =	smov.u32 @p0 s4;
	s6 =	rddreg [dreg:$0x8];
	[tilespmem:s13+$0xFFFFFF20] =	vst v17  }
0x619: {  	s4 =	sadd.s32 $0xFFFFFE70, s9;
	v18 =	vld [tilespmem:s3+$0x0];
	s3 =	sadd.s32 $0xFFFFFE30, s9;
	[tilespmem:s24+$0xFFFFFFB0] =	vst v3  }
0x61a: {  	v0 =	vadd.f32 v14, v1;
	s2 =	ssub.s32 s6, s2;
	s3 =	smov.u32 @p1 s4;
	s8 =	sld [smem:$0x7D6]  }
0x61b: {  	s4 =	sadd.s32 $0xE0, s22;
	s2 =	sadd.s32 $0xFFFFFFFC, s2;
	v20 =	vld [tilespmem:s3+$0x0];
	s3 =	sadd.s32 $0xA0, s22  }
0x61c: {  	(v2sf) =	vpush v60, $0x0;
	v19 =	vld [tilespmem:s12+$0xFFFFFF60];
	[tilespmem:s15+$0x50] =	vst v0;
	s2 =	sand.u32 $0xFF, s2;
	s3 =	smov.u32 @p2 s4  }
0x61d: {  	v22 =	vadd.f32 v16, v15;
	s2 =	sor.u32 s2, s8;
	v0 =	vld [tilespmem:s3+$0x0]  }
0x61e: {  	s4 =	sadd.s32 $0x170, s23;
	s3 =	sadd.s32 $0x130, s23;
	v21 =	vld.msk [tilespmem:s2+$0x0], $0x1;
	[smem:$0x7C3] =	sst s14  }
0x61f: {  	s20 =	sld [smem:$0x7D0];
	s3 =	smov.u32 @p3 s4;
	[tilespmem:s14+$0xA0] =	vst v22;
	v23 =	vld [tilespmem:s28+$0x60]  }
0x620: {  	v24 =	vld [tilespmem:s3+$0x0]  }
0x621: {  	v4 =	vadd.f32 v19, v18;
	v25 =	vld [tilespmem:s11+$0xB0]  }
0x622: {  	s6 =	sadd.s32 $0xFFFFFEF0, s19;
	s0 =	sadd.s32 $0xFFFFFB32, s20;
	s4 =	sadd.s32 $0xFFFFFEB0, s19;
	v26 =	vld [tilespmem:s31+$0xFFFFFF30]  }
0x623: {  	s5 =	sshrl.u32 s5, $0xD;
	s2 =	sshrl.u32 s0, $0xD;
	s4 =	smov.u32 @p0 s6;
	[tilespmem:s17+$0xFFFFFF60] =	vst v4  }
0x624: {  	s6 =	sadd.s32 $0xB0, s22;
	s3 =	sand.u32 $0x7, s5;
	s11 =	rddreg [dreg:$0x1f]  }
0x625: {  	s2 =	sand.u32 $0x7, s2;
	s3 =	smul.u32 $0x28, s3;
	s8 =	sadd.s32 $0xFFFFFBFF, s11;
	v0 =	vadd.f32 v23, v0  }
0x626: {  	v4 =	vld [tilespmem:s4+$0x0];
	s20 =	sld [smem:$0x7CF];
	s4 =	sshrl.u32 s8, $0xD;
	s8 =	sadd.s32 $0xF0, s22;
	v28 =	vadd.f32 v25, v24  }
0x627: {  	s2 =	smul.u32 $0x28, s2;
	v27 =	vld [tilespmem:s12+$0xFFFFFF70];
	s3 =	ssub.s32 s16, s3;
	s6 =	smov.u32 @p2 s8;
	v1 =	vadd.f32 v26, v20;
	[tilespmem:s15+$0x60] =	vst v0  }
0x628: {  	s4 =	sand.u32 $0x7, s4;
	s3 =	sand.u32 $0xFF, s3;
	v0 =	vld [tilespmem:s6+$0x0];
	s0 =	rddreg [dreg:$0xd];
	[tilespmem:s14+$0xB0] =	vst v28  }
0x629: {  	(v2sf) =	vpush v21, $0x0;
	s2 =	ssub.s32 s20, s2;
	s3 =	sor.u32 s3, s29;
	s29 =	sadd.s32 $0xFFFFFF33, s25;
	v29 =	vld [tilespmem:s28+$0x70];
	[tilespmem:s13+$0xFFFFFF30] =	vst v1  }
0x62a: {  	s4 =	smul.u32 $0x28, s4;
	s6 =	sshrl.u32 s29, $0xD;
	v30 =	vld.msk [tilespmem:s3+$0x0], $0x1;
	s29 =	sld [smem:$0x7D3]  }
0x62b: {  	s2 =	sadd.s32 $0xFFFFFFFA, s2;
	s16 =	spop (v2sf)  }
0x62c: {  	s2 =	sand.u32 $0xFF, s2;
	v31 =	vadd.f32 v27, v4;
	p4 =	sgt.s32 s16, $0x0;
	s4 =	ssub.s32 s0, s4  }
0x62d: {  	s6 =	sand.u32 $0x7, s6;
	s5 =	sadd.s32 $0xFFFFFFFB, s4;
	s2 =	sor.u32 s2, s29  }
0x62e: {  	[tilespmem:s17+$0xFFFFFF70] =	vst v31;
	s14 =	smul.u32 $0x28, s6;
	s4 =	sadd.s32 $0x40, s30;
	s6 =	smov.u32 s30;
	v32 =	vld.msk [tilespmem:s2+$0x0], $0x1  }
0x62f: {  	v34 =	vld [tilespmem:s7+$0x0];
	s20 =	rddreg [dreg:$0x13];
	s8 =	sand.u32 $0xFF, s5;
	s6 =	smov.u32 @p4 s4;
	v0 =	vadd.f32 v29, v0;
	(v2sf) =	vpush v30, $0x0  }
0x630: {  	s3 =	sxor.u32 $0xFFFFFFFF, s14;
	v33 =	vld [tilespmem:s6+$0x0];
	s14 =	rddreg [dreg:$0x10];
	s2 =	sor.u32 s8, s20  }
0x631: {  	v1 =	vld.msk [tilespmem:s2+$0x0], $0x1;
	s2 =	sadd.s32 s14, s3;
	[tilespmem:s15+$0x70] =	vst v0  }
0x632: {  	s2 =	sand.u32 $0xFF, s2;
	s20 =	rddreg [dreg:$0x15]  }
0x633: {  	s2 =	sor.u32 s2, s20;
	(v2sf) =	vpush v32, $0x0  }
0x634: {  	v0 =	vld.msk [tilespmem:s2+$0x0], $0x1  }
0x635: {  	v35 =	vadd.f32 v34, v33  }
0x636: {  	s3 =	sadd.s32 $0x50, s30;
	s2 =	sadd.s32 $0x10, s30  }
0x637: {  	(v2sf) =	vpush v1, $0x0;
	s2 =	smov.u32 @p4 s3;
	[tilespmem:s26+$0x0] =	vst v35  }
0x638: {  	s4 =	spop (v2sf);
	v36 =	vld [tilespmem:s2+$0x0]  }
0x639: {  	s3 =	sadd.s32 $0xFFFFFF80, s10;
	p3 =	sgt.s32 s4, $0x0;
	s4 =	sadd.s32 $0xFFFFFFC0, s10;
	v38 =	vld [tilespmem:s7+$0x10];
	(v2sf) =	vpush v0, $0x0  }
0x63a: {  	v39 =	vld [tilespmem:s21+$0xFFFFFFC0];
	s3 =	smov.u32 @p3 s4  }
0x63b: {  	v37 =	vld [tilespmem:s3+$0x0];
	_ =	sdelay $0x2  }
0x63c: {  	v0 =	vadd.f32 v38, v36;
	s5 =	spop (v2sf)  }
0x63d: {  	s2 =	sadd.s32 $0x60, s30;
	s3 =	sadd.s32 $0x20, s30;
	[smem:$0x7C0] =	sst s5  }
0x63e: {  	s3 =	smov.u32 @p4 s2;
	v1 =	vadd.f32 v39, v37;
	[tilespmem:s26+$0x10] =	vst v0;
	v44 =	vld [tilespmem:s31+$0xFFFFFF40]  }
0x63f: {  	s6 =	sadd.s32 $0xFFFFFFD0, s10;
	s4 =	sadd.s32 $0xFFFFFF90, s10;
	v0 =	vld [tilespmem:s3+$0x0]  }
0x640: {  	s4 =	smov.u32 @p3 s6;
	[tilespmem:s24+$0xFFFFFFC0] =	vst v1;
	v42 =	vld [tilespmem:s7+$0x20];
	s8 =	spop (v2sf)  }
0x641: {  	s6 =	sadd.s32 $0xFFFFFE80, s9;
	v1 =	vld [tilespmem:s4+$0x0];
	p0 =	sgt.s32 s8, $0x0;
	s8 =	sadd.s32 $0xFFFFFEC0, s9  }
0x642: {  	v43 =	vld [tilespmem:s21+$0xFFFFFFD0];
	s6 =	smov.u32 @p0 s8  }
0x643: {  	v40 =	vld [tilespmem:s6+$0x0]  }
0x644: {  	s16 =	spop (v2sf)  }
0x645: {  	v46 =	vld [tilespmem:s12+$0xFFFFFF80];
	s3 =	sadd.s32 $0xFFFFFF00, s19;
	s4 =	sadd.s32 $0xFFFFFF40, s19;
	p2 =	sgt.s32 s16, $0x0;
	v0 =	vadd.f32 v42, v0  }
0x646: {  	v47 =	vld [tilespmem:s28+$0x80];
	s3 =	smov.u32 @p2 s4;
	s0 =	spop (v2sf)  }
0x647: {  	s4 =	sadd.s32 $0x140, s22;
	v41 =	vld [tilespmem:s3+$0x0];
	s3 =	sadd.s32 $0x100, s22;
	v1 =	vadd.f32 v43, v1;
	p1 =	sgt.s32 s0, $0x0;
	[tilespmem:s26+$0x20] =	vst v0  }
0x648: {  	s3 =	smov.u32 @p1 s4;
	v51 =	vld [tilespmem:s7+$0x30];
	v48 =	vadd.f32 v44, v40  }
0x649: {  	[tilespmem:s24+$0xFFFFFFD0] =	vst v1;
	s4 =	sadd.s32 $0x70, s30;
	v45 =	vld [tilespmem:s3+$0x0];
	s3 =	sadd.s32 $0x30, s30  }
0x64a: {  	s6 =	sadd.s32 $0xFFFFFFE0, s10;
	v52 =	vld [tilespmem:s21+$0xFFFFFFE0];
	s3 =	smov.u32 @p4 s4;
	s4 =	sadd.s32 $0xFFFFFFA0, s10;
	[tilespmem:s13+$0xFFFFFF40] =	vst v48  }
0x64b: {  	v49 =	vld [tilespmem:s3+$0x0];
	s4 =	smov.u32 @p3 s6;
	s16 =	sld [smem:$0x7D1]  }
0x64c: {  	v3 =	vadd.f32 v46, v41;
	s3 =	sadd.s32 $0xFFFFFE90, s9;
	s6 =	sadd.s32 $0xFFFFFED0, s9;
	v1 =	vld [tilespmem:s4+$0x0]  }
0x64d: {  	s8 =	sadd.s32 $0x150, s22;
	s3 =	smov.u32 @p0 s6;
	v54 =	vld [tilespmem:s31+$0xFFFFFF50]  }
0x64e: {  	s4 =	sadd.s32 $0xFFFFFF10, s19;
	s6 =	sadd.s32 $0xFFFFFF50, s19;
	[tilespmem:s17+$0xFFFFFF80] =	vst v3;
	v0 =	vld [tilespmem:s3+$0x0];
	v50 =	vadd.f32 v47, v45;
	s2 =	sadd.s32 $0xFFFFFE66, s16  }
0x64f: {  	s4 =	smov.u32 @p2 s6;
	s6 =	sadd.s32 $0x110, s22;
	v53 =	vld [tilespmem:s12+$0xFFFFFF90];
	s3 =	sshrl.u32 s2, $0xD  }
0x650: {  	v3 =	vld [tilespmem:s4+$0x0];
	s6 =	smov.u32 @p1 s8;
	[tilespmem:s15+$0x80] =	vst v50;
	s3 =	sand.u32 $0x7, s3  }
0x651: {  	v4 =	vld [tilespmem:s6+$0x0];
	s3 =	smul.u32 $0x28, s3  }
0x652: {  	s5 =	rddreg [dreg:$0x9];
	v55 =	vld [tilespmem:s28+$0x90]  }
0x653: {  	v1 =	vadd.f32 v52, v1;
	s3 =	ssub.s32 s5, s3  }
0x654: {  	v2 =	vadd.f32 v51, v49;
	s3 =	sadd.s32 $0xFFFFFFFE, s3  }
0x655: {  	v0 =	vadd.f32 v54, v0;
	[tilespmem:s24+$0xFFFFFFE0] =	vst v1;
	s3 =	sand.u32 $0xFF, s3  }
0x656: {  	[tilespmem:s26+$0x30] =	vst v2;
	v3 =	vadd.f32 v53, v3;
	v59 =	vld [tilespmem:s21+$0xFFFFFFF0];
	s3 =	sor.u32 s3, s1  }
0x657: {  	[tilespmem:s13+$0xFFFFFF50] =	vst v0;
	v56 =	vadd.f32 v55, v4;
	v2 =	vld.msk [tilespmem:s3+$0x0], $0x1  }
0x658: {  	[tilespmem:s17+$0xFFFFFF90] =	vst v3;
	v61 =	vld [tilespmem:s31+$0xFFFFFF60]  }
0x659: {  	s4 =	sadd.s32 $0xFFFFFFF0, s10;
	s6 =	sadd.s32 $0xFFFFFF60, s19;
	v60 =	vld [tilespmem:s12+$0xFFFFFFA0];
	s3 =	sadd.s32 $0xFFFFFFB0, s10;
	[tilespmem:s15+$0x90] =	vst v56  }
0x65a: {  	s3 =	smov.u32 @p3 s4;
	s4 =	sadd.s32 $0xFFFFFF20, s19;
	s2 =	sld [smem:$0x7C9];
	v62 =	vld [tilespmem:s28+$0xA0]  }
0x65b: {  	v1 =	vld [tilespmem:s3+$0x0];
	s4 =	smov.u32 @p2 s6;
	s3 =	sadd.s32 $0xFFFFFEA0, s9;
	s6 =	sadd.s32 $0xFFFFFEE0, s9  }
0x65c: {  	v57 =	vld [tilespmem:s4+$0x0];
	s3 =	smov.u32 @p0 s6;
	s4 =	sadd.s32 $0x120, s22;
	s6 =	sadd.s32 $0x160, s22;
	(v2sf) =	vpush v2, $0x0  }
0x65d: {  	v0 =	vld [tilespmem:s3+$0x0];
	s4 =	smov.u32 @p1 s6;
	s6 =	sadd.s32 $0xFFFFFD99, s2  }
0x65e: {  	v58 =	vld [tilespmem:s4+$0x0];
	s3 =	sshrl.u32 s6, $0xD  }
0x65f: {  	s8 =	rddreg [dreg:$0x8];
	s3 =	sand.u32 $0x7, s3  }
0x660: {  	s0 =	smov.u32 s15;
	[smem:$0x7C6] =	sst s28;
	s3 =	smul.u32 $0x28, s3;
	v1 =	vadd.f32 v59, v1  }
0x661: {  	s1 =	smov.u32 s28;
	s15 =	sadd.s32 $0xFFFFFEF0, s9;
	s28 =	sld [smem:$0x7D6];
	v63 =	vadd.f32 v60, v57  }
0x662: {  	s4 =	sadd.s32 $0xFFFFFF30, s19;
	s6 =	sadd.s32 $0xFFFFFF70, s19;
	s3 =	ssub.s32 s8, s3;
	[tilespmem:s24+$0xFFFFFFF0] =	vst v1;
	v0 =	vadd.f32 v61, v0  }
0x663: {  	s4 =	smov.u32 @p2 s6;
	s8 =	sadd.s32 $0xFFFFFEB0, s9;
	s3 =	sadd.s32 $0xFFFFFFFD, s3;
	[tilespmem:s17+$0xFFFFFFA0] =	vst v63;
	v2 =	vadd.f32 v62, v58  }
0x664: {  	s8 =	smov.u32 @p0 s15;
	s3 =	sand.u32 $0xFF, s3;
	v3 =	vld [tilespmem:s4+$0x0];
	[tilespmem:s13+$0xFFFFFF60] =	vst v0  }
0x665: {  	s3 =	sor.u32 s3, s28;
	v0 =	vld [tilespmem:s8+$0x0];
	[tilespmem:s0+$0xA0] =	vst v2  }
0x666: {  	v1 =	vld.msk [tilespmem:s3+$0x0], $0x1;
	[smem:$0x7C7] =	sst s0  }
0x667: {  	s6 =	sadd.s32 $0x170, s22;
	s15 =	sadd.s32 $0xFFFFFCCC, s11;
	s4 =	sadd.s32 $0x130, s22;
	v8 =	vld [tilespmem:s12+$0xFFFFFFB0]  }
0x668: {  	s4 =	smov.u32 @p1 s6;
	s3 =	sshrl.u32 s15, $0xD  }
0x669: {  	s8 =	sshrl.u32 s25, $0xD;
	v2 =	vld [tilespmem:s4+$0x0];
	s3 =	sand.u32 $0x7, s3  }
0x66a: {  	v9 =	vld [tilespmem:s1+$0xB0];
	s1 =	sld [smem:$0x7D0];
	s4 =	sand.u32 $0x7, s8;
	s3 =	smul.u32 $0x28, s3  }
0x66b: {  	s5 =	smov.u32 s11;
	s4 =	smul.u32 $0x28, s4;
	s11 =	spop (v2sf)  }
0x66c: {  	v3 =	vadd.f32 v8, v3;
	p0 =	sgt.s32 s11, $0x0;
	s11 =	rddreg [dreg:$0xd]  }
0x66d: {  	s15 =	sadd.s32 $0xFFFFFBFF, s1;
	s4 =	ssub.s32 s14, s4;
	(v2sf) =	vpush v1, $0x0;
	s3 =	ssub.s32 s11, s3  }
0x66e: {  	s14 =	sld [smem:$0x7CF];
	s25 =	sshrl.u32 s15, $0xD;
	[tilespmem:s17+$0xFFFFFFB0] =	vst v3;
	s3 =	sadd.s32 $0xFFFFFFFC, s3  }
0x66f: {  	v10 =	vld [tilespmem:s31+$0xFFFFFF70];
	s6 =	sand.u32 $0x7, s25;
	v2 =	vadd.f32 v9, v2;
	s25 =	rddreg [dreg:$0x13];
	s3 =	sand.u32 $0xFF, s3  }
0x670: {  	s4 =	sand.u32 $0xFF, s4;
	s3 =	sor.u32 s3, s25  }
0x671: {  	s4 =	sor.u32 s4, s20;
	s6 =	smul.u32 $0x28, s6;
	[tilespmem:s0+$0xB0] =	vst v2;
	v12 =	vld.msk [tilespmem:s3+$0x0], $0x1  }
0x672: {  	v2 =	vld.msk [tilespmem:s4+$0x0], $0x1  }
0x673: {  	s8 =	sadd.s32 $0x80, s30;
	s15 =	sadd.s32 $0xC0, s30;
	s6 =	ssub.s32 s14, s6  }
0x674: {  	v13 =	vld [tilespmem:s7+$0x40];
	v0 =	vadd.f32 v10, v0;
	s8 =	smov.u32 @p0 s15;
	s6 =	sadd.s32 $0xFFFFFFFB, s6  }
0x675: {  	v11 =	vld [tilespmem:s8+$0x0];
	s8 =	sand.u32 $0xFF, s6  }
0x676: {  	[tilespmem:s13+$0xFFFFFF70] =	vst v0;
	s15 =	sor.u32 s8, s29;
	(v2sf) =	vpush v12, $0x0  }
0x677: {  	v0 =	vld.msk [tilespmem:s15+$0x0], $0x1;
	(v2sf) =	vpush v2, $0x0;
	_ =	sdelay $0x2  }
0x678: {  	v14 =	vadd.f32 v13, v11  }
0x679: {  	s4 =	sadd.s32 $0xD0, s30;
	s3 =	sadd.s32 $0x90, s30  }
0x67a: {  	v18 =	vld [tilespmem:s21+$0x0];
	s20 =	smov.u32 s29;
	s3 =	smov.u32 @p0 s4;
	[tilespmem:s26+$0x40] =	vst v14;
	(v2sf) =	vpush v0, $0x0;
	s29 =	spop (v2sf)  }
0x67b: {  	s6 =	smov.u32 s10;
	s4 =	sadd.s32 $0x40, s10;
	v15 =	vld [tilespmem:s3+$0x0];
	p3 =	sgt.s32 s29, $0x0  }
0x67c: {  	v17 =	vld [tilespmem:s7+$0x50];
	s6 =	smov.u32 @p3 s4  }
0x67d: {  	v16 =	vld [tilespmem:s6+$0x0];
	_ =	sdelay $0x3  }
0x67e: {  	s3 =	sadd.s32 $0xA0, s30;
	s4 =	sadd.s32 $0xE0, s30;
	v0 =	vadd.f32 v17, v15  }
0x67f: {  	s3 =	smov.u32 @p0 s4;
	v1 =	vadd.f32 v18, v16  }
0x680: {  	s4 =	sadd.s32 $0x10, s10;
	s6 =	sadd.s32 $0x50, s10;
	[tilespmem:s26+$0x50] =	vst v0;
	s0 =	spop (v2sf)  }
0x681: {  	s4 =	smov.u32 @p3 s6;
	v0 =	vld [tilespmem:s3+$0x0];
	s3 =	sadd.s32 $0xFFFFFF80, s19;
	[tilespmem:s24+$0x0] =	vst v1;
	s8 =	spop (v2sf)  }
0x682: {  	v1 =	vld [tilespmem:s4+$0x0];
	s4 =	sadd.s32 $0xFFFFFFC0, s19;
	p2 =	sgt.s32 s0, $0x0;
	[smem:$0x7C1] =	sst s8  }
0x683: {  	s3 =	smov.u32 @p2 s4;
	v19 =	vld [tilespmem:s21+$0x10]  }
0x684: {  	v20 =	vld [tilespmem:s3+$0x0]  }
0x685: {  	v21 =	vld [tilespmem:s12+$0xFFFFFFC0]  }
0x686: {  	s15 =	spop (v2sf)  }
0x687: {  	s4 =	sadd.s32 $0xFFFFFF40, s9;
	p1 =	sgt.s32 s15, $0x0;
	s3 =	sadd.s32 $0xFFFFFF00, s9;
	v23 =	vld [tilespmem:s7+$0x60]  }
0x688: {  	v24 =	vld [tilespmem:s31+$0xFFFFFF80];
	s3 =	smov.u32 @p1 s4;
	v1 =	vadd.f32 v19, v1  }
0x689: {  	s4 =	sadd.s32 $0x60, s10;
	v22 =	vld [tilespmem:s3+$0x0];
	s3 =	sadd.s32 $0x20, s10  }
0x68a: {  	s3 =	smov.u32 @p3 s4;
	v25 =	vadd.f32 v21, v20;
	[tilespmem:s24+$0x10] =	vst v1  }
0x68b: {  	v26 =	vld [tilespmem:s3+$0x0]  }
0x68c: {  	s4 =	sadd.s32 $0xFFFFFFD0, s19;
	v0 =	vadd.f32 v23, v0;
	[tilespmem:s17+$0xFFFFFFC0] =	vst v25;
	s3 =	sadd.s32 $0xFFFFFF90, s19;
	v27 =	vld [tilespmem:s21+$0x20]  }
0x68d: {  	v28 =	vld [tilespmem:s12+$0xFFFFFFD0];
	s3 =	smov.u32 @p2 s4  }
0x68e: {  	v2 =	vadd.f32 v24, v22;
	[tilespmem:s26+$0x60] =	vst v0;
	s4 =	sadd.s32 $0xF0, s30;
	v1 =	vld [tilespmem:s3+$0x0];
	s3 =	sadd.s32 $0xB0, s30  }
0x68f: {  	v30 =	vld [tilespmem:s7+$0x70];
	s3 =	smov.u32 @p0 s4  }
0x690: {  	s6 =	sadd.s32 $0xFFFFFF50, s9;
	[tilespmem:s13+$0xFFFFFF80] =	vst v2;
	s4 =	sadd.s32 $0xFFFFFF10, s9;
	v29 =	vld [tilespmem:s3+$0x0]  }
0x691: {  	v31 =	vld [tilespmem:s31+$0xFFFFFF90];
	s4 =	smov.u32 @p1 s6  }
0x692: {  	s29 =	sadd.s32 $0xFFFFFF33, s16;
	s0 =	sadd.s32 $0xFFFFFE66, s2;
	v2 =	vld [tilespmem:s4+$0x0];
	v3 =	vadd.f32 v27, v26  }
0x693: {  	s3 =	sshrl.u32 s29, $0xD;
	s6 =	sadd.s32 $0x70, s10;
	s4 =	sadd.s32 $0x30, s10  }
0x694: {  	s15 =	sadd.s32 $0xFFFFFFE0, s19;
	s3 =	sand.u32 $0x7, s3;
	s4 =	smov.u32 @p3 s6;
	[tilespmem:s24+$0x20] =	vst v3;
	v0 =	vadd.f32 v28, v1  }
0x695: {  	s29 =	smov.u32 s2;
	s3 =	smul.u32 $0x28, s3;
	s6 =	sadd.s32 $0xFFFFFFA0, s19;
	v32 =	vld [tilespmem:s4+$0x0];
	v5 =	vadd.f32 v30, v29  }
0x696: {  	s6 =	smov.u32 @p2 s15;
	s15 =	sadd.s32 $0xFFFFFF60, s9;
	v3 =	vld [tilespmem:s21+$0x30];
	s4 =	sshrl.u32 s0, $0xD;
	[tilespmem:s17+$0xFFFFFFD0] =	vst v0  }
0x697: {  	s3 =	sxor.u32 $0xFFFFFFFF, s3;
	s4 =	sand.u32 $0x7, s4;
	v0 =	vld [tilespmem:s6+$0x0];
	s8 =	rddreg [dreg:$0x9];
	v2 =	vadd.f32 v31, v2;
	[tilespmem:s26+$0x70] =	vst v5  }
0x698: {  	s4 =	smul.u32 $0x28, s4;
	v33 =	vld [tilespmem:s12+$0xFFFFFFE0];
	s6 =	sadd.s32 $0xFFFFFF20, s9;
	s2 =	rddreg [dreg:$0x19]  }
0x699: {  	s3 =	sadd.s32 s8, s3;
	s6 =	smov.u32 @p1 s15;
	s16 =	rddreg [dreg:$0x8];
	[tilespmem:s13+$0xFFFFFF90] =	vst v2  }
0x69a: {  	s3 =	sand.u32 $0xFF, s3;
	v2 =	vld [tilespmem:s6+$0x0]  }
0x69b: {  	s3 =	sor.u32 s3, s2;
	s4 =	ssub.s32 s16, s4;
	v35 =	vld [tilespmem:s31+$0xFFFFFFA0]  }
0x69c: {  	v1 =	vadd.f32 v3, v32;
	v34 =	vld.msk [tilespmem:s3+$0x0], $0x1;
	s3 =	sadd.s32 $0xFFFFFFFE, s4  }
0x69d: {  	s3 =	sand.u32 $0xFF, s3;
	v0 =	vadd.f32 v33, v0  }
0x69e: {  	[tilespmem:s24+$0x30] =	vst v1;
	s3 =	sor.u32 s3, s28  }
0x69f: {  	s4 =	sadd.s32 $0xFFFFFFF0, s19;
	v1 =	vld.msk [tilespmem:s3+$0x0], $0x1;
	s3 =	sadd.s32 $0xFFFFFFB0, s19;
	[tilespmem:s17+$0xFFFFFFE0] =	vst v0  }
0x6a0: {  	s15 =	sadd.s32 $0xFFFFFD99, s5;
	s3 =	smov.u32 @p2 s4;
	v36 =	vld [tilespmem:s12+$0xFFFFFFF0]  }
0x6a1: {  	v2 =	vadd.f32 v35, v2;
	v0 =	vld [tilespmem:s3+$0x0];
	s3 =	sshrl.u32 s15, $0xD  }
0x6a2: {  	s6 =	sadd.s32 $0xFFFFFF70, s9;
	s4 =	sadd.s32 $0xFFFFFF30, s9;
	s3 =	sand.u32 $0x7, s3  }
0x6a3: {  	(v2sf) =	vpush v34, $0x0;
	s4 =	smov.u32 @p1 s6;
	[tilespmem:s13+$0xFFFFFFA0] =	vst v2;
	s3 =	smul.u32 $0x28, s3  }
0x6a4: {  	s0 =	smov.u32 s28;
	s28 =	sadd.s32 $0xFFFFFCCC, s1;
	v37 =	vld [tilespmem:s4+$0x0]  }
0x6a5: {  	v2 =	vld [tilespmem:s31+$0xFFFFFFB0];
	s4 =	sshrl.u32 s28, $0xD;
	s3 =	ssub.s32 s11, s3  }
0x6a6: {  	s4 =	sand.u32 $0x7, s4;
	v0 =	vadd.f32 v36, v0;
	s3 =	sadd.s32 $0xFFFFFFFD, s3  }
0x6a7: {  	(v2sf) =	vpush v1, $0x0;
	s4 =	smul.u32 $0x28, s4;
	s3 =	sand.u32 $0xFF, s3  }
0x6a8: {  	[tilespmem:s17+$0xFFFFFFF0] =	vst v0;
	s3 =	sor.u32 s3, s25  }
0x6a9: {  	s4 =	ssub.s32 s14, s4;
	v0 =	vld.msk [tilespmem:s3+$0x0], $0x1  }
0x6aa: {  	v1 =	vadd.f32 v2, v37;
	s3 =	sadd.s32 $0xFFFFFFFC, s4  }
0x6ab: {  	s3 =	sand.u32 $0xFF, s3  }
0x6ac: {  	[tilespmem:s13+$0xFFFFFFB0] =	vst v1;
	s3 =	sor.u32 s3, s20  }
0x6ad: {  	v1 =	vld.msk [tilespmem:s3+$0x0], $0x1  }
0x6ae: {  	(v2sf) =	vpush v0, $0x0;
	_ =	sdelay $0x3  }
0x6af: {  	s6 =	spop (v2sf);
	(v2sf) =	vpush v1, $0x0  }
0x6b0: {  	s4 =	sadd.s32 $0x140, s30;
	s3 =	sadd.s32 $0x100, s30;
	p3 =	sgt.s32 s6, $0x0  }
0x6b1: {  	v40 =	vld [tilespmem:s7+$0x80];
	s3 =	smov.u32 @p3 s4  }
0x6b2: {  	v38 =	vld [tilespmem:s3+$0x0]  }
0x6b3: {  	s15 =	spop (v2sf)  }
0x6b4: {  	s6 =	sadd.s32 $0xC0, s10;
	s4 =	sadd.s32 $0x80, s10;
	p2 =	sgt.s32 s15, $0x0  }
0x6b5: {  	v41 =	vld [tilespmem:s21+$0x40];
	s4 =	smov.u32 @p2 s6  }
0x6b6: {  	v39 =	vld [tilespmem:s4+$0x0]  }
0x6b7: {  	v0 =	vadd.f32 v40, v38  }
0x6b8: {  	s3 =	sadd.s32 $0x110, s30;
	s4 =	sadd.s32 $0x150, s30  }
0x6b9: {  	s6 =	sadd.s32 $0xD0, s10;
	s3 =	smov.u32 @p3 s4;
	s4 =	sadd.s32 $0x90, s10;
	[tilespmem:s26+$0x80] =	vst v0  }
0x6ba: {  	s4 =	smov.u32 @p2 s6;
	v0 =	vld [tilespmem:s3+$0x0];
	s28 =	spop (v2sf)  }
0x6bb: {  	s6 =	smov.u32 s19;
	v1 =	vadd.f32 v41, v39;
	s3 =	sadd.s32 $0x40, s19;
	v43 =	vld [tilespmem:s7+$0x90];
	p1 =	sgt.s32 s28, $0x0  }
0x6bc: {  	v45 =	vld [tilespmem:s12+$0x0];
	s6 =	smov.u32 @p1 s3  }
0x6bd: {  	[tilespmem:s24+$0x40] =	vst v1;
	v42 =	vld [tilespmem:s6+$0x0]  }
0x6be: {  	v1 =	vld [tilespmem:s4+$0x0];
	s4 =	spop (v2sf)  }
0x6bf: {  	v44 =	vld [tilespmem:s21+$0x50];
	s3 =	sadd.s32 $0xFFFFFF80, s9;
	p0 =	sgt.s32 s4, $0x0;
	s4 =	sadd.s32 $0xFFFFFFC0, s9  }
0x6c0: {  	v47 =	vld [tilespmem:s31+$0xFFFFFFC0];
	v0 =	vadd.f32 v43, v0;
	s3 =	smov.u32 @p0 s4  }
0x6c1: {  	s4 =	sadd.s32 $0x160, s30;
	v46 =	vld [tilespmem:s3+$0x0];
	s3 =	sadd.s32 $0x120, s30  }
0x6c2: {  	s6 =	sadd.s32 $0xE0, s10;
	[tilespmem:s26+$0x90] =	vst v0;
	s3 =	smov.u32 @p3 s4;
	s4 =	sadd.s32 $0xA0, s10;
	v48 =	vadd.f32 v45, v42  }
0x6c3: {  	v49 =	vld [tilespmem:s3+$0x0];
	s4 =	smov.u32 @p2 s6;
	s3 =	sadd.s32 $0x10, s19;
	s6 =	sadd.s32 $0x50, s19  }
0x6c4: {  	v1 =	vadd.f32 v44, v1;
	v53 =	vld [tilespmem:s7+$0xA0];
	s3 =	smov.u32 @p1 s6;
	[tilespmem:s17+$0x0] =	vst v48  }
0x6c5: {  	v51 =	vld [tilespmem:s3+$0x0]  }
0x6c6: {  	[tilespmem:s24+$0x50] =	vst v1;
	v50 =	vadd.f32 v47, v46;
	v52 =	vld [tilespmem:s12+$0x10]  }
0x6c7: {  	v1 =	vld [tilespmem:s4+$0x0];
	s4 =	sadd.s32 $0xFFFFFFD0, s9;
	s3 =	sadd.s32 $0xFFFFFF90, s9  }
0x6c8: {  	v54 =	vld [tilespmem:s21+$0x60];
	s3 =	smov.u32 @p0 s4;
	[tilespmem:s13+$0xFFFFFFC0] =	vst v50  }
0x6c9: {  	v0 =	vld [tilespmem:s3+$0x0]  }
0x6ca: {  	v55 =	vld [tilespmem:s31+$0xFFFFFFD0]  }
0x6cb: {  	v3 =	vadd.f32 v52, v51  }
0x6cc: {  	s4 =	sadd.s32 $0x60, s19;
	s3 =	sadd.s32 $0x20, s19  }
0x6cd: {  	v2 =	vadd.f32 v53, v49;
	s3 =	smov.u32 @p1 s4;
	[tilespmem:s17+$0x10] =	vst v3  }
0x6ce: {  	v1 =	vadd.f32 v54, v1;
	s4 =	sadd.s32 $0x170, s30;
	v3 =	vld [tilespmem:s3+$0x0];
	s3 =	sadd.s32 $0x130, s30  }
0x6cf: {  	s6 =	sadd.s32 $0xF0, s10;
	[tilespmem:s26+$0xA0] =	vst v2;
	v56 =	vld [tilespmem:s12+$0x20];
	v0 =	vadd.f32 v55, v0;
	s3 =	smov.u32 @p3 s4;
	s4 =	sadd.s32 $0xB0, s10  }
0x6d0: {  	[tilespmem:s24+$0x60] =	vst v1;
	v57 =	vld [tilespmem:s3+$0x0];
	s4 =	smov.u32 @p2 s6  }
0x6d1: {  	s15 =	sadd.s32 $0xFFFFFF33, s29;
	s3 =	sadd.s32 $0xFFFFFFA0, s9;
	s6 =	sadd.s32 $0xFFFFFFE0, s9;
	[tilespmem:s13+$0xFFFFFFD0] =	vst v0;
	v1 =	vld [tilespmem:s4+$0x0]  }
0x6d2: {  	s3 =	smov.u32 @p0 s6;
	s6 =	sld [smem:$0x7D1];
	s4 =	sshrl.u32 s15, $0xD;
	v60 =	vld [tilespmem:s31+$0xFFFFFFE0]  }
0x6d3: {  	v0 =	vld [tilespmem:s3+$0x0];
	s4 =	sand.u32 $0x7, s4  }
0x6d4: {  	s28 =	smov.u32 s29;
	s29 =	sadd.s32 $0xFFFFFE66, s5;
	v2 =	vadd.f32 v56, v3;
	s4 =	smul.u32 $0x28, s4  }
0x6d5: {  	v58 =	vld [tilespmem:s7+$0xB0];
	s15 =	sadd.s32 $0x70, s19;
	s3 =	sshrl.u32 s6, $0xD;
	s6 =	sadd.s32 $0x30, s19  }
0x6d6: {  	v59 =	vld [tilespmem:s21+$0x70];
	s3 =	sand.u32 $0x7, s3;
	s6 =	smov.u32 @p1 s15;
	[tilespmem:s17+$0x20] =	vst v2;
	s4 =	sxor.u32 $0xFFFFFFFF, s4  }
0x6d7: {  	s3 =	smul.u32 $0x28, s3;
	v2 =	vld [tilespmem:s6+$0x0];
	s6 =	sshrl.u32 s29, $0xD;
	s4 =	sadd.s32 s16, s4  }
0x6d8: {  	s15 =	sadd.s32 $0xFFFFFFF0, s9;
	v61 =	vld [tilespmem:s12+$0x30];
	s6 =	sand.u32 $0x7, s6;
	s4 =	sand.u32 $0xFF, s4;
	v0 =	vadd.f32 v60, v0  }
0x6d9: {  	s3 =	ssub.s32 s8, s3;
	s8 =	sor.u32 s4, s0;
	s4 =	sadd.s32 $0xFFFFFFB0, s9  }
0x6da: {  	v4 =	vadd.f32 v58, v57;
	s6 =	smul.u32 $0x28, s6;
	s3 =	sand.u32 $0xFF, s3;
	s4 =	smov.u32 @p0 s15;
	[tilespmem:s13+$0xFFFFFFE0] =	vst v0  }
0x6db: {  	s3 =	sor.u32 s3, s2;
	v0 =	vld [tilespmem:s4+$0x0];
	s2 =	sadd.s32 $0xFFFFFD99, s1  }
0x6dc: {  	v1 =	vadd.f32 v59, v1;
	s29 =	smov.u32 s16;
	[tilespmem:s26+$0xB0] =	vst v4;
	s16 =	ssub.s32 s11, s6;
	v63 =	vld [tilespmem:s31+$0xFFFFFFF0];
	s4 =	sshrl.u32 s2, $0xD  }
0x6dd: {  	v62 =	vld.msk [tilespmem:s3+$0x0], $0x1;
	v2 =	vadd.f32 v61, v2;
	s3 =	sadd.s32 $0xFFFFFFFE, s16;
	s4 =	sand.u32 $0x7, s4  }
0x6de: {  	[tilespmem:s24+$0x70] =	vst v1;
	s3 =	sand.u32 $0xFF, s3;
	s6 =	smul.u32 $0x28, s4  }
0x6df: {  	v1 =	vld.msk [tilespmem:s8+$0x0], $0x1;
	[tilespmem:s17+$0x30] =	vst v2;
	s3 =	sor.u32 s3, s25  }
0x6e0: {  	v2 =	vld.msk [tilespmem:s3+$0x0], $0x1;
	s3 =	ssub.s32 s14, s6  }
0x6e1: {  	v0 =	vadd.f32 v63, v0;
	s3 =	sadd.s32 $0xFFFFFFFD, s3  }
0x6e2: {  	s3 =	sand.u32 $0xFF, s3  }
0x6e3: {  	[tilespmem:s13+$0xFFFFFFF0] =	vst v0;
	s3 =	sor.u32 s3, s20  }
0x6e4: {  	(v2sf) =	vpush v62, $0x0;
	v0 =	vld.msk [tilespmem:s3+$0x0], $0x1  }
0x6e5: {  	(v2sf) =	vpush v1, $0x0;
	_ =	sdelay $0x1  }
0x6e6: {  	(v2sf) =	vpush v2, $0x0;
	_ =	sdelay $0x1  }
0x6e7: {  	(v2sf) =	vpush v0, $0x0;
	_ =	sdelay $0x9  }
0x6e8: {  	s6 =	spop (v2sf)  }
0x6e9: {  	s15 =	spop (v2sf)  }
0x6ea: {  	s4 =	sadd.s32 $0x140, s10;
	s3 =	sadd.s32 $0x100, s10;
	p0 =	sgt.s32 s15, $0x0  }
0x6eb: {  	v10 =	vld [tilespmem:s21+$0x80];
	s3 =	smov.u32 @p0 s4;
	s16 =	spop (v2sf)  }
0x6ec: {  	s15 =	sadd.s32 $0xC0, s19;
	s4 =	sadd.s32 $0x80, s19;
	p1 =	sgt.s32 s16, $0x0;
	v8 =	vld [tilespmem:s3+$0x0]  }
0x6ed: {  	v11 =	vld [tilespmem:s12+$0x40];
	s4 =	smov.u32 @p1 s15;
	s2 =	spop (v2sf)  }
0x6ee: {  	s3 =	sadd.s32 $0x40, s9;
	v9 =	vld [tilespmem:s4+$0x0];
	s4 =	smov.u32 s9;
	p2 =	sgt.s32 s2, $0x0  }
0x6ef: {  	v13 =	vld [tilespmem:s31+$0x0];
	s4 =	smov.u32 @p2 s3  }
0x6f0: {  	v12 =	vld [tilespmem:s4+$0x0]  }
0x6f1: {  	v0 =	vadd.f32 v10, v8;
	_ =	sdelay $0x1  }
0x6f2: {  	s3 =	sadd.s32 $0x110, s10;
	v1 =	vadd.f32 v11, v9;
	s4 =	sadd.s32 $0x150, s10;
	[tilespmem:s24+$0x80] =	vst v0  }
0x6f3: {  	s15 =	sadd.s32 $0xD0, s19;
	s3 =	smov.u32 @p0 s4;
	s4 =	sadd.s32 $0x90, s19;
	v14 =	vld [tilespmem:s21+$0x90]  }
0x6f4: {  	v0 =	vld [tilespmem:s3+$0x0];
	s4 =	smov.u32 @p1 s15;
	[tilespmem:s17+$0x40] =	vst v1;
	v2 =	vadd.f32 v13, v12  }
0x6f5: {  	s3 =	sadd.s32 $0x10, s9;
	v1 =	vld [tilespmem:s4+$0x0];
	s4 =	sadd.s32 $0x50, s9  }
0x6f6: {  	v15 =	vld [tilespmem:s12+$0x50];
	s3 =	smov.u32 @p2 s4;
	[tilespmem:s13+$0x0] =	vst v2  }
0x6f7: {  	v2 =	vld [tilespmem:s3+$0x0]  }
0x6f8: {  	v16 =	vld [tilespmem:s31+$0x10]  }
0x6f9: {  	v0 =	vadd.f32 v14, v0  }
0x6fa: {  	s4 =	sadd.s32 $0x160, s10;
	s3 =	sadd.s32 $0x120, s10  }
0x6fb: {  	v1 =	vadd.f32 v15, v1;
	s3 =	smov.u32 @p0 s4;
	[tilespmem:s24+$0x90] =	vst v0  }
0x6fc: {  	s15 =	sadd.s32 $0xE0, s19;
	s4 =	sadd.s32 $0xA0, s19;
	v0 =	vld [tilespmem:s3+$0x0]  }
0x6fd: {  	s4 =	smov.u32 @p1 s15;
	[tilespmem:s17+$0x50] =	vst v1;
	v17 =	vld [tilespmem:s21+$0xA0];
	v2 =	vadd.f32 v16, v2  }
0x6fe: {  	s3 =	sadd.s32 $0x20, s9;
	v1 =	vld [tilespmem:s4+$0x0];
	s4 =	sadd.s32 $0x60, s9  }
0x6ff: {  	v18 =	vld [tilespmem:s12+$0x60];
	s3 =	smov.u32 @p2 s4;
	[tilespmem:s13+$0x10] =	vst v2  }
0x700: {  	v2 =	vld [tilespmem:s3+$0x0]  }
0x701: {  	v19 =	vld [tilespmem:s31+$0x20]  }
0x702: {  	v0 =	vadd.f32 v17, v0  }
0x703: {  	s4 =	sadd.s32 $0x170, s10;
	s3 =	sadd.s32 $0x130, s10  }
0x704: {  	v1 =	vadd.f32 v18, v1;
	s3 =	smov.u32 @p0 s4;
	[tilespmem:s24+$0xA0] =	vst v0  }
0x705: {  	s15 =	sadd.s32 $0xF0, s19;
	s4 =	sadd.s32 $0xB0, s19;
	v0 =	vld [tilespmem:s3+$0x0]  }
0x706: {  	s16 =	sadd.s32 $0x70, s9;
	s2 =	smov.u32 s5;
	s4 =	smov.u32 @p1 s15;
	[tilespmem:s17+$0x60] =	vst v1;
	v20 =	vld [tilespmem:s21+$0xB0];
	v2 =	vadd.f32 v19, v2  }
0x707: {  	s5 =	sadd.s32 $0xFFFFFF33, s5;
	s15 =	sadd.s32 $0x30, s9;
	v1 =	vld [tilespmem:s4+$0x0];
	s4 =	sshrl.u32 s28, $0xD  }
0x708: {  	s15 =	smov.u32 @p2 s16;
	v21 =	vld [tilespmem:s12+$0x70];
	s3 =	sand.u32 $0x7, s4;
	s4 =	sshrl.u32 s5, $0xD;
	[tilespmem:s13+$0x20] =	vst v2  }
0x709: {  	s28 =	sadd.s32 $0xFFFFFE66, s1;
	s3 =	smul.u32 $0x28, s3;
	s4 =	sand.u32 $0x7, s4;
	v2 =	vld [tilespmem:s15+$0x0]  }
0x70a: {  	s4 =	smul.u32 $0x28, s4;
	v22 =	vld [tilespmem:s31+$0x30];
	s15 =	sshrl.u32 s28, $0xD  }
0x70b: {  	s8 =	smov.u32 s11;
	s15 =	sand.u32 $0x7, s15  }
0x70c: {  	s3 =	ssub.s32 s29, s3;
	v0 =	vadd.f32 v20, v0;
	s4 =	sxor.u32 $0xFFFFFFFF, s4;
	s15 =	smul.u32 $0x28, s15  }
0x70d: {  	s3 =	sand.u32 $0xFF, s3;
	v1 =	vadd.f32 v21, v1;
	s4 =	sadd.s32 s8, s4  }
0x70e: {  	s3 =	sor.u32 s3, s0;
	[tilespmem:s24+$0xB0] =	vst v0;
	s4 =	sand.u32 $0xFF, s4;
	s15 =	ssub.s32 s14, s15  }
0x70f: {  	v0 =	vld.msk [tilespmem:s3+$0x0], $0x1;
	[tilespmem:s17+$0x70] =	vst v1;
	s29 =	sor.u32 s4, s25;
	v23 =	vadd.f32 v22, v2;
	s0 =	sadd.s32 $0xFFFFFFFE, s15  }
0x710: {  	v24 =	vld.msk [tilespmem:s29+$0x0], $0x1;
	s5 =	sand.u32 $0xFF, s0  }
0x711: {  	[tilespmem:s13+$0x30] =	vst v23;
	s3 =	sor.u32 s5, s20  }
0x712: {  	v1 =	vld.msk [tilespmem:s3+$0x0], $0x1;
	_ =	sdelay $0x1  }
0x713: {  	(v2sf) =	vpush v0, $0x0  }
0x714: {  	(v2sf) =	vpush v24, $0x0;
	_ =	sdelay $0x1  }
0x715: {  	(v2sf) =	vpush v1, $0x0;
	_ =	sdelay $0xb  }
0x716: {  	s15 =	spop (v2sf)  }
0x717: {  	s8 =	spop (v2sf)  }
0x718: {  	s4 =	sadd.s32 $0x140, s19;
	s3 =	sadd.s32 $0x100, s19;
	p0 =	sgt.s32 s8, $0x0  }
0x719: {  	v27 =	vld [tilespmem:s12+$0x80];
	s3 =	smov.u32 @p0 s4;
	s16 =	spop (v2sf)  }
0x71a: {  	s4 =	sadd.s32 $0x80, s9;
	v25 =	vld [tilespmem:s3+$0x0];
	p1 =	sgt.s32 s16, $0x0;
	s16 =	sadd.s32 $0xC0, s9  }
0x71b: {  	v28 =	vld [tilespmem:s31+$0x40];
	s4 =	smov.u32 @p1 s16  }
0x71c: {  	v26 =	vld [tilespmem:s4+$0x0];
	_ =	sdelay $0x2  }
0x71d: {  	v0 =	vadd.f32 v27, v25  }
0x71e: {  	s3 =	sadd.s32 $0x110, s19;
	s4 =	sadd.s32 $0x150, s19  }
0x71f: {  	s3 =	smov.u32 @p0 s4;
	[tilespmem:s17+$0x80] =	vst v0;
	v1 =	vadd.f32 v28, v26  }
0x720: {  	s16 =	sadd.s32 $0xD0, s9;
	s4 =	sadd.s32 $0x90, s9;
	v0 =	vld [tilespmem:s3+$0x0]  }
0x721: {  	s4 =	smov.u32 @p1 s16;
	v29 =	vld [tilespmem:s12+$0x90];
	[tilespmem:s13+$0x40] =	vst v1  }
0x722: {  	v1 =	vld [tilespmem:s4+$0x0]  }
0x723: {  	v30 =	vld [tilespmem:s31+$0x50];
	_ =	sdelay $0x2  }
0x724: {  	v0 =	vadd.f32 v29, v0  }
0x725: {  	s3 =	sadd.s32 $0x120, s19;
	s4 =	sadd.s32 $0x160, s19  }
0x726: {  	s3 =	smov.u32 @p0 s4;
	[tilespmem:s17+$0x90] =	vst v0;
	v1 =	vadd.f32 v30, v1  }
0x727: {  	s16 =	sadd.s32 $0xE0, s9;
	s4 =	sadd.s32 $0xA0, s9;
	v0 =	vld [tilespmem:s3+$0x0]  }
0x728: {  	s4 =	smov.u32 @p1 s16;
	v31 =	vld [tilespmem:s12+$0xA0];
	[tilespmem:s13+$0x50] =	vst v1  }
0x729: {  	v1 =	vld [tilespmem:s4+$0x0]  }
0x72a: {  	v32 =	vld [tilespmem:s31+$0x60];
	_ =	sdelay $0x2  }
0x72b: {  	v0 =	vadd.f32 v31, v0  }
0x72c: {  	s3 =	sadd.s32 $0x130, s19;
	s4 =	sadd.s32 $0x170, s19  }
0x72d: {  	s3 =	smov.u32 @p0 s4;
	[tilespmem:s17+$0xA0] =	vst v0;
	v1 =	vadd.f32 v32, v1  }
0x72e: {  	s16 =	sadd.s32 $0xF0, s9;
	s4 =	sadd.s32 $0xB0, s9;
	v0 =	vld [tilespmem:s3+$0x0]  }
0x72f: {  	s4 =	smov.u32 @p1 s16;
	v33 =	vld [tilespmem:s12+$0xB0];
	[tilespmem:s13+$0x60] =	vst v1  }
0x730: {  	s28 =	sshrl.u32 s2, $0xD;
	s29 =	sadd.s32 $0xFFFFFF33, s1;
	v1 =	vld [tilespmem:s4+$0x0]  }
0x731: {  	s3 =	sand.u32 $0x7, s28;
	v34 =	vld [tilespmem:s31+$0x70];
	s4 =	sshrl.u32 s29, $0xD  }
0x732: {  	s3 =	smul.u32 $0x28, s3;
	s4 =	sand.u32 $0x7, s4  }
0x733: {  	s4 =	smul.u32 $0x28, s4;
	_ =	sdelay $0x1  }
0x734: {  	s3 =	ssub.s32 s11, s3;
	v0 =	vadd.f32 v33, v0;
	s4 =	sxor.u32 $0xFFFFFFFF, s4  }
0x735: {  	s3 =	sand.u32 $0xFF, s3;
	v1 =	vadd.f32 v34, v1;
	s4 =	sadd.s32 s14, s4  }
0x736: {  	s3 =	sor.u32 s3, s25;
	[tilespmem:s17+$0xB0] =	vst v0;
	s4 =	sand.u32 $0xFF, s4  }
0x737: {  	v0 =	vld.msk [tilespmem:s3+$0x0], $0x1;
	[tilespmem:s13+$0x70] =	vst v1;
	s0 =	sor.u32 s4, s20  }
0x738: {  	v1 =	vld.msk [tilespmem:s0+$0x0], $0x1;
	_ =	sdelay $0x3  }
0x739: {  	(v2sf) =	vpush v0, $0x0  }
0x73a: {  	(v2sf) =	vpush v1, $0x0;
	_ =	sdelay $0xd  }
0x73b: {  	s16 =	spop (v2sf)  }
0x73c: {  	s2 =	spop (v2sf)  }
0x73d: {  	s3 =	sadd.s32 $0x100, s9;
	s4 =	sadd.s32 $0x140, s9;
	p0 =	sgt.s32 s2, $0x0  }
0x73e: {  	v36 =	vld [tilespmem:s31+$0x80];
	s3 =	smov.u32 @p0 s4  }
0x73f: {  	v35 =	vld [tilespmem:s3+$0x0];
	_ =	sdelay $0x4  }
0x740: {  	v0 =	vadd.f32 v36, v35  }
0x741: {  	s4 =	sadd.s32 $0x150, s9;
	s3 =	sadd.s32 $0x110, s9  }
0x742: {  	s3 =	smov.u32 @p0 s4;
	[tilespmem:s13+$0x80] =	vst v0  }
0x743: {  	v0 =	vld [tilespmem:s3+$0x0]  }
0x744: {  	v37 =	vld [tilespmem:s31+$0x90];
	_ =	sdelay $0x4  }
0x745: {  	v0 =	vadd.f32 v37, v0;
	_ =	sdelay $0x1  }
0x746: {  	s4 =	sadd.s32 $0x160, s9;
	s3 =	sadd.s32 $0x120, s9;
	[tilespmem:s13+$0x90] =	vst v0  }
0x747: {  	s3 =	smov.u32 @p0 s4;
	s4 =	sld [smem:$0x7BF]  }
0x748: {  	s25 =	sld [smem:$0x7D7]  }
0x749: {  	s5 =	sld [smem:$0x7C0];
	_ =	sdelay $0x1  }
0x74a: {  	v0 =	vld [tilespmem:s3+$0x0];
	p2 =	sgt.s32 s4, $0x0;
	s3 =	sadd.s32 $0x180, s25  }
0x74b: {  	v38 =	vld [tilespmem:s31+$0xA0];
	s4 =	sadd.s32 $0x1C0, s25;
	p1 =	sgt.s32 s5, $0x0;
	s5 =	rddreg [dreg:$0xf]  }
0x74c: {  	s3 =	smov.u32 @p2 s4;
	v40 =	vld [tilespmem:s5+$0xC0]  }
0x74d: {  	s29 =	sld [smem:$0x7C4];
	v39 =	vld [tilespmem:s3+$0x0];
	_ =	sdelay $0x1  }
0x74e: {  	s2 =	sadd.s32 $0x180, s23;
	s3 =	sadd.s32 $0x1C0, s23  }
0x74f: {  	v42 =	vld [tilespmem:s29+$0xC0];
	v0 =	vadd.f32 v38, v0;
	s2 =	smov.u32 @p1 s3  }
0x750: {  	v41 =	vld [tilespmem:s2+$0x0]  }
0x751: {  	s3 =	sadd.s32 $0x170, s9;
	s2 =	sadd.s32 $0x130, s9;
	[tilespmem:s13+$0xA0] =	vst v0;
	v43 =	vadd.f32 v40, v39  }
0x752: {  	s2 =	smov.u32 @p0 s3;
	v44 =	vld [tilespmem:s31+$0xB0]  }
0x753: {  	s8 =	sshrl.u32 s1, $0xD;
	v0 =	vld [tilespmem:s2+$0x0];
	[tilespmem:s18+$0xC0] =	vst v43  }
0x754: {  	s3 =	sadd.s32 $0x1D0, s25;
	s2 =	sadd.s32 $0x190, s25;
	s28 =	sld [smem:$0x7C3]  }
0x755: {  	s11 =	sand.u32 $0x7, s8;
	s2 =	smov.u32 @p2 s3;
	v45 =	vadd.f32 v42, v41  }
0x756: {  	s4 =	sadd.s32 $0x1D0, s23;
	s3 =	sadd.s32 $0x190, s23;
	v46 =	vld [tilespmem:s2+$0x0];
	s2 =	smul.u32 $0x28, s11  }
0x757: {  	s3 =	smov.u32 @p1 s4;
	v47 =	vld [tilespmem:s5+$0xD0];
	[tilespmem:s28+$0xC0] =	vst v45  }
0x758: {  	v0 =	vadd.f32 v44, v0;
	s2 =	ssub.s32 s14, s2;
	v1 =	vld [tilespmem:s3+$0x0]  }
0x759: {  	s2 =	sand.u32 $0xFF, s2;
	s4 =	sld [smem:$0x7C1];
	v48 =	vld [tilespmem:s29+$0xD0]  }
0x75a: {  	s2 =	sor.u32 s2, s20;
	s8 =	sld [smem:$0x7C6];
	[tilespmem:s13+$0xB0] =	vst v0  }
0x75b: {  	v52 =	vld.msk [tilespmem:s2+$0x0], $0x1  }
0x75c: {  	s3 =	sadd.s32 $0x180, s22;
	v51 =	vadd.f32 v47, v46;
	p0 =	sgt.s32 s4, $0x0;
	s4 =	sadd.s32 $0x1C0, s22  }
0x75d: {  	v50 =	vld [tilespmem:s8+$0xC0];
	s3 =	smov.u32 @p0 s4  }
0x75e: {  	s2 =	sadd.s32 $0x1A0, s25;
	[tilespmem:s18+$0xD0] =	vst v51;
	v49 =	vld [tilespmem:s3+$0x0];
	s3 =	sadd.s32 $0x1E0, s25;
	v53 =	vadd.f32 v48, v1  }
0x75f: {  	v55 =	vld [tilespmem:s5+$0xE0];
	s2 =	smov.u32 @p2 s3  }
0x760: {  	s3 =	sadd.s32 $0x1E0, s23;
	(v2sf) =	vpush v52, $0x0;
	v54 =	vld [tilespmem:s2+$0x0];
	s2 =	sadd.s32 $0x1A0, s23;
	[tilespmem:s28+$0xD0] =	vst v53  }
0x761: {  	s2 =	smov.u32 @p1 s3;
	v58 =	vld [tilespmem:s29+$0xE0]  }
0x762: {  	s20 =	sld [smem:$0x7C7];
	v57 =	vld [tilespmem:s2+$0x0]  }
0x763: {  	v56 =	vadd.f32 v50, v49  }
0x764: {  	v20 =	vld [tilespmem:s7+$0xC0];
	s3 =	sadd.s32 $0x1D0, s22;
	s2 =	sadd.s32 $0x190, s22  }
0x765: {  	v22 =	vld [tilespmem:s21+$0xC0];
	s2 =	smov.u32 @p0 s3;
	[tilespmem:s20+$0xC0] =	vst v56;
	v61 =	vadd.f32 v55, v54  }
0x766: {  	s1 =	sadd.s32 $0x1F0, s25;
	v59 =	vld [tilespmem:s2+$0x0];
	s2 =	sadd.s32 $0x1B0, s25  }
0x767: {  	v10 =	vld [tilespmem:s12+$0xC0];
	s2 =	smov.u32 @p2 s1;
	[tilespmem:s18+$0xE0] =	vst v61;
	v62 =	vadd.f32 v58, v57  }
0x768: {  	s1 =	sadd.s32 $0x1B0, s23;
	v0 =	vld [tilespmem:s2+$0x0];
	s2 =	sadd.s32 $0x1F0, s23  }
0x769: {  	v60 =	vld [tilespmem:s8+$0xD0];
	[tilespmem:s28+$0xE0] =	vst v62;
	s1 =	smov.u32 @p1 s2  }
0x76a: {  	p4 =	sgt.s32 s6, $0x0;
	s0 =	sadd.s32 $0x180, s30;
	v17 =	vld [tilespmem:s1+$0x0];
	s1 =	sadd.s32 $0x1C0, s30  }
0x76b: {  	v11 =	vld [tilespmem:s31+$0xC0];
	s0 =	smov.u32 @p4 s1  }
0x76c: {  	p3 =	sgt.s32 s15, $0x0;
	s1 =	sadd.s32 $0x1C0, s10;
	v19 =	vld [tilespmem:s0+$0x0];
	s0 =	sadd.s32 $0x180, s10  }
0x76d: {  	s3 =	sadd.s32 $0x1E0, s22;
	p2 =	sgt.s32 s16, $0x0;
	v63 =	vld [tilespmem:s5+$0xF0];
	s0 =	smov.u32 @p3 s1  }
0x76e: {  	s2 =	sadd.s32 $0x1A0, s22;
	v16 =	vadd.f32 v60, v59;
	s1 =	sadd.s32 $0x1C0, s19;
	v21 =	vld [tilespmem:s0+$0x0];
	s0 =	sadd.s32 $0x180, s19  }
0x76f: {  	s2 =	smov.u32 @p0 s3;
	v18 =	vld [tilespmem:s29+$0xF0];
	s25 =	spop (v2sf);
	s0 =	smov.u32 @p2 s1  }
0x770: {  	[tilespmem:s20+$0xD0] =	vst v16;
	p1 =	sgt.s32 s25, $0x0;
	s1 =	sadd.s32 $0x1C0, s9;
	v23 =	vld [tilespmem:s0+$0x0];
	s0 =	sadd.s32 $0x180, s9  }
0x771: {  	v1 =	vld [tilespmem:s2+$0x0];
	s0 =	smov.u32 @p1 s1;
	v5 =	vadd.f32 v20, v19  }
0x772: {  	s1 =	sadd.s32 $0x1D0, s30;
	v24 =	vld [tilespmem:s0+$0x0];
	s0 =	sadd.s32 $0x190, s30  }
0x773: {  	v12 =	vld [tilespmem:s8+$0xE0];
	[tilespmem:s26+$0xC0] =	vst v5;
	s0 =	smov.u32 @p4 s1;
	v25 =	vadd.f32 v22, v21  }
0x774: {  	s1 =	sadd.s32 $0x1D0, s10;
	v26 =	vld [tilespmem:s0+$0x0];
	s0 =	sadd.s32 $0x190, s10  }
0x775: {  	v27 =	vld [tilespmem:s7+$0xD0];
	[tilespmem:s24+$0xC0] =	vst v25;
	s0 =	smov.u32 @p3 s1;
	v28 =	vadd.f32 v10, v23  }
0x776: {  	s1 =	sadd.s32 $0x1D0, s19;
	v29 =	vld [tilespmem:s0+$0x0];
	s0 =	sadd.s32 $0x190, s19  }
0x777: {  	v30 =	vld [tilespmem:s21+$0xD0];
	[tilespmem:s17+$0xC0] =	vst v28;
	s0 =	smov.u32 @p2 s1;
	v31 =	vadd.f32 v11, v24  }
0x778: {  	s1 =	sadd.s32 $0x1D0, s9;
	v32 =	vld [tilespmem:s0+$0x0];
	s0 =	sadd.s32 $0x190, s9  }
0x779: {  	v1 =	vadd.f32 v12, v1;
	v33 =	vld [tilespmem:s12+$0xD0];
	[tilespmem:s13+$0xC0] =	vst v31;
	s0 =	smov.u32 @p1 s1  }
0x77a: {  	s23 =	smov.u32 s20;
	s2 =	sadd.s32 $0x1F0, s22;
	s1 =	sadd.s32 $0x1B0, s22;
	v34 =	vadd.f32 v27, v26;
	v35 =	vld [tilespmem:s0+$0x0]  }
0x77b: {  	[tilespmem:s23+$0xE0] =	vst v1;
	s1 =	smov.u32 @p0 s2;
	s0 =	sadd.s32 $0x1A0, s30;
	s2 =	sadd.s32 $0x1E0, s30;
	v36 =	vld [tilespmem:s31+$0xD0]  }
0x77c: {  	v37 =	vld [tilespmem:s1+$0x0];
	[tilespmem:s26+$0xD0] =	vst v34;
	s0 =	smov.u32 @p4 s2;
	v38 =	vadd.f32 v30, v29  }
0x77d: {  	s1 =	sadd.s32 $0x1E0, s10;
	v39 =	vld [tilespmem:s0+$0x0];
	s0 =	sadd.s32 $0x1A0, s10  }
0x77e: {  	v40 =	vld [tilespmem:s7+$0xE0];
	[tilespmem:s24+$0xD0] =	vst v38;
	s0 =	smov.u32 @p3 s1;
	v41 =	vadd.f32 v33, v32  }
0x77f: {  	s1 =	sadd.s32 $0x1E0, s19;
	v42 =	vld [tilespmem:s0+$0x0];
	s0 =	sadd.s32 $0x1A0, s19  }
0x780: {  	v43 =	vld [tilespmem:s21+$0xE0];
	[tilespmem:s17+$0xD0] =	vst v41;
	s0 =	smov.u32 @p2 s1;
	v1 =	vadd.f32 v36, v35  }
0x781: {  	s1 =	sadd.s32 $0x1E0, s9;
	v5 =	vld [tilespmem:s0+$0x0];
	s0 =	sadd.s32 $0x1A0, s9  }
0x782: {  	v44 =	vld [tilespmem:s12+$0xE0];
	s0 =	smov.u32 @p1 s1;
	[tilespmem:s13+$0xD0] =	vst v1  }
0x783: {  	v45 =	vadd.f32 v40, v39;
	v46 =	vld [tilespmem:s0+$0x0]  }
0x784: {  	s1 =	sadd.s32 $0x1F0, s30;
	s0 =	sadd.s32 $0x1B0, s30;
	v47 =	vld [tilespmem:s31+$0xE0]  }
0x785: {  	v48 =	vld [tilespmem:s8+$0xF0];
	s0 =	smov.u32 @p4 s1;
	[tilespmem:s26+$0xE0] =	vst v45;
	v49 =	vadd.f32 v43, v42  }
0x786: {  	s1 =	sadd.s32 $0x1F0, s10;
	v50 =	vld [tilespmem:s0+$0x0];
	s0 =	sadd.s32 $0x1B0, s10  }
0x787: {  	v51 =	vld [tilespmem:s7+$0xF0];
	s0 =	smov.u32 @p3 s1;
	[tilespmem:s24+$0xE0] =	vst v49;
	v52 =	vadd.f32 v44, v5  }
0x788: {  	s1 =	sadd.s32 $0x1F0, s19;
	v53 =	vld [tilespmem:s0+$0x0];
	s0 =	sadd.s32 $0x1B0, s19  }
0x789: {  	v54 =	vld [tilespmem:s21+$0xF0];
	s0 =	smov.u32 @p2 s1;
	[tilespmem:s17+$0xE0] =	vst v52;
	v55 =	vadd.f32 v47, v46  }
0x78a: {  	s1 =	sadd.s32 $0x1F0, s9;
	v56 =	vld [tilespmem:s0+$0x0];
	s0 =	sadd.s32 $0x1B0, s9  }
0x78b: {  	v57 =	vld [tilespmem:s12+$0xF0];
	s0 =	smov.u32 @p1 s1;
	[tilespmem:s13+$0xE0] =	vst v55  }
0x78c: {  	v0 =	vadd.f32 v63, v0;
	v1 =	vld [tilespmem:s0+$0x0]  }
0x78d: {  	v3 =	vadd.f32 v18, v17;
	v58 =	vld [tilespmem:s31+$0xF0]  }
0x78e: {  	[tilespmem:s18+$0xF0] =	vst v0;
	v59 =	vadd.f32 v48, v37  }
0x78f: {  	[tilespmem:s28+$0xF0] =	vst v3;
	v60 =	vadd.f32 v51, v50  }
0x790: {  	[tilespmem:s23+$0xF0] =	vst v59;
	v61 =	vadd.f32 v54, v53  }
0x791: {  	[tilespmem:s26+$0xF0] =	vst v60;
	v62 =	vadd.f32 v57, v56  }
0x792: {  	s28 =	sld [smem:$0x7E1];
	[tilespmem:s24+$0xF0] =	vst v61;
	v63 =	vadd.f32 v58, v1  }
0x793: {  	[tilespmem:s17+$0xF0] =	vst v62  }
0x794: {  	[tilespmem:s13+$0xF0] =	vst v63  }
0x795: {  	s6 =	sld [smem:$0x7F1];
	_ =	sdelay $0x2  }
0x796: {  	p0 =	seq.s32 s6, $0x3F  }
.Ltmp7:
0x797: {  	s0 =	sor.u32 $0x1, s28;
	s30 =	sld [smem:$0x7F6];
	(pc) =	sbr.rel @p0 .LBB2_12-.Ltmp7, $3  }
0x798: {  	s29 =	smul.u32 $0x680, s0;
	_ =	sdelay $0x1  }
0x799: {  	s5 =	simm.s32 $0x0;
	s31 =	simm.s32 $0x10C00;
	s1 =	sadd.s32 s30, s29  }
0x79a: {  	[hbm4b:s1+s5] =	stream.linear.scatter [tilespmem:s31], [sflag:$0x8], $0x3200, $0x38;
	[tilespmem:$0x17400] =	vst v63  }
0x79b: {  	s0 =	sshll.u32 s0, $0x7;
	s1 =	rddreg [dreg:$0x0]  }
.Ltmp8:
0x79c: {  	s30 =	sld [smem:$0x7FB];
	s0 =	sadd.s32 $0x100, s0;
	(pc) =	sbr.rel .LBB2_2-.Ltmp8, $4  }
0x79d: {  	s2 =	simm.s32 $0x400;
	s1 =	sadd.s32 s1, s0  }
0x79e: {  	[tilespmem:s2], [sflag:$0x2] =	stream.linear.gather [hbm4b:s1+s5], $0x280, $0x38;
	[tilespmem:$0x17400] =	vst v63  }
0x79f: {  	s31 =	simm.s32 $0xC00;
	s6 =	sadd.s32 $0x1, s6;
	s0 =	sadd.s32 s30, s0  }
0x7a0: {  	[tilespmem:s31], [sflag:$0x4] =	stream.linear.gather [hbm4b:s0+s5], $0x280, $0x38;
	[tilespmem:$0x17400] =	vst v63  }
.LBB2_13:
0x7a1: {  	_ =	sfence.sel $0x180000  }
0x7a2: {  	[bflag:$0x0] =	sbarrier.arrive $0xFFFF  }
0x7a3: {  	_ =	strace $0x90000047  }
0x7a4: {  	s0 =	stileid.u32;
	[bflag:$0x2] =	sbarrier.arrive $0xFFFF  }
0x7a5: {  	p0 =	sne.s32 s0, $0x0;
	s0 =	rddreg [dreg:$0x4]  }
0x7a6: {  	s0 =	sadd.s32 @!p0 $0x100000, s0  }
0x7a7: {  	[sflag:s0] =	ssyncadd.tile.s32 @!p0 $0x1;
	_ =	shalt  }
.Lfunc_end2:
_tile_overlayer_lowered:
.L_overlay_start_2:
0x7a8: {  	(tag) =	ssettag $0x2  }
0x7a9: {  	s0 =	rddreg [dreg:$0x0];
	s2 =	stileid.u32  }
0x7aa: {  	s1 =	rddreg [dreg:$0x1];
	p0 =	sne.s32 s2, $0x0  }
0x7ab: {  	s3 =	rddreg [dreg:$0x2];
	[bflag:$0x3] =	sbarrier.arrive $0xFFFF;
	s2 =	simm.s32 @!p0 $0x1C09  }
0x7ac: {  	[timem:s3], [sflag:s2] =	dma.local @!p0 [hbm:s0], s1  }
0x7ad: {  	s0 =	simm.s32 @!p0 $0x9  }
0x7ae: {  	_ =	swait.ge @!p0 [sflag:s0], s1  }
0x7af: {  	s1 =	ssub.s32 @!p0 $0x0, s1;
	[sflag:s0] =	ssyncset.done @!p0 $0x0  }
0x7b0: {  	[sflag:s0] =	ssyncadd.s32 @!p0 s1  }
0x7b1: {  	[bflag:$0x3] =	sbarrier.arrive $0xFFFF  }
0x7b2: {  	_ =	shalt  }

</sc_bundles>
